<compile_context>
chip_gen: v7x
topology: tpu7x:2x2x1
jax: 0.10.2.dev20260603
libtpu: 0.0.44.dev20260713+nightly
codegen_flags: <defaults>
</compile_context>

<pallas_src>
import functools

import jax
import jax.numpy as jnp
from jax import lax
from jax.experimental import pallas as pl
from jax.experimental.pallas import tpu as pltpu
from jax.experimental.pallas import tpu_sc as plsc

BATCH = 16384
NCLS = 1000
BETA = 1.0
EPS = 1e-10

NC = 2
NS = 16
L = 16
NW = NC * NS

ROWS_W = 224
B_SC = NW * ROWS_W
B_TC = BATCH - B_SC
CHUNK = 32
NCH = ROWS_W // CHUNK
NFULL = NCLS // L
TAIL = NCLS - NFULL * L
LN2 = 0.6931471805599453

BLK = 256
NB = B_TC // BLK

_mesh = plsc.VectorSubcoreMesh(
    core_axis_name="c", subcore_axis_name="s", num_cores=NC, num_subcores=NS
)


@functools.partial(
    pl.kernel,
    out_type=jax.ShapeDtypeStruct((NW, 4 * L), jnp.float32),
    mesh=_mesh,
    compiler_params=pltpu.CompilerParams(
        needs_layout_passes=False, skip_device_barrier=True),
    scratch_types=[
        pltpu.VMEM((CHUNK, NCLS), jnp.float32),
        pltpu.VMEM((CHUNK, NCLS), jnp.float32),
        pltpu.SemaphoreType.DMA,
        pltpu.SemaphoreType.DMA,
        pltpu.VMEM((ROWS_W,), jnp.float32),
        pltpu.VMEM((ROWS_W,), jnp.float32),
        pltpu.VMEM((ROWS_W,), jnp.float32),
        pltpu.VMEM((ROWS_W,), jnp.int32),
        pltpu.VMEM((ROWS_W,), jnp.int32),
        pltpu.VMEM((L,), jnp.float32),
        pltpu.VMEM((4 * L,), jnp.float32),
    ],
)
def _sc_stats(logits_hbm, labels_hbm, th_hbm, out_hbm,
              buf0, buf1, sem0, sem1, zv, sv, mvv, pv, lv, thv, ov):
    wid = lax.axis_index("s") * NC + lax.axis_index("c")
    base = wid * ROWS_W
    pltpu.sync_copy(labels_hbm.at[pl.ds(base, ROWS_W)], lv)
    pltpu.sync_copy(th_hbm, thv)

    lanes = lax.iota(jnp.int32, L)
    tail_mask = lanes >= (L - TAIL)
    neg_inf = jnp.float32(-jnp.inf)
    zeros = jnp.zeros((L,), jnp.float32)

    def process_chunk(ch, buf):
        def group_body(g, _):
            def row_body(i, carry):
                gz, gs, gm, gp = carry
                r = g * L + i

                def p(j, c2):
                    az, asum, vm, ai = c2
                    v = buf[r, pl.ds(j * L, L)]
                    e = jnp.exp(v)
                    win = v > vm
                    return (az + e, asum + v * e, jnp.maximum(vm, v),
                            jnp.where(win, j * L, ai))
                izero = jnp.zeros((L,), jnp.int32)
                az, asum, vm, ai = lax.fori_loop(
                    0, NFULL, p,
                    (zeros, zeros, jnp.full((L,), neg_inf), izero),
                    unroll=8)
                vt = buf[r, pl.ds(NCLS - L, L)]
                e = jnp.where(tail_mask, jnp.exp(vt), 0.0)
                az = az + e
                asum = asum + vt * e
                vtm = jnp.where(tail_mask, vt, neg_inf)
                win = vtm > vm
                ai = jnp.where(win, NCLS - L, ai)
                vm = jnp.maximum(vm, vtm)

                m = jnp.max(vm)
                cand = jnp.where(vm == jnp.full((L,), m), ai + lanes,
                                 jnp.int32(NCLS))
                gz = jnp.where(lanes == i, jnp.full((L,), jnp.sum(az)), gz)
                gs = jnp.where(lanes == i, jnp.full((L,), jnp.sum(asum)), gs)
                gm = jnp.where(lanes == i, jnp.full((L,), m), gm)
                gp = jnp.where(lanes == i,
                               jnp.full((L,), jnp.min(cand), jnp.int32), gp)
                return gz, gs, gm, gp

            izero = jnp.zeros((L,), jnp.int32)
            gz, gs, gm, gp = lax.fori_loop(
                0, L, row_body, (zeros, zeros, zeros, izero))
            row0 = ch * CHUNK + g * L
            zv[pl.ds(row0, L)] = gz
            sv[pl.ds(row0, L)] = gs
            mvv[pl.ds(row0, L)] = gm
            pv[pl.ds(row0, L)] = gp
            return 0

        lax.fori_loop(0, CHUNK // L, group_body, 0)

    bufs = (buf0, buf1)
    sems = (sem0, sem1)
    handle = pltpu.async_copy(
        logits_hbm.at[pl.ds(base, CHUNK)], bufs[0], sems[0])
    for ch in range(NCH):
        nxt = None
        if ch + 1 < NCH:
            nxt = pltpu.async_copy(
                logits_hbm.at[pl.ds(base + (ch + 1) * CHUNK, CHUNK)],
                bufs[(ch + 1) % 2], sems[(ch + 1) % 2])
        handle.wait()
        process_chunk(ch, bufs[ch % 2])
        handle = nxt

    th = thv[...]

    def fin(k, accs):
        a_ac, a_au, a_ic, a_iu = accs
        z = zv[pl.ds(k * L, L)]
        s = sv[pl.ds(k * L, L)]
        mrow = mvv[pl.ds(k * L, L)]
        p = pv[pl.ds(k * L, L)]
        lab = lv[pl.ds(k * L, L)]
        conf = jnp.exp(mrow) / z
        zi = plsc.bitcast(z, jnp.int32)
        y = zi.astype(jnp.float32) * jnp.float32(LN2 / (1 << 23)) \
            - jnp.float32(127.0 * LN2)
        for _ in range(3):
            y = y - 1.0 + z * jnp.exp(-y)
        unc = y - s / z
        t = 1.0 - 2.0 / (jnp.exp(2.0 * unc) + 1.0)
        acc = p == lab
        cert = unc <= th
        one_m_t = 1.0 - t
        one_m_c = 1.0 - conf
        a_ac = a_ac + jnp.where(acc & cert, conf * one_m_t, 0.0)
        a_au = a_au + jnp.where(acc & (~cert), conf * t, 0.0)
        a_ic = a_ic + jnp.where((~acc) & cert, one_m_c * one_m_t, 0.0)
        a_iu = a_iu + jnp.where((~acc) & (~cert), one_m_c * t, 0.0)
        return a_ac, a_au, a_ic, a_iu

    a_ac, a_au, a_ic, a_iu = lax.fori_loop(
        0, ROWS_W // L, fin, (zeros, zeros, zeros, zeros))
    ov[pl.ds(0, L)] = a_ac
    ov[pl.ds(L, L)] = a_au
    ov[pl.ds(2 * L, L)] = a_ic
    ov[pl.ds(3 * L, L)] = a_iu
    pltpu.sync_copy(ov, out_hbm.at[wid])


def _tc_stats(x_ref, lab_ref, th_ref, o_ref):
    x = x_ref[...]
    m = jnp.max(x, axis=1, keepdims=True)
    e = jnp.exp(x)
    ones = jnp.ones((NCLS, 128), jnp.float32)
    z = jax.lax.dot(e, ones, precision_config=None)[:, 0:1] if False else         jnp.dot(e, ones, preferred_element_type=jnp.float32)[:, 0:1]
    s = jnp.dot(x * e, ones, preferred_element_type=jnp.float32)[:, 0:1]
    unc = jnp.log(z) - s / z
    conf = jnp.exp(m) / z
    cols = lax.broadcasted_iota(jnp.int32, (BLK, NCLS), 1)
    pred = jnp.min(jnp.where(x == m, cols, jnp.int32(NCLS)), axis=1,
                   keepdims=True)
    row = B_SC // BLK + pl.program_id(0)
    lab = jnp.reshape(lab_ref[pl.ds(row, 1), :], (BLK, 1))
    th = th_ref[...]
    t = jnp.tanh(unc)
    acc = pred == lab
    cert = unc <= th
    n_ac = jnp.sum(jnp.where(acc & cert, conf * (1.0 - t), 0.0))
    n_au = jnp.sum(jnp.where(acc & (~cert), conf * t, 0.0))
    n_ic = jnp.sum(jnp.where((~acc) & cert, (1.0 - conf) * (1.0 - t), 0.0))
    n_iu = jnp.sum(jnp.where((~acc) & (~cert), (1.0 - conf) * t, 0.0))

    @pl.when(pl.program_id(0) == 0)
    def _():
        o_ref[...] = jnp.zeros((1, 4), jnp.float32)

    o_ref[...] = o_ref[...] + jnp.concatenate(
        [jnp.reshape(v, (1, 1)) for v in (n_ac, n_au, n_ic, n_iu)], axis=1)


def _tc_finish(sc_ref, tc_ref, o_ref):
    sc = sc_ref[...]
    tc = tc_ref[...]
    n_ac = jnp.sum(sc[:, 0:L]) + tc[0, 0]
    n_au = jnp.sum(sc[:, L:2 * L]) + tc[0, 1]
    n_ic = jnp.sum(sc[:, 2 * L:3 * L]) + tc[0, 2]
    n_iu = jnp.sum(sc[:, 3 * L:4 * L]) + tc[0, 3]
    avu = (n_ac + n_iu) / (n_ac + n_au + n_ic + n_iu + EPS)
    o_ref[...] = jnp.full((1, 1), -BETA * jnp.log(avu + EPS))


def kernel(logits, labels, unc_th):
    labels32 = labels.astype(jnp.int32)
    th = jnp.full((L,), unc_th, jnp.float32)
    parts_sc = _sc_stats(logits, labels32, th)

    blk0 = B_SC // BLK
    lab2 = labels32.reshape(BATCH // BLK, BLK)
    parts_tc = pl.pallas_call(
        _tc_stats,
        grid=(NB,),
        in_specs=[
            pl.BlockSpec((BLK, NCLS), lambda i: (blk0 + i, 0)),
            pl.BlockSpec((BATCH // BLK, BLK), lambda i: (0, 0)),
            pl.BlockSpec((1, 1), lambda i: (0, 0)),
        ],
        out_specs=pl.BlockSpec((1, 4), lambda i: (0, 0)),
        out_shape=jax.ShapeDtypeStruct((1, 4), jnp.float32),
    )(logits, lab2, unc_th.reshape(1, 1))

    loss = pl.pallas_call(
        _tc_finish,
        out_shape=jax.ShapeDtypeStruct((1, 1), jnp.float32),
    )(parts_sc, parts_tc)
    return loss[0, 0]

# --- scband reference (transcript-rebuilt; emitter-appended) ---
"""Pipeline reference for scband-av-uloss-55697135894874 (READ-ONLY COPY).

The authoritative reference and input builder live on the scoring server;
editing this copy changes nothing except your own understanding.
"""

import jax, jax.numpy as jnp
import numpy as np

BATCH = 16384
NUM_CLASSES = 1000
BETA = 1.0
EPS = 1e-10


def setup_inputs(seed: int = 0) -> dict:
    key = jax.random.key(seed)
    k1, k2 = jax.random.split(key)
    logits = jax.random.normal(k1, (BATCH, NUM_CLASSES), dtype=jnp.float32)
    labels = jax.random.randint(k2, (BATCH,), 0, NUM_CLASSES, dtype=jnp.int64 if jax.config.jax_enable_x64 else jnp.int32)
    unc_th = jnp.ones((), dtype=jnp.float32)
    return {"logits": logits, "labels": labels, "unc_th": unc_th}


def reference(logits, labels, unc_th):
    probs = jax.nn.softmax(logits, axis=1)
    confidences = jnp.max(probs, axis=1)
    predictions = jnp.argmax(probs, axis=1)
    unc = -1.0 * jnp.sum(probs * jnp.log(probs + EPS), axis=-1)
    accurate = jnp.equal(predictions, labels)
    certain = jnp.less_equal(unc, unc_th)
    inaccurate = jnp.not_equal(predictions, labels)
    uncertain = jnp.greater(unc, unc_th)
    ac_mask = jnp.logical_and(accurate, certain).astype(jnp.float32)
    au_mask = jnp.logical_and(accurate, uncertain).astype(jnp.float32)
    ic_mask = jnp.logical_and(inaccurate, certain).astype(jnp.float32)
    iu_mask = jnp.logical_and(inaccurate, uncertain).astype(jnp.float32)
    tanh_unc = jnp.tanh(unc)
    # masked dot products are mathematically identical to index_select + dot
    n_ac = jnp.sum(confidences * (1.0 - tanh_unc) * ac_mask)
    n_au = jnp.sum(confidences * tanh_unc * au_mask)
    n_ic = jnp.sum((1.0 - confidences) * (1.0 - tanh_unc) * ic_mask)
    n_iu = jnp.sum((1.0 - confidences) * tanh_unc * iu_mask)
    avu = (n_ac + n_iu) / (n_ac + n_au + n_ic + n_iu + EPS)
    avu_loss = -1.0 * BETA * jnp.log(avu + EPS)
    return avu_loss

if __name__ == "__main__":
    import jax
    _d = setup_inputs()
    print(jax.jit(kernel)(*tuple(_d.values())))

</pallas_src>

<mosaic_0001>
#map = affine_map<(d0, d1) -> (0, 0)>
#map1 = affine_map<(d0, d1) -> (0)>
module attributes {stable_mosaic.version = 14 : i64} {
  func.func @_sc_stats(%arg0: i32, %arg1: i32, %arg2: memref<16384x1000xf32, #tpu.memory_space<hbm>>, %arg3: memref<16384xi32, #tpu.memory_space<hbm>>, %arg4: memref<16xf32, #tpu.memory_space<hbm>>, %arg5: memref<32x64xf32, #tpu.memory_space<hbm>>, %arg6: memref<32x1000xf32, #tpu.memory_space<vmem>>, %arg7: memref<32x1000xf32, #tpu.memory_space<vmem>>, %arg8: memref<!tpu.dma_semaphore, #tpu.memory_space<semaphore_mem>>, %arg9: memref<!tpu.dma_semaphore, #tpu.memory_space<semaphore_mem>>, %arg10: memref<224xf32, #tpu.memory_space<vmem>>, %arg11: memref<224xf32, #tpu.memory_space<vmem>>, %arg12: memref<224xf32, #tpu.memory_space<vmem>>, %arg13: memref<224xi32, #tpu.memory_space<vmem>>, %arg14: memref<224xi32, #tpu.memory_space<vmem>>, %arg15: memref<16xf32, #tpu.memory_space<vmem>>, %arg16: memref<64xf32, #tpu.memory_space<vmem>>) attributes {dimension_semantics = [#tpu.dimension_semantics<core_parallel>, #tpu.dimension_semantics<subcore_parallel>], iteration_bounds = array<i64: 2, 16>, scalar_prefetch = 0 : i64, scratch_operands = 11 : i64, tpu.core_type = #tpu.core_type<sc_vector_subcore>, window_params = [{transform_indices = #map}, {transform_indices = #map1}, {transform_indices = #map1}, {transform_indices = #map}]} {
    %mul3A = arith.constant 2 : i32
    %mul3A_0 = arith.muli %arg1, %mul3A : i32
    %add3A = arith.addi %mul3A_0, %arg0 : i32
    %mul3A_1 = arith.constant 224 : i32
    %mul3A_2 = arith.muli %add3A, %mul3A_1 : i32
    "tpu.region"() ({
      %run_scoped3A = tpu.sem_alloc : memref<!tpu.dma_semaphore, #tpu.memory_space<semaphore_mem>>
      %dma_start3A_141 = tpu.memref_slice %arg3[%mul3A_2] : memref<16384xi32, #tpu.memory_space<hbm>> -> memref<224xi32, #tpu.memory_space<hbm>>
      %dma_start3A_142 = tpu.memref_slice %arg3[%mul3A_2] : memref<16384xi32, #tpu.memory_space<hbm>> -> memref<224xi32, #tpu.memory_space<hbm>>
      tpu.enqueue_dma source(%dma_start3A_142 : memref<224xi32, #tpu.memory_space<hbm>>) target(%arg14 : memref<224xi32, #tpu.memory_space<vmem>>) target_semaphore(%run_scoped3A : memref<!tpu.dma_semaphore, #tpu.memory_space<semaphore_mem>>)
      %dma_wait3A_143 = tpu.memref_slice %arg3[%mul3A_2] : memref<16384xi32, #tpu.memory_space<hbm>> -> memref<224xi32, #tpu.memory_space<hbm>>
      %dma_wait3A_144 = tpu.memref_slice %arg3[%mul3A_2] : memref<16384xi32, #tpu.memory_space<hbm>> -> memref<224xi32, #tpu.memory_space<hbm>>
      tpu.wait_dma2 semaphore(%run_scoped3A : memref<!tpu.dma_semaphore, #tpu.memory_space<semaphore_mem>>) src(%dma_wait3A_144 : memref<224xi32, #tpu.memory_space<hbm>>) dst(%arg14 : memref<224xi32, #tpu.memory_space<vmem>>)
      tpu.yield
    }) : () -> ()
    "tpu.region"() ({
      %run_scoped3A = tpu.sem_alloc : memref<!tpu.dma_semaphore, #tpu.memory_space<semaphore_mem>>
      tpu.enqueue_dma source(%arg4 : memref<16xf32, #tpu.memory_space<hbm>>) target(%arg15 : memref<16xf32, #tpu.memory_space<vmem>>) target_semaphore(%run_scoped3A : memref<!tpu.dma_semaphore, #tpu.memory_space<semaphore_mem>>)
      tpu.wait_dma2 semaphore(%run_scoped3A : memref<!tpu.dma_semaphore, #tpu.memory_space<semaphore_mem>>) src(%arg4 : memref<16xf32, #tpu.memory_space<hbm>>) dst(%arg15 : memref<16xf32, #tpu.memory_space<vmem>>)
      tpu.yield
    }) : () -> ()
    %iota3A = tpu.iota {dimensions = array<i32: 0>} : vector<16xi32>
    %ge3A = arith.constant 8 : i32
    %ge3A_3 = vector.broadcast %ge3A : i32 to vector<16xi32>
    %ge3A_4 = arith.cmpi sge, %iota3A, %ge3A_3 : vector<16xi32>
    %broadcast_in_dim3A = arith.constant 0.000000e+00 : f32
    %broadcast_in_dim3A_5 = vector.broadcast %broadcast_in_dim3A : f32 to vector<16xf32>
    %dma_start3A = arith.constant 0 : i32
    %dma_start3A_6 = tpu.memref_slice %arg2[%mul3A_2, %dma_start3A] : memref<16384x1000xf32, #tpu.memory_space<hbm>> -> memref<32x1000xf32, #tpu.memory_space<hbm>>
    %dma_start3A_7 = arith.constant 0 : i32
    %dma_start3A_8 = tpu.memref_slice %arg2[%mul3A_2, %dma_start3A_7] : memref<16384x1000xf32, #tpu.memory_space<hbm>> -> memref<32x1000xf32, #tpu.memory_space<hbm>>
    tpu.enqueue_dma source(%dma_start3A_8 : memref<32x1000xf32, #tpu.memory_space<hbm>>) target(%arg6 : memref<32x1000xf32, #tpu.memory_space<vmem>>) target_semaphore(%arg8 : memref<!tpu.dma_semaphore, #tpu.memory_space<semaphore_mem>>)
    %add3A_9 = arith.constant 32 : i32
    %add3A_10 = arith.addi %mul3A_2, %add3A_9 : i32
    %dma_start3A_11 = arith.constant 0 : i32
    %dma_start3A_12 = tpu.memref_slice %arg2[%add3A_10, %dma_start3A_11] : memref<16384x1000xf32, #tpu.memory_space<hbm>> -> memref<32x1000xf32, #tpu.memory_space<hbm>>
    %dma_start3A_13 = arith.constant 0 : i32
    %dma_start3A_14 = tpu.memref_slice %arg2[%add3A_10, %dma_start3A_13] : memref<16384x1000xf32, #tpu.memory_space<hbm>> -> memref<32x1000xf32, #tpu.memory_space<hbm>>
    tpu.enqueue_dma source(%dma_start3A_14 : memref<32x1000xf32, #tpu.memory_space<hbm>>) target(%arg7 : memref<32x1000xf32, #tpu.memory_space<vmem>>) target_semaphore(%arg9 : memref<!tpu.dma_semaphore, #tpu.memory_space<semaphore_mem>>)
    %dma_wait3A = arith.constant 0 : i32
    %dma_wait3A_15 = tpu.memref_slice %arg2[%mul3A_2, %dma_wait3A] : memref<16384x1000xf32, #tpu.memory_space<hbm>> -> memref<32x1000xf32, #tpu.memory_space<hbm>>
    %dma_wait3A_16 = arith.constant 0 : i32
    %dma_wait3A_17 = tpu.memref_slice %arg2[%mul3A_2, %dma_wait3A_16] : memref<16384x1000xf32, #tpu.memory_space<hbm>> -> memref<32x1000xf32, #tpu.memory_space<hbm>>
    tpu.wait_dma2 semaphore(%arg8 : memref<!tpu.dma_semaphore, #tpu.memory_space<semaphore_mem>>) src(%dma_wait3A_17 : memref<32x1000xf32, #tpu.memory_space<hbm>>) dst(%arg6 : memref<32x1000xf32, #tpu.memory_space<vmem>>)
    %scan3A = arith.constant 0xFF800000 : f32
    %scan3A_18 = arith.constant 0 : i32
    %scan3A_19 = arith.constant 0 : i32
    %scan3A_20 = arith.constant 2 : i32
    %scan3A_21 = arith.addi %scan3A_19, %scan3A_20 : i32
    %scan3A_22 = arith.constant 1 : i32
    %scan3A_23 = scf.for %scan3A_141 = %scan3A_19 to %scan3A_21 step %scan3A_22 iter_args(%scan3A_142 = %scan3A_18) -> (i32)  : i32 {
      %broadcast_in_dim3A_143 = arith.constant 0 : i32
      %broadcast_in_dim3A_144 = vector.broadcast %broadcast_in_dim3A_143 : i32 to vector<16xi32>
      %scan3A_145 = arith.constant 0 : i32
      %scan3A_146 = arith.constant 16 : i32
      %scan3A_147 = arith.addi %scan3A_145, %scan3A_146 : i32
      %scan3A_148 = arith.constant 1 : i32
      %scan3A_149:4 = scf.for %scan3A_164 = %scan3A_145 to %scan3A_147 step %scan3A_148 iter_args(%scan3A_165 = %broadcast_in_dim3A_5, %scan3A_166 = %broadcast_in_dim3A_5, %scan3A_167 = %broadcast_in_dim3A_5, %scan3A_168 = %broadcast_in_dim3A_144) -> (vector<16xf32>, vector<16xf32>, vector<16xf32>, vector<16xi32>)  : i32 {
        %mul3A_169 = arith.constant 16 : i32
        %mul3A_170 = arith.muli %scan3A_141, %mul3A_169 : i32
        %add3A_171 = arith.addi %mul3A_170, %scan3A_164 : i32
        %broadcast_in_dim3A_172 = arith.constant 0 : i32
        %broadcast_in_dim3A_173 = vector.broadcast %broadcast_in_dim3A_172 : i32 to vector<16xi32>
        %broadcast_in_dim3A_174 = vector.broadcast %scan3A : f32 to vector<16xf32>
        %scan3A_175 = arith.constant 0 : i32
        %scan3A_176 = arith.constant 56 : i32
        %scan3A_177 = arith.addi %scan3A_175, %scan3A_176 : i32
        %scan3A_178 = arith.constant 8 : i32
        %scan3A_179:4 = scf.for %scan3A_333 = %scan3A_175 to %scan3A_177 step %scan3A_178 iter_args(%scan3A_334 = %broadcast_in_dim3A_5, %scan3A_335 = %broadcast_in_dim3A_5, %scan3A_336 = %broadcast_in_dim3A_174, %scan3A_337 = %broadcast_in_dim3A_173) -> (vector<16xf32>, vector<16xf32>, vector<16xf32>, vector<16xi32>)  : i32 {
          %mul3A_338 = arith.constant 16 : i32
          %mul3A_339 = arith.muli %scan3A_333, %mul3A_338 : i32
          %get3A_340 = arith.index_cast %add3A_171 : i32 to index
          %get3A_341 = arith.index_cast %mul3A_339 : i32 to index
          %get3A_342 = tpu.vector_load %arg6[%get3A_340, %get3A_341] {strides = array<i32>} : memref<32x1000xf32, #tpu.memory_space<vmem>>, vector<16xf32>,
          %exp3A_343 = math.exp %get3A_342 : vector<16xf32>
          %gt3A_344 = arith.cmpf ogt, %get3A_342, %scan3A_336 : vector<16xf32>
          %add3A_345 = arith.addf %scan3A_334, %exp3A_343 : vector<16xf32>
          %mul3A_346 = arith.mulf %get3A_342, %exp3A_343 : vector<16xf32>
          %add3A_347 = arith.addf %scan3A_335, %mul3A_346 : vector<16xf32>
          %max3A_348 = arith.maximumf %scan3A_336, %get3A_342 : vector<16xf32>
          %mul3A_349 = arith.constant 16 : i32
          %mul3A_350 = arith.muli %scan3A_333, %mul3A_349 : i32
          %broadcast_in_dim3A_351 = vector.broadcast %mul3A_350 : i32 to vector<16xi32>
          %select_n3A_352 = arith.select %gt3A_344, %broadcast_in_dim3A_351, %scan3A_337 : vector<16xi1>, vector<16xi32>
          %scan3A_353 = arith.constant 1 : i32
          %scan3A_354 = arith.addi %scan3A_333, %scan3A_353 : i32
          %mul3A_355 = arith.constant 16 : i32
          %mul3A_356 = arith.muli %scan3A_354, %mul3A_355 : i32
          %get3A_357 = arith.index_cast %add3A_171 : i32 to index
          %get3A_358 = arith.index_cast %mul3A_356 : i32 to index
          %get3A_359 = tpu.vector_load %arg6[%get3A_357, %get3A_358] {strides = array<i32>} : memref<32x1000xf32, #tpu.memory_space<vmem>>, vector<16xf32>,
          %exp3A_360 = math.exp %get3A_359 : vector<16xf32>
          %gt3A_361 = arith.cmpf ogt, %get3A_359, %max3A_348 : vector<16xf32>
          %add3A_362 = arith.addf %add3A_345, %exp3A_360 : vector<16xf32>
          %mul3A_363 = arith.mulf %get3A_359, %exp3A_360 : vector<16xf32>
          %add3A_364 = arith.addf %add3A_347, %mul3A_363 : vector<16xf32>
          %max3A_365 = arith.maximumf %max3A_348, %get3A_359 : vector<16xf32>
          %mul3A_366 = arith.constant 16 : i32
          %mul3A_367 = arith.muli %scan3A_354, %mul3A_366 : i32
          %broadcast_in_dim3A_368 = vector.broadcast %mul3A_367 : i32 to vector<16xi32>
          %select_n3A_369 = arith.select %gt3A_361, %broadcast_in_dim3A_368, %select_n3A_352 : vector<16xi1>, vector<16xi32>
          %scan3A_370 = arith.constant 2 : i32
          %scan3A_371 = arith.addi %scan3A_333, %scan3A_370 : i32
          %mul3A_372 = arith.constant 16 : i32
          %mul3A_373 = arith.muli %scan3A_371, %mul3A_372 : i32
          %get3A_374 = arith.index_cast %add3A_171 : i32 to index
          %get3A_375 = arith.index_cast %mul3A_373 : i32 to index
          %get3A_376 = tpu.vector_load %arg6[%get3A_374, %get3A_375] {strides = array<i32>} : memref<32x1000xf32, #tpu.memory_space<vmem>>, vector<16xf32>,
          %exp3A_377 = math.exp %get3A_376 : vector<16xf32>
          %gt3A_378 = arith.cmpf ogt, %get3A_376, %max3A_365 : vector<16xf32>
          %add3A_379 = arith.addf %add3A_362, %exp3A_377 : vector<16xf32>
          %mul3A_380 = arith.mulf %get3A_376, %exp3A_377 : vector<16xf32>
          %add3A_381 = arith.addf %add3A_364, %mul3A_380 : vector<16xf32>
          %max3A_382 = arith.maximumf %max3A_365, %get3A_376 : vector<16xf32>
          %mul3A_383 = arith.constant 16 : i32
          %mul3A_384 = arith.muli %scan3A_371, %mul3A_383 : i32
          %broadcast_in_dim3A_385 = vector.broadcast %mul3A_384 : i32 to vector<16xi32>
          %select_n3A_386 = arith.select %gt3A_378, %broadcast_in_dim3A_385, %select_n3A_369 : vector<16xi1>, vector<16xi32>
          %scan3A_387 = arith.constant 3 : i32
          %scan3A_388 = arith.addi %scan3A_333, %scan3A_387 : i32
          %mul3A_389 = arith.constant 16 : i32
          %mul3A_390 = arith.muli %scan3A_388, %mul3A_389 : i32
          %get3A_391 = arith.index_cast %add3A_171 : i32 to index
          %get3A_392 = arith.index_cast %mul3A_390 : i32 to index
          %get3A_393 = tpu.vector_load %arg6[%get3A_391, %get3A_392] {strides = array<i32>} : memref<32x1000xf32, #tpu.memory_space<vmem>>, vector<16xf32>,
          %exp3A_394 = math.exp %get3A_393 : vector<16xf32>
          %gt3A_395 = arith.cmpf ogt, %get3A_393, %max3A_382 : vector<16xf32>
          %add3A_396 = arith.addf %add3A_379, %exp3A_394 : vector<16xf32>
          %mul3A_397 = arith.mulf %get3A_393, %exp3A_394 : vector<16xf32>
          %add3A_398 = arith.addf %add3A_381, %mul3A_397 : vector<16xf32>
          %max3A_399 = arith.maximumf %max3A_382, %get3A_393 : vector<16xf32>
          %mul3A_400 = arith.constant 16 : i32
          %mul3A_401 = arith.muli %scan3A_388, %mul3A_400 : i32
          %broadcast_in_dim3A_402 = vector.broadcast %mul3A_401 : i32 to vector<16xi32>
          %select_n3A_403 = arith.select %gt3A_395, %broadcast_in_dim3A_402, %select_n3A_386 : vector<16xi1>, vector<16xi32>
          %scan3A_404 = arith.constant 4 : i32
          %scan3A_405 = arith.addi %scan3A_333, %scan3A_404 : i32
          %mul3A_406 = arith.constant 16 : i32
          %mul3A_407 = arith.muli %scan3A_405, %mul3A_406 : i32
          %get3A_408 = arith.index_cast %add3A_171 : i32 to index
          %get3A_409 = arith.index_cast %mul3A_407 : i32 to index
          %get3A_410 = tpu.vector_load %arg6[%get3A_408, %get3A_409] {strides = array<i32>} : memref<32x1000xf32, #tpu.memory_space<vmem>>, vector<16xf32>,
          %exp3A_411 = math.exp %get3A_410 : vector<16xf32>
          %gt3A_412 = arith.cmpf ogt, %get3A_410, %max3A_399 : vector<16xf32>
          %add3A_413 = arith.addf %add3A_396, %exp3A_411 : vector<16xf32>
          %mul3A_414 = arith.mulf %get3A_410, %exp3A_411 : vector<16xf32>
          %add3A_415 = arith.addf %add3A_398, %mul3A_414 : vector<16xf32>
          %max3A_416 = arith.maximumf %max3A_399, %get3A_410 : vector<16xf32>
          %mul3A_417 = arith.constant 16 : i32
          %mul3A_418 = arith.muli %scan3A_405, %mul3A_417 : i32
          %broadcast_in_dim3A_419 = vector.broadcast %mul3A_418 : i32 to vector<16xi32>
          %select_n3A_420 = arith.select %gt3A_412, %broadcast_in_dim3A_419, %select_n3A_403 : vector<16xi1>, vector<16xi32>
          %scan3A_421 = arith.constant 5 : i32
          %scan3A_422 = arith.addi %scan3A_333, %scan3A_421 : i32
          %mul3A_423 = arith.constant 16 : i32
          %mul3A_424 = arith.muli %scan3A_422, %mul3A_423 : i32
          %get3A_425 = arith.index_cast %add3A_171 : i32 to index
          %get3A_426 = arith.index_cast %mul3A_424 : i32 to index
          %get3A_427 = tpu.vector_load %arg6[%get3A_425, %get3A_426] {strides = array<i32>} : memref<32x1000xf32, #tpu.memory_space<vmem>>, vector<16xf32>,
          %exp3A_428 = math.exp %get3A_427 : vector<16xf32>
          %gt3A_429 = arith.cmpf ogt, %get3A_427, %max3A_416 : vector<16xf32>
          %add3A_430 = arith.addf %add3A_413, %exp3A_428 : vector<16xf32>
          %mul3A_431 = arith.mulf %get3A_427, %exp3A_428 : vector<16xf32>
          %add3A_432 = arith.addf %add3A_415, %mul3A_431 : vector<16xf32>
          %max3A_433 = arith.maximumf %max3A_416, %get3A_427 : vector<16xf32>
          %mul3A_434 = arith.constant 16 : i32
          %mul3A_435 = arith.muli %scan3A_422, %mul3A_434 : i32
          %broadcast_in_dim3A_436 = vector.broadcast %mul3A_435 : i32 to vector<16xi32>
          %select_n3A_437 = arith.select %gt3A_429, %broadcast_in_dim3A_436, %select_n3A_420 : vector<16xi1>, vector<16xi32>
          %scan3A_438 = arith.constant 6 : i32
          %scan3A_439 = arith.addi %scan3A_333, %scan3A_438 : i32
          %mul3A_440 = arith.constant 16 : i32
          %mul3A_441 = arith.muli %scan3A_439, %mul3A_440 : i32
          %get3A_442 = arith.index_cast %add3A_171 : i32 to index
          %get3A_443 = arith.index_cast %mul3A_441 : i32 to index
          %get3A_444 = tpu.vector_load %arg6[%get3A_442, %get3A_443] {strides = array<i32>} : memref<32x1000xf32, #tpu.memory_space<vmem>>, vector<16xf32>,
          %exp3A_445 = math.exp %get3A_444 : vector<16xf32>
          %gt3A_446 = arith.cmpf ogt, %get3A_444, %max3A_433 : vector<16xf32>
          %add3A_447 = arith.addf %add3A_430, %exp3A_445 : vector<16xf32>
          %mul3A_448 = arith.mulf %get3A_444, %exp3A_445 : vector<16xf32>
          %add3A_449 = arith.addf %add3A_432, %mul3A_448 : vector<16xf32>
          %max3A_450 = arith.maximumf %max3A_433, %get3A_444 : vector<16xf32>
          %mul3A_451 = arith.constant 16 : i32
          %mul3A_452 = arith.muli %scan3A_439, %mul3A_451 : i32
          %broadcast_in_dim3A_453 = vector.broadcast %mul3A_452 : i32 to vector<16xi32>
          %select_n3A_454 = arith.select %gt3A_446, %broadcast_in_dim3A_453, %select_n3A_437 : vector<16xi1>, vector<16xi32>
          %scan3A_455 = arith.constant 7 : i32
          %scan3A_456 = arith.addi %scan3A_333, %scan3A_455 : i32
          %mul3A_457 = arith.constant 16 : i32
          %mul3A_458 = arith.muli %scan3A_456, %mul3A_457 : i32
          %get3A_459 = arith.index_cast %add3A_171 : i32 to index
          %get3A_460 = arith.index_cast %mul3A_458 : i32 to index
          %get3A_461 = tpu.vector_load %arg6[%get3A_459, %get3A_460] {strides = array<i32>} : memref<32x1000xf32, #tpu.memory_space<vmem>>, vector<16xf32>,
          %exp3A_462 = math.exp %get3A_461 : vector<16xf32>
          %gt3A_463 = arith.cmpf ogt, %get3A_461, %max3A_450 : vector<16xf32>
          %add3A_464 = arith.addf %add3A_447, %exp3A_462 : vector<16xf32>
          %mul3A_465 = arith.mulf %get3A_461, %exp3A_462 : vector<16xf32>
          %add3A_466 = arith.addf %add3A_449, %mul3A_465 : vector<16xf32>
          %max3A_467 = arith.maximumf %max3A_450, %get3A_461 : vector<16xf32>
          %mul3A_468 = arith.constant 16 : i32
          %mul3A_469 = arith.muli %scan3A_456, %mul3A_468 : i32
          %broadcast_in_dim3A_470 = vector.broadcast %mul3A_469 : i32 to vector<16xi32>
          %select_n3A_471 = arith.select %gt3A_463, %broadcast_in_dim3A_470, %select_n3A_454 : vector<16xi1>, vector<16xi32>
          scf.yield %add3A_464, %add3A_466, %max3A_467, %select_n3A_471 : vector<16xf32>, vector<16xf32>, vector<16xf32>, vector<16xi32>
        }
        %scan3A_180 = arith.constant 56 : i32
        %scan3A_181 = arith.addi %scan3A_175, %scan3A_180 : i32
        %mul3A_182 = arith.constant 16 : i32
        %mul3A_183 = arith.muli %scan3A_181, %mul3A_182 : i32
        %get3A_184 = arith.index_cast %add3A_171 : i32 to index
        %get3A_185 = arith.index_cast %mul3A_183 : i32 to index
        %get3A_186 = tpu.vector_load %arg6[%get3A_184, %get3A_185] {strides = array<i32>} : memref<32x1000xf32, #tpu.memory_space<vmem>>, vector<16xf32>,
        %exp3A = math.exp %get3A_186 : vector<16xf32>
        %gt3A = arith.cmpf ogt, %get3A_186, %scan3A_179#2 : vector<16xf32>
        %add3A_187 = arith.addf %scan3A_179#0, %exp3A : vector<16xf32>
        %mul3A_188 = arith.mulf %get3A_186, %exp3A : vector<16xf32>
        %add3A_189 = arith.addf %scan3A_179#1, %mul3A_188 : vector<16xf32>
        %max3A = arith.maximumf %scan3A_179#2, %get3A_186 : vector<16xf32>
        %mul3A_190 = arith.constant 16 : i32
        %mul3A_191 = arith.muli %scan3A_181, %mul3A_190 : i32
        %broadcast_in_dim3A_192 = vector.broadcast %mul3A_191 : i32 to vector<16xi32>
        %select_n3A = arith.select %gt3A, %broadcast_in_dim3A_192, %scan3A_179#3 : vector<16xi1>, vector<16xi32>
        %scan3A_193 = arith.constant 57 : i32
        %scan3A_194 = arith.addi %scan3A_175, %scan3A_193 : i32
        %mul3A_195 = arith.constant 16 : i32
        %mul3A_196 = arith.muli %scan3A_194, %mul3A_195 : i32
        %get3A_197 = arith.index_cast %add3A_171 : i32 to index
        %get3A_198 = arith.index_cast %mul3A_196 : i32 to index
        %get3A_199 = tpu.vector_load %arg6[%get3A_197, %get3A_198] {strides = array<i32>} : memref<32x1000xf32, #tpu.memory_space<vmem>>, vector<16xf32>,
        %exp3A_200 = math.exp %get3A_199 : vector<16xf32>
        %gt3A_201 = arith.cmpf ogt, %get3A_199, %max3A : vector<16xf32>
        %add3A_202 = arith.addf %add3A_187, %exp3A_200 : vector<16xf32>
        %mul3A_203 = arith.mulf %get3A_199, %exp3A_200 : vector<16xf32>
        %add3A_204 = arith.addf %add3A_189, %mul3A_203 : vector<16xf32>
        %max3A_205 = arith.maximumf %max3A, %get3A_199 : vector<16xf32>
        %mul3A_206 = arith.constant 16 : i32
        %mul3A_207 = arith.muli %scan3A_194, %mul3A_206 : i32
        %broadcast_in_dim3A_208 = vector.broadcast %mul3A_207 : i32 to vector<16xi32>
        %select_n3A_209 = arith.select %gt3A_201, %broadcast_in_dim3A_208, %select_n3A : vector<16xi1>, vector<16xi32>
        %scan3A_210 = arith.constant 58 : i32
        %scan3A_211 = arith.addi %scan3A_175, %scan3A_210 : i32
        %mul3A_212 = arith.constant 16 : i32
        %mul3A_213 = arith.muli %scan3A_211, %mul3A_212 : i32
        %get3A_214 = arith.index_cast %add3A_171 : i32 to index
        %get3A_215 = arith.index_cast %mul3A_213 : i32 to index
        %get3A_216 = tpu.vector_load %arg6[%get3A_214, %get3A_215] {strides = array<i32>} : memref<32x1000xf32, #tpu.memory_space<vmem>>, vector<16xf32>,
        %exp3A_217 = math.exp %get3A_216 : vector<16xf32>
        %gt3A_218 = arith.cmpf ogt, %get3A_216, %max3A_205 : vector<16xf32>
        %add3A_219 = arith.addf %add3A_202, %exp3A_217 : vector<16xf32>
        %mul3A_220 = arith.mulf %get3A_216, %exp3A_217 : vector<16xf32>
        %add3A_221 = arith.addf %add3A_204, %mul3A_220 : vector<16xf32>
        %max3A_222 = arith.maximumf %max3A_205, %get3A_216 : vector<16xf32>
        %mul3A_223 = arith.constant 16 : i32
        %mul3A_224 = arith.muli %scan3A_211, %mul3A_223 : i32
        %broadcast_in_dim3A_225 = vector.broadcast %mul3A_224 : i32 to vector<16xi32>
        %select_n3A_226 = arith.select %gt3A_218, %broadcast_in_dim3A_225, %select_n3A_209 : vector<16xi1>, vector<16xi32>
        %scan3A_227 = arith.constant 59 : i32
        %scan3A_228 = arith.addi %scan3A_175, %scan3A_227 : i32
        %mul3A_229 = arith.constant 16 : i32
        %mul3A_230 = arith.muli %scan3A_228, %mul3A_229 : i32
        %get3A_231 = arith.index_cast %add3A_171 : i32 to index
        %get3A_232 = arith.index_cast %mul3A_230 : i32 to index
        %get3A_233 = tpu.vector_load %arg6[%get3A_231, %get3A_232] {strides = array<i32>} : memref<32x1000xf32, #tpu.memory_space<vmem>>, vector<16xf32>,
        %exp3A_234 = math.exp %get3A_233 : vector<16xf32>
        %gt3A_235 = arith.cmpf ogt, %get3A_233, %max3A_222 : vector<16xf32>
        %add3A_236 = arith.addf %add3A_219, %exp3A_234 : vector<16xf32>
        %mul3A_237 = arith.mulf %get3A_233, %exp3A_234 : vector<16xf32>
        %add3A_238 = arith.addf %add3A_221, %mul3A_237 : vector<16xf32>
        %max3A_239 = arith.maximumf %max3A_222, %get3A_233 : vector<16xf32>
        %mul3A_240 = arith.constant 16 : i32
        %mul3A_241 = arith.muli %scan3A_228, %mul3A_240 : i32
        %broadcast_in_dim3A_242 = vector.broadcast %mul3A_241 : i32 to vector<16xi32>
        %select_n3A_243 = arith.select %gt3A_235, %broadcast_in_dim3A_242, %select_n3A_226 : vector<16xi1>, vector<16xi32>
        %scan3A_244 = arith.constant 60 : i32
        %scan3A_245 = arith.addi %scan3A_175, %scan3A_244 : i32
        %mul3A_246 = arith.constant 16 : i32
        %mul3A_247 = arith.muli %scan3A_245, %mul3A_246 : i32
        %get3A_248 = arith.index_cast %add3A_171 : i32 to index
        %get3A_249 = arith.index_cast %mul3A_247 : i32 to index
        %get3A_250 = tpu.vector_load %arg6[%get3A_248, %get3A_249] {strides = array<i32>} : memref<32x1000xf32, #tpu.memory_space<vmem>>, vector<16xf32>,
        %exp3A_251 = math.exp %get3A_250 : vector<16xf32>
        %gt3A_252 = arith.cmpf ogt, %get3A_250, %max3A_239 : vector<16xf32>
        %add3A_253 = arith.addf %add3A_236, %exp3A_251 : vector<16xf32>
        %mul3A_254 = arith.mulf %get3A_250, %exp3A_251 : vector<16xf32>
        %add3A_255 = arith.addf %add3A_238, %mul3A_254 : vector<16xf32>
        %max3A_256 = arith.maximumf %max3A_239, %get3A_250 : vector<16xf32>
        %mul3A_257 = arith.constant 16 : i32
        %mul3A_258 = arith.muli %scan3A_245, %mul3A_257 : i32
        %broadcast_in_dim3A_259 = vector.broadcast %mul3A_258 : i32 to vector<16xi32>
        %select_n3A_260 = arith.select %gt3A_252, %broadcast_in_dim3A_259, %select_n3A_243 : vector<16xi1>, vector<16xi32>
        %scan3A_261 = arith.constant 61 : i32
        %scan3A_262 = arith.addi %scan3A_175, %scan3A_261 : i32
        %mul3A_263 = arith.constant 16 : i32
        %mul3A_264 = arith.muli %scan3A_262, %mul3A_263 : i32
        %get3A_265 = arith.index_cast %add3A_171 : i32 to index
        %get3A_266 = arith.index_cast %mul3A_264 : i32 to index
        %get3A_267 = tpu.vector_load %arg6[%get3A_265, %get3A_266] {strides = array<i32>} : memref<32x1000xf32, #tpu.memory_space<vmem>>, vector<16xf32>,
        %exp3A_268 = math.exp %get3A_267 : vector<16xf32>
        %gt3A_269 = arith.cmpf ogt, %get3A_267, %max3A_256 : vector<16xf32>
        %add3A_270 = arith.addf %add3A_253, %exp3A_268 : vector<16xf32>
        %mul3A_271 = arith.mulf %get3A_267, %exp3A_268 : vector<16xf32>
        %add3A_272 = arith.addf %add3A_255, %mul3A_271 : vector<16xf32>
        %max3A_273 = arith.maximumf %max3A_256, %get3A_267 : vector<16xf32>
        %mul3A_274 = arith.constant 16 : i32
        %mul3A_275 = arith.muli %scan3A_262, %mul3A_274 : i32
        %broadcast_in_dim3A_276 = vector.broadcast %mul3A_275 : i32 to vector<16xi32>
        %select_n3A_277 = arith.select %gt3A_269, %broadcast_in_dim3A_276, %select_n3A_260 : vector<16xi1>, vector<16xi32>
        %scan3A_278 = arith.constant 62 : i32
        %get3A_279 = arith.index_cast %add3A_171 : i32 to index
        %get3A_280 = arith.constant 984 : index
        %get3A_281 = tpu.vector_load %arg6[%get3A_279, %get3A_280] {strides = array<i32>} : memref<32x1000xf32, #tpu.memory_space<vmem>>, vector<16xf32>,
        %exp3A_282 = math.exp %get3A_281 : vector<16xf32>
        %jit3A = arith.constant 0.000000e+00 : f32
        %broadcast_in_dim3A_283 = vector.broadcast %jit3A : f32 to vector<16xf32>
        %select_n3A_284 = arith.select %ge3A_4, %exp3A_282, %broadcast_in_dim3A_283 : vector<16xi1>, vector<16xf32>
        %add3A_285 = arith.addf %add3A_270, %select_n3A_284 : vector<16xf32>
        %mul3A_286 = arith.mulf %get3A_281, %select_n3A_284 : vector<16xf32>
        %add3A_287 = arith.addf %add3A_272, %mul3A_286 : vector<16xf32>
        %broadcast_in_dim3A_288 = vector.broadcast %scan3A : f32 to vector<16xf32>
        %select_n3A_289 = arith.select %ge3A_4, %get3A_281, %broadcast_in_dim3A_288 : vector<16xi1>, vector<16xf32>
        %gt3A_290 = arith.cmpf ogt, %select_n3A_289, %max3A_273 : vector<16xf32>
        %jit3A_291 = arith.constant 984 : i32
        %broadcast_in_dim3A_292 = vector.broadcast %jit3A_291 : i32 to vector<16xi32>
        %select_n3A_293 = arith.select %gt3A_290, %broadcast_in_dim3A_292, %select_n3A_277 : vector<16xi1>, vector<16xi32>
        %max3A_294 = arith.maximumf %max3A_273, %select_n3A_289 : vector<16xf32>
        %reduce_max3A = arith.constant true
        %reduce_max3A_295 = vector.broadcast %reduce_max3A : i1 to vector<16xi1>
        %reduce_max3A_296 = tpu.scan <max>, %max3A_294 masked %reduce_max3A_295 : vector<16xf32>, vector<16xi1> -> vector<16xf32>
        %reduce_max3A_297 = vector.extract %reduce_max3A_296[15] : f32 from vector<16xf32>
        %broadcast_in_dim3A_298 = vector.broadcast %reduce_max3A_297 : f32 to vector<16xf32>
        %eq3A = arith.cmpf oeq, %max3A_294, %broadcast_in_dim3A_298 : vector<16xf32>
        %add3A_299 = arith.addi %select_n3A_293, %iota3A : vector<16xi32>
        %jit3A_300 = arith.constant 1000 : i32
        %broadcast_in_dim3A_301 = vector.broadcast %jit3A_300 : i32 to vector<16xi32>
        %select_n3A_302 = arith.select %eq3A, %add3A_299, %broadcast_in_dim3A_301 : vector<16xi1>, vector<16xi32>
        %eq3A_303 = vector.broadcast %scan3A_164 : i32 to vector<16xi32>
        %eq3A_304 = arith.cmpi eq, %iota3A, %eq3A_303 : vector<16xi32>
        %reduce_sum3A = arith.constant true
        %reduce_sum3A_305 = vector.broadcast %reduce_sum3A : i1 to vector<16xi1>
        %reduce_sum3A_306 = tpu.scan <sum>, %add3A_285 masked %reduce_sum3A_305 : vector<16xf32>, vector<16xi1> -> vector<16xf32>
        %reduce_sum3A_307 = vector.extract %reduce_sum3A_306[15] : f32 from vector<16xf32>
        %broadcast_in_dim3A_308 = vector.broadcast %reduce_sum3A_307 : f32 to vector<16xf32>
        %select_n3A_309 = arith.select %eq3A_304, %broadcast_in_dim3A_308, %scan3A_165 : vector<16xi1>, vector<16xf32>
        %eq3A_310 = vector.broadcast %scan3A_164 : i32 to vector<16xi32>
        %eq3A_311 = arith.cmpi eq, %iota3A, %eq3A_310 : vector<16xi32>
        %reduce_sum3A_312 = arith.constant true
        %reduce_sum3A_313 = vector.broadcast %reduce_sum3A_312 : i1 to vector<16xi1>
        %reduce_sum3A_314 = tpu.scan <sum>, %add3A_287 masked %reduce_sum3A_313 : vector<16xf32>, vector<16xi1> -> vector<16xf32>
        %reduce_sum3A_315 = vector.extract %reduce_sum3A_314[15] : f32 from vector<16xf32>
        %broadcast_in_dim3A_316 = vector.broadcast %reduce_sum3A_315 : f32 to vector<16xf32>
        %select_n3A_317 = arith.select %eq3A_311, %broadcast_in_dim3A_316, %scan3A_166 : vector<16xi1>, vector<16xf32>
        %eq3A_318 = vector.broadcast %scan3A_164 : i32 to vector<16xi32>
        %eq3A_319 = arith.cmpi eq, %iota3A, %eq3A_318 : vector<16xi32>
        %broadcast_in_dim3A_320 = vector.broadcast %reduce_max3A_297 : f32 to vector<16xf32>
        %select_n3A_321 = arith.select %eq3A_319, %broadcast_in_dim3A_320, %scan3A_167 : vector<16xi1>, vector<16xf32>
        %eq3A_322 = vector.broadcast %scan3A_164 : i32 to vector<16xi32>
        %eq3A_323 = arith.cmpi eq, %iota3A, %eq3A_322 : vector<16xi32>
        %reduce_min3A = arith.constant true
        %reduce_min3A_324 = vector.broadcast %reduce_min3A : i1 to vector<16xi1>
        %reduce_min3A_325 = arith.constant -2147483648 : i32
        %reduce_min3A_326 = vector.broadcast %reduce_min3A_325 : i32 to vector<16xi32>
        %reduce_min3A_327 = arith.xori %select_n3A_302, %reduce_min3A_326 : vector<16xi32>
        %reduce_min3A_328 = tpu.scan <min>, %reduce_min3A_327 masked %reduce_min3A_324 : vector<16xi32>, vector<16xi1> -> vector<16xi32>
        %reduce_min3A_329 = arith.xori %reduce_min3A_328, %reduce_min3A_326 : vector<16xi32>
        %reduce_min3A_330 = vector.extract %reduce_min3A_329[15] : i32 from vector<16xi32>
        %broadcast_in_dim3A_331 = vector.broadcast %reduce_min3A_330 : i32 to vector<16xi32>
        %select_n3A_332 = arith.select %eq3A_323, %broadcast_in_dim3A_331, %scan3A_168 : vector<16xi1>, vector<16xi32>
        scf.yield %select_n3A_309, %select_n3A_317, %select_n3A_321, %select_n3A_332 : vector<16xf32>, vector<16xf32>, vector<16xf32>, vector<16xi32>
      }
      %scan3A_150 = arith.constant 16 : i32
      %mul3A_151 = arith.constant 16 : i32
      %mul3A_152 = arith.muli %scan3A_141, %mul3A_151 : i32
      %add3A_153 = arith.constant 0 : i32
      %add3A_154 = arith.addi %add3A_153, %mul3A_152 : i32
      %swap3A_155 = arith.index_cast %add3A_154 : i32 to index
      %swap3A_156 = tpu.vector_load %arg10[%swap3A_155] {strides = array<i32>} : memref<224xf32, #tpu.memory_space<vmem>>, vector<16xf32>,
      tpu.vector_store %arg10[%swap3A_155], %scan3A_149#0 {strides = array<i32>} : memref<224xf32, #tpu.memory_space<vmem>>, vector<16xf32>,
      %swap3A_157 = arith.index_cast %add3A_154 : i32 to index
      %swap3A_158 = tpu.vector_load %arg11[%swap3A_157] {strides = array<i32>} : memref<224xf32, #tpu.memory_space<vmem>>, vector<16xf32>,
      tpu.vector_store %arg11[%swap3A_157], %scan3A_149#1 {strides = array<i32>} : memref<224xf32, #tpu.memory_space<vmem>>, vector<16xf32>,
      %swap3A_159 = arith.index_cast %add3A_154 : i32 to index
      %swap3A_160 = tpu.vector_load %arg12[%swap3A_159] {strides = array<i32>} : memref<224xf32, #tpu.memory_space<vmem>>, vector<16xf32>,
      tpu.vector_store %arg12[%swap3A_159], %scan3A_149#2 {strides = array<i32>} : memref<224xf32, #tpu.memory_space<vmem>>, vector<16xf32>,
      %swap3A_161 = arith.index_cast %add3A_154 : i32 to index
      %swap3A_162 = tpu.vector_load %arg13[%swap3A_161] {strides = array<i32>} : memref<224xi32, #tpu.memory_space<vmem>>, vector<16xi32>,
      tpu.vector_store %arg13[%swap3A_161], %scan3A_149#3 {strides = array<i32>} : memref<224xi32, #tpu.memory_space<vmem>>, vector<16xi32>,
      %scan3A_163 = arith.constant 0 : i32
      scf.yield %scan3A_163 : i32
    }
    %scan3A_24 = arith.constant 2 : i32
    %add3A_25 = arith.constant 64 : i32
    %add3A_26 = arith.addi %mul3A_2, %add3A_25 : i32
    %dma_start3A_27 = arith.constant 0 : i32
    %dma_start3A_28 = tpu.memref_slice %arg2[%add3A_26, %dma_start3A_27] : memref<16384x1000xf32, #tpu.memory_space<hbm>> -> memref<32x1000xf32, #tpu.memory_space<hbm>>
    %dma_start3A_29 = arith.constant 0 : i32
    %dma_start3A_30 = tpu.memref_slice %arg2[%add3A_26, %dma_start3A_29] : memref<16384x1000xf32, #tpu.memory_space<hbm>> -> memref<32x1000xf32, #tpu.memory_space<hbm>>
    tpu.enqueue_dma source(%dma_start3A_30 : memref<32x1000xf32, #tpu.memory_space<hbm>>) target(%arg6 : memref<32x1000xf32, #tpu.memory_space<vmem>>) target_semaphore(%arg8 : memref<!tpu.dma_semaphore, #tpu.memory_space<semaphore_mem>>)
    %dma_wait3A_31 = arith.constant 0 : i32
    %dma_wait3A_32 = tpu.memref_slice %arg2[%add3A_10, %dma_wait3A_31] : memref<16384x1000xf32, #tpu.memory_space<hbm>> -> memref<32x1000xf32, #tpu.memory_space<hbm>>
    %dma_wait3A_33 = arith.constant 0 : i32
    %dma_wait3A_34 = tpu.memref_slice %arg2[%add3A_10, %dma_wait3A_33] : memref<16384x1000xf32, #tpu.memory_space<hbm>> -> memref<32x1000xf32, #tpu.memory_space<hbm>>
    tpu.wait_dma2 semaphore(%arg9 : memref<!tpu.dma_semaphore, #tpu.memory_space<semaphore_mem>>) src(%dma_wait3A_34 : memref<32x1000xf32, #tpu.memory_space<hbm>>) dst(%arg7 : memref<32x1000xf32, #tpu.memory_space<vmem>>)
    %scan3A_35 = arith.constant 0xFF800000 : f32
    %scan3A_36 = arith.constant 0 : i32
    %scan3A_37 = arith.constant 0 : i32
    %scan3A_38 = arith.constant 2 : i32
    %scan3A_39 = arith.addi %scan3A_37, %scan3A_38 : i32
    %scan3A_40 = arith.constant 1 : i32
    %scan3A_41 = scf.for %scan3A_141 = %scan3A_37 to %scan3A_39 step %scan3A_40 iter_args(%scan3A_142 = %scan3A_36) -> (i32)  : i32 {
      %broadcast_in_dim3A_143 = arith.constant 0 : i32
      %broadcast_in_dim3A_144 = vector.broadcast %broadcast_in_dim3A_143 : i32 to vector<16xi32>
      %scan3A_145 = arith.constant 0 : i32
      %scan3A_146 = arith.constant 16 : i32
      %scan3A_147 = arith.addi %scan3A_145, %scan3A_146 : i32
      %scan3A_148 = arith.constant 1 : i32
      %scan3A_149:4 = scf.for %scan3A_164 = %scan3A_145 to %scan3A_147 step %scan3A_148 iter_args(%scan3A_165 = %broadcast_in_dim3A_5, %scan3A_166 = %broadcast_in_dim3A_5, %scan3A_167 = %broadcast_in_dim3A_5, %scan3A_168 = %broadcast_in_dim3A_144) -> (vector<16xf32>, vector<16xf32>, vector<16xf32>, vector<16xi32>)  : i32 {
        %mul3A_169 = arith.constant 16 : i32
        %mul3A_170 = arith.muli %scan3A_141, %mul3A_169 : i32
        %add3A_171 = arith.addi %mul3A_170, %scan3A_164 : i32
        %broadcast_in_dim3A_172 = arith.constant 0 : i32
        %broadcast_in_dim3A_173 = vector.broadcast %broadcast_in_dim3A_172 : i32 to vector<16xi32>
        %broadcast_in_dim3A_174 = vector.broadcast %scan3A_35 : f32 to vector<16xf32>
        %scan3A_175 = arith.constant 0 : i32
        %scan3A_176 = arith.constant 56 : i32
        %scan3A_177 = arith.addi %scan3A_175, %scan3A_176 : i32
        %scan3A_178 = arith.constant 8 : i32
        %scan3A_179:4 = scf.for %scan3A_333 = %scan3A_175 to %scan3A_177 step %scan3A_178 iter_args(%scan3A_334 = %broadcast_in_dim3A_5, %scan3A_335 = %broadcast_in_dim3A_5, %scan3A_336 = %broadcast_in_dim3A_174, %scan3A_337 = %broadcast_in_dim3A_173) -> (vector<16xf32>, vector<16xf32>, vector<16xf32>, vector<16xi32>)  : i32 {
          %mul3A_338 = arith.constant 16 : i32
          %mul3A_339 = arith.muli %scan3A_333, %mul3A_338 : i32
          %get3A_340 = arith.index_cast %add3A_171 : i32 to index
          %get3A_341 = arith.index_cast %mul3A_339 : i32 to index
          %get3A_342 = tpu.vector_load %arg7[%get3A_340, %get3A_341] {strides = array<i32>} : memref<32x1000xf32, #tpu.memory_space<vmem>>, vector<16xf32>,
          %exp3A_343 = math.exp %get3A_342 : vector<16xf32>
          %gt3A_344 = arith.cmpf ogt, %get3A_342, %scan3A_336 : vector<16xf32>
          %add3A_345 = arith.addf %scan3A_334, %exp3A_343 : vector<16xf32>
          %mul3A_346 = arith.mulf %get3A_342, %exp3A_343 : vector<16xf32>
          %add3A_347 = arith.addf %scan3A_335, %mul3A_346 : vector<16xf32>
          %max3A_348 = arith.maximumf %scan3A_336, %get3A_342 : vector<16xf32>
          %mul3A_349 = arith.constant 16 : i32
          %mul3A_350 = arith.muli %scan3A_333, %mul3A_349 : i32
          %broadcast_in_dim3A_351 = vector.broadcast %mul3A_350 : i32 to vector<16xi32>
          %select_n3A_352 = arith.select %gt3A_344, %broadcast_in_dim3A_351, %scan3A_337 : vector<16xi1>, vector<16xi32>
          %scan3A_353 = arith.constant 1 : i32
          %scan3A_354 = arith.addi %scan3A_333, %scan3A_353 : i32
          %mul3A_355 = arith.constant 16 : i32
          %mul3A_356 = arith.muli %scan3A_354, %mul3A_355 : i32
          %get3A_357 = arith.index_cast %add3A_171 : i32 to index
          %get3A_358 = arith.index_cast %mul3A_356 : i32 to index
          %get3A_359 = tpu.vector_load %arg7[%get3A_357, %get3A_358] {strides = array<i32>} : memref<32x1000xf32, #tpu.memory_space<vmem>>, vector<16xf32>,
          %exp3A_360 = math.exp %get3A_359 : vector<16xf32>
          %gt3A_361 = arith.cmpf ogt, %get3A_359, %max3A_348 : vector<16xf32>
          %add3A_362 = arith.addf %add3A_345, %exp3A_360 : vector<16xf32>
          %mul3A_363 = arith.mulf %get3A_359, %exp3A_360 : vector<16xf32>
          %add3A_364 = arith.addf %add3A_347, %mul3A_363 : vector<16xf32>
          %max3A_365 = arith.maximumf %max3A_348, %get3A_359 : vector<16xf32>
          %mul3A_366 = arith.constant 16 : i32
          %mul3A_367 = arith.muli %scan3A_354, %mul3A_366 : i32
          %broadcast_in_dim3A_368 = vector.broadcast %mul3A_367 : i32 to vector<16xi32>
          %select_n3A_369 = arith.select %gt3A_361, %broadcast_in_dim3A_368, %select_n3A_352 : vector<16xi1>, vector<16xi32>
          %scan3A_370 = arith.constant 2 : i32
          %scan3A_371 = arith.addi %scan3A_333, %scan3A_370 : i32
          %mul3A_372 = arith.constant 16 : i32
          %mul3A_373 = arith.muli %scan3A_371, %mul3A_372 : i32
          %get3A_374 = arith.index_cast %add3A_171 : i32 to index
          %get3A_375 = arith.index_cast %mul3A_373 : i32 to index
          %get3A_376 = tpu.vector_load %arg7[%get3A_374, %get3A_375] {strides = array<i32>} : memref<32x1000xf32, #tpu.memory_space<vmem>>, vector<16xf32>,
          %exp3A_377 = math.exp %get3A_376 : vector<16xf32>
          %gt3A_378 = arith.cmpf ogt, %get3A_376, %max3A_365 : vector<16xf32>
          %add3A_379 = arith.addf %add3A_362, %exp3A_377 : vector<16xf32>
          %mul3A_380 = arith.mulf %get3A_376, %exp3A_377 : vector<16xf32>
          %add3A_381 = arith.addf %add3A_364, %mul3A_380 : vector<16xf32>
          %max3A_382 = arith.maximumf %max3A_365, %get3A_376 : vector<16xf32>
          %mul3A_383 = arith.constant 16 : i32
          %mul3A_384 = arith.muli %scan3A_371, %mul3A_383 : i32
          %broadcast_in_dim3A_385 = vector.broadcast %mul3A_384 : i32 to vector<16xi32>
          %select_n3A_386 = arith.select %gt3A_378, %broadcast_in_dim3A_385, %select_n3A_369 : vector<16xi1>, vector<16xi32>
          %scan3A_387 = arith.constant 3 : i32
          %scan3A_388 = arith.addi %scan3A_333, %scan3A_387 : i32
          %mul3A_389 = arith.constant 16 : i32
          %mul3A_390 = arith.muli %scan3A_388, %mul3A_389 : i32
          %get3A_391 = arith.index_cast %add3A_171 : i32 to index
          %get3A_392 = arith.index_cast %mul3A_390 : i32 to index
          %get3A_393 = tpu.vector_load %arg7[%get3A_391, %get3A_392] {strides = array<i32>} : memref<32x1000xf32, #tpu.memory_space<vmem>>, vector<16xf32>,
          %exp3A_394 = math.exp %get3A_393 : vector<16xf32>
          %gt3A_395 = arith.cmpf ogt, %get3A_393, %max3A_382 : vector<16xf32>
          %add3A_396 = arith.addf %add3A_379, %exp3A_394 : vector<16xf32>
          %mul3A_397 = arith.mulf %get3A_393, %exp3A_394 : vector<16xf32>
          %add3A_398 = arith.addf %add3A_381, %mul3A_397 : vector<16xf32>
          %max3A_399 = arith.maximumf %max3A_382, %get3A_393 : vector<16xf32>
          %mul3A_400 = arith.constant 16 : i32
          %mul3A_401 = arith.muli %scan3A_388, %mul3A_400 : i32
          %broadcast_in_dim3A_402 = vector.broadcast %mul3A_401 : i32 to vector<16xi32>
          %select_n3A_403 = arith.select %gt3A_395, %broadcast_in_dim3A_402, %select_n3A_386 : vector<16xi1>, vector<16xi32>
          %scan3A_404 = arith.constant 4 : i32
          %scan3A_405 = arith.addi %scan3A_333, %scan3A_404 : i32
          %mul3A_406 = arith.constant 16 : i32
          %mul3A_407 = arith.muli %scan3A_405, %mul3A_406 : i32
          %get3A_408 = arith.index_cast %add3A_171 : i32 to index
          %get3A_409 = arith.index_cast %mul3A_407 : i32 to index
          %get3A_410 = tpu.vector_load %arg7[%get3A_408, %get3A_409] {strides = array<i32>} : memref<32x1000xf32, #tpu.memory_space<vmem>>, vector<16xf32>,
          %exp3A_411 = math.exp %get3A_410 : vector<16xf32>
          %gt3A_412 = arith.cmpf ogt, %get3A_410, %max3A_399 : vector<16xf32>
          %add3A_413 = arith.addf %add3A_396, %exp3A_411 : vector<16xf32>
          %mul3A_414 = arith.mulf %get3A_410, %exp3A_411 : vector<16xf32>
          %add3A_415 = arith.addf %add3A_398, %mul3A_414 : vector<16xf32>
          %max3A_416 = arith.maximumf %max3A_399, %get3A_410 : vector<16xf32>
          %mul3A_417 = arith.constant 16 : i32
          %mul3A_418 = arith.muli %scan3A_405, %mul3A_417 : i32
          %broadcast_in_dim3A_419 = vector.broadcast %mul3A_418 : i32 to vector<16xi32>
          %select_n3A_420 = arith.select %gt3A_412, %broadcast_in_dim3A_419, %select_n3A_403 : vector<16xi1>, vector<16xi32>
          %scan3A_421 = arith.constant 5 : i32
          %scan3A_422 = arith.addi %scan3A_333, %scan3A_421 : i32
          %mul3A_423 = arith.constant 16 : i32
          %mul3A_424 = arith.muli %scan3A_422, %mul3A_423 : i32
          %get3A_425 = arith.index_cast %add3A_171 : i32 to index
          %get3A_426 = arith.index_cast %mul3A_424 : i32 to index
          %get3A_427 = tpu.vector_load %arg7[%get3A_425, %get3A_426] {strides = array<i32>} : memref<32x1000xf32, #tpu.memory_space<vmem>>, vector<16xf32>,
          %exp3A_428 = math.exp %get3A_427 : vector<16xf32>
          %gt3A_429 = arith.cmpf ogt, %get3A_427, %max3A_416 : vector<16xf32>
          %add3A_430 = arith.addf %add3A_413, %exp3A_428 : vector<16xf32>
          %mul3A_431 = arith.mulf %get3A_427, %exp3A_428 : vector<16xf32>
          %add3A_432 = arith.addf %add3A_415, %mul3A_431 : vector<16xf32>
          %max3A_433 = arith.maximumf %max3A_416, %get3A_427 : vector<16xf32>
          %mul3A_434 = arith.constant 16 : i32
          %mul3A_435 = arith.muli %scan3A_422, %mul3A_434 : i32
          %broadcast_in_dim3A_436 = vector.broadcast %mul3A_435 : i32 to vector<16xi32>
          %select_n3A_437 = arith.select %gt3A_429, %broadcast_in_dim3A_436, %select_n3A_420 : vector<16xi1>, vector<16xi32>
          %scan3A_438 = arith.constant 6 : i32
          %scan3A_439 = arith.addi %scan3A_333, %scan3A_438 : i32
          %mul3A_440 = arith.constant 16 : i32
          %mul3A_441 = arith.muli %scan3A_439, %mul3A_440 : i32
          %get3A_442 = arith.index_cast %add3A_171 : i32 to index
          %get3A_443 = arith.index_cast %mul3A_441 : i32 to index
          %get3A_444 = tpu.vector_load %arg7[%get3A_442, %get3A_443] {strides = array<i32>} : memref<32x1000xf32, #tpu.memory_space<vmem>>, vector<16xf32>,
          %exp3A_445 = math.exp %get3A_444 : vector<16xf32>
          %gt3A_446 = arith.cmpf ogt, %get3A_444, %max3A_433 : vector<16xf32>
          %add3A_447 = arith.addf %add3A_430, %exp3A_445 : vector<16xf32>
          %mul3A_448 = arith.mulf %get3A_444, %exp3A_445 : vector<16xf32>
          %add3A_449 = arith.addf %add3A_432, %mul3A_448 : vector<16xf32>
          %max3A_450 = arith.maximumf %max3A_433, %get3A_444 : vector<16xf32>
          %mul3A_451 = arith.constant 16 : i32
          %mul3A_452 = arith.muli %scan3A_439, %mul3A_451 : i32
          %broadcast_in_dim3A_453 = vector.broadcast %mul3A_452 : i32 to vector<16xi32>
          %select_n3A_454 = arith.select %gt3A_446, %broadcast_in_dim3A_453, %select_n3A_437 : vector<16xi1>, vector<16xi32>
          %scan3A_455 = arith.constant 7 : i32
          %scan3A_456 = arith.addi %scan3A_333, %scan3A_455 : i32
          %mul3A_457 = arith.constant 16 : i32
          %mul3A_458 = arith.muli %scan3A_456, %mul3A_457 : i32
          %get3A_459 = arith.index_cast %add3A_171 : i32 to index
          %get3A_460 = arith.index_cast %mul3A_458 : i32 to index
          %get3A_461 = tpu.vector_load %arg7[%get3A_459, %get3A_460] {strides = array<i32>} : memref<32x1000xf32, #tpu.memory_space<vmem>>, vector<16xf32>,
          %exp3A_462 = math.exp %get3A_461 : vector<16xf32>
          %gt3A_463 = arith.cmpf ogt, %get3A_461, %max3A_450 : vector<16xf32>
          %add3A_464 = arith.addf %add3A_447, %exp3A_462 : vector<16xf32>
          %mul3A_465 = arith.mulf %get3A_461, %exp3A_462 : vector<16xf32>
          %add3A_466 = arith.addf %add3A_449, %mul3A_465 : vector<16xf32>
          %max3A_467 = arith.maximumf %max3A_450, %get3A_461 : vector<16xf32>
          %mul3A_468 = arith.constant 16 : i32
          %mul3A_469 = arith.muli %scan3A_456, %mul3A_468 : i32
          %broadcast_in_dim3A_470 = vector.broadcast %mul3A_469 : i32 to vector<16xi32>
          %select_n3A_471 = arith.select %gt3A_463, %broadcast_in_dim3A_470, %select_n3A_454 : vector<16xi1>, vector<16xi32>
          scf.yield %add3A_464, %add3A_466, %max3A_467, %select_n3A_471 : vector<16xf32>, vector<16xf32>, vector<16xf32>, vector<16xi32>
        }
        %scan3A_180 = arith.constant 56 : i32
        %scan3A_181 = arith.addi %scan3A_175, %scan3A_180 : i32
        %mul3A_182 = arith.constant 16 : i32
        %mul3A_183 = arith.muli %scan3A_181, %mul3A_182 : i32
        %get3A_184 = arith.index_cast %add3A_171 : i32 to index
        %get3A_185 = arith.index_cast %mul3A_183 : i32 to index
        %get3A_186 = tpu.vector_load %arg7[%get3A_184, %get3A_185] {strides = array<i32>} : memref<32x1000xf32, #tpu.memory_space<vmem>>, vector<16xf32>,
        %exp3A = math.exp %get3A_186 : vector<16xf32>
        %gt3A = arith.cmpf ogt, %get3A_186, %scan3A_179#2 : vector<16xf32>
        %add3A_187 = arith.addf %scan3A_179#0, %exp3A : vector<16xf32>
        %mul3A_188 = arith.mulf %get3A_186, %exp3A : vector<16xf32>
        %add3A_189 = arith.addf %scan3A_179#1, %mul3A_188 : vector<16xf32>
        %max3A = arith.maximumf %scan3A_179#2, %get3A_186 : vector<16xf32>
        %mul3A_190 = arith.constant 16 : i32
        %mul3A_191 = arith.muli %scan3A_181, %mul3A_190 : i32
        %broadcast_in_dim3A_192 = vector.broadcast %mul3A_191 : i32 to vector<16xi32>
        %select_n3A = arith.select %gt3A, %broadcast_in_dim3A_192, %scan3A_179#3 : vector<16xi1>, vector<16xi32>
        %scan3A_193 = arith.constant 57 : i32
        %scan3A_194 = arith.addi %scan3A_175, %scan3A_193 : i32
        %mul3A_195 = arith.constant 16 : i32
        %mul3A_196 = arith.muli %scan3A_194, %mul3A_195 : i32
        %get3A_197 = arith.index_cast %add3A_171 : i32 to index
        %get3A_198 = arith.index_cast %mul3A_196 : i32 to index
        %get3A_199 = tpu.vector_load %arg7[%get3A_197, %get3A_198] {strides = array<i32>} : memref<32x1000xf32, #tpu.memory_space<vmem>>, vector<16xf32>,
        %exp3A_200 = math.exp %get3A_199 : vector<16xf32>
        %gt3A_201 = arith.cmpf ogt, %get3A_199, %max3A : vector<16xf32>
        %add3A_202 = arith.addf %add3A_187, %exp3A_200 : vector<16xf32>
        %mul3A_203 = arith.mulf %get3A_199, %exp3A_200 : vector<16xf32>
        %add3A_204 = arith.addf %add3A_189, %mul3A_203 : vector<16xf32>
        %max3A_205 = arith.maximumf %max3A, %get3A_199 : vector<16xf32>
        %mul3A_206 = arith.constant 16 : i32
        %mul3A_207 = arith.muli %scan3A_194, %mul3A_206 : i32
        %broadcast_in_dim3A_208 = vector.broadcast %mul3A_207 : i32 to vector<16xi32>
        %select_n3A_209 = arith.select %gt3A_201, %broadcast_in_dim3A_208, %select_n3A : vector<16xi1>, vector<16xi32>
        %scan3A_210 = arith.constant 58 : i32
        %scan3A_211 = arith.addi %scan3A_175, %scan3A_210 : i32
        %mul3A_212 = arith.constant 16 : i32
        %mul3A_213 = arith.muli %scan3A_211, %mul3A_212 : i32
        %get3A_214 = arith.index_cast %add3A_171 : i32 to index
        %get3A_215 = arith.index_cast %mul3A_213 : i32 to index
        %get3A_216 = tpu.vector_load %arg7[%get3A_214, %get3A_215] {strides = array<i32>} : memref<32x1000xf32, #tpu.memory_space<vmem>>, vector<16xf32>,
        %exp3A_217 = math.exp %get3A_216 : vector<16xf32>
        %gt3A_218 = arith.cmpf ogt, %get3A_216, %max3A_205 : vector<16xf32>
        %add3A_219 = arith.addf %add3A_202, %exp3A_217 : vector<16xf32>
        %mul3A_220 = arith.mulf %get3A_216, %exp3A_217 : vector<16xf32>
        %add3A_221 = arith.addf %add3A_204, %mul3A_220 : vector<16xf32>
        %max3A_222 = arith.maximumf %max3A_205, %get3A_216 : vector<16xf32>
        %mul3A_223 = arith.constant 16 : i32
        %mul3A_224 = arith.muli %scan3A_211, %mul3A_223 : i32
        %broadcast_in_dim3A_225 = vector.broadcast %mul3A_224 : i32 to vector<16xi32>
        %select_n3A_226 = arith.select %gt3A_218, %broadcast_in_dim3A_225, %select_n3A_209 : vector<16xi1>, vector<16xi32>
        %scan3A_227 = arith.constant 59 : i32
        %scan3A_228 = arith.addi %scan3A_175, %scan3A_227 : i32
        %mul3A_229 = arith.constant 16 : i32
        %mul3A_230 = arith.muli %scan3A_228, %mul3A_229 : i32
        %get3A_231 = arith.index_cast %add3A_171 : i32 to index
        %get3A_232 = arith.index_cast %mul3A_230 : i32 to index
        %get3A_233 = tpu.vector_load %arg7[%get3A_231, %get3A_232] {strides = array<i32>} : memref<32x1000xf32, #tpu.memory_space<vmem>>, vector<16xf32>,
        %exp3A_234 = math.exp %get3A_233 : vector<16xf32>
        %gt3A_235 = arith.cmpf ogt, %get3A_233, %max3A_222 : vector<16xf32>
        %add3A_236 = arith.addf %add3A_219, %exp3A_234 : vector<16xf32>
        %mul3A_237 = arith.mulf %get3A_233, %exp3A_234 : vector<16xf32>
        %add3A_238 = arith.addf %add3A_221, %mul3A_237 : vector<16xf32>
        %max3A_239 = arith.maximumf %max3A_222, %get3A_233 : vector<16xf32>
        %mul3A_240 = arith.constant 16 : i32
        %mul3A_241 = arith.muli %scan3A_228, %mul3A_240 : i32
        %broadcast_in_dim3A_242 = vector.broadcast %mul3A_241 : i32 to vector<16xi32>
        %select_n3A_243 = arith.select %gt3A_235, %broadcast_in_dim3A_242, %select_n3A_226 : vector<16xi1>, vector<16xi32>
        %scan3A_244 = arith.constant 60 : i32
        %scan3A_245 = arith.addi %scan3A_175, %scan3A_244 : i32
        %mul3A_246 = arith.constant 16 : i32
        %mul3A_247 = arith.muli %scan3A_245, %mul3A_246 : i32
        %get3A_248 = arith.index_cast %add3A_171 : i32 to index
        %get3A_249 = arith.index_cast %mul3A_247 : i32 to index
        %get3A_250 = tpu.vector_load %arg7[%get3A_248, %get3A_249] {strides = array<i32>} : memref<32x1000xf32, #tpu.memory_space<vmem>>, vector<16xf32>,
        %exp3A_251 = math.exp %get3A_250 : vector<16xf32>
        %gt3A_252 = arith.cmpf ogt, %get3A_250, %max3A_239 : vector<16xf32>
        %add3A_253 = arith.addf %add3A_236, %exp3A_251 : vector<16xf32>
        %mul3A_254 = arith.mulf %get3A_250, %exp3A_251 : vector<16xf32>
        %add3A_255 = arith.addf %add3A_238, %mul3A_254 : vector<16xf32>
        %max3A_256 = arith.maximumf %max3A_239, %get3A_250 : vector<16xf32>
        %mul3A_257 = arith.constant 16 : i32
        %mul3A_258 = arith.muli %scan3A_245, %mul3A_257 : i32
        %broadcast_in_dim3A_259 = vector.broadcast %mul3A_258 : i32 to vector<16xi32>
        %select_n3A_260 = arith.select %gt3A_252, %broadcast_in_dim3A_259, %select_n3A_243 : vector<16xi1>, vector<16xi32>
        %scan3A_261 = arith.constant 61 : i32
        %scan3A_262 = arith.addi %scan3A_175, %scan3A_261 : i32
        %mul3A_263 = arith.constant 16 : i32
        %mul3A_264 = arith.muli %scan3A_262, %mul3A_263 : i32
        %get3A_265 = arith.index_cast %add3A_171 : i32 to index
        %get3A_266 = arith.index_cast %mul3A_264 : i32 to index
        %get3A_267 = tpu.vector_load %arg7[%get3A_265, %get3A_266] {strides = array<i32>} : memref<32x1000xf32, #tpu.memory_space<vmem>>, vector<16xf32>,
        %exp3A_268 = math.exp %get3A_267 : vector<16xf32>
        %gt3A_269 = arith.cmpf ogt, %get3A_267, %max3A_256 : vector<16xf32>
        %add3A_270 = arith.addf %add3A_253, %exp3A_268 : vector<16xf32>
        %mul3A_271 = arith.mulf %get3A_267, %exp3A_268 : vector<16xf32>
        %add3A_272 = arith.addf %add3A_255, %mul3A_271 : vector<16xf32>
        %max3A_273 = arith.maximumf %max3A_256, %get3A_267 : vector<16xf32>
        %mul3A_274 = arith.constant 16 : i32
        %mul3A_275 = arith.muli %scan3A_262, %mul3A_274 : i32
        %broadcast_in_dim3A_276 = vector.broadcast %mul3A_275 : i32 to vector<16xi32>
        %select_n3A_277 = arith.select %gt3A_269, %broadcast_in_dim3A_276, %select_n3A_260 : vector<16xi1>, vector<16xi32>
        %scan3A_278 = arith.constant 62 : i32
        %get3A_279 = arith.index_cast %add3A_171 : i32 to index
        %get3A_280 = arith.constant 984 : index
        %get3A_281 = tpu.vector_load %arg7[%get3A_279, %get3A_280] {strides = array<i32>} : memref<32x1000xf32, #tpu.memory_space<vmem>>, vector<16xf32>,
        %exp3A_282 = math.exp %get3A_281 : vector<16xf32>
        %jit3A = arith.constant 0.000000e+00 : f32
        %broadcast_in_dim3A_283 = vector.broadcast %jit3A : f32 to vector<16xf32>
        %select_n3A_284 = arith.select %ge3A_4, %exp3A_282, %broadcast_in_dim3A_283 : vector<16xi1>, vector<16xf32>
        %add3A_285 = arith.addf %add3A_270, %select_n3A_284 : vector<16xf32>
        %mul3A_286 = arith.mulf %get3A_281, %select_n3A_284 : vector<16xf32>
        %add3A_287 = arith.addf %add3A_272, %mul3A_286 : vector<16xf32>
        %broadcast_in_dim3A_288 = vector.broadcast %scan3A_35 : f32 to vector<16xf32>
        %select_n3A_289 = arith.select %ge3A_4, %get3A_281, %broadcast_in_dim3A_288 : vector<16xi1>, vector<16xf32>
        %gt3A_290 = arith.cmpf ogt, %select_n3A_289, %max3A_273 : vector<16xf32>
        %jit3A_291 = arith.constant 984 : i32
        %broadcast_in_dim3A_292 = vector.broadcast %jit3A_291 : i32 to vector<16xi32>
        %select_n3A_293 = arith.select %gt3A_290, %broadcast_in_dim3A_292, %select_n3A_277 : vector<16xi1>, vector<16xi32>
        %max3A_294 = arith.maximumf %max3A_273, %select_n3A_289 : vector<16xf32>
        %reduce_max3A = arith.constant true
        %reduce_max3A_295 = vector.broadcast %reduce_max3A : i1 to vector<16xi1>
        %reduce_max3A_296 = tpu.scan <max>, %max3A_294 masked %reduce_max3A_295 : vector<16xf32>, vector<16xi1> -> vector<16xf32>
        %reduce_max3A_297 = vector.extract %reduce_max3A_296[15] : f32 from vector<16xf32>
        %broadcast_in_dim3A_298 = vector.broadcast %reduce_max3A_297 : f32 to vector<16xf32>
        %eq3A = arith.cmpf oeq, %max3A_294, %broadcast_in_dim3A_298 : vector<16xf32>
        %add3A_299 = arith.addi %select_n3A_293, %iota3A : vector<16xi32>
        %jit3A_300 = arith.constant 1000 : i32
        %broadcast_in_dim3A_301 = vector.broadcast %jit3A_300 : i32 to vector<16xi32>
        %select_n3A_302 = arith.select %eq3A, %add3A_299, %broadcast_in_dim3A_301 : vector<16xi1>, vector<16xi32>
        %eq3A_303 = vector.broadcast %scan3A_164 : i32 to vector<16xi32>
        %eq3A_304 = arith.cmpi eq, %iota3A, %eq3A_303 : vector<16xi32>
        %reduce_sum3A = arith.constant true
        %reduce_sum3A_305 = vector.broadcast %reduce_sum3A : i1 to vector<16xi1>
        %reduce_sum3A_306 = tpu.scan <sum>, %add3A_285 masked %reduce_sum3A_305 : vector<16xf32>, vector<16xi1> -> vector<16xf32>
        %reduce_sum3A_307 = vector.extract %reduce_sum3A_306[15] : f32 from vector<16xf32>
        %broadcast_in_dim3A_308 = vector.broadcast %reduce_sum3A_307 : f32 to vector<16xf32>
        %select_n3A_309 = arith.select %eq3A_304, %broadcast_in_dim3A_308, %scan3A_165 : vector<16xi1>, vector<16xf32>
        %eq3A_310 = vector.broadcast %scan3A_164 : i32 to vector<16xi32>
        %eq3A_311 = arith.cmpi eq, %iota3A, %eq3A_310 : vector<16xi32>
        %reduce_sum3A_312 = arith.constant true
        %reduce_sum3A_313 = vector.broadcast %reduce_sum3A_312 : i1 to vector<16xi1>
        %reduce_sum3A_314 = tpu.scan <sum>, %add3A_287 masked %reduce_sum3A_313 : vector<16xf32>, vector<16xi1> -> vector<16xf32>
        %reduce_sum3A_315 = vector.extract %reduce_sum3A_314[15] : f32 from vector<16xf32>
        %broadcast_in_dim3A_316 = vector.broadcast %reduce_sum3A_315 : f32 to vector<16xf32>
        %select_n3A_317 = arith.select %eq3A_311, %broadcast_in_dim3A_316, %scan3A_166 : vector<16xi1>, vector<16xf32>
        %eq3A_318 = vector.broadcast %scan3A_164 : i32 to vector<16xi32>
        %eq3A_319 = arith.cmpi eq, %iota3A, %eq3A_318 : vector<16xi32>
        %broadcast_in_dim3A_320 = vector.broadcast %reduce_max3A_297 : f32 to vector<16xf32>
        %select_n3A_321 = arith.select %eq3A_319, %broadcast_in_dim3A_320, %scan3A_167 : vector<16xi1>, vector<16xf32>
        %eq3A_322 = vector.broadcast %scan3A_164 : i32 to vector<16xi32>
        %eq3A_323 = arith.cmpi eq, %iota3A, %eq3A_322 : vector<16xi32>
        %reduce_min3A = arith.constant true
        %reduce_min3A_324 = vector.broadcast %reduce_min3A : i1 to vector<16xi1>
        %reduce_min3A_325 = arith.constant -2147483648 : i32
        %reduce_min3A_326 = vector.broadcast %reduce_min3A_325 : i32 to vector<16xi32>
        %reduce_min3A_327 = arith.xori %select_n3A_302, %reduce_min3A_326 : vector<16xi32>
        %reduce_min3A_328 = tpu.scan <min>, %reduce_min3A_327 masked %reduce_min3A_324 : vector<16xi32>, vector<16xi1> -> vector<16xi32>
        %reduce_min3A_329 = arith.xori %reduce_min3A_328, %reduce_min3A_326 : vector<16xi32>
        %reduce_min3A_330 = vector.extract %reduce_min3A_329[15] : i32 from vector<16xi32>
        %broadcast_in_dim3A_331 = vector.broadcast %reduce_min3A_330 : i32 to vector<16xi32>
        %select_n3A_332 = arith.select %eq3A_323, %broadcast_in_dim3A_331, %scan3A_168 : vector<16xi1>, vector<16xi32>
        scf.yield %select_n3A_309, %select_n3A_317, %select_n3A_321, %select_n3A_332 : vector<16xf32>, vector<16xf32>, vector<16xf32>, vector<16xi32>
      }
      %scan3A_150 = arith.constant 16 : i32
      %mul3A_151 = arith.constant 16 : i32
      %mul3A_152 = arith.muli %scan3A_141, %mul3A_151 : i32
      %add3A_153 = arith.constant 32 : i32
      %add3A_154 = arith.addi %add3A_153, %mul3A_152 : i32
      %swap3A_155 = arith.index_cast %add3A_154 : i32 to index
      %swap3A_156 = tpu.vector_load %arg10[%swap3A_155] {strides = array<i32>} : memref<224xf32, #tpu.memory_space<vmem>>, vector<16xf32>,
      tpu.vector_store %arg10[%swap3A_155], %scan3A_149#0 {strides = array<i32>} : memref<224xf32, #tpu.memory_space<vmem>>, vector<16xf32>,
      %swap3A_157 = arith.index_cast %add3A_154 : i32 to index
      %swap3A_158 = tpu.vector_load %arg11[%swap3A_157] {strides = array<i32>} : memref<224xf32, #tpu.memory_space<vmem>>, vector<16xf32>,
      tpu.vector_store %arg11[%swap3A_157], %scan3A_149#1 {strides = array<i32>} : memref<224xf32, #tpu.memory_space<vmem>>, vector<16xf32>,
      %swap3A_159 = arith.index_cast %add3A_154 : i32 to index
      %swap3A_160 = tpu.vector_load %arg12[%swap3A_159] {strides = array<i32>} : memref<224xf32, #tpu.memory_space<vmem>>, vector<16xf32>,
      tpu.vector_store %arg12[%swap3A_159], %scan3A_149#2 {strides = array<i32>} : memref<224xf32, #tpu.memory_space<vmem>>, vector<16xf32>,
      %swap3A_161 = arith.index_cast %add3A_154 : i32 to index
      %swap3A_162 = tpu.vector_load %arg13[%swap3A_161] {strides = array<i32>} : memref<224xi32, #tpu.memory_space<vmem>>, vector<16xi32>,
      tpu.vector_store %arg13[%swap3A_161], %scan3A_149#3 {strides = array<i32>} : memref<224xi32, #tpu.memory_space<vmem>>, vector<16xi32>,
      %scan3A_163 = arith.constant 0 : i32
      scf.yield %scan3A_163 : i32
    }
    %scan3A_42 = arith.constant 2 : i32
    %add3A_43 = arith.constant 96 : i32
    %add3A_44 = arith.addi %mul3A_2, %add3A_43 : i32
    %dma_start3A_45 = arith.constant 0 : i32
    %dma_start3A_46 = tpu.memref_slice %arg2[%add3A_44, %dma_start3A_45] : memref<16384x1000xf32, #tpu.memory_space<hbm>> -> memref<32x1000xf32, #tpu.memory_space<hbm>>
    %dma_start3A_47 = arith.constant 0 : i32
    %dma_start3A_48 = tpu.memref_slice %arg2[%add3A_44, %dma_start3A_47] : memref<16384x1000xf32, #tpu.memory_space<hbm>> -> memref<32x1000xf32, #tpu.memory_space<hbm>>
    tpu.enqueue_dma source(%dma_start3A_48 : memref<32x1000xf32, #tpu.memory_space<hbm>>) target(%arg7 : memref<32x1000xf32, #tpu.memory_space<vmem>>) target_semaphore(%arg9 : memref<!tpu.dma_semaphore, #tpu.memory_space<semaphore_mem>>)
    %dma_wait3A_49 = arith.constant 0 : i32
    %dma_wait3A_50 = tpu.memref_slice %arg2[%add3A_26, %dma_wait3A_49] : memref<16384x1000xf32, #tpu.memory_space<hbm>> -> memref<32x1000xf32, #tpu.memory_space<hbm>>
    %dma_wait3A_51 = arith.constant 0 : i32
    %dma_wait3A_52 = tpu.memref_slice %arg2[%add3A_26, %dma_wait3A_51] : memref<16384x1000xf32, #tpu.memory_space<hbm>> -> memref<32x1000xf32, #tpu.memory_space<hbm>>
    tpu.wait_dma2 semaphore(%arg8 : memref<!tpu.dma_semaphore, #tpu.memory_space<semaphore_mem>>) src(%dma_wait3A_52 : memref<32x1000xf32, #tpu.memory_space<hbm>>) dst(%arg6 : memref<32x1000xf32, #tpu.memory_space<vmem>>)
    %scan3A_53 = arith.constant 0xFF800000 : f32
    %scan3A_54 = arith.constant 0 : i32
    %scan3A_55 = arith.constant 0 : i32
    %scan3A_56 = arith.constant 2 : i32
    %scan3A_57 = arith.addi %scan3A_55, %scan3A_56 : i32
    %scan3A_58 = arith.constant 1 : i32
    %scan3A_59 = scf.for %scan3A_141 = %scan3A_55 to %scan3A_57 step %scan3A_58 iter_args(%scan3A_142 = %scan3A_54) -> (i32)  : i32 {
      %broadcast_in_dim3A_143 = arith.constant 0 : i32
      %broadcast_in_dim3A_144 = vector.broadcast %broadcast_in_dim3A_143 : i32 to vector<16xi32>
      %scan3A_145 = arith.constant 0 : i32
      %scan3A_146 = arith.constant 16 : i32
      %scan3A_147 = arith.addi %scan3A_145, %scan3A_146 : i32
      %scan3A_148 = arith.constant 1 : i32
      %scan3A_149:4 = scf.for %scan3A_164 = %scan3A_145 to %scan3A_147 step %scan3A_148 iter_args(%scan3A_165 = %broadcast_in_dim3A_5, %scan3A_166 = %broadcast_in_dim3A_5, %scan3A_167 = %broadcast_in_dim3A_5, %scan3A_168 = %broadcast_in_dim3A_144) -> (vector<16xf32>, vector<16xf32>, vector<16xf32>, vector<16xi32>)  : i32 {
        %mul3A_169 = arith.constant 16 : i32
        %mul3A_170 = arith.muli %scan3A_141, %mul3A_169 : i32
        %add3A_171 = arith.addi %mul3A_170, %scan3A_164 : i32
        %broadcast_in_dim3A_172 = arith.constant 0 : i32
        %broadcast_in_dim3A_173 = vector.broadcast %broadcast_in_dim3A_172 : i32 to vector<16xi32>
        %broadcast_in_dim3A_174 = vector.broadcast %scan3A_53 : f32 to vector<16xf32>
        %scan3A_175 = arith.constant 0 : i32
        %scan3A_176 = arith.constant 56 : i32
        %scan3A_177 = arith.addi %scan3A_175, %scan3A_176 : i32
        %scan3A_178 = arith.constant 8 : i32
        %scan3A_179:4 = scf.for %scan3A_333 = %scan3A_175 to %scan3A_177 step %scan3A_178 iter_args(%scan3A_334 = %broadcast_in_dim3A_5, %scan3A_335 = %broadcast_in_dim3A_5, %scan3A_336 = %broadcast_in_dim3A_174, %scan3A_337 = %broadcast_in_dim3A_173) -> (vector<16xf32>, vector<16xf32>, vector<16xf32>, vector<16xi32>)  : i32 {
          %mul3A_338 = arith.constant 16 : i32
          %mul3A_339 = arith.muli %scan3A_333, %mul3A_338 : i32
          %get3A_340 = arith.index_cast %add3A_171 : i32 to index
          %get3A_341 = arith.index_cast %mul3A_339 : i32 to index
          %get3A_342 = tpu.vector_load %arg6[%get3A_340, %get3A_341] {strides = array<i32>} : memref<32x1000xf32, #tpu.memory_space<vmem>>, vector<16xf32>,
          %exp3A_343 = math.exp %get3A_342 : vector<16xf32>
          %gt3A_344 = arith.cmpf ogt, %get3A_342, %scan3A_336 : vector<16xf32>
          %add3A_345 = arith.addf %scan3A_334, %exp3A_343 : vector<16xf32>
          %mul3A_346 = arith.mulf %get3A_342, %exp3A_343 : vector<16xf32>
          %add3A_347 = arith.addf %scan3A_335, %mul3A_346 : vector<16xf32>
          %max3A_348 = arith.maximumf %scan3A_336, %get3A_342 : vector<16xf32>
          %mul3A_349 = arith.constant 16 : i32
          %mul3A_350 = arith.muli %scan3A_333, %mul3A_349 : i32
          %broadcast_in_dim3A_351 = vector.broadcast %mul3A_350 : i32 to vector<16xi32>
          %select_n3A_352 = arith.select %gt3A_344, %broadcast_in_dim3A_351, %scan3A_337 : vector<16xi1>, vector<16xi32>
          %scan3A_353 = arith.constant 1 : i32
          %scan3A_354 = arith.addi %scan3A_333, %scan3A_353 : i32
          %mul3A_355 = arith.constant 16 : i32
          %mul3A_356 = arith.muli %scan3A_354, %mul3A_355 : i32
          %get3A_357 = arith.index_cast %add3A_171 : i32 to index
          %get3A_358 = arith.index_cast %mul3A_356 : i32 to index
          %get3A_359 = tpu.vector_load %arg6[%get3A_357, %get3A_358] {strides = array<i32>} : memref<32x1000xf32, #tpu.memory_space<vmem>>, vector<16xf32>,
          %exp3A_360 = math.exp %get3A_359 : vector<16xf32>
          %gt3A_361 = arith.cmpf ogt, %get3A_359, %max3A_348 : vector<16xf32>
          %add3A_362 = arith.addf %add3A_345, %exp3A_360 : vector<16xf32>
          %mul3A_363 = arith.mulf %get3A_359, %exp3A_360 : vector<16xf32>
          %add3A_364 = arith.addf %add3A_347, %mul3A_363 : vector<16xf32>
          %max3A_365 = arith.maximumf %max3A_348, %get3A_359 : vector<16xf32>
          %mul3A_366 = arith.constant 16 : i32
          %mul3A_367 = arith.muli %scan3A_354, %mul3A_366 : i32
          %broadcast_in_dim3A_368 = vector.broadcast %mul3A_367 : i32 to vector<16xi32>
          %select_n3A_369 = arith.select %gt3A_361, %broadcast_in_dim3A_368, %select_n3A_352 : vector<16xi1>, vector<16xi32>
          %scan3A_370 = arith.constant 2 : i32
          %scan3A_371 = arith.addi %scan3A_333, %scan3A_370 : i32
          %mul3A_372 = arith.constant 16 : i32
          %mul3A_373 = arith.muli %scan3A_371, %mul3A_372 : i32
          %get3A_374 = arith.index_cast %add3A_171 : i32 to index
          %get3A_375 = arith.index_cast %mul3A_373 : i32 to index
          %get3A_376 = tpu.vector_load %arg6[%get3A_374, %get3A_375] {strides = array<i32>} : memref<32x1000xf32, #tpu.memory_space<vmem>>, vector<16xf32>,
          %exp3A_377 = math.exp %get3A_376 : vector<16xf32>
          %gt3A_378 = arith.cmpf ogt, %get3A_376, %max3A_365 : vector<16xf32>
          %add3A_379 = arith.addf %add3A_362, %exp3A_377 : vector<16xf32>
          %mul3A_380 = arith.mulf %get3A_376, %exp3A_377 : vector<16xf32>
          %add3A_381 = arith.addf %add3A_364, %mul3A_380 : vector<16xf32>
          %max3A_382 = arith.maximumf %max3A_365, %get3A_376 : vector<16xf32>
          %mul3A_383 = arith.constant 16 : i32
          %mul3A_384 = arith.muli %scan3A_371, %mul3A_383 : i32
          %broadcast_in_dim3A_385 = vector.broadcast %mul3A_384 : i32 to vector<16xi32>
          %select_n3A_386 = arith.select %gt3A_378, %broadcast_in_dim3A_385, %select_n3A_369 : vector<16xi1>, vector<16xi32>
          %scan3A_387 = arith.constant 3 : i32
          %scan3A_388 = arith.addi %scan3A_333, %scan3A_387 : i32
          %mul3A_389 = arith.constant 16 : i32
          %mul3A_390 = arith.muli %scan3A_388, %mul3A_389 : i32
          %get3A_391 = arith.index_cast %add3A_171 : i32 to index
          %get3A_392 = arith.index_cast %mul3A_390 : i32 to index
          %get3A_393 = tpu.vector_load %arg6[%get3A_391, %get3A_392] {strides = array<i32>} : memref<32x1000xf32, #tpu.memory_space<vmem>>, vector<16xf32>,
          %exp3A_394 = math.exp %get3A_393 : vector<16xf32>
          %gt3A_395 = arith.cmpf ogt, %get3A_393, %max3A_382 : vector<16xf32>
          %add3A_396 = arith.addf %add3A_379, %exp3A_394 : vector<16xf32>
          %mul3A_397 = arith.mulf %get3A_393, %exp3A_394 : vector<16xf32>
          %add3A_398 = arith.addf %add3A_381, %mul3A_397 : vector<16xf32>
          %max3A_399 = arith.maximumf %max3A_382, %get3A_393 : vector<16xf32>
          %mul3A_400 = arith.constant 16 : i32
          %mul3A_401 = arith.muli %scan3A_388, %mul3A_400 : i32
          %broadcast_in_dim3A_402 = vector.broadcast %mul3A_401 : i32 to vector<16xi32>
          %select_n3A_403 = arith.select %gt3A_395, %broadcast_in_dim3A_402, %select_n3A_386 : vector<16xi1>, vector<16xi32>
          %scan3A_404 = arith.constant 4 : i32
          %scan3A_405 = arith.addi %scan3A_333, %scan3A_404 : i32
          %mul3A_406 = arith.constant 16 : i32
          %mul3A_407 = arith.muli %scan3A_405, %mul3A_406 : i32
          %get3A_408 = arith.index_cast %add3A_171 : i32 to index
          %get3A_409 = arith.index_cast %mul3A_407 : i32 to index
          %get3A_410 = tpu.vector_load %arg6[%get3A_408, %get3A_409] {strides = array<i32>} : memref<32x1000xf32, #tpu.memory_space<vmem>>, vector<16xf32>,
          %exp3A_411 = math.exp %get3A_410 : vector<16xf32>
          %gt3A_412 = arith.cmpf ogt, %get3A_410, %max3A_399 : vector<16xf32>
          %add3A_413 = arith.addf %add3A_396, %exp3A_411 : vector<16xf32>
          %mul3A_414 = arith.mulf %get3A_410, %exp3A_411 : vector<16xf32>
          %add3A_415 = arith.addf %add3A_398, %mul3A_414 : vector<16xf32>
          %max3A_416 = arith.maximumf %max3A_399, %get3A_410 : vector<16xf32>
          %mul3A_417 = arith.constant 16 : i32
          %mul3A_418 = arith.muli %scan3A_405, %mul3A_417 : i32
          %broadcast_in_dim3A_419 = vector.broadcast %mul3A_418 : i32 to vector<16xi32>
          %select_n3A_420 = arith.select %gt3A_412, %broadcast_in_dim3A_419, %select_n3A_403 : vector<16xi1>, vector<16xi32>
          %scan3A_421 = arith.constant 5 : i32
          %scan3A_422 = arith.addi %scan3A_333, %scan3A_421 : i32
          %mul3A_423 = arith.constant 16 : i32
          %mul3A_424 = arith.muli %scan3A_422, %mul3A_423 : i32
          %get3A_425 = arith.index_cast %add3A_171 : i32 to index
          %get3A_426 = arith.index_cast %mul3A_424 : i32 to index
          %get3A_427 = tpu.vector_load %arg6[%get3A_425, %get3A_426] {strides = array<i32>} : memref<32x1000xf32, #tpu.memory_space<vmem>>, vector<16xf32>,
          %exp3A_428 = math.exp %get3A_427 : vector<16xf32>
          %gt3A_429 = arith.cmpf ogt, %get3A_427, %max3A_416 : vector<16xf32>
          %add3A_430 = arith.addf %add3A_413, %exp3A_428 : vector<16xf32>
          %mul3A_431 = arith.mulf %get3A_427, %exp3A_428 : vector<16xf32>
          %add3A_432 = arith.addf %add3A_415, %mul3A_431 : vector<16xf32>
          %max3A_433 = arith.maximumf %max3A_416, %get3A_427 : vector<16xf32>
          %mul3A_434 = arith.constant 16 : i32
          %mul3A_435 = arith.muli %scan3A_422, %mul3A_434 : i32
          %broadcast_in_dim3A_436 = vector.broadcast %mul3A_435 : i32 to vector<16xi32>
          %select_n3A_437 = arith.select %gt3A_429, %broadcast_in_dim3A_436, %select_n3A_420 : vector<16xi1>, vector<16xi32>
          %scan3A_438 = arith.constant 6 : i32
          %scan3A_439 = arith.addi %scan3A_333, %scan3A_438 : i32
          %mul3A_440 = arith.constant 16 : i32
          %mul3A_441 = arith.muli %scan3A_439, %mul3A_440 : i32
          %get3A_442 = arith.index_cast %add3A_171 : i32 to index
          %get3A_443 = arith.index_cast %mul3A_441 : i32 to index
          %get3A_444 = tpu.vector_load %arg6[%get3A_442, %get3A_443] {strides = array<i32>} : memref<32x1000xf32, #tpu.memory_space<vmem>>, vector<16xf32>,
          %exp3A_445 = math.exp %get3A_444 : vector<16xf32>
          %gt3A_446 = arith.cmpf ogt, %get3A_444, %max3A_433 : vector<16xf32>
          %add3A_447 = arith.addf %add3A_430, %exp3A_445 : vector<16xf32>
          %mul3A_448 = arith.mulf %get3A_444, %exp3A_445 : vector<16xf32>
          %add3A_449 = arith.addf %add3A_432, %mul3A_448 : vector<16xf32>
          %max3A_450 = arith.maximumf %max3A_433, %get3A_444 : vector<16xf32>
          %mul3A_451 = arith.constant 16 : i32
          %mul3A_452 = arith.muli %scan3A_439, %mul3A_451 : i32
          %broadcast_in_dim3A_453 = vector.broadcast %mul3A_452 : i32 to vector<16xi32>
          %select_n3A_454 = arith.select %gt3A_446, %broadcast_in_dim3A_453, %select_n3A_437 : vector<16xi1>, vector<16xi32>
          %scan3A_455 = arith.constant 7 : i32
          %scan3A_456 = arith.addi %scan3A_333, %scan3A_455 : i32
          %mul3A_457 = arith.constant 16 : i32
          %mul3A_458 = arith.muli %scan3A_456, %mul3A_457 : i32
          %get3A_459 = arith.index_cast %add3A_171 : i32 to index
          %get3A_460 = arith.index_cast %mul3A_458 : i32 to index
          %get3A_461 = tpu.vector_load %arg6[%get3A_459, %get3A_460] {strides = array<i32>} : memref<32x1000xf32, #tpu.memory_space<vmem>>, vector<16xf32>,
          %exp3A_462 = math.exp %get3A_461 : vector<16xf32>
          %gt3A_463 = arith.cmpf ogt, %get3A_461, %max3A_450 : vector<16xf32>
          %add3A_464 = arith.addf %add3A_447, %exp3A_462 : vector<16xf32>
          %mul3A_465 = arith.mulf %get3A_461, %exp3A_462 : vector<16xf32>
          %add3A_466 = arith.addf %add3A_449, %mul3A_465 : vector<16xf32>
          %max3A_467 = arith.maximumf %max3A_450, %get3A_461 : vector<16xf32>
          %mul3A_468 = arith.constant 16 : i32
          %mul3A_469 = arith.muli %scan3A_456, %mul3A_468 : i32
          %broadcast_in_dim3A_470 = vector.broadcast %mul3A_469 : i32 to vector<16xi32>
          %select_n3A_471 = arith.select %gt3A_463, %broadcast_in_dim3A_470, %select_n3A_454 : vector<16xi1>, vector<16xi32>
          scf.yield %add3A_464, %add3A_466, %max3A_467, %select_n3A_471 : vector<16xf32>, vector<16xf32>, vector<16xf32>, vector<16xi32>
        }
        %scan3A_180 = arith.constant 56 : i32
        %scan3A_181 = arith.addi %scan3A_175, %scan3A_180 : i32
        %mul3A_182 = arith.constant 16 : i32
        %mul3A_183 = arith.muli %scan3A_181, %mul3A_182 : i32
        %get3A_184 = arith.index_cast %add3A_171 : i32 to index
        %get3A_185 = arith.index_cast %mul3A_183 : i32 to index
        %get3A_186 = tpu.vector_load %arg6[%get3A_184, %get3A_185] {strides = array<i32>} : memref<32x1000xf32, #tpu.memory_space<vmem>>, vector<16xf32>,
        %exp3A = math.exp %get3A_186 : vector<16xf32>
        %gt3A = arith.cmpf ogt, %get3A_186, %scan3A_179#2 : vector<16xf32>
        %add3A_187 = arith.addf %scan3A_179#0, %exp3A : vector<16xf32>
        %mul3A_188 = arith.mulf %get3A_186, %exp3A : vector<16xf32>
        %add3A_189 = arith.addf %scan3A_179#1, %mul3A_188 : vector<16xf32>
        %max3A = arith.maximumf %scan3A_179#2, %get3A_186 : vector<16xf32>
        %mul3A_190 = arith.constant 16 : i32
        %mul3A_191 = arith.muli %scan3A_181, %mul3A_190 : i32
        %broadcast_in_dim3A_192 = vector.broadcast %mul3A_191 : i32 to vector<16xi32>
        %select_n3A = arith.select %gt3A, %broadcast_in_dim3A_192, %scan3A_179#3 : vector<16xi1>, vector<16xi32>
        %scan3A_193 = arith.constant 57 : i32
        %scan3A_194 = arith.addi %scan3A_175, %scan3A_193 : i32
        %mul3A_195 = arith.constant 16 : i32
        %mul3A_196 = arith.muli %scan3A_194, %mul3A_195 : i32
        %get3A_197 = arith.index_cast %add3A_171 : i32 to index
        %get3A_198 = arith.index_cast %mul3A_196 : i32 to index
        %get3A_199 = tpu.vector_load %arg6[%get3A_197, %get3A_198] {strides = array<i32>} : memref<32x1000xf32, #tpu.memory_space<vmem>>, vector<16xf32>,
        %exp3A_200 = math.exp %get3A_199 : vector<16xf32>
        %gt3A_201 = arith.cmpf ogt, %get3A_199, %max3A : vector<16xf32>
        %add3A_202 = arith.addf %add3A_187, %exp3A_200 : vector<16xf32>
        %mul3A_203 = arith.mulf %get3A_199, %exp3A_200 : vector<16xf32>
        %add3A_204 = arith.addf %add3A_189, %mul3A_203 : vector<16xf32>
        %max3A_205 = arith.maximumf %max3A, %get3A_199 : vector<16xf32>
        %mul3A_206 = arith.constant 16 : i32
        %mul3A_207 = arith.muli %scan3A_194, %mul3A_206 : i32
        %broadcast_in_dim3A_208 = vector.broadcast %mul3A_207 : i32 to vector<16xi32>
        %select_n3A_209 = arith.select %gt3A_201, %broadcast_in_dim3A_208, %select_n3A : vector<16xi1>, vector<16xi32>
        %scan3A_210 = arith.constant 58 : i32
        %scan3A_211 = arith.addi %scan3A_175, %scan3A_210 : i32
        %mul3A_212 = arith.constant 16 : i32
        %mul3A_213 = arith.muli %scan3A_211, %mul3A_212 : i32
        %get3A_214 = arith.index_cast %add3A_171 : i32 to index
        %get3A_215 = arith.index_cast %mul3A_213 : i32 to index
        %get3A_216 = tpu.vector_load %arg6[%get3A_214, %get3A_215] {strides = array<i32>} : memref<32x1000xf32, #tpu.memory_space<vmem>>, vector<16xf32>,
        %exp3A_217 = math.exp %get3A_216 : vector<16xf32>
        %gt3A_218 = arith.cmpf ogt, %get3A_216, %max3A_205 : vector<16xf32>
        %add3A_219 = arith.addf %add3A_202, %exp3A_217 : vector<16xf32>
        %mul3A_220 = arith.mulf %get3A_216, %exp3A_217 : vector<16xf32>
        %add3A_221 = arith.addf %add3A_204, %mul3A_220 : vector<16xf32>
        %max3A_222 = arith.maximumf %max3A_205, %get3A_216 : vector<16xf32>
        %mul3A_223 = arith.constant 16 : i32
        %mul3A_224 = arith.muli %scan3A_211, %mul3A_223 : i32
        %broadcast_in_dim3A_225 = vector.broadcast %mul3A_224 : i32 to vector<16xi32>
        %select_n3A_226 = arith.select %gt3A_218, %broadcast_in_dim3A_225, %select_n3A_209 : vector<16xi1>, vector<16xi32>
        %scan3A_227 = arith.constant 59 : i32
        %scan3A_228 = arith.addi %scan3A_175, %scan3A_227 : i32
        %mul3A_229 = arith.constant 16 : i32
        %mul3A_230 = arith.muli %scan3A_228, %mul3A_229 : i32
        %get3A_231 = arith.index_cast %add3A_171 : i32 to index
        %get3A_232 = arith.index_cast %mul3A_230 : i32 to index
        %get3A_233 = tpu.vector_load %arg6[%get3A_231, %get3A_232] {strides = array<i32>} : memref<32x1000xf32, #tpu.memory_space<vmem>>, vector<16xf32>,
        %exp3A_234 = math.exp %get3A_233 : vector<16xf32>
        %gt3A_235 = arith.cmpf ogt, %get3A_233, %max3A_222 : vector<16xf32>
        %add3A_236 = arith.addf %add3A_219, %exp3A_234 : vector<16xf32>
        %mul3A_237 = arith.mulf %get3A_233, %exp3A_234 : vector<16xf32>
        %add3A_238 = arith.addf %add3A_221, %mul3A_237 : vector<16xf32>
        %max3A_239 = arith.maximumf %max3A_222, %get3A_233 : vector<16xf32>
        %mul3A_240 = arith.constant 16 : i32
        %mul3A_241 = arith.muli %scan3A_228, %mul3A_240 : i32
        %broadcast_in_dim3A_242 = vector.broadcast %mul3A_241 : i32 to vector<16xi32>
        %select_n3A_243 = arith.select %gt3A_235, %broadcast_in_dim3A_242, %select_n3A_226 : vector<16xi1>, vector<16xi32>
        %scan3A_244 = arith.constant 60 : i32
        %scan3A_245 = arith.addi %scan3A_175, %scan3A_244 : i32
        %mul3A_246 = arith.constant 16 : i32
        %mul3A_247 = arith.muli %scan3A_245, %mul3A_246 : i32
        %get3A_248 = arith.index_cast %add3A_171 : i32 to index
        %get3A_249 = arith.index_cast %mul3A_247 : i32 to index
        %get3A_250 = tpu.vector_load %arg6[%get3A_248, %get3A_249] {strides = array<i32>} : memref<32x1000xf32, #tpu.memory_space<vmem>>, vector<16xf32>,
        %exp3A_251 = math.exp %get3A_250 : vector<16xf32>
        %gt3A_252 = arith.cmpf ogt, %get3A_250, %max3A_239 : vector<16xf32>
        %add3A_253 = arith.addf %add3A_236, %exp3A_251 : vector<16xf32>
        %mul3A_254 = arith.mulf %get3A_250, %exp3A_251 : vector<16xf32>
        %add3A_255 = arith.addf %add3A_238, %mul3A_254 : vector<16xf32>
        %max3A_256 = arith.maximumf %max3A_239, %get3A_250 : vector<16xf32>
        %mul3A_257 = arith.constant 16 : i32
        %mul3A_258 = arith.muli %scan3A_245, %mul3A_257 : i32
        %broadcast_in_dim3A_259 = vector.broadcast %mul3A_258 : i32 to vector<16xi32>
        %select_n3A_260 = arith.select %gt3A_252, %broadcast_in_dim3A_259, %select_n3A_243 : vector<16xi1>, vector<16xi32>
        %scan3A_261 = arith.constant 61 : i32
        %scan3A_262 = arith.addi %scan3A_175, %scan3A_261 : i32
        %mul3A_263 = arith.constant 16 : i32
        %mul3A_264 = arith.muli %scan3A_262, %mul3A_263 : i32
        %get3A_265 = arith.index_cast %add3A_171 : i32 to index
        %get3A_266 = arith.index_cast %mul3A_264 : i32 to index
        %get3A_267 = tpu.vector_load %arg6[%get3A_265, %get3A_266] {strides = array<i32>} : memref<32x1000xf32, #tpu.memory_space<vmem>>, vector<16xf32>,
        %exp3A_268 = math.exp %get3A_267 : vector<16xf32>
        %gt3A_269 = arith.cmpf ogt, %get3A_267, %max3A_256 : vector<16xf32>
        %add3A_270 = arith.addf %add3A_253, %exp3A_268 : vector<16xf32>
        %mul3A_271 = arith.mulf %get3A_267, %exp3A_268 : vector<16xf32>
        %add3A_272 = arith.addf %add3A_255, %mul3A_271 : vector<16xf32>
        %max3A_273 = arith.maximumf %max3A_256, %get3A_267 : vector<16xf32>
        %mul3A_274 = arith.constant 16 : i32
        %mul3A_275 = arith.muli %scan3A_262, %mul3A_274 : i32
        %broadcast_in_dim3A_276 = vector.broadcast %mul3A_275 : i32 to vector<16xi32>
        %select_n3A_277 = arith.select %gt3A_269, %broadcast_in_dim3A_276, %select_n3A_260 : vector<16xi1>, vector<16xi32>
        %scan3A_278 = arith.constant 62 : i32
        %get3A_279 = arith.index_cast %add3A_171 : i32 to index
        %get3A_280 = arith.constant 984 : index
        %get3A_281 = tpu.vector_load %arg6[%get3A_279, %get3A_280] {strides = array<i32>} : memref<32x1000xf32, #tpu.memory_space<vmem>>, vector<16xf32>,
        %exp3A_282 = math.exp %get3A_281 : vector<16xf32>
        %jit3A = arith.constant 0.000000e+00 : f32
        %broadcast_in_dim3A_283 = vector.broadcast %jit3A : f32 to vector<16xf32>
        %select_n3A_284 = arith.select %ge3A_4, %exp3A_282, %broadcast_in_dim3A_283 : vector<16xi1>, vector<16xf32>
        %add3A_285 = arith.addf %add3A_270, %select_n3A_284 : vector<16xf32>
        %mul3A_286 = arith.mulf %get3A_281, %select_n3A_284 : vector<16xf32>
        %add3A_287 = arith.addf %add3A_272, %mul3A_286 : vector<16xf32>
        %broadcast_in_dim3A_288 = vector.broadcast %scan3A_53 : f32 to vector<16xf32>
        %select_n3A_289 = arith.select %ge3A_4, %get3A_281, %broadcast_in_dim3A_288 : vector<16xi1>, vector<16xf32>
        %gt3A_290 = arith.cmpf ogt, %select_n3A_289, %max3A_273 : vector<16xf32>
        %jit3A_291 = arith.constant 984 : i32
        %broadcast_in_dim3A_292 = vector.broadcast %jit3A_291 : i32 to vector<16xi32>
        %select_n3A_293 = arith.select %gt3A_290, %broadcast_in_dim3A_292, %select_n3A_277 : vector<16xi1>, vector<16xi32>
        %max3A_294 = arith.maximumf %max3A_273, %select_n3A_289 : vector<16xf32>
        %reduce_max3A = arith.constant true
        %reduce_max3A_295 = vector.broadcast %reduce_max3A : i1 to vector<16xi1>
        %reduce_max3A_296 = tpu.scan <max>, %max3A_294 masked %reduce_max3A_295 : vector<16xf32>, vector<16xi1> -> vector<16xf32>
        %reduce_max3A_297 = vector.extract %reduce_max3A_296[15] : f32 from vector<16xf32>
        %broadcast_in_dim3A_298 = vector.broadcast %reduce_max3A_297 : f32 to vector<16xf32>
        %eq3A = arith.cmpf oeq, %max3A_294, %broadcast_in_dim3A_298 : vector<16xf32>
        %add3A_299 = arith.addi %select_n3A_293, %iota3A : vector<16xi32>
        %jit3A_300 = arith.constant 1000 : i32
        %broadcast_in_dim3A_301 = vector.broadcast %jit3A_300 : i32 to vector<16xi32>
        %select_n3A_302 = arith.select %eq3A, %add3A_299, %broadcast_in_dim3A_301 : vector<16xi1>, vector<16xi32>
        %eq3A_303 = vector.broadcast %scan3A_164 : i32 to vector<16xi32>
        %eq3A_304 = arith.cmpi eq, %iota3A, %eq3A_303 : vector<16xi32>
        %reduce_sum3A = arith.constant true
        %reduce_sum3A_305 = vector.broadcast %reduce_sum3A : i1 to vector<16xi1>
        %reduce_sum3A_306 = tpu.scan <sum>, %add3A_285 masked %reduce_sum3A_305 : vector<16xf32>, vector<16xi1> -> vector<16xf32>
        %reduce_sum3A_307 = vector.extract %reduce_sum3A_306[15] : f32 from vector<16xf32>
        %broadcast_in_dim3A_308 = vector.broadcast %reduce_sum3A_307 : f32 to vector<16xf32>
        %select_n3A_309 = arith.select %eq3A_304, %broadcast_in_dim3A_308, %scan3A_165 : vector<16xi1>, vector<16xf32>
        %eq3A_310 = vector.broadcast %scan3A_164 : i32 to vector<16xi32>
        %eq3A_311 = arith.cmpi eq, %iota3A, %eq3A_310 : vector<16xi32>
        %reduce_sum3A_312 = arith.constant true
        %reduce_sum3A_313 = vector.broadcast %reduce_sum3A_312 : i1 to vector<16xi1>
        %reduce_sum3A_314 = tpu.scan <sum>, %add3A_287 masked %reduce_sum3A_313 : vector<16xf32>, vector<16xi1> -> vector<16xf32>
        %reduce_sum3A_315 = vector.extract %reduce_sum3A_314[15] : f32 from vector<16xf32>
        %broadcast_in_dim3A_316 = vector.broadcast %reduce_sum3A_315 : f32 to vector<16xf32>
        %select_n3A_317 = arith.select %eq3A_311, %broadcast_in_dim3A_316, %scan3A_166 : vector<16xi1>, vector<16xf32>
        %eq3A_318 = vector.broadcast %scan3A_164 : i32 to vector<16xi32>
        %eq3A_319 = arith.cmpi eq, %iota3A, %eq3A_318 : vector<16xi32>
        %broadcast_in_dim3A_320 = vector.broadcast %reduce_max3A_297 : f32 to vector<16xf32>
        %select_n3A_321 = arith.select %eq3A_319, %broadcast_in_dim3A_320, %scan3A_167 : vector<16xi1>, vector<16xf32>
        %eq3A_322 = vector.broadcast %scan3A_164 : i32 to vector<16xi32>
        %eq3A_323 = arith.cmpi eq, %iota3A, %eq3A_322 : vector<16xi32>
        %reduce_min3A = arith.constant true
        %reduce_min3A_324 = vector.broadcast %reduce_min3A : i1 to vector<16xi1>
        %reduce_min3A_325 = arith.constant -2147483648 : i32
        %reduce_min3A_326 = vector.broadcast %reduce_min3A_325 : i32 to vector<16xi32>
        %reduce_min3A_327 = arith.xori %select_n3A_302, %reduce_min3A_326 : vector<16xi32>
        %reduce_min3A_328 = tpu.scan <min>, %reduce_min3A_327 masked %reduce_min3A_324 : vector<16xi32>, vector<16xi1> -> vector<16xi32>
        %reduce_min3A_329 = arith.xori %reduce_min3A_328, %reduce_min3A_326 : vector<16xi32>
        %reduce_min3A_330 = vector.extract %reduce_min3A_329[15] : i32 from vector<16xi32>
        %broadcast_in_dim3A_331 = vector.broadcast %reduce_min3A_330 : i32 to vector<16xi32>
        %select_n3A_332 = arith.select %eq3A_323, %broadcast_in_dim3A_331, %scan3A_168 : vector<16xi1>, vector<16xi32>
        scf.yield %select_n3A_309, %select_n3A_317, %select_n3A_321, %select_n3A_332 : vector<16xf32>, vector<16xf32>, vector<16xf32>, vector<16xi32>
      }
      %scan3A_150 = arith.constant 16 : i32
      %mul3A_151 = arith.constant 16 : i32
      %mul3A_152 = arith.muli %scan3A_141, %mul3A_151 : i32
      %add3A_153 = arith.constant 64 : i32
      %add3A_154 = arith.addi %add3A_153, %mul3A_152 : i32
      %swap3A_155 = arith.index_cast %add3A_154 : i32 to index
      %swap3A_156 = tpu.vector_load %arg10[%swap3A_155] {strides = array<i32>} : memref<224xf32, #tpu.memory_space<vmem>>, vector<16xf32>,
      tpu.vector_store %arg10[%swap3A_155], %scan3A_149#0 {strides = array<i32>} : memref<224xf32, #tpu.memory_space<vmem>>, vector<16xf32>,
      %swap3A_157 = arith.index_cast %add3A_154 : i32 to index
      %swap3A_158 = tpu.vector_load %arg11[%swap3A_157] {strides = array<i32>} : memref<224xf32, #tpu.memory_space<vmem>>, vector<16xf32>,
      tpu.vector_store %arg11[%swap3A_157], %scan3A_149#1 {strides = array<i32>} : memref<224xf32, #tpu.memory_space<vmem>>, vector<16xf32>,
      %swap3A_159 = arith.index_cast %add3A_154 : i32 to index
      %swap3A_160 = tpu.vector_load %arg12[%swap3A_159] {strides = array<i32>} : memref<224xf32, #tpu.memory_space<vmem>>, vector<16xf32>,
      tpu.vector_store %arg12[%swap3A_159], %scan3A_149#2 {strides = array<i32>} : memref<224xf32, #tpu.memory_space<vmem>>, vector<16xf32>,
      %swap3A_161 = arith.index_cast %add3A_154 : i32 to index
      %swap3A_162 = tpu.vector_load %arg13[%swap3A_161] {strides = array<i32>} : memref<224xi32, #tpu.memory_space<vmem>>, vector<16xi32>,
      tpu.vector_store %arg13[%swap3A_161], %scan3A_149#3 {strides = array<i32>} : memref<224xi32, #tpu.memory_space<vmem>>, vector<16xi32>,
      %scan3A_163 = arith.constant 0 : i32
      scf.yield %scan3A_163 : i32
    }
    %scan3A_60 = arith.constant 2 : i32
    %add3A_61 = arith.constant 128 : i32
    %add3A_62 = arith.addi %mul3A_2, %add3A_61 : i32
    %dma_start3A_63 = arith.constant 0 : i32
    %dma_start3A_64 = tpu.memref_slice %arg2[%add3A_62, %dma_start3A_63] : memref<16384x1000xf32, #tpu.memory_space<hbm>> -> memref<32x1000xf32, #tpu.memory_space<hbm>>
    %dma_start3A_65 = arith.constant 0 : i32
    %dma_start3A_66 = tpu.memref_slice %arg2[%add3A_62, %dma_start3A_65] : memref<16384x1000xf32, #tpu.memory_space<hbm>> -> memref<32x1000xf32, #tpu.memory_space<hbm>>
    tpu.enqueue_dma source(%dma_start3A_66 : memref<32x1000xf32, #tpu.memory_space<hbm>>) target(%arg6 : memref<32x1000xf32, #tpu.memory_space<vmem>>) target_semaphore(%arg8 : memref<!tpu.dma_semaphore, #tpu.memory_space<semaphore_mem>>)
    %dma_wait3A_67 = arith.constant 0 : i32
    %dma_wait3A_68 = tpu.memref_slice %arg2[%add3A_44, %dma_wait3A_67] : memref<16384x1000xf32, #tpu.memory_space<hbm>> -> memref<32x1000xf32, #tpu.memory_space<hbm>>
    %dma_wait3A_69 = arith.constant 0 : i32
    %dma_wait3A_70 = tpu.memref_slice %arg2[%add3A_44, %dma_wait3A_69] : memref<16384x1000xf32, #tpu.memory_space<hbm>> -> memref<32x1000xf32, #tpu.memory_space<hbm>>
    tpu.wait_dma2 semaphore(%arg9 : memref<!tpu.dma_semaphore, #tpu.memory_space<semaphore_mem>>) src(%dma_wait3A_70 : memref<32x1000xf32, #tpu.memory_space<hbm>>) dst(%arg7 : memref<32x1000xf32, #tpu.memory_space<vmem>>)
    %scan3A_71 = arith.constant 0xFF800000 : f32
    %scan3A_72 = arith.constant 0 : i32
    %scan3A_73 = arith.constant 0 : i32
    %scan3A_74 = arith.constant 2 : i32
    %scan3A_75 = arith.addi %scan3A_73, %scan3A_74 : i32
    %scan3A_76 = arith.constant 1 : i32
    %scan3A_77 = scf.for %scan3A_141 = %scan3A_73 to %scan3A_75 step %scan3A_76 iter_args(%scan3A_142 = %scan3A_72) -> (i32)  : i32 {
      %broadcast_in_dim3A_143 = arith.constant 0 : i32
      %broadcast_in_dim3A_144 = vector.broadcast %broadcast_in_dim3A_143 : i32 to vector<16xi32>
      %scan3A_145 = arith.constant 0 : i32
      %scan3A_146 = arith.constant 16 : i32
      %scan3A_147 = arith.addi %scan3A_145, %scan3A_146 : i32
      %scan3A_148 = arith.constant 1 : i32
      %scan3A_149:4 = scf.for %scan3A_164 = %scan3A_145 to %scan3A_147 step %scan3A_148 iter_args(%scan3A_165 = %broadcast_in_dim3A_5, %scan3A_166 = %broadcast_in_dim3A_5, %scan3A_167 = %broadcast_in_dim3A_5, %scan3A_168 = %broadcast_in_dim3A_144) -> (vector<16xf32>, vector<16xf32>, vector<16xf32>, vector<16xi32>)  : i32 {
        %mul3A_169 = arith.constant 16 : i32
        %mul3A_170 = arith.muli %scan3A_141, %mul3A_169 : i32
        %add3A_171 = arith.addi %mul3A_170, %scan3A_164 : i32
        %broadcast_in_dim3A_172 = arith.constant 0 : i32
        %broadcast_in_dim3A_173 = vector.broadcast %broadcast_in_dim3A_172 : i32 to vector<16xi32>
        %broadcast_in_dim3A_174 = vector.broadcast %scan3A_71 : f32 to vector<16xf32>
        %scan3A_175 = arith.constant 0 : i32
        %scan3A_176 = arith.constant 56 : i32
        %scan3A_177 = arith.addi %scan3A_175, %scan3A_176 : i32
        %scan3A_178 = arith.constant 8 : i32
        %scan3A_179:4 = scf.for %scan3A_333 = %scan3A_175 to %scan3A_177 step %scan3A_178 iter_args(%scan3A_334 = %broadcast_in_dim3A_5, %scan3A_335 = %broadcast_in_dim3A_5, %scan3A_336 = %broadcast_in_dim3A_174, %scan3A_337 = %broadcast_in_dim3A_173) -> (vector<16xf32>, vector<16xf32>, vector<16xf32>, vector<16xi32>)  : i32 {
          %mul3A_338 = arith.constant 16 : i32
          %mul3A_339 = arith.muli %scan3A_333, %mul3A_338 : i32
          %get3A_340 = arith.index_cast %add3A_171 : i32 to index
          %get3A_341 = arith.index_cast %mul3A_339 : i32 to index
          %get3A_342 = tpu.vector_load %arg7[%get3A_340, %get3A_341] {strides = array<i32>} : memref<32x1000xf32, #tpu.memory_space<vmem>>, vector<16xf32>,
          %exp3A_343 = math.exp %get3A_342 : vector<16xf32>
          %gt3A_344 = arith.cmpf ogt, %get3A_342, %scan3A_336 : vector<16xf32>
          %add3A_345 = arith.addf %scan3A_334, %exp3A_343 : vector<16xf32>
          %mul3A_346 = arith.mulf %get3A_342, %exp3A_343 : vector<16xf32>
          %add3A_347 = arith.addf %scan3A_335, %mul3A_346 : vector<16xf32>
          %max3A_348 = arith.maximumf %scan3A_336, %get3A_342 : vector<16xf32>
          %mul3A_349 = arith.constant 16 : i32
          %mul3A_350 = arith.muli %scan3A_333, %mul3A_349 : i32
          %broadcast_in_dim3A_351 = vector.broadcast %mul3A_350 : i32 to vector<16xi32>
          %select_n3A_352 = arith.select %gt3A_344, %broadcast_in_dim3A_351, %scan3A_337 : vector<16xi1>, vector<16xi32>
          %scan3A_353 = arith.constant 1 : i32
          %scan3A_354 = arith.addi %scan3A_333, %scan3A_353 : i32
          %mul3A_355 = arith.constant 16 : i32
          %mul3A_356 = arith.muli %scan3A_354, %mul3A_355 : i32
          %get3A_357 = arith.index_cast %add3A_171 : i32 to index
          %get3A_358 = arith.index_cast %mul3A_356 : i32 to index
          %get3A_359 = tpu.vector_load %arg7[%get3A_357, %get3A_358] {strides = array<i32>} : memref<32x1000xf32, #tpu.memory_space<vmem>>, vector<16xf32>,
          %exp3A_360 = math.exp %get3A_359 : vector<16xf32>
          %gt3A_361 = arith.cmpf ogt, %get3A_359, %max3A_348 : vector<16xf32>
          %add3A_362 = arith.addf %add3A_345, %exp3A_360 : vector<16xf32>
          %mul3A_363 = arith.mulf %get3A_359, %exp3A_360 : vector<16xf32>
          %add3A_364 = arith.addf %add3A_347, %mul3A_363 : vector<16xf32>
          %max3A_365 = arith.maximumf %max3A_348, %get3A_359 : vector<16xf32>
          %mul3A_366 = arith.constant 16 : i32
          %mul3A_367 = arith.muli %scan3A_354, %mul3A_366 : i32
          %broadcast_in_dim3A_368 = vector.broadcast %mul3A_367 : i32 to vector<16xi32>
          %select_n3A_369 = arith.select %gt3A_361, %broadcast_in_dim3A_368, %select_n3A_352 : vector<16xi1>, vector<16xi32>
          %scan3A_370 = arith.constant 2 : i32
          %scan3A_371 = arith.addi %scan3A_333, %scan3A_370 : i32
          %mul3A_372 = arith.constant 16 : i32
          %mul3A_373 = arith.muli %scan3A_371, %mul3A_372 : i32
          %get3A_374 = arith.index_cast %add3A_171 : i32 to index
          %get3A_375 = arith.index_cast %mul3A_373 : i32 to index
          %get3A_376 = tpu.vector_load %arg7[%get3A_374, %get3A_375] {strides = array<i32>} : memref<32x1000xf32, #tpu.memory_space<vmem>>, vector<16xf32>,
          %exp3A_377 = math.exp %get3A_376 : vector<16xf32>
          %gt3A_378 = arith.cmpf ogt, %get3A_376, %max3A_365 : vector<16xf32>
          %add3A_379 = arith.addf %add3A_362, %exp3A_377 : vector<16xf32>
          %mul3A_380 = arith.mulf %get3A_376, %exp3A_377 : vector<16xf32>
          %add3A_381 = arith.addf %add3A_364, %mul3A_380 : vector<16xf32>
          %max3A_382 = arith.maximumf %max3A_365, %get3A_376 : vector<16xf32>
          %mul3A_383 = arith.constant 16 : i32
          %mul3A_384 = arith.muli %scan3A_371, %mul3A_383 : i32
          %broadcast_in_dim3A_385 = vector.broadcast %mul3A_384 : i32 to vector<16xi32>
          %select_n3A_386 = arith.select %gt3A_378, %broadcast_in_dim3A_385, %select_n3A_369 : vector<16xi1>, vector<16xi32>
          %scan3A_387 = arith.constant 3 : i32
          %scan3A_388 = arith.addi %scan3A_333, %scan3A_387 : i32
          %mul3A_389 = arith.constant 16 : i32
          %mul3A_390 = arith.muli %scan3A_388, %mul3A_389 : i32
          %get3A_391 = arith.index_cast %add3A_171 : i32 to index
          %get3A_392 = arith.index_cast %mul3A_390 : i32 to index
          %get3A_393 = tpu.vector_load %arg7[%get3A_391, %get3A_392] {strides = array<i32>} : memref<32x1000xf32, #tpu.memory_space<vmem>>, vector<16xf32>,
          %exp3A_394 = math.exp %get3A_393 : vector<16xf32>
          %gt3A_395 = arith.cmpf ogt, %get3A_393, %max3A_382 : vector<16xf32>
          %add3A_396 = arith.addf %add3A_379, %exp3A_394 : vector<16xf32>
          %mul3A_397 = arith.mulf %get3A_393, %exp3A_394 : vector<16xf32>
          %add3A_398 = arith.addf %add3A_381, %mul3A_397 : vector<16xf32>
          %max3A_399 = arith.maximumf %max3A_382, %get3A_393 : vector<16xf32>
          %mul3A_400 = arith.constant 16 : i32
          %mul3A_401 = arith.muli %scan3A_388, %mul3A_400 : i32
          %broadcast_in_dim3A_402 = vector.broadcast %mul3A_401 : i32 to vector<16xi32>
          %select_n3A_403 = arith.select %gt3A_395, %broadcast_in_dim3A_402, %select_n3A_386 : vector<16xi1>, vector<16xi32>
          %scan3A_404 = arith.constant 4 : i32
          %scan3A_405 = arith.addi %scan3A_333, %scan3A_404 : i32
          %mul3A_406 = arith.constant 16 : i32
          %mul3A_407 = arith.muli %scan3A_405, %mul3A_406 : i32
          %get3A_408 = arith.index_cast %add3A_171 : i32 to index
          %get3A_409 = arith.index_cast %mul3A_407 : i32 to index
          %get3A_410 = tpu.vector_load %arg7[%get3A_408, %get3A_409] {strides = array<i32>} : memref<32x1000xf32, #tpu.memory_space<vmem>>, vector<16xf32>,
          %exp3A_411 = math.exp %get3A_410 : vector<16xf32>
          %gt3A_412 = arith.cmpf ogt, %get3A_410, %max3A_399 : vector<16xf32>
          %add3A_413 = arith.addf %add3A_396, %exp3A_411 : vector<16xf32>
          %mul3A_414 = arith.mulf %get3A_410, %exp3A_411 : vector<16xf32>
          %add3A_415 = arith.addf %add3A_398, %mul3A_414 : vector<16xf32>
          %max3A_416 = arith.maximumf %max3A_399, %get3A_410 : vector<16xf32>
          %mul3A_417 = arith.constant 16 : i32
          %mul3A_418 = arith.muli %scan3A_405, %mul3A_417 : i32
          %broadcast_in_dim3A_419 = vector.broadcast %mul3A_418 : i32 to vector<16xi32>
          %select_n3A_420 = arith.select %gt3A_412, %broadcast_in_dim3A_419, %select_n3A_403 : vector<16xi1>, vector<16xi32>
          %scan3A_421 = arith.constant 5 : i32
          %scan3A_422 = arith.addi %scan3A_333, %scan3A_421 : i32
          %mul3A_423 = arith.constant 16 : i32
          %mul3A_424 = arith.muli %scan3A_422, %mul3A_423 : i32
          %get3A_425 = arith.index_cast %add3A_171 : i32 to index
          %get3A_426 = arith.index_cast %mul3A_424 : i32 to index
          %get3A_427 = tpu.vector_load %arg7[%get3A_425, %get3A_426] {strides = array<i32>} : memref<32x1000xf32, #tpu.memory_space<vmem>>, vector<16xf32>,
          %exp3A_428 = math.exp %get3A_427 : vector<16xf32>
          %gt3A_429 = arith.cmpf ogt, %get3A_427, %max3A_416 : vector<16xf32>
          %add3A_430 = arith.addf %add3A_413, %exp3A_428 : vector<16xf32>
          %mul3A_431 = arith.mulf %get3A_427, %exp3A_428 : vector<16xf32>
          %add3A_432 = arith.addf %add3A_415, %mul3A_431 : vector<16xf32>
          %max3A_433 = arith.maximumf %max3A_416, %get3A_427 : vector<16xf32>
          %mul3A_434 = arith.constant 16 : i32
          %mul3A_435 = arith.muli %scan3A_422, %mul3A_434 : i32
          %broadcast_in_dim3A_436 = vector.broadcast %mul3A_435 : i32 to vector<16xi32>
          %select_n3A_437 = arith.select %gt3A_429, %broadcast_in_dim3A_436, %select_n3A_420 : vector<16xi1>, vector<16xi32>
          %scan3A_438 = arith.constant 6 : i32
          %scan3A_439 = arith.addi %scan3A_333, %scan3A_438 : i32
          %mul3A_440 = arith.constant 16 : i32
          %mul3A_441 = arith.muli %scan3A_439, %mul3A_440 : i32
          %get3A_442 = arith.index_cast %add3A_171 : i32 to index
          %get3A_443 = arith.index_cast %mul3A_441 : i32 to index
          %get3A_444 = tpu.vector_load %arg7[%get3A_442, %get3A_443] {strides = array<i32>} : memref<32x1000xf32, #tpu.memory_space<vmem>>, vector<16xf32>,
          %exp3A_445 = math.exp %get3A_444 : vector<16xf32>
          %gt3A_446 = arith.cmpf ogt, %get3A_444, %max3A_433 : vector<16xf32>
          %add3A_447 = arith.addf %add3A_430, %exp3A_445 : vector<16xf32>
          %mul3A_448 = arith.mulf %get3A_444, %exp3A_445 : vector<16xf32>
          %add3A_449 = arith.addf %add3A_432, %mul3A_448 : vector<16xf32>
          %max3A_450 = arith.maximumf %max3A_433, %get3A_444 : vector<16xf32>
          %mul3A_451 = arith.constant 16 : i32
          %mul3A_452 = arith.muli %scan3A_439, %mul3A_451 : i32
          %broadcast_in_dim3A_453 = vector.broadcast %mul3A_452 : i32 to vector<16xi32>
          %select_n3A_454 = arith.select %gt3A_446, %broadcast_in_dim3A_453, %select_n3A_437 : vector<16xi1>, vector<16xi32>
          %scan3A_455 = arith.constant 7 : i32
          %scan3A_456 = arith.addi %scan3A_333, %scan3A_455 : i32
          %mul3A_457 = arith.constant 16 : i32
          %mul3A_458 = arith.muli %scan3A_456, %mul3A_457 : i32
          %get3A_459 = arith.index_cast %add3A_171 : i32 to index
          %get3A_460 = arith.index_cast %mul3A_458 : i32 to index
          %get3A_461 = tpu.vector_load %arg7[%get3A_459, %get3A_460] {strides = array<i32>} : memref<32x1000xf32, #tpu.memory_space<vmem>>, vector<16xf32>,
          %exp3A_462 = math.exp %get3A_461 : vector<16xf32>
          %gt3A_463 = arith.cmpf ogt, %get3A_461, %max3A_450 : vector<16xf32>
          %add3A_464 = arith.addf %add3A_447, %exp3A_462 : vector<16xf32>
          %mul3A_465 = arith.mulf %get3A_461, %exp3A_462 : vector<16xf32>
          %add3A_466 = arith.addf %add3A_449, %mul3A_465 : vector<16xf32>
          %max3A_467 = arith.maximumf %max3A_450, %get3A_461 : vector<16xf32>
          %mul3A_468 = arith.constant 16 : i32
          %mul3A_469 = arith.muli %scan3A_456, %mul3A_468 : i32
          %broadcast_in_dim3A_470 = vector.broadcast %mul3A_469 : i32 to vector<16xi32>
          %select_n3A_471 = arith.select %gt3A_463, %broadcast_in_dim3A_470, %select_n3A_454 : vector<16xi1>, vector<16xi32>
          scf.yield %add3A_464, %add3A_466, %max3A_467, %select_n3A_471 : vector<16xf32>, vector<16xf32>, vector<16xf32>, vector<16xi32>
        }
        %scan3A_180 = arith.constant 56 : i32
        %scan3A_181 = arith.addi %scan3A_175, %scan3A_180 : i32
        %mul3A_182 = arith.constant 16 : i32
        %mul3A_183 = arith.muli %scan3A_181, %mul3A_182 : i32
        %get3A_184 = arith.index_cast %add3A_171 : i32 to index
        %get3A_185 = arith.index_cast %mul3A_183 : i32 to index
        %get3A_186 = tpu.vector_load %arg7[%get3A_184, %get3A_185] {strides = array<i32>} : memref<32x1000xf32, #tpu.memory_space<vmem>>, vector<16xf32>,
        %exp3A = math.exp %get3A_186 : vector<16xf32>
        %gt3A = arith.cmpf ogt, %get3A_186, %scan3A_179#2 : vector<16xf32>
        %add3A_187 = arith.addf %scan3A_179#0, %exp3A : vector<16xf32>
        %mul3A_188 = arith.mulf %get3A_186, %exp3A : vector<16xf32>
        %add3A_189 = arith.addf %scan3A_179#1, %mul3A_188 : vector<16xf32>
        %max3A = arith.maximumf %scan3A_179#2, %get3A_186 : vector<16xf32>
        %mul3A_190 = arith.constant 16 : i32
        %mul3A_191 = arith.muli %scan3A_181, %mul3A_190 : i32
        %broadcast_in_dim3A_192 = vector.broadcast %mul3A_191 : i32 to vector<16xi32>
        %select_n3A = arith.select %gt3A, %broadcast_in_dim3A_192, %scan3A_179#3 : vector<16xi1>, vector<16xi32>
        %scan3A_193 = arith.constant 57 : i32
        %scan3A_194 = arith.addi %scan3A_175, %scan3A_193 : i32
        %mul3A_195 = arith.constant 16 : i32
        %mul3A_196 = arith.muli %scan3A_194, %mul3A_195 : i32
        %get3A_197 = arith.index_cast %add3A_171 : i32 to index
        %get3A_198 = arith.index_cast %mul3A_196 : i32 to index
        %get3A_199 = tpu.vector_load %arg7[%get3A_197, %get3A_198] {strides = array<i32>} : memref<32x1000xf32, #tpu.memory_space<vmem>>, vector<16xf32>,
        %exp3A_200 = math.exp %get3A_199 : vector<16xf32>
        %gt3A_201 = arith.cmpf ogt, %get3A_199, %max3A : vector<16xf32>
        %add3A_202 = arith.addf %add3A_187, %exp3A_200 : vector<16xf32>
        %mul3A_203 = arith.mulf %get3A_199, %exp3A_200 : vector<16xf32>
        %add3A_204 = arith.addf %add3A_189, %mul3A_203 : vector<16xf32>
        %max3A_205 = arith.maximumf %max3A, %get3A_199 : vector<16xf32>
        %mul3A_206 = arith.constant 16 : i32
        %mul3A_207 = arith.muli %scan3A_194, %mul3A_206 : i32
        %broadcast_in_dim3A_208 = vector.broadcast %mul3A_207 : i32 to vector<16xi32>
        %select_n3A_209 = arith.select %gt3A_201, %broadcast_in_dim3A_208, %select_n3A : vector<16xi1>, vector<16xi32>
        %scan3A_210 = arith.constant 58 : i32
        %scan3A_211 = arith.addi %scan3A_175, %scan3A_210 : i32
        %mul3A_212 = arith.constant 16 : i32
        %mul3A_213 = arith.muli %scan3A_211, %mul3A_212 : i32
        %get3A_214 = arith.index_cast %add3A_171 : i32 to index
        %get3A_215 = arith.index_cast %mul3A_213 : i32 to index
        %get3A_216 = tpu.vector_load %arg7[%get3A_214, %get3A_215] {strides = array<i32>} : memref<32x1000xf32, #tpu.memory_space<vmem>>, vector<16xf32>,
        %exp3A_217 = math.exp %get3A_216 : vector<16xf32>
        %gt3A_218 = arith.cmpf ogt, %get3A_216, %max3A_205 : vector<16xf32>
        %add3A_219 = arith.addf %add3A_202, %exp3A_217 : vector<16xf32>
        %mul3A_220 = arith.mulf %get3A_216, %exp3A_217 : vector<16xf32>
        %add3A_221 = arith.addf %add3A_204, %mul3A_220 : vector<16xf32>
        %max3A_222 = arith.maximumf %max3A_205, %get3A_216 : vector<16xf32>
        %mul3A_223 = arith.constant 16 : i32
        %mul3A_224 = arith.muli %scan3A_211, %mul3A_223 : i32
        %broadcast_in_dim3A_225 = vector.broadcast %mul3A_224 : i32 to vector<16xi32>
        %select_n3A_226 = arith.select %gt3A_218, %broadcast_in_dim3A_225, %select_n3A_209 : vector<16xi1>, vector<16xi32>
        %scan3A_227 = arith.constant 59 : i32
        %scan3A_228 = arith.addi %scan3A_175, %scan3A_227 : i32
        %mul3A_229 = arith.constant 16 : i32
        %mul3A_230 = arith.muli %scan3A_228, %mul3A_229 : i32
        %get3A_231 = arith.index_cast %add3A_171 : i32 to index
        %get3A_232 = arith.index_cast %mul3A_230 : i32 to index
        %get3A_233 = tpu.vector_load %arg7[%get3A_231, %get3A_232] {strides = array<i32>} : memref<32x1000xf32, #tpu.memory_space<vmem>>, vector<16xf32>,
        %exp3A_234 = math.exp %get3A_233 : vector<16xf32>
        %gt3A_235 = arith.cmpf ogt, %get3A_233, %max3A_222 : vector<16xf32>
        %add3A_236 = arith.addf %add3A_219, %exp3A_234 : vector<16xf32>
        %mul3A_237 = arith.mulf %get3A_233, %exp3A_234 : vector<16xf32>
        %add3A_238 = arith.addf %add3A_221, %mul3A_237 : vector<16xf32>
        %max3A_239 = arith.maximumf %max3A_222, %get3A_233 : vector<16xf32>
        %mul3A_240 = arith.constant 16 : i32
        %mul3A_241 = arith.muli %scan3A_228, %mul3A_240 : i32
        %broadcast_in_dim3A_242 = vector.broadcast %mul3A_241 : i32 to vector<16xi32>
        %select_n3A_243 = arith.select %gt3A_235, %broadcast_in_dim3A_242, %select_n3A_226 : vector<16xi1>, vector<16xi32>
        %scan3A_244 = arith.constant 60 : i32
        %scan3A_245 = arith.addi %scan3A_175, %scan3A_244 : i32
        %mul3A_246 = arith.constant 16 : i32
        %mul3A_247 = arith.muli %scan3A_245, %mul3A_246 : i32
        %get3A_248 = arith.index_cast %add3A_171 : i32 to index
        %get3A_249 = arith.index_cast %mul3A_247 : i32 to index
        %get3A_250 = tpu.vector_load %arg7[%get3A_248, %get3A_249] {strides = array<i32>} : memref<32x1000xf32, #tpu.memory_space<vmem>>, vector<16xf32>,
        %exp3A_251 = math.exp %get3A_250 : vector<16xf32>
        %gt3A_252 = arith.cmpf ogt, %get3A_250, %max3A_239 : vector<16xf32>
        %add3A_253 = arith.addf %add3A_236, %exp3A_251 : vector<16xf32>
        %mul3A_254 = arith.mulf %get3A_250, %exp3A_251 : vector<16xf32>
        %add3A_255 = arith.addf %add3A_238, %mul3A_254 : vector<16xf32>
        %max3A_256 = arith.maximumf %max3A_239, %get3A_250 : vector<16xf32>
        %mul3A_257 = arith.constant 16 : i32
        %mul3A_258 = arith.muli %scan3A_245, %mul3A_257 : i32
        %broadcast_in_dim3A_259 = vector.broadcast %mul3A_258 : i32 to vector<16xi32>
        %select_n3A_260 = arith.select %gt3A_252, %broadcast_in_dim3A_259, %select_n3A_243 : vector<16xi1>, vector<16xi32>
        %scan3A_261 = arith.constant 61 : i32
        %scan3A_262 = arith.addi %scan3A_175, %scan3A_261 : i32
        %mul3A_263 = arith.constant 16 : i32
        %mul3A_264 = arith.muli %scan3A_262, %mul3A_263 : i32
        %get3A_265 = arith.index_cast %add3A_171 : i32 to index
        %get3A_266 = arith.index_cast %mul3A_264 : i32 to index
        %get3A_267 = tpu.vector_load %arg7[%get3A_265, %get3A_266] {strides = array<i32>} : memref<32x1000xf32, #tpu.memory_space<vmem>>, vector<16xf32>,
        %exp3A_268 = math.exp %get3A_267 : vector<16xf32>
        %gt3A_269 = arith.cmpf ogt, %get3A_267, %max3A_256 : vector<16xf32>
        %add3A_270 = arith.addf %add3A_253, %exp3A_268 : vector<16xf32>
        %mul3A_271 = arith.mulf %get3A_267, %exp3A_268 : vector<16xf32>
        %add3A_272 = arith.addf %add3A_255, %mul3A_271 : vector<16xf32>
        %max3A_273 = arith.maximumf %max3A_256, %get3A_267 : vector<16xf32>
        %mul3A_274 = arith.constant 16 : i32
        %mul3A_275 = arith.muli %scan3A_262, %mul3A_274 : i32
        %broadcast_in_dim3A_276 = vector.broadcast %mul3A_275 : i32 to vector<16xi32>
        %select_n3A_277 = arith.select %gt3A_269, %broadcast_in_dim3A_276, %select_n3A_260 : vector<16xi1>, vector<16xi32>
        %scan3A_278 = arith.constant 62 : i32
        %get3A_279 = arith.index_cast %add3A_171 : i32 to index
        %get3A_280 = arith.constant 984 : index
        %get3A_281 = tpu.vector_load %arg7[%get3A_279, %get3A_280] {strides = array<i32>} : memref<32x1000xf32, #tpu.memory_space<vmem>>, vector<16xf32>,
        %exp3A_282 = math.exp %get3A_281 : vector<16xf32>
        %jit3A = arith.constant 0.000000e+00 : f32
        %broadcast_in_dim3A_283 = vector.broadcast %jit3A : f32 to vector<16xf32>
        %select_n3A_284 = arith.select %ge3A_4, %exp3A_282, %broadcast_in_dim3A_283 : vector<16xi1>, vector<16xf32>
        %add3A_285 = arith.addf %add3A_270, %select_n3A_284 : vector<16xf32>
        %mul3A_286 = arith.mulf %get3A_281, %select_n3A_284 : vector<16xf32>
        %add3A_287 = arith.addf %add3A_272, %mul3A_286 : vector<16xf32>
        %broadcast_in_dim3A_288 = vector.broadcast %scan3A_71 : f32 to vector<16xf32>
        %select_n3A_289 = arith.select %ge3A_4, %get3A_281, %broadcast_in_dim3A_288 : vector<16xi1>, vector<16xf32>
        %gt3A_290 = arith.cmpf ogt, %select_n3A_289, %max3A_273 : vector<16xf32>
        %jit3A_291 = arith.constant 984 : i32
        %broadcast_in_dim3A_292 = vector.broadcast %jit3A_291 : i32 to vector<16xi32>
        %select_n3A_293 = arith.select %gt3A_290, %broadcast_in_dim3A_292, %select_n3A_277 : vector<16xi1>, vector<16xi32>
        %max3A_294 = arith.maximumf %max3A_273, %select_n3A_289 : vector<16xf32>
        %reduce_max3A = arith.constant true
        %reduce_max3A_295 = vector.broadcast %reduce_max3A : i1 to vector<16xi1>
        %reduce_max3A_296 = tpu.scan <max>, %max3A_294 masked %reduce_max3A_295 : vector<16xf32>, vector<16xi1> -> vector<16xf32>
        %reduce_max3A_297 = vector.extract %reduce_max3A_296[15] : f32 from vector<16xf32>
        %broadcast_in_dim3A_298 = vector.broadcast %reduce_max3A_297 : f32 to vector<16xf32>
        %eq3A = arith.cmpf oeq, %max3A_294, %broadcast_in_dim3A_298 : vector<16xf32>
        %add3A_299 = arith.addi %select_n3A_293, %iota3A : vector<16xi32>
        %jit3A_300 = arith.constant 1000 : i32
        %broadcast_in_dim3A_301 = vector.broadcast %jit3A_300 : i32 to vector<16xi32>
        %select_n3A_302 = arith.select %eq3A, %add3A_299, %broadcast_in_dim3A_301 : vector<16xi1>, vector<16xi32>
        %eq3A_303 = vector.broadcast %scan3A_164 : i32 to vector<16xi32>
        %eq3A_304 = arith.cmpi eq, %iota3A, %eq3A_303 : vector<16xi32>
        %reduce_sum3A = arith.constant true
        %reduce_sum3A_305 = vector.broadcast %reduce_sum3A : i1 to vector<16xi1>
        %reduce_sum3A_306 = tpu.scan <sum>, %add3A_285 masked %reduce_sum3A_305 : vector<16xf32>, vector<16xi1> -> vector<16xf32>
        %reduce_sum3A_307 = vector.extract %reduce_sum3A_306[15] : f32 from vector<16xf32>
        %broadcast_in_dim3A_308 = vector.broadcast %reduce_sum3A_307 : f32 to vector<16xf32>
        %select_n3A_309 = arith.select %eq3A_304, %broadcast_in_dim3A_308, %scan3A_165 : vector<16xi1>, vector<16xf32>
        %eq3A_310 = vector.broadcast %scan3A_164 : i32 to vector<16xi32>
        %eq3A_311 = arith.cmpi eq, %iota3A, %eq3A_310 : vector<16xi32>
        %reduce_sum3A_312 = arith.constant true
        %reduce_sum3A_313 = vector.broadcast %reduce_sum3A_312 : i1 to vector<16xi1>
        %reduce_sum3A_314 = tpu.scan <sum>, %add3A_287 masked %reduce_sum3A_313 : vector<16xf32>, vector<16xi1> -> vector<16xf32>
        %reduce_sum3A_315 = vector.extract %reduce_sum3A_314[15] : f32 from vector<16xf32>
        %broadcast_in_dim3A_316 = vector.broadcast %reduce_sum3A_315 : f32 to vector<16xf32>
        %select_n3A_317 = arith.select %eq3A_311, %broadcast_in_dim3A_316, %scan3A_166 : vector<16xi1>, vector<16xf32>
        %eq3A_318 = vector.broadcast %scan3A_164 : i32 to vector<16xi32>
        %eq3A_319 = arith.cmpi eq, %iota3A, %eq3A_318 : vector<16xi32>
        %broadcast_in_dim3A_320 = vector.broadcast %reduce_max3A_297 : f32 to vector<16xf32>
        %select_n3A_321 = arith.select %eq3A_319, %broadcast_in_dim3A_320, %scan3A_167 : vector<16xi1>, vector<16xf32>
        %eq3A_322 = vector.broadcast %scan3A_164 : i32 to vector<16xi32>
        %eq3A_323 = arith.cmpi eq, %iota3A, %eq3A_322 : vector<16xi32>
        %reduce_min3A = arith.constant true
        %reduce_min3A_324 = vector.broadcast %reduce_min3A : i1 to vector<16xi1>
        %reduce_min3A_325 = arith.constant -2147483648 : i32
        %reduce_min3A_326 = vector.broadcast %reduce_min3A_325 : i32 to vector<16xi32>
        %reduce_min3A_327 = arith.xori %select_n3A_302, %reduce_min3A_326 : vector<16xi32>
        %reduce_min3A_328 = tpu.scan <min>, %reduce_min3A_327 masked %reduce_min3A_324 : vector<16xi32>, vector<16xi1> -> vector<16xi32>
        %reduce_min3A_329 = arith.xori %reduce_min3A_328, %reduce_min3A_326 : vector<16xi32>
        %reduce_min3A_330 = vector.extract %reduce_min3A_329[15] : i32 from vector<16xi32>
        %broadcast_in_dim3A_331 = vector.broadcast %reduce_min3A_330 : i32 to vector<16xi32>
        %select_n3A_332 = arith.select %eq3A_323, %broadcast_in_dim3A_331, %scan3A_168 : vector<16xi1>, vector<16xi32>
        scf.yield %select_n3A_309, %select_n3A_317, %select_n3A_321, %select_n3A_332 : vector<16xf32>, vector<16xf32>, vector<16xf32>, vector<16xi32>
      }
      %scan3A_150 = arith.constant 16 : i32
      %mul3A_151 = arith.constant 16 : i32
      %mul3A_152 = arith.muli %scan3A_141, %mul3A_151 : i32
      %add3A_153 = arith.constant 96 : i32
      %add3A_154 = arith.addi %add3A_153, %mul3A_152 : i32
      %swap3A_155 = arith.index_cast %add3A_154 : i32 to index
      %swap3A_156 = tpu.vector_load %arg10[%swap3A_155] {strides = array<i32>} : memref<224xf32, #tpu.memory_space<vmem>>, vector<16xf32>,
      tpu.vector_store %arg10[%swap3A_155], %scan3A_149#0 {strides = array<i32>} : memref<224xf32, #tpu.memory_space<vmem>>, vector<16xf32>,
      %swap3A_157 = arith.index_cast %add3A_154 : i32 to index
      %swap3A_158 = tpu.vector_load %arg11[%swap3A_157] {strides = array<i32>} : memref<224xf32, #tpu.memory_space<vmem>>, vector<16xf32>,
      tpu.vector_store %arg11[%swap3A_157], %scan3A_149#1 {strides = array<i32>} : memref<224xf32, #tpu.memory_space<vmem>>, vector<16xf32>,
      %swap3A_159 = arith.index_cast %add3A_154 : i32 to index
      %swap3A_160 = tpu.vector_load %arg12[%swap3A_159] {strides = array<i32>} : memref<224xf32, #tpu.memory_space<vmem>>, vector<16xf32>,
      tpu.vector_store %arg12[%swap3A_159], %scan3A_149#2 {strides = array<i32>} : memref<224xf32, #tpu.memory_space<vmem>>, vector<16xf32>,
      %swap3A_161 = arith.index_cast %add3A_154 : i32 to index
      %swap3A_162 = tpu.vector_load %arg13[%swap3A_161] {strides = array<i32>} : memref<224xi32, #tpu.memory_space<vmem>>, vector<16xi32>,
      tpu.vector_store %arg13[%swap3A_161], %scan3A_149#3 {strides = array<i32>} : memref<224xi32, #tpu.memory_space<vmem>>, vector<16xi32>,
      %scan3A_163 = arith.constant 0 : i32
      scf.yield %scan3A_163 : i32
    }
    %scan3A_78 = arith.constant 2 : i32
    %add3A_79 = arith.constant 160 : i32
    %add3A_80 = arith.addi %mul3A_2, %add3A_79 : i32
    %dma_start3A_81 = arith.constant 0 : i32
    %dma_start3A_82 = tpu.memref_slice %arg2[%add3A_80, %dma_start3A_81] : memref<16384x1000xf32, #tpu.memory_space<hbm>> -> memref<32x1000xf32, #tpu.memory_space<hbm>>
    %dma_start3A_83 = arith.constant 0 : i32
    %dma_start3A_84 = tpu.memref_slice %arg2[%add3A_80, %dma_start3A_83] : memref<16384x1000xf32, #tpu.memory_space<hbm>> -> memref<32x1000xf32, #tpu.memory_space<hbm>>
    tpu.enqueue_dma source(%dma_start3A_84 : memref<32x1000xf32, #tpu.memory_space<hbm>>) target(%arg7 : memref<32x1000xf32, #tpu.memory_space<vmem>>) target_semaphore(%arg9 : memref<!tpu.dma_semaphore, #tpu.memory_space<semaphore_mem>>)
    %dma_wait3A_85 = arith.constant 0 : i32
    %dma_wait3A_86 = tpu.memref_slice %arg2[%add3A_62, %dma_wait3A_85] : memref<16384x1000xf32, #tpu.memory_space<hbm>> -> memref<32x1000xf32, #tpu.memory_space<hbm>>
    %dma_wait3A_87 = arith.constant 0 : i32
    %dma_wait3A_88 = tpu.memref_slice %arg2[%add3A_62, %dma_wait3A_87] : memref<16384x1000xf32, #tpu.memory_space<hbm>> -> memref<32x1000xf32, #tpu.memory_space<hbm>>
    tpu.wait_dma2 semaphore(%arg8 : memref<!tpu.dma_semaphore, #tpu.memory_space<semaphore_mem>>) src(%dma_wait3A_88 : memref<32x1000xf32, #tpu.memory_space<hbm>>) dst(%arg6 : memref<32x1000xf32, #tpu.memory_space<vmem>>)
    %scan3A_89 = arith.constant 0xFF800000 : f32
    %scan3A_90 = arith.constant 0 : i32
    %scan3A_91 = arith.constant 0 : i32
    %scan3A_92 = arith.constant 2 : i32
    %scan3A_93 = arith.addi %scan3A_91, %scan3A_92 : i32
    %scan3A_94 = arith.constant 1 : i32
    %scan3A_95 = scf.for %scan3A_141 = %scan3A_91 to %scan3A_93 step %scan3A_94 iter_args(%scan3A_142 = %scan3A_90) -> (i32)  : i32 {
      %broadcast_in_dim3A_143 = arith.constant 0 : i32
      %broadcast_in_dim3A_144 = vector.broadcast %broadcast_in_dim3A_143 : i32 to vector<16xi32>
      %scan3A_145 = arith.constant 0 : i32
      %scan3A_146 = arith.constant 16 : i32
      %scan3A_147 = arith.addi %scan3A_145, %scan3A_146 : i32
      %scan3A_148 = arith.constant 1 : i32
      %scan3A_149:4 = scf.for %scan3A_164 = %scan3A_145 to %scan3A_147 step %scan3A_148 iter_args(%scan3A_165 = %broadcast_in_dim3A_5, %scan3A_166 = %broadcast_in_dim3A_5, %scan3A_167 = %broadcast_in_dim3A_5, %scan3A_168 = %broadcast_in_dim3A_144) -> (vector<16xf32>, vector<16xf32>, vector<16xf32>, vector<16xi32>)  : i32 {
        %mul3A_169 = arith.constant 16 : i32
        %mul3A_170 = arith.muli %scan3A_141, %mul3A_169 : i32
        %add3A_171 = arith.addi %mul3A_170, %scan3A_164 : i32
        %broadcast_in_dim3A_172 = arith.constant 0 : i32
        %broadcast_in_dim3A_173 = vector.broadcast %broadcast_in_dim3A_172 : i32 to vector<16xi32>
        %broadcast_in_dim3A_174 = vector.broadcast %scan3A_89 : f32 to vector<16xf32>
        %scan3A_175 = arith.constant 0 : i32
        %scan3A_176 = arith.constant 56 : i32
        %scan3A_177 = arith.addi %scan3A_175, %scan3A_176 : i32
        %scan3A_178 = arith.constant 8 : i32
        %scan3A_179:4 = scf.for %scan3A_333 = %scan3A_175 to %scan3A_177 step %scan3A_178 iter_args(%scan3A_334 = %broadcast_in_dim3A_5, %scan3A_335 = %broadcast_in_dim3A_5, %scan3A_336 = %broadcast_in_dim3A_174, %scan3A_337 = %broadcast_in_dim3A_173) -> (vector<16xf32>, vector<16xf32>, vector<16xf32>, vector<16xi32>)  : i32 {
          %mul3A_338 = arith.constant 16 : i32
          %mul3A_339 = arith.muli %scan3A_333, %mul3A_338 : i32
          %get3A_340 = arith.index_cast %add3A_171 : i32 to index
          %get3A_341 = arith.index_cast %mul3A_339 : i32 to index
          %get3A_342 = tpu.vector_load %arg6[%get3A_340, %get3A_341] {strides = array<i32>} : memref<32x1000xf32, #tpu.memory_space<vmem>>, vector<16xf32>,
          %exp3A_343 = math.exp %get3A_342 : vector<16xf32>
          %gt3A_344 = arith.cmpf ogt, %get3A_342, %scan3A_336 : vector<16xf32>
          %add3A_345 = arith.addf %scan3A_334, %exp3A_343 : vector<16xf32>
          %mul3A_346 = arith.mulf %get3A_342, %exp3A_343 : vector<16xf32>
          %add3A_347 = arith.addf %scan3A_335, %mul3A_346 : vector<16xf32>
          %max3A_348 = arith.maximumf %scan3A_336, %get3A_342 : vector<16xf32>
          %mul3A_349 = arith.constant 16 : i32
          %mul3A_350 = arith.muli %scan3A_333, %mul3A_349 : i32
          %broadcast_in_dim3A_351 = vector.broadcast %mul3A_350 : i32 to vector<16xi32>
          %select_n3A_352 = arith.select %gt3A_344, %broadcast_in_dim3A_351, %scan3A_337 : vector<16xi1>, vector<16xi32>
          %scan3A_353 = arith.constant 1 : i32
          %scan3A_354 = arith.addi %scan3A_333, %scan3A_353 : i32
          %mul3A_355 = arith.constant 16 : i32
          %mul3A_356 = arith.muli %scan3A_354, %mul3A_355 : i32
          %get3A_357 = arith.index_cast %add3A_171 : i32 to index
          %get3A_358 = arith.index_cast %mul3A_356 : i32 to index
          %get3A_359 = tpu.vector_load %arg6[%get3A_357, %get3A_358] {strides = array<i32>} : memref<32x1000xf32, #tpu.memory_space<vmem>>, vector<16xf32>,
          %exp3A_360 = math.exp %get3A_359 : vector<16xf32>
          %gt3A_361 = arith.cmpf ogt, %get3A_359, %max3A_348 : vector<16xf32>
          %add3A_362 = arith.addf %add3A_345, %exp3A_360 : vector<16xf32>
          %mul3A_363 = arith.mulf %get3A_359, %exp3A_360 : vector<16xf32>
          %add3A_364 = arith.addf %add3A_347, %mul3A_363 : vector<16xf32>
          %max3A_365 = arith.maximumf %max3A_348, %get3A_359 : vector<16xf32>
          %mul3A_366 = arith.constant 16 : i32
          %mul3A_367 = arith.muli %scan3A_354, %mul3A_366 : i32
          %broadcast_in_dim3A_368 = vector.broadcast %mul3A_367 : i32 to vector<16xi32>
          %select_n3A_369 = arith.select %gt3A_361, %broadcast_in_dim3A_368, %select_n3A_352 : vector<16xi1>, vector<16xi32>
          %scan3A_370 = arith.constant 2 : i32
          %scan3A_371 = arith.addi %scan3A_333, %scan3A_370 : i32
          %mul3A_372 = arith.constant 16 : i32
          %mul3A_373 = arith.muli %scan3A_371, %mul3A_372 : i32
          %get3A_374 = arith.index_cast %add3A_171 : i32 to index
          %get3A_375 = arith.index_cast %mul3A_373 : i32 to index
          %get3A_376 = tpu.vector_load %arg6[%get3A_374, %get3A_375] {strides = array<i32>} : memref<32x1000xf32, #tpu.memory_space<vmem>>, vector<16xf32>,
          %exp3A_377 = math.exp %get3A_376 : vector<16xf32>
          %gt3A_378 = arith.cmpf ogt, %get3A_376, %max3A_365 : vector<16xf32>
          %add3A_379 = arith.addf %add3A_362, %exp3A_377 : vector<16xf32>
          %mul3A_380 = arith.mulf %get3A_376, %exp3A_377 : vector<16xf32>
          %add3A_381 = arith.addf %add3A_364, %mul3A_380 : vector<16xf32>
          %max3A_382 = arith.maximumf %max3A_365, %get3A_376 : vector<16xf32>
          %mul3A_383 = arith.constant 16 : i32
          %mul3A_384 = arith.muli %scan3A_371, %mul3A_383 : i32
          %broadcast_in_dim3A_385 = vector.broadcast %mul3A_384 : i32 to vector<16xi32>
          %select_n3A_386 = arith.select %gt3A_378, %broadcast_in_dim3A_385, %select_n3A_369 : vector<16xi1>, vector<16xi32>
          %scan3A_387 = arith.constant 3 : i32
          %scan3A_388 = arith.addi %scan3A_333, %scan3A_387 : i32
          %mul3A_389 = arith.constant 16 : i32
          %mul3A_390 = arith.muli %scan3A_388, %mul3A_389 : i32
          %get3A_391 = arith.index_cast %add3A_171 : i32 to index
          %get3A_392 = arith.index_cast %mul3A_390 : i32 to index
          %get3A_393 = tpu.vector_load %arg6[%get3A_391, %get3A_392] {strides = array<i32>} : memref<32x1000xf32, #tpu.memory_space<vmem>>, vector<16xf32>,
          %exp3A_394 = math.exp %get3A_393 : vector<16xf32>
          %gt3A_395 = arith.cmpf ogt, %get3A_393, %max3A_382 : vector<16xf32>
          %add3A_396 = arith.addf %add3A_379, %exp3A_394 : vector<16xf32>
          %mul3A_397 = arith.mulf %get3A_393, %exp3A_394 : vector<16xf32>
          %add3A_398 = arith.addf %add3A_381, %mul3A_397 : vector<16xf32>
          %max3A_399 = arith.maximumf %max3A_382, %get3A_393 : vector<16xf32>
          %mul3A_400 = arith.constant 16 : i32
          %mul3A_401 = arith.muli %scan3A_388, %mul3A_400 : i32
          %broadcast_in_dim3A_402 = vector.broadcast %mul3A_401 : i32 to vector<16xi32>
          %select_n3A_403 = arith.select %gt3A_395, %broadcast_in_dim3A_402, %select_n3A_386 : vector<16xi1>, vector<16xi32>
          %scan3A_404 = arith.constant 4 : i32
          %scan3A_405 = arith.addi %scan3A_333, %scan3A_404 : i32
          %mul3A_406 = arith.constant 16 : i32
          %mul3A_407 = arith.muli %scan3A_405, %mul3A_406 : i32
          %get3A_408 = arith.index_cast %add3A_171 : i32 to index
          %get3A_409 = arith.index_cast %mul3A_407 : i32 to index
          %get3A_410 = tpu.vector_load %arg6[%get3A_408, %get3A_409] {strides = array<i32>} : memref<32x1000xf32, #tpu.memory_space<vmem>>, vector<16xf32>,
          %exp3A_411 = math.exp %get3A_410 : vector<16xf32>
          %gt3A_412 = arith.cmpf ogt, %get3A_410, %max3A_399 : vector<16xf32>
          %add3A_413 = arith.addf %add3A_396, %exp3A_411 : vector<16xf32>
          %mul3A_414 = arith.mulf %get3A_410, %exp3A_411 : vector<16xf32>
          %add3A_415 = arith.addf %add3A_398, %mul3A_414 : vector<16xf32>
          %max3A_416 = arith.maximumf %max3A_399, %get3A_410 : vector<16xf32>
          %mul3A_417 = arith.constant 16 : i32
          %mul3A_418 = arith.muli %scan3A_405, %mul3A_417 : i32
          %broadcast_in_dim3A_419 = vector.broadcast %mul3A_418 : i32 to vector<16xi32>
          %select_n3A_420 = arith.select %gt3A_412, %broadcast_in_dim3A_419, %select_n3A_403 : vector<16xi1>, vector<16xi32>
          %scan3A_421 = arith.constant 5 : i32
          %scan3A_422 = arith.addi %scan3A_333, %scan3A_421 : i32
          %mul3A_423 = arith.constant 16 : i32
          %mul3A_424 = arith.muli %scan3A_422, %mul3A_423 : i32
          %get3A_425 = arith.index_cast %add3A_171 : i32 to index
          %get3A_426 = arith.index_cast %mul3A_424 : i32 to index
          %get3A_427 = tpu.vector_load %arg6[%get3A_425, %get3A_426] {strides = array<i32>} : memref<32x1000xf32, #tpu.memory_space<vmem>>, vector<16xf32>,
          %exp3A_428 = math.exp %get3A_427 : vector<16xf32>
          %gt3A_429 = arith.cmpf ogt, %get3A_427, %max3A_416 : vector<16xf32>
          %add3A_430 = arith.addf %add3A_413, %exp3A_428 : vector<16xf32>
          %mul3A_431 = arith.mulf %get3A_427, %exp3A_428 : vector<16xf32>
          %add3A_432 = arith.addf %add3A_415, %mul3A_431 : vector<16xf32>
          %max3A_433 = arith.maximumf %max3A_416, %get3A_427 : vector<16xf32>
          %mul3A_434 = arith.constant 16 : i32
          %mul3A_435 = arith.muli %scan3A_422, %mul3A_434 : i32
          %broadcast_in_dim3A_436 = vector.broadcast %mul3A_435 : i32 to vector<16xi32>
          %select_n3A_437 = arith.select %gt3A_429, %broadcast_in_dim3A_436, %select_n3A_420 : vector<16xi1>, vector<16xi32>
          %scan3A_438 = arith.constant 6 : i32
          %scan3A_439 = arith.addi %scan3A_333, %scan3A_438 : i32
          %mul3A_440 = arith.constant 16 : i32
          %mul3A_441 = arith.muli %scan3A_439, %mul3A_440 : i32
          %get3A_442 = arith.index_cast %add3A_171 : i32 to index
          %get3A_443 = arith.index_cast %mul3A_441 : i32 to index
          %get3A_444 = tpu.vector_load %arg6[%get3A_442, %get3A_443] {strides = array<i32>} : memref<32x1000xf32, #tpu.memory_space<vmem>>, vector<16xf32>,
          %exp3A_445 = math.exp %get3A_444 : vector<16xf32>
          %gt3A_446 = arith.cmpf ogt, %get3A_444, %max3A_433 : vector<16xf32>
          %add3A_447 = arith.addf %add3A_430, %exp3A_445 : vector<16xf32>
          %mul3A_448 = arith.mulf %get3A_444, %exp3A_445 : vector<16xf32>
          %add3A_449 = arith.addf %add3A_432, %mul3A_448 : vector<16xf32>
          %max3A_450 = arith.maximumf %max3A_433, %get3A_444 : vector<16xf32>
          %mul3A_451 = arith.constant 16 : i32
          %mul3A_452 = arith.muli %scan3A_439, %mul3A_451 : i32
          %broadcast_in_dim3A_453 = vector.broadcast %mul3A_452 : i32 to vector<16xi32>
          %select_n3A_454 = arith.select %gt3A_446, %broadcast_in_dim3A_453, %select_n3A_437 : vector<16xi1>, vector<16xi32>
          %scan3A_455 = arith.constant 7 : i32
          %scan3A_456 = arith.addi %scan3A_333, %scan3A_455 : i32
          %mul3A_457 = arith.constant 16 : i32
          %mul3A_458 = arith.muli %scan3A_456, %mul3A_457 : i32
          %get3A_459 = arith.index_cast %add3A_171 : i32 to index
          %get3A_460 = arith.index_cast %mul3A_458 : i32 to index
          %get3A_461 = tpu.vector_load %arg6[%get3A_459, %get3A_460] {strides = array<i32>} : memref<32x1000xf32, #tpu.memory_space<vmem>>, vector<16xf32>,
          %exp3A_462 = math.exp %get3A_461 : vector<16xf32>
          %gt3A_463 = arith.cmpf ogt, %get3A_461, %max3A_450 : vector<16xf32>
          %add3A_464 = arith.addf %add3A_447, %exp3A_462 : vector<16xf32>
          %mul3A_465 = arith.mulf %get3A_461, %exp3A_462 : vector<16xf32>
          %add3A_466 = arith.addf %add3A_449, %mul3A_465 : vector<16xf32>
          %max3A_467 = arith.maximumf %max3A_450, %get3A_461 : vector<16xf32>
          %mul3A_468 = arith.constant 16 : i32
          %mul3A_469 = arith.muli %scan3A_456, %mul3A_468 : i32
          %broadcast_in_dim3A_470 = vector.broadcast %mul3A_469 : i32 to vector<16xi32>
          %select_n3A_471 = arith.select %gt3A_463, %broadcast_in_dim3A_470, %select_n3A_454 : vector<16xi1>, vector<16xi32>
          scf.yield %add3A_464, %add3A_466, %max3A_467, %select_n3A_471 : vector<16xf32>, vector<16xf32>, vector<16xf32>, vector<16xi32>
        }
        %scan3A_180 = arith.constant 56 : i32
        %scan3A_181 = arith.addi %scan3A_175, %scan3A_180 : i32
        %mul3A_182 = arith.constant 16 : i32
        %mul3A_183 = arith.muli %scan3A_181, %mul3A_182 : i32
        %get3A_184 = arith.index_cast %add3A_171 : i32 to index
        %get3A_185 = arith.index_cast %mul3A_183 : i32 to index
        %get3A_186 = tpu.vector_load %arg6[%get3A_184, %get3A_185] {strides = array<i32>} : memref<32x1000xf32, #tpu.memory_space<vmem>>, vector<16xf32>,
        %exp3A = math.exp %get3A_186 : vector<16xf32>
        %gt3A = arith.cmpf ogt, %get3A_186, %scan3A_179#2 : vector<16xf32>
        %add3A_187 = arith.addf %scan3A_179#0, %exp3A : vector<16xf32>
        %mul3A_188 = arith.mulf %get3A_186, %exp3A : vector<16xf32>
        %add3A_189 = arith.addf %scan3A_179#1, %mul3A_188 : vector<16xf32>
        %max3A = arith.maximumf %scan3A_179#2, %get3A_186 : vector<16xf32>
        %mul3A_190 = arith.constant 16 : i32
        %mul3A_191 = arith.muli %scan3A_181, %mul3A_190 : i32
        %broadcast_in_dim3A_192 = vector.broadcast %mul3A_191 : i32 to vector<16xi32>
        %select_n3A = arith.select %gt3A, %broadcast_in_dim3A_192, %scan3A_179#3 : vector<16xi1>, vector<16xi32>
        %scan3A_193 = arith.constant 57 : i32
        %scan3A_194 = arith.addi %scan3A_175, %scan3A_193 : i32
        %mul3A_195 = arith.constant 16 : i32
        %mul3A_196 = arith.muli %scan3A_194, %mul3A_195 : i32
        %get3A_197 = arith.index_cast %add3A_171 : i32 to index
        %get3A_198 = arith.index_cast %mul3A_196 : i32 to index
        %get3A_199 = tpu.vector_load %arg6[%get3A_197, %get3A_198] {strides = array<i32>} : memref<32x1000xf32, #tpu.memory_space<vmem>>, vector<16xf32>,
        %exp3A_200 = math.exp %get3A_199 : vector<16xf32>
        %gt3A_201 = arith.cmpf ogt, %get3A_199, %max3A : vector<16xf32>
        %add3A_202 = arith.addf %add3A_187, %exp3A_200 : vector<16xf32>
        %mul3A_203 = arith.mulf %get3A_199, %exp3A_200 : vector<16xf32>
        %add3A_204 = arith.addf %add3A_189, %mul3A_203 : vector<16xf32>
        %max3A_205 = arith.maximumf %max3A, %get3A_199 : vector<16xf32>
        %mul3A_206 = arith.constant 16 : i32
        %mul3A_207 = arith.muli %scan3A_194, %mul3A_206 : i32
        %broadcast_in_dim3A_208 = vector.broadcast %mul3A_207 : i32 to vector<16xi32>
        %select_n3A_209 = arith.select %gt3A_201, %broadcast_in_dim3A_208, %select_n3A : vector<16xi1>, vector<16xi32>
        %scan3A_210 = arith.constant 58 : i32
        %scan3A_211 = arith.addi %scan3A_175, %scan3A_210 : i32
        %mul3A_212 = arith.constant 16 : i32
        %mul3A_213 = arith.muli %scan3A_211, %mul3A_212 : i32
        %get3A_214 = arith.index_cast %add3A_171 : i32 to index
        %get3A_215 = arith.index_cast %mul3A_213 : i32 to index
        %get3A_216 = tpu.vector_load %arg6[%get3A_214, %get3A_215] {strides = array<i32>} : memref<32x1000xf32, #tpu.memory_space<vmem>>, vector<16xf32>,
        %exp3A_217 = math.exp %get3A_216 : vector<16xf32>
        %gt3A_218 = arith.cmpf ogt, %get3A_216, %max3A_205 : vector<16xf32>
        %add3A_219 = arith.addf %add3A_202, %exp3A_217 : vector<16xf32>
        %mul3A_220 = arith.mulf %get3A_216, %exp3A_217 : vector<16xf32>
        %add3A_221 = arith.addf %add3A_204, %mul3A_220 : vector<16xf32>
        %max3A_222 = arith.maximumf %max3A_205, %get3A_216 : vector<16xf32>
        %mul3A_223 = arith.constant 16 : i32
        %mul3A_224 = arith.muli %scan3A_211, %mul3A_223 : i32
        %broadcast_in_dim3A_225 = vector.broadcast %mul3A_224 : i32 to vector<16xi32>
        %select_n3A_226 = arith.select %gt3A_218, %broadcast_in_dim3A_225, %select_n3A_209 : vector<16xi1>, vector<16xi32>
        %scan3A_227 = arith.constant 59 : i32
        %scan3A_228 = arith.addi %scan3A_175, %scan3A_227 : i32
        %mul3A_229 = arith.constant 16 : i32
        %mul3A_230 = arith.muli %scan3A_228, %mul3A_229 : i32
        %get3A_231 = arith.index_cast %add3A_171 : i32 to index
        %get3A_232 = arith.index_cast %mul3A_230 : i32 to index
        %get3A_233 = tpu.vector_load %arg6[%get3A_231, %get3A_232] {strides = array<i32>} : memref<32x1000xf32, #tpu.memory_space<vmem>>, vector<16xf32>,
        %exp3A_234 = math.exp %get3A_233 : vector<16xf32>
        %gt3A_235 = arith.cmpf ogt, %get3A_233, %max3A_222 : vector<16xf32>
        %add3A_236 = arith.addf %add3A_219, %exp3A_234 : vector<16xf32>
        %mul3A_237 = arith.mulf %get3A_233, %exp3A_234 : vector<16xf32>
        %add3A_238 = arith.addf %add3A_221, %mul3A_237 : vector<16xf32>
        %max3A_239 = arith.maximumf %max3A_222, %get3A_233 : vector<16xf32>
        %mul3A_240 = arith.constant 16 : i32
        %mul3A_241 = arith.muli %scan3A_228, %mul3A_240 : i32
        %broadcast_in_dim3A_242 = vector.broadcast %mul3A_241 : i32 to vector<16xi32>
        %select_n3A_243 = arith.select %gt3A_235, %broadcast_in_dim3A_242, %select_n3A_226 : vector<16xi1>, vector<16xi32>
        %scan3A_244 = arith.constant 60 : i32
        %scan3A_245 = arith.addi %scan3A_175, %scan3A_244 : i32
        %mul3A_246 = arith.constant 16 : i32
        %mul3A_247 = arith.muli %scan3A_245, %mul3A_246 : i32
        %get3A_248 = arith.index_cast %add3A_171 : i32 to index
        %get3A_249 = arith.index_cast %mul3A_247 : i32 to index
        %get3A_250 = tpu.vector_load %arg6[%get3A_248, %get3A_249] {strides = array<i32>} : memref<32x1000xf32, #tpu.memory_space<vmem>>, vector<16xf32>,
        %exp3A_251 = math.exp %get3A_250 : vector<16xf32>
        %gt3A_252 = arith.cmpf ogt, %get3A_250, %max3A_239 : vector<16xf32>
        %add3A_253 = arith.addf %add3A_236, %exp3A_251 : vector<16xf32>
        %mul3A_254 = arith.mulf %get3A_250, %exp3A_251 : vector<16xf32>
        %add3A_255 = arith.addf %add3A_238, %mul3A_254 : vector<16xf32>
        %max3A_256 = arith.maximumf %max3A_239, %get3A_250 : vector<16xf32>
        %mul3A_257 = arith.constant 16 : i32
        %mul3A_258 = arith.muli %scan3A_245, %mul3A_257 : i32
        %broadcast_in_dim3A_259 = vector.broadcast %mul3A_258 : i32 to vector<16xi32>
        %select_n3A_260 = arith.select %gt3A_252, %broadcast_in_dim3A_259, %select_n3A_243 : vector<16xi1>, vector<16xi32>
        %scan3A_261 = arith.constant 61 : i32
        %scan3A_262 = arith.addi %scan3A_175, %scan3A_261 : i32
        %mul3A_263 = arith.constant 16 : i32
        %mul3A_264 = arith.muli %scan3A_262, %mul3A_263 : i32
        %get3A_265 = arith.index_cast %add3A_171 : i32 to index
        %get3A_266 = arith.index_cast %mul3A_264 : i32 to index
        %get3A_267 = tpu.vector_load %arg6[%get3A_265, %get3A_266] {strides = array<i32>} : memref<32x1000xf32, #tpu.memory_space<vmem>>, vector<16xf32>,
        %exp3A_268 = math.exp %get3A_267 : vector<16xf32>
        %gt3A_269 = arith.cmpf ogt, %get3A_267, %max3A_256 : vector<16xf32>
        %add3A_270 = arith.addf %add3A_253, %exp3A_268 : vector<16xf32>
        %mul3A_271 = arith.mulf %get3A_267, %exp3A_268 : vector<16xf32>
        %add3A_272 = arith.addf %add3A_255, %mul3A_271 : vector<16xf32>
        %max3A_273 = arith.maximumf %max3A_256, %get3A_267 : vector<16xf32>
        %mul3A_274 = arith.constant 16 : i32
        %mul3A_275 = arith.muli %scan3A_262, %mul3A_274 : i32
        %broadcast_in_dim3A_276 = vector.broadcast %mul3A_275 : i32 to vector<16xi32>
        %select_n3A_277 = arith.select %gt3A_269, %broadcast_in_dim3A_276, %select_n3A_260 : vector<16xi1>, vector<16xi32>
        %scan3A_278 = arith.constant 62 : i32
        %get3A_279 = arith.index_cast %add3A_171 : i32 to index
        %get3A_280 = arith.constant 984 : index
        %get3A_281 = tpu.vector_load %arg6[%get3A_279, %get3A_280] {strides = array<i32>} : memref<32x1000xf32, #tpu.memory_space<vmem>>, vector<16xf32>,
        %exp3A_282 = math.exp %get3A_281 : vector<16xf32>
        %jit3A = arith.constant 0.000000e+00 : f32
        %broadcast_in_dim3A_283 = vector.broadcast %jit3A : f32 to vector<16xf32>
        %select_n3A_284 = arith.select %ge3A_4, %exp3A_282, %broadcast_in_dim3A_283 : vector<16xi1>, vector<16xf32>
        %add3A_285 = arith.addf %add3A_270, %select_n3A_284 : vector<16xf32>
        %mul3A_286 = arith.mulf %get3A_281, %select_n3A_284 : vector<16xf32>
        %add3A_287 = arith.addf %add3A_272, %mul3A_286 : vector<16xf32>
        %broadcast_in_dim3A_288 = vector.broadcast %scan3A_89 : f32 to vector<16xf32>
        %select_n3A_289 = arith.select %ge3A_4, %get3A_281, %broadcast_in_dim3A_288 : vector<16xi1>, vector<16xf32>
        %gt3A_290 = arith.cmpf ogt, %select_n3A_289, %max3A_273 : vector<16xf32>
        %jit3A_291 = arith.constant 984 : i32
        %broadcast_in_dim3A_292 = vector.broadcast %jit3A_291 : i32 to vector<16xi32>
        %select_n3A_293 = arith.select %gt3A_290, %broadcast_in_dim3A_292, %select_n3A_277 : vector<16xi1>, vector<16xi32>
        %max3A_294 = arith.maximumf %max3A_273, %select_n3A_289 : vector<16xf32>
        %reduce_max3A = arith.constant true
        %reduce_max3A_295 = vector.broadcast %reduce_max3A : i1 to vector<16xi1>
        %reduce_max3A_296 = tpu.scan <max>, %max3A_294 masked %reduce_max3A_295 : vector<16xf32>, vector<16xi1> -> vector<16xf32>
        %reduce_max3A_297 = vector.extract %reduce_max3A_296[15] : f32 from vector<16xf32>
        %broadcast_in_dim3A_298 = vector.broadcast %reduce_max3A_297 : f32 to vector<16xf32>
        %eq3A = arith.cmpf oeq, %max3A_294, %broadcast_in_dim3A_298 : vector<16xf32>
        %add3A_299 = arith.addi %select_n3A_293, %iota3A : vector<16xi32>
        %jit3A_300 = arith.constant 1000 : i32
        %broadcast_in_dim3A_301 = vector.broadcast %jit3A_300 : i32 to vector<16xi32>
        %select_n3A_302 = arith.select %eq3A, %add3A_299, %broadcast_in_dim3A_301 : vector<16xi1>, vector<16xi32>
        %eq3A_303 = vector.broadcast %scan3A_164 : i32 to vector<16xi32>
        %eq3A_304 = arith.cmpi eq, %iota3A, %eq3A_303 : vector<16xi32>
        %reduce_sum3A = arith.constant true
        %reduce_sum3A_305 = vector.broadcast %reduce_sum3A : i1 to vector<16xi1>
        %reduce_sum3A_306 = tpu.scan <sum>, %add3A_285 masked %reduce_sum3A_305 : vector<16xf32>, vector<16xi1> -> vector<16xf32>
        %reduce_sum3A_307 = vector.extract %reduce_sum3A_306[15] : f32 from vector<16xf32>
        %broadcast_in_dim3A_308 = vector.broadcast %reduce_sum3A_307 : f32 to vector<16xf32>
        %select_n3A_309 = arith.select %eq3A_304, %broadcast_in_dim3A_308, %scan3A_165 : vector<16xi1>, vector<16xf32>
        %eq3A_310 = vector.broadcast %scan3A_164 : i32 to vector<16xi32>
        %eq3A_311 = arith.cmpi eq, %iota3A, %eq3A_310 : vector<16xi32>
        %reduce_sum3A_312 = arith.constant true
        %reduce_sum3A_313 = vector.broadcast %reduce_sum3A_312 : i1 to vector<16xi1>
        %reduce_sum3A_314 = tpu.scan <sum>, %add3A_287 masked %reduce_sum3A_313 : vector<16xf32>, vector<16xi1> -> vector<16xf32>
        %reduce_sum3A_315 = vector.extract %reduce_sum3A_314[15] : f32 from vector<16xf32>
        %broadcast_in_dim3A_316 = vector.broadcast %reduce_sum3A_315 : f32 to vector<16xf32>
        %select_n3A_317 = arith.select %eq3A_311, %broadcast_in_dim3A_316, %scan3A_166 : vector<16xi1>, vector<16xf32>
        %eq3A_318 = vector.broadcast %scan3A_164 : i32 to vector<16xi32>
        %eq3A_319 = arith.cmpi eq, %iota3A, %eq3A_318 : vector<16xi32>
        %broadcast_in_dim3A_320 = vector.broadcast %reduce_max3A_297 : f32 to vector<16xf32>
        %select_n3A_321 = arith.select %eq3A_319, %broadcast_in_dim3A_320, %scan3A_167 : vector<16xi1>, vector<16xf32>
        %eq3A_322 = vector.broadcast %scan3A_164 : i32 to vector<16xi32>
        %eq3A_323 = arith.cmpi eq, %iota3A, %eq3A_322 : vector<16xi32>
        %reduce_min3A = arith.constant true
        %reduce_min3A_324 = vector.broadcast %reduce_min3A : i1 to vector<16xi1>
        %reduce_min3A_325 = arith.constant -2147483648 : i32
        %reduce_min3A_326 = vector.broadcast %reduce_min3A_325 : i32 to vector<16xi32>
        %reduce_min3A_327 = arith.xori %select_n3A_302, %reduce_min3A_326 : vector<16xi32>
        %reduce_min3A_328 = tpu.scan <min>, %reduce_min3A_327 masked %reduce_min3A_324 : vector<16xi32>, vector<16xi1> -> vector<16xi32>
        %reduce_min3A_329 = arith.xori %reduce_min3A_328, %reduce_min3A_326 : vector<16xi32>
        %reduce_min3A_330 = vector.extract %reduce_min3A_329[15] : i32 from vector<16xi32>
        %broadcast_in_dim3A_331 = vector.broadcast %reduce_min3A_330 : i32 to vector<16xi32>
        %select_n3A_332 = arith.select %eq3A_323, %broadcast_in_dim3A_331, %scan3A_168 : vector<16xi1>, vector<16xi32>
        scf.yield %select_n3A_309, %select_n3A_317, %select_n3A_321, %select_n3A_332 : vector<16xf32>, vector<16xf32>, vector<16xf32>, vector<16xi32>
      }
      %scan3A_150 = arith.constant 16 : i32
      %mul3A_151 = arith.constant 16 : i32
      %mul3A_152 = arith.muli %scan3A_141, %mul3A_151 : i32
      %add3A_153 = arith.constant 128 : i32
      %add3A_154 = arith.addi %add3A_153, %mul3A_152 : i32
      %swap3A_155 = arith.index_cast %add3A_154 : i32 to index
      %swap3A_156 = tpu.vector_load %arg10[%swap3A_155] {strides = array<i32>} : memref<224xf32, #tpu.memory_space<vmem>>, vector<16xf32>,
      tpu.vector_store %arg10[%swap3A_155], %scan3A_149#0 {strides = array<i32>} : memref<224xf32, #tpu.memory_space<vmem>>, vector<16xf32>,
      %swap3A_157 = arith.index_cast %add3A_154 : i32 to index
      %swap3A_158 = tpu.vector_load %arg11[%swap3A_157] {strides = array<i32>} : memref<224xf32, #tpu.memory_space<vmem>>, vector<16xf32>,
      tpu.vector_store %arg11[%swap3A_157], %scan3A_149#1 {strides = array<i32>} : memref<224xf32, #tpu.memory_space<vmem>>, vector<16xf32>,
      %swap3A_159 = arith.index_cast %add3A_154 : i32 to index
      %swap3A_160 = tpu.vector_load %arg12[%swap3A_159] {strides = array<i32>} : memref<224xf32, #tpu.memory_space<vmem>>, vector<16xf32>,
      tpu.vector_store %arg12[%swap3A_159], %scan3A_149#2 {strides = array<i32>} : memref<224xf32, #tpu.memory_space<vmem>>, vector<16xf32>,
      %swap3A_161 = arith.index_cast %add3A_154 : i32 to index
      %swap3A_162 = tpu.vector_load %arg13[%swap3A_161] {strides = array<i32>} : memref<224xi32, #tpu.memory_space<vmem>>, vector<16xi32>,
      tpu.vector_store %arg13[%swap3A_161], %scan3A_149#3 {strides = array<i32>} : memref<224xi32, #tpu.memory_space<vmem>>, vector<16xi32>,
      %scan3A_163 = arith.constant 0 : i32
      scf.yield %scan3A_163 : i32
    }
    %scan3A_96 = arith.constant 2 : i32
    %add3A_97 = arith.constant 192 : i32
    %add3A_98 = arith.addi %mul3A_2, %add3A_97 : i32
    %dma_start3A_99 = arith.constant 0 : i32
    %dma_start3A_100 = tpu.memref_slice %arg2[%add3A_98, %dma_start3A_99] : memref<16384x1000xf32, #tpu.memory_space<hbm>> -> memref<32x1000xf32, #tpu.memory_space<hbm>>
    %dma_start3A_101 = arith.constant 0 : i32
    %dma_start3A_102 = tpu.memref_slice %arg2[%add3A_98, %dma_start3A_101] : memref<16384x1000xf32, #tpu.memory_space<hbm>> -> memref<32x1000xf32, #tpu.memory_space<hbm>>
    tpu.enqueue_dma source(%dma_start3A_102 : memref<32x1000xf32, #tpu.memory_space<hbm>>) target(%arg6 : memref<32x1000xf32, #tpu.memory_space<vmem>>) target_semaphore(%arg8 : memref<!tpu.dma_semaphore, #tpu.memory_space<semaphore_mem>>)
    %dma_wait3A_103 = arith.constant 0 : i32
    %dma_wait3A_104 = tpu.memref_slice %arg2[%add3A_80, %dma_wait3A_103] : memref<16384x1000xf32, #tpu.memory_space<hbm>> -> memref<32x1000xf32, #tpu.memory_space<hbm>>
    %dma_wait3A_105 = arith.constant 0 : i32
    %dma_wait3A_106 = tpu.memref_slice %arg2[%add3A_80, %dma_wait3A_105] : memref<16384x1000xf32, #tpu.memory_space<hbm>> -> memref<32x1000xf32, #tpu.memory_space<hbm>>
    tpu.wait_dma2 semaphore(%arg9 : memref<!tpu.dma_semaphore, #tpu.memory_space<semaphore_mem>>) src(%dma_wait3A_106 : memref<32x1000xf32, #tpu.memory_space<hbm>>) dst(%arg7 : memref<32x1000xf32, #tpu.memory_space<vmem>>)
    %scan3A_107 = arith.constant 0xFF800000 : f32
    %scan3A_108 = arith.constant 0 : i32
    %scan3A_109 = arith.constant 0 : i32
    %scan3A_110 = arith.constant 2 : i32
    %scan3A_111 = arith.addi %scan3A_109, %scan3A_110 : i32
    %scan3A_112 = arith.constant 1 : i32
    %scan3A_113 = scf.for %scan3A_141 = %scan3A_109 to %scan3A_111 step %scan3A_112 iter_args(%scan3A_142 = %scan3A_108) -> (i32)  : i32 {
      %broadcast_in_dim3A_143 = arith.constant 0 : i32
      %broadcast_in_dim3A_144 = vector.broadcast %broadcast_in_dim3A_143 : i32 to vector<16xi32>
      %scan3A_145 = arith.constant 0 : i32
      %scan3A_146 = arith.constant 16 : i32
      %scan3A_147 = arith.addi %scan3A_145, %scan3A_146 : i32
      %scan3A_148 = arith.constant 1 : i32
      %scan3A_149:4 = scf.for %scan3A_164 = %scan3A_145 to %scan3A_147 step %scan3A_148 iter_args(%scan3A_165 = %broadcast_in_dim3A_5, %scan3A_166 = %broadcast_in_dim3A_5, %scan3A_167 = %broadcast_in_dim3A_5, %scan3A_168 = %broadcast_in_dim3A_144) -> (vector<16xf32>, vector<16xf32>, vector<16xf32>, vector<16xi32>)  : i32 {
        %mul3A_169 = arith.constant 16 : i32
        %mul3A_170 = arith.muli %scan3A_141, %mul3A_169 : i32
        %add3A_171 = arith.addi %mul3A_170, %scan3A_164 : i32
        %broadcast_in_dim3A_172 = arith.constant 0 : i32
        %broadcast_in_dim3A_173 = vector.broadcast %broadcast_in_dim3A_172 : i32 to vector<16xi32>
        %broadcast_in_dim3A_174 = vector.broadcast %scan3A_107 : f32 to vector<16xf32>
        %scan3A_175 = arith.constant 0 : i32
        %scan3A_176 = arith.constant 56 : i32
        %scan3A_177 = arith.addi %scan3A_175, %scan3A_176 : i32
        %scan3A_178 = arith.constant 8 : i32
        %scan3A_179:4 = scf.for %scan3A_333 = %scan3A_175 to %scan3A_177 step %scan3A_178 iter_args(%scan3A_334 = %broadcast_in_dim3A_5, %scan3A_335 = %broadcast_in_dim3A_5, %scan3A_336 = %broadcast_in_dim3A_174, %scan3A_337 = %broadcast_in_dim3A_173) -> (vector<16xf32>, vector<16xf32>, vector<16xf32>, vector<16xi32>)  : i32 {
          %mul3A_338 = arith.constant 16 : i32
          %mul3A_339 = arith.muli %scan3A_333, %mul3A_338 : i32
          %get3A_340 = arith.index_cast %add3A_171 : i32 to index
          %get3A_341 = arith.index_cast %mul3A_339 : i32 to index
          %get3A_342 = tpu.vector_load %arg7[%get3A_340, %get3A_341] {strides = array<i32>} : memref<32x1000xf32, #tpu.memory_space<vmem>>, vector<16xf32>,
          %exp3A_343 = math.exp %get3A_342 : vector<16xf32>
          %gt3A_344 = arith.cmpf ogt, %get3A_342, %scan3A_336 : vector<16xf32>
          %add3A_345 = arith.addf %scan3A_334, %exp3A_343 : vector<16xf32>
          %mul3A_346 = arith.mulf %get3A_342, %exp3A_343 : vector<16xf32>
          %add3A_347 = arith.addf %scan3A_335, %mul3A_346 : vector<16xf32>
          %max3A_348 = arith.maximumf %scan3A_336, %get3A_342 : vector<16xf32>
          %mul3A_349 = arith.constant 16 : i32
          %mul3A_350 = arith.muli %scan3A_333, %mul3A_349 : i32
          %broadcast_in_dim3A_351 = vector.broadcast %mul3A_350 : i32 to vector<16xi32>
          %select_n3A_352 = arith.select %gt3A_344, %broadcast_in_dim3A_351, %scan3A_337 : vector<16xi1>, vector<16xi32>
          %scan3A_353 = arith.constant 1 : i32
          %scan3A_354 = arith.addi %scan3A_333, %scan3A_353 : i32
          %mul3A_355 = arith.constant 16 : i32
          %mul3A_356 = arith.muli %scan3A_354, %mul3A_355 : i32
          %get3A_357 = arith.index_cast %add3A_171 : i32 to index
          %get3A_358 = arith.index_cast %mul3A_356 : i32 to index
          %get3A_359 = tpu.vector_load %arg7[%get3A_357, %get3A_358] {strides = array<i32>} : memref<32x1000xf32, #tpu.memory_space<vmem>>, vector<16xf32>,
          %exp3A_360 = math.exp %get3A_359 : vector<16xf32>
          %gt3A_361 = arith.cmpf ogt, %get3A_359, %max3A_348 : vector<16xf32>
          %add3A_362 = arith.addf %add3A_345, %exp3A_360 : vector<16xf32>
          %mul3A_363 = arith.mulf %get3A_359, %exp3A_360 : vector<16xf32>
          %add3A_364 = arith.addf %add3A_347, %mul3A_363 : vector<16xf32>
          %max3A_365 = arith.maximumf %max3A_348, %get3A_359 : vector<16xf32>
          %mul3A_366 = arith.constant 16 : i32
          %mul3A_367 = arith.muli %scan3A_354, %mul3A_366 : i32
          %broadcast_in_dim3A_368 = vector.broadcast %mul3A_367 : i32 to vector<16xi32>
          %select_n3A_369 = arith.select %gt3A_361, %broadcast_in_dim3A_368, %select_n3A_352 : vector<16xi1>, vector<16xi32>
          %scan3A_370 = arith.constant 2 : i32
          %scan3A_371 = arith.addi %scan3A_333, %scan3A_370 : i32
          %mul3A_372 = arith.constant 16 : i32
          %mul3A_373 = arith.muli %scan3A_371, %mul3A_372 : i32
          %get3A_374 = arith.index_cast %add3A_171 : i32 to index
          %get3A_375 = arith.index_cast %mul3A_373 : i32 to index
          %get3A_376 = tpu.vector_load %arg7[%get3A_374, %get3A_375] {strides = array<i32>} : memref<32x1000xf32, #tpu.memory_space<vmem>>, vector<16xf32>,
          %exp3A_377 = math.exp %get3A_376 : vector<16xf32>
          %gt3A_378 = arith.cmpf ogt, %get3A_376, %max3A_365 : vector<16xf32>
          %add3A_379 = arith.addf %add3A_362, %exp3A_377 : vector<16xf32>
          %mul3A_380 = arith.mulf %get3A_376, %exp3A_377 : vector<16xf32>
          %add3A_381 = arith.addf %add3A_364, %mul3A_380 : vector<16xf32>
          %max3A_382 = arith.maximumf %max3A_365, %get3A_376 : vector<16xf32>
          %mul3A_383 = arith.constant 16 : i32
          %mul3A_384 = arith.muli %scan3A_371, %mul3A_383 : i32
          %broadcast_in_dim3A_385 = vector.broadcast %mul3A_384 : i32 to vector<16xi32>
          %select_n3A_386 = arith.select %gt3A_378, %broadcast_in_dim3A_385, %select_n3A_369 : vector<16xi1>, vector<16xi32>
          %scan3A_387 = arith.constant 3 : i32
          %scan3A_388 = arith.addi %scan3A_333, %scan3A_387 : i32
          %mul3A_389 = arith.constant 16 : i32
          %mul3A_390 = arith.muli %scan3A_388, %mul3A_389 : i32
          %get3A_391 = arith.index_cast %add3A_171 : i32 to index
          %get3A_392 = arith.index_cast %mul3A_390 : i32 to index
          %get3A_393 = tpu.vector_load %arg7[%get3A_391, %get3A_392] {strides = array<i32>} : memref<32x1000xf32, #tpu.memory_space<vmem>>, vector<16xf32>,
          %exp3A_394 = math.exp %get3A_393 : vector<16xf32>
          %gt3A_395 = arith.cmpf ogt, %get3A_393, %max3A_382 : vector<16xf32>
          %add3A_396 = arith.addf %add3A_379, %exp3A_394 : vector<16xf32>
          %mul3A_397 = arith.mulf %get3A_393, %exp3A_394 : vector<16xf32>
          %add3A_398 = arith.addf %add3A_381, %mul3A_397 : vector<16xf32>
          %max3A_399 = arith.maximumf %max3A_382, %get3A_393 : vector<16xf32>
          %mul3A_400 = arith.constant 16 : i32
          %mul3A_401 = arith.muli %scan3A_388, %mul3A_400 : i32
          %broadcast_in_dim3A_402 = vector.broadcast %mul3A_401 : i32 to vector<16xi32>
          %select_n3A_403 = arith.select %gt3A_395, %broadcast_in_dim3A_402, %select_n3A_386 : vector<16xi1>, vector<16xi32>
          %scan3A_404 = arith.constant 4 : i32
          %scan3A_405 = arith.addi %scan3A_333, %scan3A_404 : i32
          %mul3A_406 = arith.constant 16 : i32
          %mul3A_407 = arith.muli %scan3A_405, %mul3A_406 : i32
          %get3A_408 = arith.index_cast %add3A_171 : i32 to index
          %get3A_409 = arith.index_cast %mul3A_407 : i32 to index
          %get3A_410 = tpu.vector_load %arg7[%get3A_408, %get3A_409] {strides = array<i32>} : memref<32x1000xf32, #tpu.memory_space<vmem>>, vector<16xf32>,
          %exp3A_411 = math.exp %get3A_410 : vector<16xf32>
          %gt3A_412 = arith.cmpf ogt, %get3A_410, %max3A_399 : vector<16xf32>
          %add3A_413 = arith.addf %add3A_396, %exp3A_411 : vector<16xf32>
          %mul3A_414 = arith.mulf %get3A_410, %exp3A_411 : vector<16xf32>
          %add3A_415 = arith.addf %add3A_398, %mul3A_414 : vector<16xf32>
          %max3A_416 = arith.maximumf %max3A_399, %get3A_410 : vector<16xf32>
          %mul3A_417 = arith.constant 16 : i32
          %mul3A_418 = arith.muli %scan3A_405, %mul3A_417 : i32
          %broadcast_in_dim3A_419 = vector.broadcast %mul3A_418 : i32 to vector<16xi32>
          %select_n3A_420 = arith.select %gt3A_412, %broadcast_in_dim3A_419, %select_n3A_403 : vector<16xi1>, vector<16xi32>
          %scan3A_421 = arith.constant 5 : i32
          %scan3A_422 = arith.addi %scan3A_333, %scan3A_421 : i32
          %mul3A_423 = arith.constant 16 : i32
          %mul3A_424 = arith.muli %scan3A_422, %mul3A_423 : i32
          %get3A_425 = arith.index_cast %add3A_171 : i32 to index
          %get3A_426 = arith.index_cast %mul3A_424 : i32 to index
          %get3A_427 = tpu.vector_load %arg7[%get3A_425, %get3A_426] {strides = array<i32>} : memref<32x1000xf32, #tpu.memory_space<vmem>>, vector<16xf32>,
          %exp3A_428 = math.exp %get3A_427 : vector<16xf32>
          %gt3A_429 = arith.cmpf ogt, %get3A_427, %max3A_416 : vector<16xf32>
          %add3A_430 = arith.addf %add3A_413, %exp3A_428 : vector<16xf32>
          %mul3A_431 = arith.mulf %get3A_427, %exp3A_428 : vector<16xf32>
          %add3A_432 = arith.addf %add3A_415, %mul3A_431 : vector<16xf32>
          %max3A_433 = arith.maximumf %max3A_416, %get3A_427 : vector<16xf32>
          %mul3A_434 = arith.constant 16 : i32
          %mul3A_435 = arith.muli %scan3A_422, %mul3A_434 : i32
          %broadcast_in_dim3A_436 = vector.broadcast %mul3A_435 : i32 to vector<16xi32>
          %select_n3A_437 = arith.select %gt3A_429, %broadcast_in_dim3A_436, %select_n3A_420 : vector<16xi1>, vector<16xi32>
          %scan3A_438 = arith.constant 6 : i32
          %scan3A_439 = arith.addi %scan3A_333, %scan3A_438 : i32
          %mul3A_440 = arith.constant 16 : i32
          %mul3A_441 = arith.muli %scan3A_439, %mul3A_440 : i32
          %get3A_442 = arith.index_cast %add3A_171 : i32 to index
          %get3A_443 = arith.index_cast %mul3A_441 : i32 to index
          %get3A_444 = tpu.vector_load %arg7[%get3A_442, %get3A_443] {strides = array<i32>} : memref<32x1000xf32, #tpu.memory_space<vmem>>, vector<16xf32>,
          %exp3A_445 = math.exp %get3A_444 : vector<16xf32>
          %gt3A_446 = arith.cmpf ogt, %get3A_444, %max3A_433 : vector<16xf32>
          %add3A_447 = arith.addf %add3A_430, %exp3A_445 : vector<16xf32>
          %mul3A_448 = arith.mulf %get3A_444, %exp3A_445 : vector<16xf32>
          %add3A_449 = arith.addf %add3A_432, %mul3A_448 : vector<16xf32>
          %max3A_450 = arith.maximumf %max3A_433, %get3A_444 : vector<16xf32>
          %mul3A_451 = arith.constant 16 : i32
          %mul3A_452 = arith.muli %scan3A_439, %mul3A_451 : i32
          %broadcast_in_dim3A_453 = vector.broadcast %mul3A_452 : i32 to vector<16xi32>
          %select_n3A_454 = arith.select %gt3A_446, %broadcast_in_dim3A_453, %select_n3A_437 : vector<16xi1>, vector<16xi32>
          %scan3A_455 = arith.constant 7 : i32
          %scan3A_456 = arith.addi %scan3A_333, %scan3A_455 : i32
          %mul3A_457 = arith.constant 16 : i32
          %mul3A_458 = arith.muli %scan3A_456, %mul3A_457 : i32
          %get3A_459 = arith.index_cast %add3A_171 : i32 to index
          %get3A_460 = arith.index_cast %mul3A_458 : i32 to index
          %get3A_461 = tpu.vector_load %arg7[%get3A_459, %get3A_460] {strides = array<i32>} : memref<32x1000xf32, #tpu.memory_space<vmem>>, vector<16xf32>,
          %exp3A_462 = math.exp %get3A_461 : vector<16xf32>
          %gt3A_463 = arith.cmpf ogt, %get3A_461, %max3A_450 : vector<16xf32>
          %add3A_464 = arith.addf %add3A_447, %exp3A_462 : vector<16xf32>
          %mul3A_465 = arith.mulf %get3A_461, %exp3A_462 : vector<16xf32>
          %add3A_466 = arith.addf %add3A_449, %mul3A_465 : vector<16xf32>
          %max3A_467 = arith.maximumf %max3A_450, %get3A_461 : vector<16xf32>
          %mul3A_468 = arith.constant 16 : i32
          %mul3A_469 = arith.muli %scan3A_456, %mul3A_468 : i32
          %broadcast_in_dim3A_470 = vector.broadcast %mul3A_469 : i32 to vector<16xi32>
          %select_n3A_471 = arith.select %gt3A_463, %broadcast_in_dim3A_470, %select_n3A_454 : vector<16xi1>, vector<16xi32>
          scf.yield %add3A_464, %add3A_466, %max3A_467, %select_n3A_471 : vector<16xf32>, vector<16xf32>, vector<16xf32>, vector<16xi32>
        }
        %scan3A_180 = arith.constant 56 : i32
        %scan3A_181 = arith.addi %scan3A_175, %scan3A_180 : i32
        %mul3A_182 = arith.constant 16 : i32
        %mul3A_183 = arith.muli %scan3A_181, %mul3A_182 : i32
        %get3A_184 = arith.index_cast %add3A_171 : i32 to index
        %get3A_185 = arith.index_cast %mul3A_183 : i32 to index
        %get3A_186 = tpu.vector_load %arg7[%get3A_184, %get3A_185] {strides = array<i32>} : memref<32x1000xf32, #tpu.memory_space<vmem>>, vector<16xf32>,
        %exp3A = math.exp %get3A_186 : vector<16xf32>
        %gt3A = arith.cmpf ogt, %get3A_186, %scan3A_179#2 : vector<16xf32>
        %add3A_187 = arith.addf %scan3A_179#0, %exp3A : vector<16xf32>
        %mul3A_188 = arith.mulf %get3A_186, %exp3A : vector<16xf32>
        %add3A_189 = arith.addf %scan3A_179#1, %mul3A_188 : vector<16xf32>
        %max3A = arith.maximumf %scan3A_179#2, %get3A_186 : vector<16xf32>
        %mul3A_190 = arith.constant 16 : i32
        %mul3A_191 = arith.muli %scan3A_181, %mul3A_190 : i32
        %broadcast_in_dim3A_192 = vector.broadcast %mul3A_191 : i32 to vector<16xi32>
        %select_n3A = arith.select %gt3A, %broadcast_in_dim3A_192, %scan3A_179#3 : vector<16xi1>, vector<16xi32>
        %scan3A_193 = arith.constant 57 : i32
        %scan3A_194 = arith.addi %scan3A_175, %scan3A_193 : i32
        %mul3A_195 = arith.constant 16 : i32
        %mul3A_196 = arith.muli %scan3A_194, %mul3A_195 : i32
        %get3A_197 = arith.index_cast %add3A_171 : i32 to index
        %get3A_198 = arith.index_cast %mul3A_196 : i32 to index
        %get3A_199 = tpu.vector_load %arg7[%get3A_197, %get3A_198] {strides = array<i32>} : memref<32x1000xf32, #tpu.memory_space<vmem>>, vector<16xf32>,
        %exp3A_200 = math.exp %get3A_199 : vector<16xf32>
        %gt3A_201 = arith.cmpf ogt, %get3A_199, %max3A : vector<16xf32>
        %add3A_202 = arith.addf %add3A_187, %exp3A_200 : vector<16xf32>
        %mul3A_203 = arith.mulf %get3A_199, %exp3A_200 : vector<16xf32>
        %add3A_204 = arith.addf %add3A_189, %mul3A_203 : vector<16xf32>
        %max3A_205 = arith.maximumf %max3A, %get3A_199 : vector<16xf32>
        %mul3A_206 = arith.constant 16 : i32
        %mul3A_207 = arith.muli %scan3A_194, %mul3A_206 : i32
        %broadcast_in_dim3A_208 = vector.broadcast %mul3A_207 : i32 to vector<16xi32>
        %select_n3A_209 = arith.select %gt3A_201, %broadcast_in_dim3A_208, %select_n3A : vector<16xi1>, vector<16xi32>
        %scan3A_210 = arith.constant 58 : i32
        %scan3A_211 = arith.addi %scan3A_175, %scan3A_210 : i32
        %mul3A_212 = arith.constant 16 : i32
        %mul3A_213 = arith.muli %scan3A_211, %mul3A_212 : i32
        %get3A_214 = arith.index_cast %add3A_171 : i32 to index
        %get3A_215 = arith.index_cast %mul3A_213 : i32 to index
        %get3A_216 = tpu.vector_load %arg7[%get3A_214, %get3A_215] {strides = array<i32>} : memref<32x1000xf32, #tpu.memory_space<vmem>>, vector<16xf32>,
        %exp3A_217 = math.exp %get3A_216 : vector<16xf32>
        %gt3A_218 = arith.cmpf ogt, %get3A_216, %max3A_205 : vector<16xf32>
        %add3A_219 = arith.addf %add3A_202, %exp3A_217 : vector<16xf32>
        %mul3A_220 = arith.mulf %get3A_216, %exp3A_217 : vector<16xf32>
        %add3A_221 = arith.addf %add3A_204, %mul3A_220 : vector<16xf32>
        %max3A_222 = arith.maximumf %max3A_205, %get3A_216 : vector<16xf32>
        %mul3A_223 = arith.constant 16 : i32
        %mul3A_224 = arith.muli %scan3A_211, %mul3A_223 : i32
        %broadcast_in_dim3A_225 = vector.broadcast %mul3A_224 : i32 to vector<16xi32>
        %select_n3A_226 = arith.select %gt3A_218, %broadcast_in_dim3A_225, %select_n3A_209 : vector<16xi1>, vector<16xi32>
        %scan3A_227 = arith.constant 59 : i32
        %scan3A_228 = arith.addi %scan3A_175, %scan3A_227 : i32
        %mul3A_229 = arith.constant 16 : i32
        %mul3A_230 = arith.muli %scan3A_228, %mul3A_229 : i32
        %get3A_231 = arith.index_cast %add3A_171 : i32 to index
        %get3A_232 = arith.index_cast %mul3A_230 : i32 to index
        %get3A_233 = tpu.vector_load %arg7[%get3A_231, %get3A_232] {strides = array<i32>} : memref<32x1000xf32, #tpu.memory_space<vmem>>, vector<16xf32>,
        %exp3A_234 = math.exp %get3A_233 : vector<16xf32>
        %gt3A_235 = arith.cmpf ogt, %get3A_233, %max3A_222 : vector<16xf32>
        %add3A_236 = arith.addf %add3A_219, %exp3A_234 : vector<16xf32>
        %mul3A_237 = arith.mulf %get3A_233, %exp3A_234 : vector<16xf32>
        %add3A_238 = arith.addf %add3A_221, %mul3A_237 : vector<16xf32>
        %max3A_239 = arith.maximumf %max3A_222, %get3A_233 : vector<16xf32>
        %mul3A_240 = arith.constant 16 : i32
        %mul3A_241 = arith.muli %scan3A_228, %mul3A_240 : i32
        %broadcast_in_dim3A_242 = vector.broadcast %mul3A_241 : i32 to vector<16xi32>
        %select_n3A_243 = arith.select %gt3A_235, %broadcast_in_dim3A_242, %select_n3A_226 : vector<16xi1>, vector<16xi32>
        %scan3A_244 = arith.constant 60 : i32
        %scan3A_245 = arith.addi %scan3A_175, %scan3A_244 : i32
        %mul3A_246 = arith.constant 16 : i32
        %mul3A_247 = arith.muli %scan3A_245, %mul3A_246 : i32
        %get3A_248 = arith.index_cast %add3A_171 : i32 to index
        %get3A_249 = arith.index_cast %mul3A_247 : i32 to index
        %get3A_250 = tpu.vector_load %arg7[%get3A_248, %get3A_249] {strides = array<i32>} : memref<32x1000xf32, #tpu.memory_space<vmem>>, vector<16xf32>,
        %exp3A_251 = math.exp %get3A_250 : vector<16xf32>
        %gt3A_252 = arith.cmpf ogt, %get3A_250, %max3A_239 : vector<16xf32>
        %add3A_253 = arith.addf %add3A_236, %exp3A_251 : vector<16xf32>
        %mul3A_254 = arith.mulf %get3A_250, %exp3A_251 : vector<16xf32>
        %add3A_255 = arith.addf %add3A_238, %mul3A_254 : vector<16xf32>
        %max3A_256 = arith.maximumf %max3A_239, %get3A_250 : vector<16xf32>
        %mul3A_257 = arith.constant 16 : i32
        %mul3A_258 = arith.muli %scan3A_245, %mul3A_257 : i32
        %broadcast_in_dim3A_259 = vector.broadcast %mul3A_258 : i32 to vector<16xi32>
        %select_n3A_260 = arith.select %gt3A_252, %broadcast_in_dim3A_259, %select_n3A_243 : vector<16xi1>, vector<16xi32>
        %scan3A_261 = arith.constant 61 : i32
        %scan3A_262 = arith.addi %scan3A_175, %scan3A_261 : i32
        %mul3A_263 = arith.constant 16 : i32
        %mul3A_264 = arith.muli %scan3A_262, %mul3A_263 : i32
        %get3A_265 = arith.index_cast %add3A_171 : i32 to index
        %get3A_266 = arith.index_cast %mul3A_264 : i32 to index
        %get3A_267 = tpu.vector_load %arg7[%get3A_265, %get3A_266] {strides = array<i32>} : memref<32x1000xf32, #tpu.memory_space<vmem>>, vector<16xf32>,
        %exp3A_268 = math.exp %get3A_267 : vector<16xf32>
        %gt3A_269 = arith.cmpf ogt, %get3A_267, %max3A_256 : vector<16xf32>
        %add3A_270 = arith.addf %add3A_253, %exp3A_268 : vector<16xf32>
        %mul3A_271 = arith.mulf %get3A_267, %exp3A_268 : vector<16xf32>
        %add3A_272 = arith.addf %add3A_255, %mul3A_271 : vector<16xf32>
        %max3A_273 = arith.maximumf %max3A_256, %get3A_267 : vector<16xf32>
        %mul3A_274 = arith.constant 16 : i32
        %mul3A_275 = arith.muli %scan3A_262, %mul3A_274 : i32
        %broadcast_in_dim3A_276 = vector.broadcast %mul3A_275 : i32 to vector<16xi32>
        %select_n3A_277 = arith.select %gt3A_269, %broadcast_in_dim3A_276, %select_n3A_260 : vector<16xi1>, vector<16xi32>
        %scan3A_278 = arith.constant 62 : i32
        %get3A_279 = arith.index_cast %add3A_171 : i32 to index
        %get3A_280 = arith.constant 984 : index
        %get3A_281 = tpu.vector_load %arg7[%get3A_279, %get3A_280] {strides = array<i32>} : memref<32x1000xf32, #tpu.memory_space<vmem>>, vector<16xf32>,
        %exp3A_282 = math.exp %get3A_281 : vector<16xf32>
        %jit3A = arith.constant 0.000000e+00 : f32
        %broadcast_in_dim3A_283 = vector.broadcast %jit3A : f32 to vector<16xf32>
        %select_n3A_284 = arith.select %ge3A_4, %exp3A_282, %broadcast_in_dim3A_283 : vector<16xi1>, vector<16xf32>
        %add3A_285 = arith.addf %add3A_270, %select_n3A_284 : vector<16xf32>
        %mul3A_286 = arith.mulf %get3A_281, %select_n3A_284 : vector<16xf32>
        %add3A_287 = arith.addf %add3A_272, %mul3A_286 : vector<16xf32>
        %broadcast_in_dim3A_288 = vector.broadcast %scan3A_107 : f32 to vector<16xf32>
        %select_n3A_289 = arith.select %ge3A_4, %get3A_281, %broadcast_in_dim3A_288 : vector<16xi1>, vector<16xf32>
        %gt3A_290 = arith.cmpf ogt, %select_n3A_289, %max3A_273 : vector<16xf32>
        %jit3A_291 = arith.constant 984 : i32
        %broadcast_in_dim3A_292 = vector.broadcast %jit3A_291 : i32 to vector<16xi32>
        %select_n3A_293 = arith.select %gt3A_290, %broadcast_in_dim3A_292, %select_n3A_277 : vector<16xi1>, vector<16xi32>
        %max3A_294 = arith.maximumf %max3A_273, %select_n3A_289 : vector<16xf32>
        %reduce_max3A = arith.constant true
        %reduce_max3A_295 = vector.broadcast %reduce_max3A : i1 to vector<16xi1>
        %reduce_max3A_296 = tpu.scan <max>, %max3A_294 masked %reduce_max3A_295 : vector<16xf32>, vector<16xi1> -> vector<16xf32>
        %reduce_max3A_297 = vector.extract %reduce_max3A_296[15] : f32 from vector<16xf32>
        %broadcast_in_dim3A_298 = vector.broadcast %reduce_max3A_297 : f32 to vector<16xf32>
        %eq3A = arith.cmpf oeq, %max3A_294, %broadcast_in_dim3A_298 : vector<16xf32>
        %add3A_299 = arith.addi %select_n3A_293, %iota3A : vector<16xi32>
        %jit3A_300 = arith.constant 1000 : i32
        %broadcast_in_dim3A_301 = vector.broadcast %jit3A_300 : i32 to vector<16xi32>
        %select_n3A_302 = arith.select %eq3A, %add3A_299, %broadcast_in_dim3A_301 : vector<16xi1>, vector<16xi32>
        %eq3A_303 = vector.broadcast %scan3A_164 : i32 to vector<16xi32>
        %eq3A_304 = arith.cmpi eq, %iota3A, %eq3A_303 : vector<16xi32>
        %reduce_sum3A = arith.constant true
        %reduce_sum3A_305 = vector.broadcast %reduce_sum3A : i1 to vector<16xi1>
        %reduce_sum3A_306 = tpu.scan <sum>, %add3A_285 masked %reduce_sum3A_305 : vector<16xf32>, vector<16xi1> -> vector<16xf32>
        %reduce_sum3A_307 = vector.extract %reduce_sum3A_306[15] : f32 from vector<16xf32>
        %broadcast_in_dim3A_308 = vector.broadcast %reduce_sum3A_307 : f32 to vector<16xf32>
        %select_n3A_309 = arith.select %eq3A_304, %broadcast_in_dim3A_308, %scan3A_165 : vector<16xi1>, vector<16xf32>
        %eq3A_310 = vector.broadcast %scan3A_164 : i32 to vector<16xi32>
        %eq3A_311 = arith.cmpi eq, %iota3A, %eq3A_310 : vector<16xi32>
        %reduce_sum3A_312 = arith.constant true
        %reduce_sum3A_313 = vector.broadcast %reduce_sum3A_312 : i1 to vector<16xi1>
        %reduce_sum3A_314 = tpu.scan <sum>, %add3A_287 masked %reduce_sum3A_313 : vector<16xf32>, vector<16xi1> -> vector<16xf32>
        %reduce_sum3A_315 = vector.extract %reduce_sum3A_314[15] : f32 from vector<16xf32>
        %broadcast_in_dim3A_316 = vector.broadcast %reduce_sum3A_315 : f32 to vector<16xf32>
        %select_n3A_317 = arith.select %eq3A_311, %broadcast_in_dim3A_316, %scan3A_166 : vector<16xi1>, vector<16xf32>
        %eq3A_318 = vector.broadcast %scan3A_164 : i32 to vector<16xi32>
        %eq3A_319 = arith.cmpi eq, %iota3A, %eq3A_318 : vector<16xi32>
        %broadcast_in_dim3A_320 = vector.broadcast %reduce_max3A_297 : f32 to vector<16xf32>
        %select_n3A_321 = arith.select %eq3A_319, %broadcast_in_dim3A_320, %scan3A_167 : vector<16xi1>, vector<16xf32>
        %eq3A_322 = vector.broadcast %scan3A_164 : i32 to vector<16xi32>
        %eq3A_323 = arith.cmpi eq, %iota3A, %eq3A_322 : vector<16xi32>
        %reduce_min3A = arith.constant true
        %reduce_min3A_324 = vector.broadcast %reduce_min3A : i1 to vector<16xi1>
        %reduce_min3A_325 = arith.constant -2147483648 : i32
        %reduce_min3A_326 = vector.broadcast %reduce_min3A_325 : i32 to vector<16xi32>
        %reduce_min3A_327 = arith.xori %select_n3A_302, %reduce_min3A_326 : vector<16xi32>
        %reduce_min3A_328 = tpu.scan <min>, %reduce_min3A_327 masked %reduce_min3A_324 : vector<16xi32>, vector<16xi1> -> vector<16xi32>
        %reduce_min3A_329 = arith.xori %reduce_min3A_328, %reduce_min3A_326 : vector<16xi32>
        %reduce_min3A_330 = vector.extract %reduce_min3A_329[15] : i32 from vector<16xi32>
        %broadcast_in_dim3A_331 = vector.broadcast %reduce_min3A_330 : i32 to vector<16xi32>
        %select_n3A_332 = arith.select %eq3A_323, %broadcast_in_dim3A_331, %scan3A_168 : vector<16xi1>, vector<16xi32>
        scf.yield %select_n3A_309, %select_n3A_317, %select_n3A_321, %select_n3A_332 : vector<16xf32>, vector<16xf32>, vector<16xf32>, vector<16xi32>
      }
      %scan3A_150 = arith.constant 16 : i32
      %mul3A_151 = arith.constant 16 : i32
      %mul3A_152 = arith.muli %scan3A_141, %mul3A_151 : i32
      %add3A_153 = arith.constant 160 : i32
      %add3A_154 = arith.addi %add3A_153, %mul3A_152 : i32
      %swap3A_155 = arith.index_cast %add3A_154 : i32 to index
      %swap3A_156 = tpu.vector_load %arg10[%swap3A_155] {strides = array<i32>} : memref<224xf32, #tpu.memory_space<vmem>>, vector<16xf32>,
      tpu.vector_store %arg10[%swap3A_155], %scan3A_149#0 {strides = array<i32>} : memref<224xf32, #tpu.memory_space<vmem>>, vector<16xf32>,
      %swap3A_157 = arith.index_cast %add3A_154 : i32 to index
      %swap3A_158 = tpu.vector_load %arg11[%swap3A_157] {strides = array<i32>} : memref<224xf32, #tpu.memory_space<vmem>>, vector<16xf32>,
      tpu.vector_store %arg11[%swap3A_157], %scan3A_149#1 {strides = array<i32>} : memref<224xf32, #tpu.memory_space<vmem>>, vector<16xf32>,
      %swap3A_159 = arith.index_cast %add3A_154 : i32 to index
      %swap3A_160 = tpu.vector_load %arg12[%swap3A_159] {strides = array<i32>} : memref<224xf32, #tpu.memory_space<vmem>>, vector<16xf32>,
      tpu.vector_store %arg12[%swap3A_159], %scan3A_149#2 {strides = array<i32>} : memref<224xf32, #tpu.memory_space<vmem>>, vector<16xf32>,
      %swap3A_161 = arith.index_cast %add3A_154 : i32 to index
      %swap3A_162 = tpu.vector_load %arg13[%swap3A_161] {strides = array<i32>} : memref<224xi32, #tpu.memory_space<vmem>>, vector<16xi32>,
      tpu.vector_store %arg13[%swap3A_161], %scan3A_149#3 {strides = array<i32>} : memref<224xi32, #tpu.memory_space<vmem>>, vector<16xi32>,
      %scan3A_163 = arith.constant 0 : i32
      scf.yield %scan3A_163 : i32
    }
    %scan3A_114 = arith.constant 2 : i32
    %dma_wait3A_115 = arith.constant 0 : i32
    %dma_wait3A_116 = tpu.memref_slice %arg2[%add3A_98, %dma_wait3A_115] : memref<16384x1000xf32, #tpu.memory_space<hbm>> -> memref<32x1000xf32, #tpu.memory_space<hbm>>
    %dma_wait3A_117 = arith.constant 0 : i32
    %dma_wait3A_118 = tpu.memref_slice %arg2[%add3A_98, %dma_wait3A_117] : memref<16384x1000xf32, #tpu.memory_space<hbm>> -> memref<32x1000xf32, #tpu.memory_space<hbm>>
    tpu.wait_dma2 semaphore(%arg8 : memref<!tpu.dma_semaphore, #tpu.memory_space<semaphore_mem>>) src(%dma_wait3A_118 : memref<32x1000xf32, #tpu.memory_space<hbm>>) dst(%arg6 : memref<32x1000xf32, #tpu.memory_space<vmem>>)
    %scan3A_119 = arith.constant 0xFF800000 : f32
    %scan3A_120 = arith.constant 0 : i32
    %scan3A_121 = arith.constant 0 : i32
    %scan3A_122 = arith.constant 2 : i32
    %scan3A_123 = arith.addi %scan3A_121, %scan3A_122 : i32
    %scan3A_124 = arith.constant 1 : i32
    %scan3A_125 = scf.for %scan3A_141 = %scan3A_121 to %scan3A_123 step %scan3A_124 iter_args(%scan3A_142 = %scan3A_120) -> (i32)  : i32 {
      %broadcast_in_dim3A_143 = arith.constant 0 : i32
      %broadcast_in_dim3A_144 = vector.broadcast %broadcast_in_dim3A_143 : i32 to vector<16xi32>
      %scan3A_145 = arith.constant 0 : i32
      %scan3A_146 = arith.constant 16 : i32
      %scan3A_147 = arith.addi %scan3A_145, %scan3A_146 : i32
      %scan3A_148 = arith.constant 1 : i32
      %scan3A_149:4 = scf.for %scan3A_164 = %scan3A_145 to %scan3A_147 step %scan3A_148 iter_args(%scan3A_165 = %broadcast_in_dim3A_5, %scan3A_166 = %broadcast_in_dim3A_5, %scan3A_167 = %broadcast_in_dim3A_5, %scan3A_168 = %broadcast_in_dim3A_144) -> (vector<16xf32>, vector<16xf32>, vector<16xf32>, vector<16xi32>)  : i32 {
        %mul3A_169 = arith.constant 16 : i32
        %mul3A_170 = arith.muli %scan3A_141, %mul3A_169 : i32
        %add3A_171 = arith.addi %mul3A_170, %scan3A_164 : i32
        %broadcast_in_dim3A_172 = arith.constant 0 : i32
        %broadcast_in_dim3A_173 = vector.broadcast %broadcast_in_dim3A_172 : i32 to vector<16xi32>
        %broadcast_in_dim3A_174 = vector.broadcast %scan3A_119 : f32 to vector<16xf32>
        %scan3A_175 = arith.constant 0 : i32
        %scan3A_176 = arith.constant 56 : i32
        %scan3A_177 = arith.addi %scan3A_175, %scan3A_176 : i32
        %scan3A_178 = arith.constant 8 : i32
        %scan3A_179:4 = scf.for %scan3A_333 = %scan3A_175 to %scan3A_177 step %scan3A_178 iter_args(%scan3A_334 = %broadcast_in_dim3A_5, %scan3A_335 = %broadcast_in_dim3A_5, %scan3A_336 = %broadcast_in_dim3A_174, %scan3A_337 = %broadcast_in_dim3A_173) -> (vector<16xf32>, vector<16xf32>, vector<16xf32>, vector<16xi32>)  : i32 {
          %mul3A_338 = arith.constant 16 : i32
          %mul3A_339 = arith.muli %scan3A_333, %mul3A_338 : i32
          %get3A_340 = arith.index_cast %add3A_171 : i32 to index
          %get3A_341 = arith.index_cast %mul3A_339 : i32 to index
          %get3A_342 = tpu.vector_load %arg6[%get3A_340, %get3A_341] {strides = array<i32>} : memref<32x1000xf32, #tpu.memory_space<vmem>>, vector<16xf32>,
          %exp3A_343 = math.exp %get3A_342 : vector<16xf32>
          %gt3A_344 = arith.cmpf ogt, %get3A_342, %scan3A_336 : vector<16xf32>
          %add3A_345 = arith.addf %scan3A_334, %exp3A_343 : vector<16xf32>
          %mul3A_346 = arith.mulf %get3A_342, %exp3A_343 : vector<16xf32>
          %add3A_347 = arith.addf %scan3A_335, %mul3A_346 : vector<16xf32>
          %max3A_348 = arith.maximumf %scan3A_336, %get3A_342 : vector<16xf32>
          %mul3A_349 = arith.constant 16 : i32
          %mul3A_350 = arith.muli %scan3A_333, %mul3A_349 : i32
          %broadcast_in_dim3A_351 = vector.broadcast %mul3A_350 : i32 to vector<16xi32>
          %select_n3A_352 = arith.select %gt3A_344, %broadcast_in_dim3A_351, %scan3A_337 : vector<16xi1>, vector<16xi32>
          %scan3A_353 = arith.constant 1 : i32
          %scan3A_354 = arith.addi %scan3A_333, %scan3A_353 : i32
          %mul3A_355 = arith.constant 16 : i32
          %mul3A_356 = arith.muli %scan3A_354, %mul3A_355 : i32
          %get3A_357 = arith.index_cast %add3A_171 : i32 to index
          %get3A_358 = arith.index_cast %mul3A_356 : i32 to index
          %get3A_359 = tpu.vector_load %arg6[%get3A_357, %get3A_358] {strides = array<i32>} : memref<32x1000xf32, #tpu.memory_space<vmem>>, vector<16xf32>,
          %exp3A_360 = math.exp %get3A_359 : vector<16xf32>
          %gt3A_361 = arith.cmpf ogt, %get3A_359, %max3A_348 : vector<16xf32>
          %add3A_362 = arith.addf %add3A_345, %exp3A_360 : vector<16xf32>
          %mul3A_363 = arith.mulf %get3A_359, %exp3A_360 : vector<16xf32>
          %add3A_364 = arith.addf %add3A_347, %mul3A_363 : vector<16xf32>
          %max3A_365 = arith.maximumf %max3A_348, %get3A_359 : vector<16xf32>
          %mul3A_366 = arith.constant 16 : i32
          %mul3A_367 = arith.muli %scan3A_354, %mul3A_366 : i32
          %broadcast_in_dim3A_368 = vector.broadcast %mul3A_367 : i32 to vector<16xi32>
          %select_n3A_369 = arith.select %gt3A_361, %broadcast_in_dim3A_368, %select_n3A_352 : vector<16xi1>, vector<16xi32>
          %scan3A_370 = arith.constant 2 : i32
          %scan3A_371 = arith.addi %scan3A_333, %scan3A_370 : i32
          %mul3A_372 = arith.constant 16 : i32
          %mul3A_373 = arith.muli %scan3A_371, %mul3A_372 : i32
          %get3A_374 = arith.index_cast %add3A_171 : i32 to index
          %get3A_375 = arith.index_cast %mul3A_373 : i32 to index
          %get3A_376 = tpu.vector_load %arg6[%get3A_374, %get3A_375] {strides = array<i32>} : memref<32x1000xf32, #tpu.memory_space<vmem>>, vector<16xf32>,
          %exp3A_377 = math.exp %get3A_376 : vector<16xf32>
          %gt3A_378 = arith.cmpf ogt, %get3A_376, %max3A_365 : vector<16xf32>
          %add3A_379 = arith.addf %add3A_362, %exp3A_377 : vector<16xf32>
          %mul3A_380 = arith.mulf %get3A_376, %exp3A_377 : vector<16xf32>
          %add3A_381 = arith.addf %add3A_364, %mul3A_380 : vector<16xf32>
          %max3A_382 = arith.maximumf %max3A_365, %get3A_376 : vector<16xf32>
          %mul3A_383 = arith.constant 16 : i32
          %mul3A_384 = arith.muli %scan3A_371, %mul3A_383 : i32
          %broadcast_in_dim3A_385 = vector.broadcast %mul3A_384 : i32 to vector<16xi32>
          %select_n3A_386 = arith.select %gt3A_378, %broadcast_in_dim3A_385, %select_n3A_369 : vector<16xi1>, vector<16xi32>
          %scan3A_387 = arith.constant 3 : i32
          %scan3A_388 = arith.addi %scan3A_333, %scan3A_387 : i32
          %mul3A_389 = arith.constant 16 : i32
          %mul3A_390 = arith.muli %scan3A_388, %mul3A_389 : i32
          %get3A_391 = arith.index_cast %add3A_171 : i32 to index
          %get3A_392 = arith.index_cast %mul3A_390 : i32 to index
          %get3A_393 = tpu.vector_load %arg6[%get3A_391, %get3A_392] {strides = array<i32>} : memref<32x1000xf32, #tpu.memory_space<vmem>>, vector<16xf32>,
          %exp3A_394 = math.exp %get3A_393 : vector<16xf32>
          %gt3A_395 = arith.cmpf ogt, %get3A_393, %max3A_382 : vector<16xf32>
          %add3A_396 = arith.addf %add3A_379, %exp3A_394 : vector<16xf32>
          %mul3A_397 = arith.mulf %get3A_393, %exp3A_394 : vector<16xf32>
          %add3A_398 = arith.addf %add3A_381, %mul3A_397 : vector<16xf32>
          %max3A_399 = arith.maximumf %max3A_382, %get3A_393 : vector<16xf32>
          %mul3A_400 = arith.constant 16 : i32
          %mul3A_401 = arith.muli %scan3A_388, %mul3A_400 : i32
          %broadcast_in_dim3A_402 = vector.broadcast %mul3A_401 : i32 to vector<16xi32>
          %select_n3A_403 = arith.select %gt3A_395, %broadcast_in_dim3A_402, %select_n3A_386 : vector<16xi1>, vector<16xi32>
          %scan3A_404 = arith.constant 4 : i32
          %scan3A_405 = arith.addi %scan3A_333, %scan3A_404 : i32
          %mul3A_406 = arith.constant 16 : i32
          %mul3A_407 = arith.muli %scan3A_405, %mul3A_406 : i32
          %get3A_408 = arith.index_cast %add3A_171 : i32 to index
          %get3A_409 = arith.index_cast %mul3A_407 : i32 to index
          %get3A_410 = tpu.vector_load %arg6[%get3A_408, %get3A_409] {strides = array<i32>} : memref<32x1000xf32, #tpu.memory_space<vmem>>, vector<16xf32>,
          %exp3A_411 = math.exp %get3A_410 : vector<16xf32>
          %gt3A_412 = arith.cmpf ogt, %get3A_410, %max3A_399 : vector<16xf32>
          %add3A_413 = arith.addf %add3A_396, %exp3A_411 : vector<16xf32>
          %mul3A_414 = arith.mulf %get3A_410, %exp3A_411 : vector<16xf32>
          %add3A_415 = arith.addf %add3A_398, %mul3A_414 : vector<16xf32>
          %max3A_416 = arith.maximumf %max3A_399, %get3A_410 : vector<16xf32>
          %mul3A_417 = arith.constant 16 : i32
          %mul3A_418 = arith.muli %scan3A_405, %mul3A_417 : i32
          %broadcast_in_dim3A_419 = vector.broadcast %mul3A_418 : i32 to vector<16xi32>
          %select_n3A_420 = arith.select %gt3A_412, %broadcast_in_dim3A_419, %select_n3A_403 : vector<16xi1>, vector<16xi32>
          %scan3A_421 = arith.constant 5 : i32
          %scan3A_422 = arith.addi %scan3A_333, %scan3A_421 : i32
          %mul3A_423 = arith.constant 16 : i32
          %mul3A_424 = arith.muli %scan3A_422, %mul3A_423 : i32
          %get3A_425 = arith.index_cast %add3A_171 : i32 to index
          %get3A_426 = arith.index_cast %mul3A_424 : i32 to index
          %get3A_427 = tpu.vector_load %arg6[%get3A_425, %get3A_426] {strides = array<i32>} : memref<32x1000xf32, #tpu.memory_space<vmem>>, vector<16xf32>,
          %exp3A_428 = math.exp %get3A_427 : vector<16xf32>
          %gt3A_429 = arith.cmpf ogt, %get3A_427, %max3A_416 : vector<16xf32>
          %add3A_430 = arith.addf %add3A_413, %exp3A_428 : vector<16xf32>
          %mul3A_431 = arith.mulf %get3A_427, %exp3A_428 : vector<16xf32>
          %add3A_432 = arith.addf %add3A_415, %mul3A_431 : vector<16xf32>
          %max3A_433 = arith.maximumf %max3A_416, %get3A_427 : vector<16xf32>
          %mul3A_434 = arith.constant 16 : i32
          %mul3A_435 = arith.muli %scan3A_422, %mul3A_434 : i32
          %broadcast_in_dim3A_436 = vector.broadcast %mul3A_435 : i32 to vector<16xi32>
          %select_n3A_437 = arith.select %gt3A_429, %broadcast_in_dim3A_436, %select_n3A_420 : vector<16xi1>, vector<16xi32>
          %scan3A_438 = arith.constant 6 : i32
          %scan3A_439 = arith.addi %scan3A_333, %scan3A_438 : i32
          %mul3A_440 = arith.constant 16 : i32
          %mul3A_441 = arith.muli %scan3A_439, %mul3A_440 : i32
          %get3A_442 = arith.index_cast %add3A_171 : i32 to index
          %get3A_443 = arith.index_cast %mul3A_441 : i32 to index
          %get3A_444 = tpu.vector_load %arg6[%get3A_442, %get3A_443] {strides = array<i32>} : memref<32x1000xf32, #tpu.memory_space<vmem>>, vector<16xf32>,
          %exp3A_445 = math.exp %get3A_444 : vector<16xf32>
          %gt3A_446 = arith.cmpf ogt, %get3A_444, %max3A_433 : vector<16xf32>
          %add3A_447 = arith.addf %add3A_430, %exp3A_445 : vector<16xf32>
          %mul3A_448 = arith.mulf %get3A_444, %exp3A_445 : vector<16xf32>
          %add3A_449 = arith.addf %add3A_432, %mul3A_448 : vector<16xf32>
          %max3A_450 = arith.maximumf %max3A_433, %get3A_444 : vector<16xf32>
          %mul3A_451 = arith.constant 16 : i32
          %mul3A_452 = arith.muli %scan3A_439, %mul3A_451 : i32
          %broadcast_in_dim3A_453 = vector.broadcast %mul3A_452 : i32 to vector<16xi32>
          %select_n3A_454 = arith.select %gt3A_446, %broadcast_in_dim3A_453, %select_n3A_437 : vector<16xi1>, vector<16xi32>
          %scan3A_455 = arith.constant 7 : i32
          %scan3A_456 = arith.addi %scan3A_333, %scan3A_455 : i32
          %mul3A_457 = arith.constant 16 : i32
          %mul3A_458 = arith.muli %scan3A_456, %mul3A_457 : i32
          %get3A_459 = arith.index_cast %add3A_171 : i32 to index
          %get3A_460 = arith.index_cast %mul3A_458 : i32 to index
          %get3A_461 = tpu.vector_load %arg6[%get3A_459, %get3A_460] {strides = array<i32>} : memref<32x1000xf32, #tpu.memory_space<vmem>>, vector<16xf32>,
          %exp3A_462 = math.exp %get3A_461 : vector<16xf32>
          %gt3A_463 = arith.cmpf ogt, %get3A_461, %max3A_450 : vector<16xf32>
          %add3A_464 = arith.addf %add3A_447, %exp3A_462 : vector<16xf32>
          %mul3A_465 = arith.mulf %get3A_461, %exp3A_462 : vector<16xf32>
          %add3A_466 = arith.addf %add3A_449, %mul3A_465 : vector<16xf32>
          %max3A_467 = arith.maximumf %max3A_450, %get3A_461 : vector<16xf32>
          %mul3A_468 = arith.constant 16 : i32
          %mul3A_469 = arith.muli %scan3A_456, %mul3A_468 : i32
          %broadcast_in_dim3A_470 = vector.broadcast %mul3A_469 : i32 to vector<16xi32>
          %select_n3A_471 = arith.select %gt3A_463, %broadcast_in_dim3A_470, %select_n3A_454 : vector<16xi1>, vector<16xi32>
          scf.yield %add3A_464, %add3A_466, %max3A_467, %select_n3A_471 : vector<16xf32>, vector<16xf32>, vector<16xf32>, vector<16xi32>
        }
        %scan3A_180 = arith.constant 56 : i32
        %scan3A_181 = arith.addi %scan3A_175, %scan3A_180 : i32
        %mul3A_182 = arith.constant 16 : i32
        %mul3A_183 = arith.muli %scan3A_181, %mul3A_182 : i32
        %get3A_184 = arith.index_cast %add3A_171 : i32 to index
        %get3A_185 = arith.index_cast %mul3A_183 : i32 to index
        %get3A_186 = tpu.vector_load %arg6[%get3A_184, %get3A_185] {strides = array<i32>} : memref<32x1000xf32, #tpu.memory_space<vmem>>, vector<16xf32>,
        %exp3A = math.exp %get3A_186 : vector<16xf32>
        %gt3A = arith.cmpf ogt, %get3A_186, %scan3A_179#2 : vector<16xf32>
        %add3A_187 = arith.addf %scan3A_179#0, %exp3A : vector<16xf32>
        %mul3A_188 = arith.mulf %get3A_186, %exp3A : vector<16xf32>
        %add3A_189 = arith.addf %scan3A_179#1, %mul3A_188 : vector<16xf32>
        %max3A = arith.maximumf %scan3A_179#2, %get3A_186 : vector<16xf32>
        %mul3A_190 = arith.constant 16 : i32
        %mul3A_191 = arith.muli %scan3A_181, %mul3A_190 : i32
        %broadcast_in_dim3A_192 = vector.broadcast %mul3A_191 : i32 to vector<16xi32>
        %select_n3A = arith.select %gt3A, %broadcast_in_dim3A_192, %scan3A_179#3 : vector<16xi1>, vector<16xi32>
        %scan3A_193 = arith.constant 57 : i32
        %scan3A_194 = arith.addi %scan3A_175, %scan3A_193 : i32
        %mul3A_195 = arith.constant 16 : i32
        %mul3A_196 = arith.muli %scan3A_194, %mul3A_195 : i32
        %get3A_197 = arith.index_cast %add3A_171 : i32 to index
        %get3A_198 = arith.index_cast %mul3A_196 : i32 to index
        %get3A_199 = tpu.vector_load %arg6[%get3A_197, %get3A_198] {strides = array<i32>} : memref<32x1000xf32, #tpu.memory_space<vmem>>, vector<16xf32>,
        %exp3A_200 = math.exp %get3A_199 : vector<16xf32>
        %gt3A_201 = arith.cmpf ogt, %get3A_199, %max3A : vector<16xf32>
        %add3A_202 = arith.addf %add3A_187, %exp3A_200 : vector<16xf32>
        %mul3A_203 = arith.mulf %get3A_199, %exp3A_200 : vector<16xf32>
        %add3A_204 = arith.addf %add3A_189, %mul3A_203 : vector<16xf32>
        %max3A_205 = arith.maximumf %max3A, %get3A_199 : vector<16xf32>
        %mul3A_206 = arith.constant 16 : i32
        %mul3A_207 = arith.muli %scan3A_194, %mul3A_206 : i32
        %broadcast_in_dim3A_208 = vector.broadcast %mul3A_207 : i32 to vector<16xi32>
        %select_n3A_209 = arith.select %gt3A_201, %broadcast_in_dim3A_208, %select_n3A : vector<16xi1>, vector<16xi32>
        %scan3A_210 = arith.constant 58 : i32
        %scan3A_211 = arith.addi %scan3A_175, %scan3A_210 : i32
        %mul3A_212 = arith.constant 16 : i32
        %mul3A_213 = arith.muli %scan3A_211, %mul3A_212 : i32
        %get3A_214 = arith.index_cast %add3A_171 : i32 to index
        %get3A_215 = arith.index_cast %mul3A_213 : i32 to index
        %get3A_216 = tpu.vector_load %arg6[%get3A_214, %get3A_215] {strides = array<i32>} : memref<32x1000xf32, #tpu.memory_space<vmem>>, vector<16xf32>,
        %exp3A_217 = math.exp %get3A_216 : vector<16xf32>
        %gt3A_218 = arith.cmpf ogt, %get3A_216, %max3A_205 : vector<16xf32>
        %add3A_219 = arith.addf %add3A_202, %exp3A_217 : vector<16xf32>
        %mul3A_220 = arith.mulf %get3A_216, %exp3A_217 : vector<16xf32>
        %add3A_221 = arith.addf %add3A_204, %mul3A_220 : vector<16xf32>
        %max3A_222 = arith.maximumf %max3A_205, %get3A_216 : vector<16xf32>
        %mul3A_223 = arith.constant 16 : i32
        %mul3A_224 = arith.muli %scan3A_211, %mul3A_223 : i32
        %broadcast_in_dim3A_225 = vector.broadcast %mul3A_224 : i32 to vector<16xi32>
        %select_n3A_226 = arith.select %gt3A_218, %broadcast_in_dim3A_225, %select_n3A_209 : vector<16xi1>, vector<16xi32>
        %scan3A_227 = arith.constant 59 : i32
        %scan3A_228 = arith.addi %scan3A_175, %scan3A_227 : i32
        %mul3A_229 = arith.constant 16 : i32
        %mul3A_230 = arith.muli %scan3A_228, %mul3A_229 : i32
        %get3A_231 = arith.index_cast %add3A_171 : i32 to index
        %get3A_232 = arith.index_cast %mul3A_230 : i32 to index
        %get3A_233 = tpu.vector_load %arg6[%get3A_231, %get3A_232] {strides = array<i32>} : memref<32x1000xf32, #tpu.memory_space<vmem>>, vector<16xf32>,
        %exp3A_234 = math.exp %get3A_233 : vector<16xf32>
        %gt3A_235 = arith.cmpf ogt, %get3A_233, %max3A_222 : vector<16xf32>
        %add3A_236 = arith.addf %add3A_219, %exp3A_234 : vector<16xf32>
        %mul3A_237 = arith.mulf %get3A_233, %exp3A_234 : vector<16xf32>
        %add3A_238 = arith.addf %add3A_221, %mul3A_237 : vector<16xf32>
        %max3A_239 = arith.maximumf %max3A_222, %get3A_233 : vector<16xf32>
        %mul3A_240 = arith.constant 16 : i32
        %mul3A_241 = arith.muli %scan3A_228, %mul3A_240 : i32
        %broadcast_in_dim3A_242 = vector.broadcast %mul3A_241 : i32 to vector<16xi32>
        %select_n3A_243 = arith.select %gt3A_235, %broadcast_in_dim3A_242, %select_n3A_226 : vector<16xi1>, vector<16xi32>
        %scan3A_244 = arith.constant 60 : i32
        %scan3A_245 = arith.addi %scan3A_175, %scan3A_244 : i32
        %mul3A_246 = arith.constant 16 : i32
        %mul3A_247 = arith.muli %scan3A_245, %mul3A_246 : i32
        %get3A_248 = arith.index_cast %add3A_171 : i32 to index
        %get3A_249 = arith.index_cast %mul3A_247 : i32 to index
        %get3A_250 = tpu.vector_load %arg6[%get3A_248, %get3A_249] {strides = array<i32>} : memref<32x1000xf32, #tpu.memory_space<vmem>>, vector<16xf32>,
        %exp3A_251 = math.exp %get3A_250 : vector<16xf32>
        %gt3A_252 = arith.cmpf ogt, %get3A_250, %max3A_239 : vector<16xf32>
        %add3A_253 = arith.addf %add3A_236, %exp3A_251 : vector<16xf32>
        %mul3A_254 = arith.mulf %get3A_250, %exp3A_251 : vector<16xf32>
        %add3A_255 = arith.addf %add3A_238, %mul3A_254 : vector<16xf32>
        %max3A_256 = arith.maximumf %max3A_239, %get3A_250 : vector<16xf32>
        %mul3A_257 = arith.constant 16 : i32
        %mul3A_258 = arith.muli %scan3A_245, %mul3A_257 : i32
        %broadcast_in_dim3A_259 = vector.broadcast %mul3A_258 : i32 to vector<16xi32>
        %select_n3A_260 = arith.select %gt3A_252, %broadcast_in_dim3A_259, %select_n3A_243 : vector<16xi1>, vector<16xi32>
        %scan3A_261 = arith.constant 61 : i32
        %scan3A_262 = arith.addi %scan3A_175, %scan3A_261 : i32
        %mul3A_263 = arith.constant 16 : i32
        %mul3A_264 = arith.muli %scan3A_262, %mul3A_263 : i32
        %get3A_265 = arith.index_cast %add3A_171 : i32 to index
        %get3A_266 = arith.index_cast %mul3A_264 : i32 to index
        %get3A_267 = tpu.vector_load %arg6[%get3A_265, %get3A_266] {strides = array<i32>} : memref<32x1000xf32, #tpu.memory_space<vmem>>, vector<16xf32>,
        %exp3A_268 = math.exp %get3A_267 : vector<16xf32>
        %gt3A_269 = arith.cmpf ogt, %get3A_267, %max3A_256 : vector<16xf32>
        %add3A_270 = arith.addf %add3A_253, %exp3A_268 : vector<16xf32>
        %mul3A_271 = arith.mulf %get3A_267, %exp3A_268 : vector<16xf32>
        %add3A_272 = arith.addf %add3A_255, %mul3A_271 : vector<16xf32>
        %max3A_273 = arith.maximumf %max3A_256, %get3A_267 : vector<16xf32>
        %mul3A_274 = arith.constant 16 : i32
        %mul3A_275 = arith.muli %scan3A_262, %mul3A_274 : i32
        %broadcast_in_dim3A_276 = vector.broadcast %mul3A_275 : i32 to vector<16xi32>
        %select_n3A_277 = arith.select %gt3A_269, %broadcast_in_dim3A_276, %select_n3A_260 : vector<16xi1>, vector<16xi32>
        %scan3A_278 = arith.constant 62 : i32
        %get3A_279 = arith.index_cast %add3A_171 : i32 to index
        %get3A_280 = arith.constant 984 : index
        %get3A_281 = tpu.vector_load %arg6[%get3A_279, %get3A_280] {strides = array<i32>} : memref<32x1000xf32, #tpu.memory_space<vmem>>, vector<16xf32>,
        %exp3A_282 = math.exp %get3A_281 : vector<16xf32>
        %jit3A = arith.constant 0.000000e+00 : f32
        %broadcast_in_dim3A_283 = vector.broadcast %jit3A : f32 to vector<16xf32>
        %select_n3A_284 = arith.select %ge3A_4, %exp3A_282, %broadcast_in_dim3A_283 : vector<16xi1>, vector<16xf32>
        %add3A_285 = arith.addf %add3A_270, %select_n3A_284 : vector<16xf32>
        %mul3A_286 = arith.mulf %get3A_281, %select_n3A_284 : vector<16xf32>
        %add3A_287 = arith.addf %add3A_272, %mul3A_286 : vector<16xf32>
        %broadcast_in_dim3A_288 = vector.broadcast %scan3A_119 : f32 to vector<16xf32>
        %select_n3A_289 = arith.select %ge3A_4, %get3A_281, %broadcast_in_dim3A_288 : vector<16xi1>, vector<16xf32>
        %gt3A_290 = arith.cmpf ogt, %select_n3A_289, %max3A_273 : vector<16xf32>
        %jit3A_291 = arith.constant 984 : i32
        %broadcast_in_dim3A_292 = vector.broadcast %jit3A_291 : i32 to vector<16xi32>
        %select_n3A_293 = arith.select %gt3A_290, %broadcast_in_dim3A_292, %select_n3A_277 : vector<16xi1>, vector<16xi32>
        %max3A_294 = arith.maximumf %max3A_273, %select_n3A_289 : vector<16xf32>
        %reduce_max3A = arith.constant true
        %reduce_max3A_295 = vector.broadcast %reduce_max3A : i1 to vector<16xi1>
        %reduce_max3A_296 = tpu.scan <max>, %max3A_294 masked %reduce_max3A_295 : vector<16xf32>, vector<16xi1> -> vector<16xf32>
        %reduce_max3A_297 = vector.extract %reduce_max3A_296[15] : f32 from vector<16xf32>
        %broadcast_in_dim3A_298 = vector.broadcast %reduce_max3A_297 : f32 to vector<16xf32>
        %eq3A = arith.cmpf oeq, %max3A_294, %broadcast_in_dim3A_298 : vector<16xf32>
        %add3A_299 = arith.addi %select_n3A_293, %iota3A : vector<16xi32>
        %jit3A_300 = arith.constant 1000 : i32
        %broadcast_in_dim3A_301 = vector.broadcast %jit3A_300 : i32 to vector<16xi32>
        %select_n3A_302 = arith.select %eq3A, %add3A_299, %broadcast_in_dim3A_301 : vector<16xi1>, vector<16xi32>
        %eq3A_303 = vector.broadcast %scan3A_164 : i32 to vector<16xi32>
        %eq3A_304 = arith.cmpi eq, %iota3A, %eq3A_303 : vector<16xi32>
        %reduce_sum3A = arith.constant true
        %reduce_sum3A_305 = vector.broadcast %reduce_sum3A : i1 to vector<16xi1>
        %reduce_sum3A_306 = tpu.scan <sum>, %add3A_285 masked %reduce_sum3A_305 : vector<16xf32>, vector<16xi1> -> vector<16xf32>
        %reduce_sum3A_307 = vector.extract %reduce_sum3A_306[15] : f32 from vector<16xf32>
        %broadcast_in_dim3A_308 = vector.broadcast %reduce_sum3A_307 : f32 to vector<16xf32>
        %select_n3A_309 = arith.select %eq3A_304, %broadcast_in_dim3A_308, %scan3A_165 : vector<16xi1>, vector<16xf32>
        %eq3A_310 = vector.broadcast %scan3A_164 : i32 to vector<16xi32>
        %eq3A_311 = arith.cmpi eq, %iota3A, %eq3A_310 : vector<16xi32>
        %reduce_sum3A_312 = arith.constant true
        %reduce_sum3A_313 = vector.broadcast %reduce_sum3A_312 : i1 to vector<16xi1>
        %reduce_sum3A_314 = tpu.scan <sum>, %add3A_287 masked %reduce_sum3A_313 : vector<16xf32>, vector<16xi1> -> vector<16xf32>
        %reduce_sum3A_315 = vector.extract %reduce_sum3A_314[15] : f32 from vector<16xf32>
        %broadcast_in_dim3A_316 = vector.broadcast %reduce_sum3A_315 : f32 to vector<16xf32>
        %select_n3A_317 = arith.select %eq3A_311, %broadcast_in_dim3A_316, %scan3A_166 : vector<16xi1>, vector<16xf32>
        %eq3A_318 = vector.broadcast %scan3A_164 : i32 to vector<16xi32>
        %eq3A_319 = arith.cmpi eq, %iota3A, %eq3A_318 : vector<16xi32>
        %broadcast_in_dim3A_320 = vector.broadcast %reduce_max3A_297 : f32 to vector<16xf32>
        %select_n3A_321 = arith.select %eq3A_319, %broadcast_in_dim3A_320, %scan3A_167 : vector<16xi1>, vector<16xf32>
        %eq3A_322 = vector.broadcast %scan3A_164 : i32 to vector<16xi32>
        %eq3A_323 = arith.cmpi eq, %iota3A, %eq3A_322 : vector<16xi32>
        %reduce_min3A = arith.constant true
        %reduce_min3A_324 = vector.broadcast %reduce_min3A : i1 to vector<16xi1>
        %reduce_min3A_325 = arith.constant -2147483648 : i32
        %reduce_min3A_326 = vector.broadcast %reduce_min3A_325 : i32 to vector<16xi32>
        %reduce_min3A_327 = arith.xori %select_n3A_302, %reduce_min3A_326 : vector<16xi32>
        %reduce_min3A_328 = tpu.scan <min>, %reduce_min3A_327 masked %reduce_min3A_324 : vector<16xi32>, vector<16xi1> -> vector<16xi32>
        %reduce_min3A_329 = arith.xori %reduce_min3A_328, %reduce_min3A_326 : vector<16xi32>
        %reduce_min3A_330 = vector.extract %reduce_min3A_329[15] : i32 from vector<16xi32>
        %broadcast_in_dim3A_331 = vector.broadcast %reduce_min3A_330 : i32 to vector<16xi32>
        %select_n3A_332 = arith.select %eq3A_323, %broadcast_in_dim3A_331, %scan3A_168 : vector<16xi1>, vector<16xi32>
        scf.yield %select_n3A_309, %select_n3A_317, %select_n3A_321, %select_n3A_332 : vector<16xf32>, vector<16xf32>, vector<16xf32>, vector<16xi32>
      }
      %scan3A_150 = arith.constant 16 : i32
      %mul3A_151 = arith.constant 16 : i32
      %mul3A_152 = arith.muli %scan3A_141, %mul3A_151 : i32
      %add3A_153 = arith.constant 192 : i32
      %add3A_154 = arith.addi %add3A_153, %mul3A_152 : i32
      %swap3A_155 = arith.index_cast %add3A_154 : i32 to index
      %swap3A_156 = tpu.vector_load %arg10[%swap3A_155] {strides = array<i32>} : memref<224xf32, #tpu.memory_space<vmem>>, vector<16xf32>,
      tpu.vector_store %arg10[%swap3A_155], %scan3A_149#0 {strides = array<i32>} : memref<224xf32, #tpu.memory_space<vmem>>, vector<16xf32>,
      %swap3A_157 = arith.index_cast %add3A_154 : i32 to index
      %swap3A_158 = tpu.vector_load %arg11[%swap3A_157] {strides = array<i32>} : memref<224xf32, #tpu.memory_space<vmem>>, vector<16xf32>,
      tpu.vector_store %arg11[%swap3A_157], %scan3A_149#1 {strides = array<i32>} : memref<224xf32, #tpu.memory_space<vmem>>, vector<16xf32>,
      %swap3A_159 = arith.index_cast %add3A_154 : i32 to index
      %swap3A_160 = tpu.vector_load %arg12[%swap3A_159] {strides = array<i32>} : memref<224xf32, #tpu.memory_space<vmem>>, vector<16xf32>,
      tpu.vector_store %arg12[%swap3A_159], %scan3A_149#2 {strides = array<i32>} : memref<224xf32, #tpu.memory_space<vmem>>, vector<16xf32>,
      %swap3A_161 = arith.index_cast %add3A_154 : i32 to index
      %swap3A_162 = tpu.vector_load %arg13[%swap3A_161] {strides = array<i32>} : memref<224xi32, #tpu.memory_space<vmem>>, vector<16xi32>,
      tpu.vector_store %arg13[%swap3A_161], %scan3A_149#3 {strides = array<i32>} : memref<224xi32, #tpu.memory_space<vmem>>, vector<16xi32>,
      %scan3A_163 = arith.constant 0 : i32
      scf.yield %scan3A_163 : i32
    }
    %scan3A_126 = arith.constant 2 : i32
    %get3A = arith.constant 0 : index
    %get3A_127 = tpu.vector_load %arg15[%get3A] {strides = array<i32>} : memref<16xf32, #tpu.memory_space<vmem>>, vector<16xf32>,
    %scan3A_128 = arith.constant 0 : i32
    %scan3A_129 = arith.constant 14 : i32
    %scan3A_130 = arith.addi %scan3A_128, %scan3A_129 : i32
    %scan3A_131 = arith.constant 1 : i32
    %scan3A_132:4 = scf.for %scan3A_141 = %scan3A_128 to %scan3A_130 step %scan3A_131 iter_args(%scan3A_142 = %broadcast_in_dim3A_5, %scan3A_143 = %broadcast_in_dim3A_5, %scan3A_144 = %broadcast_in_dim3A_5, %scan3A_145 = %broadcast_in_dim3A_5) -> (vector<16xf32>, vector<16xf32>, vector<16xf32>, vector<16xf32>)  : i32 {
      %mul3A_146 = arith.constant 16 : i32
      %mul3A_147 = arith.muli %scan3A_141, %mul3A_146 : i32
      %get3A_148 = arith.index_cast %mul3A_147 : i32 to index
      %get3A_149 = tpu.vector_load %arg10[%get3A_148] {strides = array<i32>} : memref<224xf32, #tpu.memory_space<vmem>>, vector<16xf32>,
      %mul3A_150 = arith.constant 16 : i32
      %mul3A_151 = arith.muli %scan3A_141, %mul3A_150 : i32
      %get3A_152 = arith.index_cast %mul3A_151 : i32 to index
      %get3A_153 = tpu.vector_load %arg11[%get3A_152] {strides = array<i32>} : memref<224xf32, #tpu.memory_space<vmem>>, vector<16xf32>,
      %mul3A_154 = arith.constant 16 : i32
      %mul3A_155 = arith.muli %scan3A_141, %mul3A_154 : i32
      %get3A_156 = arith.index_cast %mul3A_155 : i32 to index
      %get3A_157 = tpu.vector_load %arg12[%get3A_156] {strides = array<i32>} : memref<224xf32, #tpu.memory_space<vmem>>, vector<16xf32>,
      %mul3A_158 = arith.constant 16 : i32
      %mul3A_159 = arith.muli %scan3A_141, %mul3A_158 : i32
      %get3A_160 = arith.index_cast %mul3A_159 : i32 to index
      %get3A_161 = tpu.vector_load %arg13[%get3A_160] {strides = array<i32>} : memref<224xi32, #tpu.memory_space<vmem>>, vector<16xi32>,
      %mul3A_162 = arith.constant 16 : i32
      %mul3A_163 = arith.muli %scan3A_141, %mul3A_162 : i32
      %get3A_164 = arith.index_cast %mul3A_163 : i32 to index
      %get3A_165 = tpu.vector_load %arg14[%get3A_164] {strides = array<i32>} : memref<224xi32, #tpu.memory_space<vmem>>, vector<16xi32>,
      %exp3A = math.exp %get3A_157 : vector<16xf32>
      %div3A = arith.divf %exp3A, %get3A_149 : vector<16xf32>
      %bitcast3A = vector.bitcast %get3A_149 : vector<16xf32> to vector<16xi32>
      %convert_element_type3A = arith.sitofp %bitcast3A : vector<16xi32> to vector<16xf32>
      %mul3A_166 = arith.constant 8.26295832E-8 : f32
      %mul3A_167 = vector.broadcast %mul3A_166 : f32 to vector<16xf32>
      %mul3A_168 = arith.mulf %convert_element_type3A, %mul3A_167 : vector<16xf32>
      %sub3A = arith.constant 88.0296936 : f32
      %sub3A_169 = vector.broadcast %sub3A : f32 to vector<16xf32>
      %sub3A_170 = arith.subf %mul3A_168, %sub3A_169 : vector<16xf32>
      %sub3A_171 = arith.constant 1.000000e+00 : f32
      %sub3A_172 = vector.broadcast %sub3A_171 : f32 to vector<16xf32>
      %sub3A_173 = arith.subf %sub3A_170, %sub3A_172 : vector<16xf32>
      %neg3A = arith.constant 0.000000e+00 : f32
      %neg3A_174 = vector.broadcast %neg3A : f32 to vector<16xf32>
      %neg3A_175 = arith.subf %neg3A_174, %sub3A_170 : vector<16xf32>
      %exp3A_176 = math.exp %neg3A_175 : vector<16xf32>
      %mul3A_177 = arith.mulf %get3A_149, %exp3A_176 : vector<16xf32>
      %add3A_178 = arith.addf %sub3A_173, %mul3A_177 : vector<16xf32>
      %sub3A_179 = arith.constant 1.000000e+00 : f32
      %sub3A_180 = vector.broadcast %sub3A_179 : f32 to vector<16xf32>
      %sub3A_181 = arith.subf %add3A_178, %sub3A_180 : vector<16xf32>
      %neg3A_182 = arith.constant 0.000000e+00 : f32
      %neg3A_183 = vector.broadcast %neg3A_182 : f32 to vector<16xf32>
      %neg3A_184 = arith.subf %neg3A_183, %add3A_178 : vector<16xf32>
      %exp3A_185 = math.exp %neg3A_184 : vector<16xf32>
      %mul3A_186 = arith.mulf %get3A_149, %exp3A_185 : vector<16xf32>
      %add3A_187 = arith.addf %sub3A_181, %mul3A_186 : vector<16xf32>
      %sub3A_188 = arith.constant 1.000000e+00 : f32
      %sub3A_189 = vector.broadcast %sub3A_188 : f32 to vector<16xf32>
      %sub3A_190 = arith.subf %add3A_187, %sub3A_189 : vector<16xf32>
      %neg3A_191 = arith.constant 0.000000e+00 : f32
      %neg3A_192 = vector.broadcast %neg3A_191 : f32 to vector<16xf32>
      %neg3A_193 = arith.subf %neg3A_192, %add3A_187 : vector<16xf32>
      %exp3A_194 = math.exp %neg3A_193 : vector<16xf32>
      %mul3A_195 = arith.mulf %get3A_149, %exp3A_194 : vector<16xf32>
      %add3A_196 = arith.addf %sub3A_190, %mul3A_195 : vector<16xf32>
      %div3A_197 = arith.divf %get3A_153, %get3A_149 : vector<16xf32>
      %sub3A_198 = arith.subf %add3A_196, %div3A_197 : vector<16xf32>
      %mul3A_199 = arith.constant 2.000000e+00 : f32
      %mul3A_200 = vector.broadcast %mul3A_199 : f32 to vector<16xf32>
      %mul3A_201 = arith.mulf %mul3A_200, %sub3A_198 : vector<16xf32>
      %exp3A_202 = math.exp %mul3A_201 : vector<16xf32>
      %add3A_203 = arith.constant 1.000000e+00 : f32
      %add3A_204 = vector.broadcast %add3A_203 : f32 to vector<16xf32>
      %add3A_205 = arith.addf %exp3A_202, %add3A_204 : vector<16xf32>
      %div3A_206 = arith.constant 2.000000e+00 : f32
      %div3A_207 = vector.broadcast %div3A_206 : f32 to vector<16xf32>
      %div3A_208 = arith.divf %div3A_207, %add3A_205 : vector<16xf32>
      %sub3A_209 = arith.constant 1.000000e+00 : f32
      %sub3A_210 = vector.broadcast %sub3A_209 : f32 to vector<16xf32>
      %sub3A_211 = arith.subf %sub3A_210, %div3A_208 : vector<16xf32>
      %eq3A = arith.cmpi eq, %get3A_161, %get3A_165 : vector<16xi32>
      %le3A = arith.cmpf ole, %sub3A_198, %get3A_127 : vector<16xf32>
      %sub3A_212 = arith.constant 1.000000e+00 : f32
      %sub3A_213 = vector.broadcast %sub3A_212 : f32 to vector<16xf32>
      %sub3A_214 = arith.subf %sub3A_213, %sub3A_211 : vector<16xf32>
      %sub3A_215 = arith.constant 1.000000e+00 : f32
      %sub3A_216 = vector.broadcast %sub3A_215 : f32 to vector<16xf32>
      %sub3A_217 = arith.subf %sub3A_216, %div3A : vector<16xf32>
      %and3A = arith.andi %eq3A, %le3A : vector<16xi1>
      %mul3A_218 = arith.mulf %div3A, %sub3A_214 : vector<16xf32>
      %jit3A = arith.constant 0.000000e+00 : f32
      %broadcast_in_dim3A_219 = vector.broadcast %jit3A : f32 to vector<16xf32>
      %select_n3A = arith.select %and3A, %mul3A_218, %broadcast_in_dim3A_219 : vector<16xi1>, vector<16xf32>
      %add3A_220 = arith.addf %scan3A_142, %select_n3A : vector<16xf32>
      %not3A = arith.constant dense<true> : vector<16xi1>
      %not3A_221 = arith.xori %le3A, %not3A : vector<16xi1>
      %and3A_222 = arith.andi %eq3A, %not3A_221 : vector<16xi1>
      %mul3A_223 = arith.mulf %div3A, %sub3A_211 : vector<16xf32>
      %jit3A_224 = arith.constant 0.000000e+00 : f32
      %broadcast_in_dim3A_225 = vector.broadcast %jit3A_224 : f32 to vector<16xf32>
      %select_n3A_226 = arith.select %and3A_222, %mul3A_223, %broadcast_in_dim3A_225 : vector<16xi1>, vector<16xf32>
      %add3A_227 = arith.addf %scan3A_143, %select_n3A_226 : vector<16xf32>
      %not3A_228 = arith.constant dense<true> : vector<16xi1>
      %not3A_229 = arith.xori %eq3A, %not3A_228 : vector<16xi1>
      %and3A_230 = arith.andi %not3A_229, %le3A : vector<16xi1>
      %mul3A_231 = arith.mulf %sub3A_217, %sub3A_214 : vector<16xf32>
      %jit3A_232 = arith.constant 0.000000e+00 : f32
      %broadcast_in_dim3A_233 = vector.broadcast %jit3A_232 : f32 to vector<16xf32>
      %select_n3A_234 = arith.select %and3A_230, %mul3A_231, %broadcast_in_dim3A_233 : vector<16xi1>, vector<16xf32>
      %add3A_235 = arith.addf %scan3A_144, %select_n3A_234 : vector<16xf32>
      %not3A_236 = arith.constant dense<true> : vector<16xi1>
      %not3A_237 = arith.xori %eq3A, %not3A_236 : vector<16xi1>
      %not3A_238 = arith.constant dense<true> : vector<16xi1>
      %not3A_239 = arith.xori %le3A, %not3A_238 : vector<16xi1>
      %and3A_240 = arith.andi %not3A_237, %not3A_239 : vector<16xi1>
      %mul3A_241 = arith.mulf %sub3A_217, %sub3A_211 : vector<16xf32>
      %jit3A_242 = arith.constant 0.000000e+00 : f32
      %broadcast_in_dim3A_243 = vector.broadcast %jit3A_242 : f32 to vector<16xf32>
      %select_n3A_244 = arith.select %and3A_240, %mul3A_241, %broadcast_in_dim3A_243 : vector<16xi1>, vector<16xf32>
      %add3A_245 = arith.addf %scan3A_145, %select_n3A_244 : vector<16xf32>
      scf.yield %add3A_220, %add3A_227, %add3A_235, %add3A_245 : vector<16xf32>, vector<16xf32>, vector<16xf32>, vector<16xf32>
    }
    %scan3A_133 = arith.constant 14 : i32
    %swap3A = arith.constant 0 : index
    %swap3A_134 = tpu.vector_load %arg16[%swap3A] {strides = array<i32>} : memref<64xf32, #tpu.memory_space<vmem>>, vector<16xf32>,
    tpu.vector_store %arg16[%swap3A], %scan3A_132#0 {strides = array<i32>} : memref<64xf32, #tpu.memory_space<vmem>>, vector<16xf32>,
    %swap3A_135 = arith.constant 16 : index
    %swap3A_136 = tpu.vector_load %arg16[%swap3A_135] {strides = array<i32>} : memref<64xf32, #tpu.memory_space<vmem>>, vector<16xf32>,
    tpu.vector_store %arg16[%swap3A_135], %scan3A_132#1 {strides = array<i32>} : memref<64xf32, #tpu.memory_space<vmem>>, vector<16xf32>,
    %swap3A_137 = arith.constant 32 : index
    %swap3A_138 = tpu.vector_load %arg16[%swap3A_137] {strides = array<i32>} : memref<64xf32, #tpu.memory_space<vmem>>, vector<16xf32>,
    tpu.vector_store %arg16[%swap3A_137], %scan3A_132#2 {strides = array<i32>} : memref<64xf32, #tpu.memory_space<vmem>>, vector<16xf32>,
    %swap3A_139 = arith.constant 48 : index
    %swap3A_140 = tpu.vector_load %arg16[%swap3A_139] {strides = array<i32>} : memref<64xf32, #tpu.memory_space<vmem>>, vector<16xf32>,
    tpu.vector_store %arg16[%swap3A_139], %scan3A_132#3 {strides = array<i32>} : memref<64xf32, #tpu.memory_space<vmem>>, vector<16xf32>,
    "tpu.region"() ({
      %run_scoped3A = tpu.sem_alloc : memref<!tpu.dma_semaphore, #tpu.memory_space<semaphore_mem>>
      %dma_start3A_141 = arith.constant 0 : i32
      %dma_start3A_142 = tpu.memref_slice %arg5[%add3A, %dma_start3A_141] : memref<32x64xf32, #tpu.memory_space<hbm>> -> memref<1x64xf32, #tpu.memory_space<hbm>>
      %dma_start3A_143 = tpu.memref_squeeze %dma_start3A_142 : memref<1x64xf32, #tpu.memory_space<hbm>> -> memref<64xf32, #tpu.memory_space<hbm>>
      %dma_start3A_144 = arith.constant 0 : i32
      %dma_start3A_145 = tpu.memref_slice %arg5[%add3A, %dma_start3A_144] : memref<32x64xf32, #tpu.memory_space<hbm>> -> memref<1x64xf32, #tpu.memory_space<hbm>>
      %dma_start3A_146 = tpu.memref_squeeze %dma_start3A_145 : memref<1x64xf32, #tpu.memory_space<hbm>> -> memref<64xf32, #tpu.memory_space<hbm>>
      tpu.enqueue_dma source(%arg16 : memref<64xf32, #tpu.memory_space<vmem>>) target(%dma_start3A_146 : memref<64xf32, #tpu.memory_space<hbm>>) target_semaphore(%run_scoped3A : memref<!tpu.dma_semaphore, #tpu.memory_space<semaphore_mem>>)
      %dma_wait3A_147 = arith.constant 0 : i32
      %dma_wait3A_148 = tpu.memref_slice %arg5[%add3A, %dma_wait3A_147] : memref<32x64xf32, #tpu.memory_space<hbm>> -> memref<1x64xf32, #tpu.memory_space<hbm>>
      %dma_wait3A_149 = tpu.memref_squeeze %dma_wait3A_148 : memref<1x64xf32, #tpu.memory_space<hbm>> -> memref<64xf32, #tpu.memory_space<hbm>>
      %dma_wait3A_150 = arith.constant 0 : i32
      %dma_wait3A_151 = tpu.memref_slice %arg5[%add3A, %dma_wait3A_150] : memref<32x64xf32, #tpu.memory_space<hbm>> -> memref<1x64xf32, #tpu.memory_space<hbm>>
      %dma_wait3A_152 = tpu.memref_squeeze %dma_wait3A_151 : memref<1x64xf32, #tpu.memory_space<hbm>> -> memref<64xf32, #tpu.memory_space<hbm>>
      tpu.wait_dma2 semaphore(%run_scoped3A : memref<!tpu.dma_semaphore, #tpu.memory_space<semaphore_mem>>) src(%arg16 : memref<64xf32, #tpu.memory_space<vmem>>) dst(%dma_wait3A_152 : memref<64xf32, #tpu.memory_space<hbm>>)
      tpu.yield
    }) : () -> ()
    return
  }
}

module attributes {stable_mosaic.version = 14 : i64} {
  func.func @_tc_finish(%arg0: memref<32x64xf32, #tpu.memory_space<vmem>>, %arg1: memref<1x4xf32, #tpu.memory_space<vmem>>, %arg2: memref<1x1xf32, #tpu.memory_space<vmem>>) attributes {dimension_semantics = [], scalar_prefetch = 0 : i64, scratch_operands = 0 : i64, tpu.core_type = #tpu.core_type<tc>} {
    %get3A = arith.constant 0 : index
    %get3A_0 = arith.constant 0 : index
    %get3A_1 = vector.load %arg0[%get3A, %get3A_0] : memref<32x64xf32, #tpu.memory_space<vmem>>, vector<32x64xf32>
    %get3A_2 = arith.constant 0 : index
    %get3A_3 = arith.constant 0 : index
    %get3A_4 = vector.load %arg1[%get3A_2, %get3A_3] : memref<1x4xf32, #tpu.memory_space<vmem>>, vector<1x4xf32>
    %slice3A = vector.extract_strided_slice %get3A_1 {offsets = [0, 0], sizes = [32, 16], strides = [1, 1]} : vector<32x64xf32> to vector<32x16xf32>
    %reduce_sum3A = vector.shape_cast %slice3A : vector<32x16xf32> to vector<1x32x16xf32>
    %reduce_sum3A_5 = arith.constant dense<0.000000e+00> : vector<1xf32>
    %reduce_sum3A_6 = vector.multi_reduction <add>, %reduce_sum3A, %reduce_sum3A_5 [1, 2] : vector<1x32x16xf32> to vector<1xf32>
    %reduce_sum3A_7 = vector.shape_cast %reduce_sum3A_6 : vector<1xf32> to vector<1x1x1xf32>
    %reduce_sum3A_8 = vector.extract %reduce_sum3A_7[0, 0, 0] : f32 from vector<1x1x1xf32>
    %slice3A_9 = vector.extract_strided_slice %get3A_4 {offsets = [0, 0], sizes = [1, 1], strides = [1, 1]} : vector<1x4xf32> to vector<1x1xf32>
    %squeeze3A = vector.extract %slice3A_9[0, 0] : f32 from vector<1x1xf32>
    %add3A = arith.addf %reduce_sum3A_8, %squeeze3A : f32
    %slice3A_10 = vector.extract_strided_slice %get3A_1 {offsets = [0, 16], sizes = [32, 16], strides = [1, 1]} : vector<32x64xf32> to vector<32x16xf32>
    %reduce_sum3A_11 = vector.shape_cast %slice3A_10 : vector<32x16xf32> to vector<1x32x16xf32>
    %reduce_sum3A_12 = arith.constant dense<0.000000e+00> : vector<1xf32>
    %reduce_sum3A_13 = vector.multi_reduction <add>, %reduce_sum3A_11, %reduce_sum3A_12 [1, 2] : vector<1x32x16xf32> to vector<1xf32>
    %reduce_sum3A_14 = vector.shape_cast %reduce_sum3A_13 : vector<1xf32> to vector<1x1x1xf32>
    %reduce_sum3A_15 = vector.extract %reduce_sum3A_14[0, 0, 0] : f32 from vector<1x1x1xf32>
    %slice3A_16 = vector.extract_strided_slice %get3A_4 {offsets = [0, 1], sizes = [1, 1], strides = [1, 1]} : vector<1x4xf32> to vector<1x1xf32>
    %squeeze3A_17 = vector.extract %slice3A_16[0, 0] : f32 from vector<1x1xf32>
    %add3A_18 = arith.addf %reduce_sum3A_15, %squeeze3A_17 : f32
    %slice3A_19 = vector.extract_strided_slice %get3A_1 {offsets = [0, 32], sizes = [32, 16], strides = [1, 1]} : vector<32x64xf32> to vector<32x16xf32>
    %reduce_sum3A_20 = vector.shape_cast %slice3A_19 : vector<32x16xf32> to vector<1x32x16xf32>
    %reduce_sum3A_21 = arith.constant dense<0.000000e+00> : vector<1xf32>
    %reduce_sum3A_22 = vector.multi_reduction <add>, %reduce_sum3A_20, %reduce_sum3A_21 [1, 2] : vector<1x32x16xf32> to vector<1xf32>
    %reduce_sum3A_23 = vector.shape_cast %reduce_sum3A_22 : vector<1xf32> to vector<1x1x1xf32>
    %reduce_sum3A_24 = vector.extract %reduce_sum3A_23[0, 0, 0] : f32 from vector<1x1x1xf32>
    %slice3A_25 = vector.extract_strided_slice %get3A_4 {offsets = [0, 2], sizes = [1, 1], strides = [1, 1]} : vector<1x4xf32> to vector<1x1xf32>
    %squeeze3A_26 = vector.extract %slice3A_25[0, 0] : f32 from vector<1x1xf32>
    %add3A_27 = arith.addf %reduce_sum3A_24, %squeeze3A_26 : f32
    %slice3A_28 = vector.extract_strided_slice %get3A_1 {offsets = [0, 48], sizes = [32, 16], strides = [1, 1]} : vector<32x64xf32> to vector<32x16xf32>
    %reduce_sum3A_29 = vector.shape_cast %slice3A_28 : vector<32x16xf32> to vector<1x32x16xf32>
    %reduce_sum3A_30 = arith.constant dense<0.000000e+00> : vector<1xf32>
    %reduce_sum3A_31 = vector.multi_reduction <add>, %reduce_sum3A_29, %reduce_sum3A_30 [1, 2] : vector<1x32x16xf32> to vector<1xf32>
    %reduce_sum3A_32 = vector.shape_cast %reduce_sum3A_31 : vector<1xf32> to vector<1x1x1xf32>
    %reduce_sum3A_33 = vector.extract %reduce_sum3A_32[0, 0, 0] : f32 from vector<1x1x1xf32>
    %slice3A_34 = vector.extract_strided_slice %get3A_4 {offsets = [0, 3], sizes = [1, 1], strides = [1, 1]} : vector<1x4xf32> to vector<1x1xf32>
    %squeeze3A_35 = vector.extract %slice3A_34[0, 0] : f32 from vector<1x1xf32>
    %add3A_36 = arith.addf %reduce_sum3A_33, %squeeze3A_35 : f32
    %add3A_37 = arith.addf %add3A, %add3A_36 : f32
    %add3A_38 = arith.addf %add3A, %add3A_18 : f32
    %add3A_39 = arith.addf %add3A_38, %add3A_27 : f32
    %add3A_40 = arith.addf %add3A_39, %add3A_36 : f32
    %add3A_41 = arith.constant 1.000000e-10 : f32
    %add3A_42 = arith.addf %add3A_40, %add3A_41 : f32
    %div3A = arith.divf %add3A_37, %add3A_42 : f32
    %add3A_43 = arith.constant 1.000000e-10 : f32
    %add3A_44 = arith.addf %div3A, %add3A_43 : f32
    %log3A = math.log %add3A_44 : f32
    %mul3A = arith.constant -1.000000e+00 : f32
    %mul3A_45 = arith.mulf %mul3A, %log3A : f32
    %broadcast_in_dim3A = vector.broadcast %mul3A_45 : f32 to vector<1x1xf32>
    %swap3A = arith.constant 0 : index
    %swap3A_46 = arith.constant 0 : index
    %swap3A_47 = vector.load %arg2[%swap3A, %swap3A_46] : memref<1x1xf32, #tpu.memory_space<vmem>>, vector<1x1xf32>
    tpu.vector_store %arg2[%swap3A, %swap3A_46], %broadcast_in_dim3A {strides = array<i32>} : memref<1x1xf32, #tpu.memory_space<vmem>>, vector<1x1xf32>,
    return
  }
}

module attributes {stable_mosaic.version = 14 : i64} {
  func.func @_tc_stats(%arg0: i32, %arg1: memref<256x1000xf32, #tpu.memory_space<vmem>>, %arg2: memref<64x256xi32, #tpu.memory_space<vmem>>, %arg3: memref<1x1xf32, #tpu.memory_space<vmem>>, %arg4: memref<1x4xf32, #tpu.memory_space<vmem>>) attributes {dimension_semantics = [#tpu.dimension_semantics<arbitrary>], iteration_bounds = array<i64: 36>, scalar_prefetch = 0 : i64, scratch_operands = 0 : i64, tpu.core_type = #tpu.core_type<tc>, window_params = [{transform_indices = @transform_0, window_bounds = array<i64: 256, 1000>}, {pipeline_mode = #tpu.pipeline_mode<synchronous>, transform_indices = @transform_1, window_bounds = array<i64: 64, 256>}, {pipeline_mode = #tpu.pipeline_mode<synchronous>, transform_indices = @transform_2, window_bounds = array<i64: 1, 1>}, {pipeline_mode = #tpu.pipeline_mode<synchronous>, transform_indices = @transform_3, window_bounds = array<i64: 1, 4>}]} {
    %get3A = arith.constant 0 : index
    %get3A_0 = arith.constant 0 : index
    %get3A_1 = vector.load %arg1[%get3A, %get3A_0] : memref<256x1000xf32, #tpu.memory_space<vmem>>, vector<256x1000xf32>
    %reduce_max3A = arith.constant dense<0xFF800000> : vector<256xf32>
    %reduce_max3A_2 = vector.multi_reduction <maximumf>, %get3A_1, %reduce_max3A [1] : vector<256x1000xf32> to vector<256xf32>
    %broadcast_in_dim3A = vector.shape_cast %reduce_max3A_2 : vector<256xf32> to vector<256x1xf32>
    %exp3A = math.exp %get3A_1 : vector<256x1000xf32>
    %broadcast_in_dim3A_3 = arith.constant 1.000000e+00 : f32
    %broadcast_in_dim3A_4 = vector.broadcast %broadcast_in_dim3A_3 : f32 to vector<1000x128xf32>
    %dot_general3A = arith.constant dense<0.000000e+00> : vector<256x128xf32>
    %dot_general3A_5 = tpu.matmul %exp3A, %broadcast_in_dim3A_4, %dot_general3A {dimension_numbers = #tpu.dot_dimension_numbers<[1], [0], [0], [1], [0, 0, 1, 1], [], []>, transpose_lhs_hint = false} : vector<256x1000xf32>, vector<1000x128xf32>, vector<256x128xf32> -> vector<256x128xf32>
    %slice3A = vector.extract_strided_slice %dot_general3A_5 {offsets = [0, 0], sizes = [256, 1], strides = [1, 1]} : vector<256x128xf32> to vector<256x1xf32>
    %mul3A = arith.mulf %get3A_1, %exp3A : vector<256x1000xf32>
    %dot_general3A_6 = arith.constant dense<0.000000e+00> : vector<256x128xf32>
    %dot_general3A_7 = tpu.matmul %mul3A, %broadcast_in_dim3A_4, %dot_general3A_6 {dimension_numbers = #tpu.dot_dimension_numbers<[1], [0], [0], [1], [0, 0, 1, 1], [], []>, transpose_lhs_hint = false} : vector<256x1000xf32>, vector<1000x128xf32>, vector<256x128xf32> -> vector<256x128xf32>
    %slice3A_8 = vector.extract_strided_slice %dot_general3A_7 {offsets = [0, 0], sizes = [256, 1], strides = [1, 1]} : vector<256x128xf32> to vector<256x1xf32>
    %log3A = math.log %slice3A : vector<256x1xf32>
    %div3A = arith.divf %slice3A_8, %slice3A : vector<256x1xf32>
    %sub3A = arith.subf %log3A, %div3A : vector<256x1xf32>
    %exp3A_9 = math.exp %broadcast_in_dim3A : vector<256x1xf32>
    %div3A_10 = arith.divf %exp3A_9, %slice3A : vector<256x1xf32>
    %iota3A = tpu.iota {dimensions = array<i32: 1>} : vector<256x1000xi32>
    %eq3A = vector.broadcast %broadcast_in_dim3A : vector<256x1xf32> to vector<256x1000xf32>
    %eq3A_11 = arith.cmpf oeq, %get3A_1, %eq3A : vector<256x1000xf32>
    %jit3A = arith.constant 1000 : i32
    %broadcast_in_dim3A_12 = vector.broadcast %jit3A : i32 to vector<256x1000xi32>
    %select_n3A = arith.select %eq3A_11, %iota3A, %broadcast_in_dim3A_12 : vector<256x1000xi1>, vector<256x1000xi32>
    %reduce_min3A = arith.constant dense<2147483647> : vector<256xi32>
    %reduce_min3A_13 = vector.multi_reduction <minsi>, %select_n3A, %reduce_min3A [1] : vector<256x1000xi32> to vector<256xi32>
    %broadcast_in_dim3A_14 = vector.shape_cast %reduce_min3A_13 : vector<256xi32> to vector<256x1xi32>
    %add3A = arith.constant 28 : i32
    %add3A_15 = arith.addi %add3A, %arg0 : i32
    %get3A_16 = arith.index_cast %add3A_15 : i32 to index
    %get3A_17 = arith.constant 0 : index
    %get3A_18 = vector.load %arg2[%get3A_16, %get3A_17] : memref<64x256xi32, #tpu.memory_space<vmem>>, vector<1x256xi32>
    %reshape3A = vector.shape_cast %get3A_18 : vector<1x256xi32> to vector<256x1xi32>
    %get3A_19 = arith.constant 0 : index
    %get3A_20 = arith.constant 0 : index
    %get3A_21 = vector.load %arg3[%get3A_19, %get3A_20] : memref<1x1xf32, #tpu.memory_space<vmem>>, vector<1x1xf32>
    %tanh3A = math.tanh %sub3A : vector<256x1xf32>
    %eq3A_22 = arith.cmpi eq, %broadcast_in_dim3A_14, %reshape3A : vector<256x1xi32>
    %le3A = vector.broadcast %get3A_21 : vector<1x1xf32> to vector<256x1xf32>
    %le3A_23 = arith.cmpf ole, %sub3A, %le3A : vector<256x1xf32>
    %and3A = arith.andi %eq3A_22, %le3A_23 : vector<256x1xi1>
    %sub3A_24 = arith.constant 1.000000e+00 : f32
    %sub3A_25 = vector.broadcast %sub3A_24 : f32 to vector<256x1xf32>
    %sub3A_26 = arith.subf %sub3A_25, %tanh3A : vector<256x1xf32>
    %mul3A_27 = arith.mulf %div3A_10, %sub3A_26 : vector<256x1xf32>
    %jit3A_28 = arith.constant 0.000000e+00 : f32
    %broadcast_in_dim3A_29 = vector.broadcast %jit3A_28 : f32 to vector<256x1xf32>
    %select_n3A_30 = arith.select %and3A, %mul3A_27, %broadcast_in_dim3A_29 : vector<256x1xi1>, vector<256x1xf32>
    %reduce_sum3A = vector.shape_cast %select_n3A_30 : vector<256x1xf32> to vector<1x256x1xf32>
    %reduce_sum3A_31 = arith.constant dense<0.000000e+00> : vector<1xf32>
    %reduce_sum3A_32 = vector.multi_reduction <add>, %reduce_sum3A, %reduce_sum3A_31 [1, 2] : vector<1x256x1xf32> to vector<1xf32>
    %reduce_sum3A_33 = vector.shape_cast %reduce_sum3A_32 : vector<1xf32> to vector<1x1x1xf32>
    %reduce_sum3A_34 = vector.extract %reduce_sum3A_33[0, 0, 0] : f32 from vector<1x1x1xf32>
    %not3A = arith.constant dense<true> : vector<256x1xi1>
    %not3A_35 = arith.xori %le3A_23, %not3A : vector<256x1xi1>
    %and3A_36 = arith.andi %eq3A_22, %not3A_35 : vector<256x1xi1>
    %mul3A_37 = arith.mulf %div3A_10, %tanh3A : vector<256x1xf32>
    %jit3A_38 = arith.constant 0.000000e+00 : f32
    %broadcast_in_dim3A_39 = vector.broadcast %jit3A_38 : f32 to vector<256x1xf32>
    %select_n3A_40 = arith.select %and3A_36, %mul3A_37, %broadcast_in_dim3A_39 : vector<256x1xi1>, vector<256x1xf32>
    %reduce_sum3A_41 = vector.shape_cast %select_n3A_40 : vector<256x1xf32> to vector<1x256x1xf32>
    %reduce_sum3A_42 = arith.constant dense<0.000000e+00> : vector<1xf32>
    %reduce_sum3A_43 = vector.multi_reduction <add>, %reduce_sum3A_41, %reduce_sum3A_42 [1, 2] : vector<1x256x1xf32> to vector<1xf32>
    %reduce_sum3A_44 = vector.shape_cast %reduce_sum3A_43 : vector<1xf32> to vector<1x1x1xf32>
    %reduce_sum3A_45 = vector.extract %reduce_sum3A_44[0, 0, 0] : f32 from vector<1x1x1xf32>
    %not3A_46 = arith.constant dense<true> : vector<256x1xi1>
    %not3A_47 = arith.xori %eq3A_22, %not3A_46 : vector<256x1xi1>
    %and3A_48 = arith.andi %not3A_47, %le3A_23 : vector<256x1xi1>
    %sub3A_49 = arith.constant 1.000000e+00 : f32
    %sub3A_50 = vector.broadcast %sub3A_49 : f32 to vector<256x1xf32>
    %sub3A_51 = arith.subf %sub3A_50, %div3A_10 : vector<256x1xf32>
    %sub3A_52 = arith.constant 1.000000e+00 : f32
    %sub3A_53 = vector.broadcast %sub3A_52 : f32 to vector<256x1xf32>
    %sub3A_54 = arith.subf %sub3A_53, %tanh3A : vector<256x1xf32>
    %mul3A_55 = arith.mulf %sub3A_51, %sub3A_54 : vector<256x1xf32>
    %jit3A_56 = arith.constant 0.000000e+00 : f32
    %broadcast_in_dim3A_57 = vector.broadcast %jit3A_56 : f32 to vector<256x1xf32>
    %select_n3A_58 = arith.select %and3A_48, %mul3A_55, %broadcast_in_dim3A_57 : vector<256x1xi1>, vector<256x1xf32>
    %reduce_sum3A_59 = vector.shape_cast %select_n3A_58 : vector<256x1xf32> to vector<1x256x1xf32>
    %reduce_sum3A_60 = arith.constant dense<0.000000e+00> : vector<1xf32>
    %reduce_sum3A_61 = vector.multi_reduction <add>, %reduce_sum3A_59, %reduce_sum3A_60 [1, 2] : vector<1x256x1xf32> to vector<1xf32>
    %reduce_sum3A_62 = vector.shape_cast %reduce_sum3A_61 : vector<1xf32> to vector<1x1x1xf32>
    %reduce_sum3A_63 = vector.extract %reduce_sum3A_62[0, 0, 0] : f32 from vector<1x1x1xf32>
    %not3A_64 = arith.constant dense<true> : vector<256x1xi1>
    %not3A_65 = arith.xori %eq3A_22, %not3A_64 : vector<256x1xi1>
    %not3A_66 = arith.constant dense<true> : vector<256x1xi1>
    %not3A_67 = arith.xori %le3A_23, %not3A_66 : vector<256x1xi1>
    %and3A_68 = arith.andi %not3A_65, %not3A_67 : vector<256x1xi1>
    %sub3A_69 = arith.constant 1.000000e+00 : f32
    %sub3A_70 = vector.broadcast %sub3A_69 : f32 to vector<256x1xf32>
    %sub3A_71 = arith.subf %sub3A_70, %div3A_10 : vector<256x1xf32>
    %mul3A_72 = arith.mulf %sub3A_71, %tanh3A : vector<256x1xf32>
    %jit3A_73 = arith.constant 0.000000e+00 : f32
    %broadcast_in_dim3A_74 = vector.broadcast %jit3A_73 : f32 to vector<256x1xf32>
    %select_n3A_75 = arith.select %and3A_68, %mul3A_72, %broadcast_in_dim3A_74 : vector<256x1xi1>, vector<256x1xf32>
    %reduce_sum3A_76 = vector.shape_cast %select_n3A_75 : vector<256x1xf32> to vector<1x256x1xf32>
    %reduce_sum3A_77 = arith.constant dense<0.000000e+00> : vector<1xf32>
    %reduce_sum3A_78 = vector.multi_reduction <add>, %reduce_sum3A_76, %reduce_sum3A_77 [1, 2] : vector<1x256x1xf32> to vector<1xf32>
    %reduce_sum3A_79 = vector.shape_cast %reduce_sum3A_78 : vector<1xf32> to vector<1x1x1xf32>
    %reduce_sum3A_80 = vector.extract %reduce_sum3A_79[0, 0, 0] : f32 from vector<1x1x1xf32>
    %eq3A_81 = arith.constant 0 : i32
    %eq3A_82 = arith.cmpi eq, %arg0, %eq3A_81 : i32
    %convert_element_type3A = arith.extui %eq3A_82 : i1 to i32
    %cond3A = arith.constant 0 : i32
    %cond3A_83 = arith.cmpi ne, %convert_element_type3A, %cond3A : i32
    scf.if %cond3A_83 {
      %broadcast_in_dim3A_94 = arith.constant 0.000000e+00 : f32
      %broadcast_in_dim3A_95 = vector.broadcast %broadcast_in_dim3A_94 : f32 to vector<1x4xf32>
      %swap3A_96 = arith.constant 0 : index
      %swap3A_97 = arith.constant 0 : index
      %swap3A_98 = vector.load %arg4[%swap3A_96, %swap3A_97] : memref<1x4xf32, #tpu.memory_space<vmem>>, vector<1x4xf32>
      tpu.vector_store %arg4[%swap3A_96, %swap3A_97], %broadcast_in_dim3A_95 {strides = array<i32>} : memref<1x4xf32, #tpu.memory_space<vmem>>, vector<1x4xf32>,
    } else {
    }
    %get3A_84 = arith.constant 0 : index
    %get3A_85 = arith.constant 0 : index
    %get3A_86 = vector.load %arg4[%get3A_84, %get3A_85] : memref<1x4xf32, #tpu.memory_space<vmem>>, vector<1x4xf32>
    %reshape3A_87 = vector.broadcast %reduce_sum3A_34 : f32 to vector<1x1xf32>
    %reshape3A_88 = vector.broadcast %reduce_sum3A_45 : f32 to vector<1x1xf32>
    %reshape3A_89 = vector.broadcast %reduce_sum3A_63 : f32 to vector<1x1xf32>
    %reshape3A_90 = vector.broadcast %reduce_sum3A_80 : f32 to vector<1x1xf32>
    %concatenate3A = tpu.concatenate %reshape3A_87, %reshape3A_88, %reshape3A_89, %reshape3A_90 in 1 : vector<1x1xf32>, vector<1x1xf32>, vector<1x1xf32>, vector<1x1xf32> -> vector<1x4xf32>
    %add3A_91 = arith.addf %get3A_86, %concatenate3A : vector<1x4xf32>
    %swap3A = arith.constant 0 : index
    %swap3A_92 = arith.constant 0 : index
    %swap3A_93 = vector.load %arg4[%swap3A, %swap3A_92] : memref<1x4xf32, #tpu.memory_space<vmem>>, vector<1x4xf32>
    tpu.vector_store %arg4[%swap3A, %swap3A_92], %add3A_91 {strides = array<i32>} : memref<1x4xf32, #tpu.memory_space<vmem>>, vector<1x4xf32>,
    return
  }
  func.func @transform_0(%arg0: i32) -> (i32, i32) {
    %add3A = arith.constant 28 : i32
    %add3A_0 = arith.addi %add3A, %arg0 : i32
    %c0_i32 = arith.constant 0 : i32
    %c0_i32_1 = arith.constant 0 : i32
    return %add3A_0, %c0_i32 : i32, i32
  }
  func.func @transform_1(%arg0: i32) -> (i32, i32) {
    %c0_i32 = arith.constant 0 : i32
    %c0_i32_0 = arith.constant 0 : i32
    %c0_i32_1 = arith.constant 0 : i32
    return %c0_i32, %c0_i32_0 : i32, i32
  }
  func.func @transform_2(%arg0: i32) -> (i32, i32) {
    %c0_i32 = arith.constant 0 : i32
    %c0_i32_0 = arith.constant 0 : i32
    %c0_i32_1 = arith.constant 0 : i32
    return %c0_i32, %c0_i32_0 : i32, i32
  }
  func.func @transform_3(%arg0: i32) -> (i32, i32) {
    %c0_i32 = arith.constant 0 : i32
    %c0_i32_0 = arith.constant 0 : i32
    %c0_i32_1 = arith.constant 0 : i32
    return %c0_i32, %c0_i32_0 : i32, i32
  }
}

</mosaic_0001>

<sc_bundles>
// kernel: kernel.5.cloned.1.call-start
scs
__scs_entry_jumppad:
0x0: {  	(pc) =	sbr.rel $0x88, $3  }
0x1: {  	(tag) =	ssettag $0x0;
	lr =	simm.s32 $0x1  }
0x2: {  	[smem:$0x3F9E] =	sst lr;
	_ =	strace $0xD0000000  }
0x3: {  	_ = 	snop  }
0x4: {  	_ = 	snop  }
0x5: {  	_ = 	snop  }
0x6: {  	_ = 	snop  }
0x7: {  	_ = 	snop  }
__scs_overlays_trampoline_lowered:
0x8: {  	[smem:$0x3FAD] =	sst s0  }
0x9: {  	[smem:$0x3FAE] =	sst s1  }
0xa: {  	[smem:$0x3FAF] =	sst s2  }
0xb: {  	[smem:$0x3FB0] =	sst s3  }
0xc: {  	[smem:$0x3FB1] =	sst s4  }
0xd: {  	[smem:$0x3FB2] =	sst s5  }
0xe: {  	[smem:$0x3FB3] =	sst s6  }
0xf: {  	[smem:$0x3FB4] =	sst s7  }
0x10: {  	[smem:$0x3FB5] =	sst s8  }
0x11: {  	[smem:$0x3FB6] =	sst s9;
	s0 =	simm.s32 @!p0 $0x0  }
0x12: {  	s1 =	sld [smem:$0x3F9C];
	s0 =	simm.s32 @p0 $0x1  }
0x13: {  	[smem:$0x3FB7] =	sst s0;
	s0 =	simm.s32 @!p1 $0x0  }
0x14: {  	s2 =	sld [smem:$0x3F9B];
	s0 =	simm.s32 @p1 $0x1  }
0x15: {  	[smem:$0x3FB8] =	sst s0;
	s0 =	simm.s32 @!p2 $0x0  }
0x16: {  	s3 =	sld [smem:$0x3FDB];
	s0 =	simm.s32 @p2 $0x1  }
0x17: {  	s4 =	simm.s32 $0x1BF5;
	[smem:$0x3FBA] =	sst s0  }
0x18: {  	s0 =	sld [smem:$0x3F9D];
	_ =	swait.ge [sflag:s4], $0x0  }
0x19: {  	s7 =	sld [smem:$0x3F9E]  }
0x1a: {  	s8 =	sadd.s32 $0xFFFFE003, lr  }
0x1b: {  	s9 =	sadd.s32 $0xFFFFFEF7, lr;
	s5 =	simm.s32 $0xFFFFFFFF;
	p2 =	slt.u32 s8, $0xFFFFF086  }
0x1c: {  	p1 =	slt.u32 s9, $0xF7A;
	s5 =	simm.s32 @!p2 $0x0  }
0x1d: {  	s5 =	simm.s32 @p1 $0x1;
	p0 =	seq.s32 s7, s2  }
0x1e: {  	s7 =	smul.u32 @!p0 $0xF7A, s2;
	p2 =	seq.s32 @!p0 s5, $0x0  }
0x1f: {  	s9 =	smul.u32 $0xF7A, s1;
	s8 =	simm.s32 @!p0 $0x1BF5;
	p2 =	por !p2, p0  }
0x20: {  	[sflag:s8] =	ssyncset.s32 @!p0 $0xFFFFF086;
	s6 =	sadd.s32 @!p0 s3, s7;
	s7 =	simm.s32 @!p0 $0x108  }
0x21: {  	s3 =	sadd.s32 s3, s9;
	s6 =	sadd.s32 @!p0 $0x88, s6;
	s7 =	simm.s32 @p2 $0x1082  }
0x22: {  	[simem:s7], [sflag:s8] =	dma.local @!p0 [hbm:s6], $0xF7A  }
0x23: {  	s9 =	sor.u32 $0xD0000000, s2;
	s6 =	simm.s32 $0x108;
	_ =	swait.ge @!p0 [sflag:s8], $0x0  }
0x24: {  	s3 =	sadd.s32 $0x88, s3;
	s6 =	simm.s32 @!p1 $0x1082;
	[sflag:s4] =	ssyncset.s32 $0xFFFFF086  }
0x25: {  	[simem:s6], [sflag:s4] =	dma.local [hbm:s3], $0xF7A  }
0x26: {  	[smem:$0x3F9E] =	sst s1;
	(tag) =	ssettag s2;
	_ =	strace s9  }
0x27: {  	s1 =	sld [smem:$0x3FAE]  }
0x28: {  	s2 =	sld [smem:$0x3FAF]  }
0x29: {  	s4 =	sld [smem:$0x3FB1]  }
0x2a: {  	p0 =	seq.s32 s5, $0x0;
	s5 =	sld [smem:$0x3FB2]  }
0x2b: {  	s6 =	sld [smem:$0x3FB3]  }
0x2c: {  	s7 =	sld [smem:$0x3FB4]  }
0x2d: {  	s3 =	simm.s32 $0x108;
	s8 =	sld [smem:$0x3FB5]  }
0x2e: {  	s3 =	simm.s32 @!p0 $0x1082;
	s9 =	sld [smem:$0x3FB6]  }
0x2f: {  	lr =	sadd.s32 s0, s3;
	s0 =	sld [smem:$0x3FAD]  }
0x30: {  	s3 =	sld [smem:$0x3FB0]  }
0x31: {  	[smem:$0x3FB9] =	sst s10  }
0x32: {  	s10 =	sld [smem:$0x3FB7];
	_ =	sdelay $0x3  }
0x33: {  	p0 =	seq.s32 s10, $0x1;
	s10 =	sld [smem:$0x3FB9];
	_ =	sdelay $0x3  }
0x34: {  	[smem:$0x3FB9] =	sst s10  }
0x35: {  	s10 =	sld [smem:$0x3FB8];
	_ =	sdelay $0x3  }
0x36: {  	p1 =	seq.s32 s10, $0x1;
	s10 =	sld [smem:$0x3FB9];
	_ =	sdelay $0x3  }
0x37: {  	[smem:$0x3FB9] =	sst s10  }
0x38: {  	s10 =	sld [smem:$0x3FBA]  }
0x39: {  	_ = 	snop;
	(pc) =	sbr.ind lr, $3  }
0x3a: {  	_ = 	snop  }
0x3b: {  	_ = 	snop  }
0x3c: {  	p2 =	seq.s32 s10, $0x1;
	s10 =	sld [smem:$0x3FB9]  }
0x3d: {  	_ =	shalt  }
0x3e: {  	_ =	shalt  }
0x3f: {  	_ =	shalt  }
0x40: {  	_ =	shalt  }
0x41: {  	_ =	shalt  }
0x42: {  	_ =	shalt  }
0x43: {  	_ =	shalt  }
0x44: {  	_ =	shalt  }
0x45: {  	_ =	shalt  }
0x46: {  	_ =	shalt  }
0x47: {  	_ =	shalt  }
0x48: {  	_ =	shalt  }
0x49: {  	_ =	shalt  }
0x4a: {  	_ =	shalt  }
0x4b: {  	_ =	shalt  }
0x4c: {  	_ =	shalt  }
0x4d: {  	_ =	shalt  }
0x4e: {  	_ =	shalt  }
0x4f: {  	_ =	shalt  }
0x50: {  	_ =	shalt  }
0x51: {  	_ =	shalt  }
0x52: {  	_ =	shalt  }
0x53: {  	_ =	shalt  }
0x54: {  	_ =	shalt  }
0x55: {  	_ =	shalt  }
0x56: {  	_ =	shalt  }
0x57: {  	_ =	shalt  }
0x58: {  	_ =	shalt  }
0x59: {  	_ =	shalt  }
0x5a: {  	_ =	shalt  }
0x5b: {  	_ =	shalt  }
0x5c: {  	_ =	shalt  }
0x5d: {  	_ =	shalt  }
0x5e: {  	_ =	shalt  }
0x5f: {  	_ =	shalt  }
0x60: {  	_ =	shalt  }
0x61: {  	_ =	shalt  }
0x62: {  	_ =	shalt  }
0x63: {  	_ =	shalt  }
0x64: {  	_ =	shalt  }
0x65: {  	_ =	shalt  }
0x66: {  	_ =	shalt  }
0x67: {  	_ =	shalt  }
0x68: {  	_ =	shalt  }
0x69: {  	_ =	shalt  }
0x6a: {  	_ =	shalt  }
0x6b: {  	_ =	shalt  }
0x6c: {  	_ =	shalt  }
0x6d: {  	_ =	shalt  }
0x6e: {  	_ =	shalt  }
0x6f: {  	_ =	shalt  }
0x70: {  	_ =	shalt  }
0x71: {  	_ =	shalt  }
0x72: {  	_ =	shalt  }
0x73: {  	_ =	shalt  }
0x74: {  	_ =	shalt  }
0x75: {  	_ =	shalt  }
0x76: {  	_ =	shalt  }
0x77: {  	_ =	shalt  }
0x78: {  	_ =	shalt  }
0x79: {  	_ =	shalt  }
0x7a: {  	_ =	shalt  }
0x7b: {  	_ =	shalt  }
0x7c: {  	_ =	shalt  }
0x7d: {  	_ =	shalt  }
0x7e: {  	_ =	shalt  }
0x7f: {  	_ =	shalt  }
0x80: {  	_ =	shalt  }
0x81: {  	_ =	shalt  }
0x82: {  	_ =	shalt  }
0x83: {  	_ =	shalt  }
0x84: {  	_ =	shalt  }
0x85: {  	_ =	shalt  }
0x86: {  	_ =	shalt  }
0x87: {  	_ =	shalt  }
.Lfunc_end0:
.L_simem_size_0:
called_computation_lowered:
.L_overlay_start_0:
0x88: {  	s2 =	sld [smem:$0x3FD9]  }
0x89: {  	s3 =	sld [smem:$0x3FFE];
	_ =	sdelay $0x1  }
0x8a: {  	s1 =	srdreg.scid  }
0x8b: {  	s0 =	sand.u32 $0x1, s1  }
0x8c: {  	s17 =	sshll.u32 s0, $0xA;
	s2 =	sadd.s32 s3, s2  }
0x8d: {  	s2 =	sadd.s32 s2, s17  }
0x8e: {  	[smem:$0x3FC5] =	sst s2  }
0x8f: {  	_ = 	snop  }
0x90: {  	s2 =	sld [smem:$0x3FC8];
	(tm) =	ssettm $0x1  }
0x91: {  	s18 =	sld [smem:$0x3FFB];
	_ =	sdelay $0x3  }
0x92: {  	_ =	strace s18  }
0x93: {  	s3 =	sld [smem:$0x3FFC];
	_ =	sdelay $0x3  }
0x94: {  	_ =	strace s3  }
0x95: {  	s3 =	sld [smem:$0x3FFD];
	_ =	sdelay $0x3  }
0x96: {  	_ =	strace s3  }
0x97: {  	_ =	strace $0x8FFFFFFF  }
0x98: {  	s19 =	sld [smem:$0x3FDB];
	_ =	sdelay $0x1  }
0x99: {  	s4 =	simm.s32 $_scs_section_size  }
0x9a: {  	s5 =	simm.s32 $_size__tile_overlayer_lowered;
	s6 =	simm.s32 $_tile_overlayer_lowered  }
0x9b: {  	s22 =	simm.s32 $0x1BFF;
	s21 =	sshll.u32 s6, $0x1;
	s3 =	sadd.s32 s4, s19  }
0x9c: {  	s7 =	simm.s32 $0x0;
	s20 =	sshll.u32 s5, $0x1;
	s5 =	sadd.s32 s21, s3  }
0x9d: {  	[timem:s7], [sflag:s22] =	dma.local [hbm:s5], s20  }
0x9e: {  	_ =	swait.ge [sflag:s22], s20  }
0x9f: {  	s4 =	ssub.s32 $0x0, s20;
	[sflag:s22] =	ssyncset.done $0x0  }
0xa0: {  	[sflag:s22] =	ssyncadd.s32 s4;
	_ =	sdelay $0x1  }
0xa1: {  	s23 =	simm.s32 $0x1B8B  }
0xa2: {  	_ =	swait.ge [sflag:s23], $0x1  }
0xa3: {  	[sflag:s23] =	ssyncset.done $0x0  }
0xa4: {  	s25 =	simm.s32 $0x1B8E;
	s24 =	sld [smem:$0x3FFE];
	[sflag:s23] =	ssyncadd.s32 $0xFFFFFFFF  }
0xa5: {  	s26 =	simm.s32 $execute0_lowered;
	[smem:$0x3FD2] =	sst s25  }
0xa6: {  	s5 =	sshll.u32 s26, $0x1;
	_ =	strace $0x80000046;
	[dreg:$0x1] =	wrdreg $0xFFFFFFFF  }
0xa7: {  	s28 =	simm.s32 $_size_execute0_lowered;
	s3 =	sadd.s32 s3, s5;
	[dreg:$0x0] =	wrdreg $0x0  }
0xa8: {  	s5 =	sshll.u32 s28, $0x1;
	[dreg:$0x2] =	wrdreg s3  }
0xa9: {  	[dreg:$0x3] =	wrdreg s5  }
0xaa: {  	[dreg:$0x4] =	wrdreg $0xC0  }
0xab: {  	_ =	task [dreg:s7], $0x5FFFF  }
0xac: {  	[dreg:$0x1] =	wrdreg $0xFFFFFFFF  }
0xad: {  	[dreg:$0x0] =	wrdreg $0x60  }
0xae: {  	[dreg:$0x2] =	wrdreg s24  }
0xaf: {  	[dreg:$0x3] =	wrdreg s2  }
0xb0: {  	[dreg:$0x4] =	wrdreg $0x9  }
0xb1: {  	_ =	task.clear_ibuf [dreg:s7], $0x5FFFF;
	_ =	strace $0x90000046  }
0xb2: {  	s29 =	simm.s32 $0x9;
	_ =	strace $0x80000048  }
0xb3: {  	_ =	swait.ge [sflag:s29], $0x1  }
0xb4: {  	[sflag:s29] =	ssyncadd.s32 $0xFFFFFFFF  }
0xb5: {  	_ =	strace $0x90000048  }
0xb6: {  	_ =	sfence  }
0xb7: {  	s30 =	sld [smem:$0x0];
	_ =	sdelay $0x2  }
0xb8: {  	s31 =	sshll.u32 s1, $0xD;
	s1 =	sshrl.u32 s1, $0x2  }
0xb9: {  	s3 =	sand.u32 $0x4000, s31;
	s1 =	sadd.s32 s1, s30  }
0xba: {  	s0 =	sor.u32 s3, s0;
	s1 =	sshll.u32 s1, $0x11  }
0xbb: {  	s0 =	sor.u32 s1, s0  }
0xbc: {  	s0 =	sadd.s32 $0x8F2B, s0  }
0xbd: {  	[sflag:s0] =	ssyncadd.remote.s32 $0x1  }
0xbe: {  	_ =	sfence.sel $0xFFFF  }
0xbf: {  	[dreg:$0x0] =	wrdreg $0xFFFFFFFF;
	(pc) =	sbr.abs _section_cstart, $3  }
0xc0: {  	[dreg:$0x1] =	wrdreg $0xFFFFFFFF  }
0xc1: {  	_ =	task.clear_ibuf [dreg:s7], $0x2FFFF;
	_ =	strace $0x9FFFFFFF  }
0xc2: {  	(tm) =	ssettm $0x7FFFFFFF  }
0xc3: {  	_ =	shalt  }
tec
execute0_lowered:
.L_overlay_start_1:
0x0: {  	(tag) =	ssettag $0x1  }
0x1: {  	s0 =	rddreg [dreg:$0x0]  }
0x2: {  	s1 =	rddreg [dreg:$0x1];
	s2 =	simm.s32 $0x0  }
0x3: {  	s3 =	srdreg.scid;
	s5 =	stileid.u32;
	s15 =	simm.s32 $0x10500  }
0x4: {  	s16 =	simm.s32 $0x3;
	s17 =	simm.s32 $0x8000;
	s18 =	simm.s32 $0x1  }
0x5: {  	s19 =	simm.s32 $0x2;
	s4 =	sand.u32 $0x1, s3;
	s31 =	sshll.u32 s5, $0x1  }
0x6: {  	s20 =	simm.s32 $0x10580;
	s21 =	simm.s32 $0x0;
	s5 =	sor.u32 s4, s31  }
0x7: {  	[smem:$0x7FF] =	sst s2;
	s6 =	sadd.s32 $0x800, s0;
	s7 =	smul.u32 $0x38000, s5  }
0x8: {  	s3 =	sadd.s32 $0x200800, s0;
	s4 =	ssub.s32 $0x2, s4;
	s9 =	smul.u32 $0x1C, s5  }
0x9: {  	s8 =	sshll.u32 s5, $0x4;
	s10 =	sshrl.u32 s4, $0x1;
	s5 =	smul.u32 $0x7000, s5  }
0xa: {  	v0 =	vlaneseq.u32;
	_ =	strace $0x80000047;
	s0 =	sadd.s32 s8, s0;
	s13 =	ssub.s32 s4, s10  }
0xb: {  	v1 =	vor.u32 $0x80000380, v0;
	v2 =	vor.u32 $0x80000390, v0;
	v3 =	vor.u32 $0x800003A0, v0;
	s7 =	sshrl.u32 s7, $0x3;
	s4 =	sadd.s32 s1, s9;
	s5 =	sadd.s32 s6, s5  }
0xc: {  	v4 =	vor.u32 $0x800003B0, v0;
	v5 =	vor.u32 $0x800003C0, v0;
	s12 =	sadd.s32 $0x200A00, s0;
	s13 =	smax.u32 s13, $0x1;
	s11 =	sadd.s32 s6, s7  }
0xd: {  	v6 =	vor.u32 $0x800003D0, v0;
	s6 =	sadd.s32 $0x1000, s11;
	s7 =	sadd.s32 $0x2000, s11;
	s8 =	sadd.s32 $0x3000, s11  }
0xe: {  	vm0 =	vmmov $0xff;
	v7 =	vadd.s32 $0x800003D8, v0;
	s9 =	sadd.s32 $0x4000, s11;
	s10 =	sadd.s32 $0x5000, s11;
	s11 =	sadd.s32 $0x6000, s11  }
.LBB2_1:
0xf: {  	s0 =	simm.s32 $0x10400  }
0x10: {  	[tilespmem:s0], [sflag:$0x3] =	stream.linear.gather [hbm4b:s4+s2], $0xE0, $0x38;
	[tilespmem:$0x10600] =	vst v63  }
0x11: {  	_ =	swait.ge [sflag:s16], $0xE0  }
0x12: {  	[sflag:s16] =	ssyncset.done $0x0  }
0x13: {  	[sflag:s16] =	ssyncadd.s32 $0xFFFFFF20  }
0x14: {  	[tilespmem:s15], [sflag:$0x3] =	stream.linear.gather [hbm4b:s3+s2], $0x80, $0x38;
	[tilespmem:$0x10600] =	vst v63  }
0x15: {  	_ =	swait.ge [sflag:s16], $0x80  }
0x16: {  	[sflag:s16] =	ssyncset.done $0x0  }
0x17: {  	[sflag:s16] =	ssyncadd.s32 $0xFFFFFF80  }
0x18: {  	[tilespmem:s2], [sflag:$0x1] =	stream.linear.gather [hbm4b:s5+s2], $0x8000, $0x38;
	[tilespmem:$0x10600] =	vst v63  }
0x19: {  	_ = 	snop  }
0x1a: {  	[tilespmem:s17], [sflag:$0x2] =	stream.linear.gather [hbm4b:s6+s2], $0x8000, $0x38;
	[tilespmem:$0x10600] =	vst v63  }
0x1b: {  	_ =	swait.ge [sflag:s18], $0x8000  }
0x1c: {  	[sflag:s18] =	ssyncset.done $0x0  }
0x1d: {  	p1 =	por $0x1, $0x1;
	s22 =	simm.s32 $0x0;
	[sflag:s18] =	ssyncadd.s32 $0xFFFF8000  }
.LBB2_2:
0x1e: {  	s23 =	sshll.u32 s22, $0xA;
	v8 =	vimm.f32 $0.0e+00;
	v10 =	vimm.s32 $0x0;
	p0 =	por p1, p1  }
0x1f: {  	s24 =	simm.s32 $0x0;
	s25 =	simm.s32 $0x0;
	v9 =	vimm.s32 $0x0;
	v11 =	vimm.f32 $0.0e+00;
	v12 =	vimm.f32 $0.0e+00;
	s26 =	simm.s32 $0x0  }
.LBB2_3:
0x20: {  	s0 =	sshll.u32 s23, $0x2;
	s1 =	sand.u32 $0x7, s25  }
0x21: {  	s0 =	sand.u32 $0xFFFF8000, s0;
	s1 =	sshll.u32 s1, $0x9  }
0x22: {  	s0 =	sor.u32 s1, s0  }
0x23: {  	s0 =	sshrl.u32 s0, $0x2  }
0x24: {  	s1 =	sor.u32 $0x40, s0  }
0x25: {  	v16 =	vld [tilespmem:s1+$0xFFFFFFC0];
	_ =	sdelay $0x4  }
0x26: {  	v15 =	vld [tilespmem:s1+$0x0];
	v18 =	vmul.f32 $1.442695020e+00, v16  }
0x27: {  	v13 =	vld [tilespmem:s1+$0x20]  }
0x28: {  	v19 =	vld [tilespmem:s1+$0xFFFFFFD0];
	(erf) = vpow2.f32 v18;
	_ =	sdelay $0x2  }
0x29: {  	v20 =	vimm.f32 $-Inf;
	v18 =	vld [tilespmem:s1+$0xFFFFFFE0]  }
0x2a: {  	v17 =	vld [tilespmem:s1+$0xFFFFFFF0];
	v22 =	vmul.f32 $1.442695020e+00, v15;
	vm1 =	vgt.f32 v16, v20;
	v20 =	vmax.f32 v20, v16  }
0x2b: {  	v23 =	vmul.f32 $1.442695020e+00, v13;
	v25 =	vmul.f32 $1.442695020e+00, v19;
	v26 =	vmax.f32 v20, v19  }
0x2c: {  	s14 =	simm.s32 $0x10;
	(erf) = vpow2.f32 v22;
	v22 =	vsel vm1, s24, v10;
	vm1 =	vgt.f32 v19, v20  }
0x2d: {  	(erf) = vpow2.f32 v23;
	v23 =	vsel vm1, s14, v22  }
0x2e: {  	(erf) = vpow2.f32 v25;
	v20 =	vmax.f32 v26, v18;
	v27 =	vmul.f32 $1.442695020e+00, v18  }
0x2f: {  	s14 =	simm.s32 $0x20;
	vm2 =	vgt.f32 v18, v26;
	vm3 =	vgt.f32 v17, v20;
	v20 =	vmax.f32 v20, v17;
	v26 =	vpop (erf)  }
0x30: {  	v14 =	vld [tilespmem:s1+$0x10];
	(erf) = vpow2.f32 v27;
	v25 =	vmul.f32 v26, v16;
	v16 =	vsel vm2, s14, v23;
	s14 =	simm.s32 $0x30  }
0x31: {  	v24 =	vmul.f32 $1.442695020e+00, v17;
	vm2 =	vgt.f32 v15, v20;
	v16 =	vsel vm3, s14, v16;
	s14 =	simm.s32 $0x40  }
0x32: {  	v23 =	vsel vm2, s14, v16;
	v16 =	vld [tilespmem:s1+$0x30]  }
0x33: {  	(erf) = vpow2.f32 v24  }
0x34: {  	s28 =	sadd.s32 s22, s26;
	s29 =	sshll.u32 s26, $0x7;
	v22 =	vmax.f32 v20, v15  }
0x35: {  	v28 =	vimm.f32 $0.0e+00;
	s30 =	sshll.u32 s28, $0xA;
	s31 =	sand.u32 $0x380, s29;
	s29 =	simm.s32 $0x0;
	v21 =	vmul.f32 $1.442695020e+00, v14;
	v27 =	vmax.f32 v22, v14  }
0x36: {  	s28 =	simm.s32 $0x0;
	s0 =	simm.s32 $0x0;
	vm1 =	vgt.f32 v13, v27;
	v24 =	vmax.f32 v27, v13;
	v27 =	vimm.f32 $0.0e+00;
	v20 =	vpop (erf);
	s1 =	sadd.s32 $0x400, s1  }
.LBB2_4:
0x37: {  	v29 =	vld [tilespmem:s1+$0xFFFFFFC0];
	s0 =	sadd.s32 $0x8, s0;
	v26 =	vadd.f32 v26, v28;
	v28 =	vmul.f32 $1.442695020e+00, v16;
	(erf) = vpow2.f32 v21;
	v30 =	vpop (erf)  }
0x38: {  	vm3 =	vgt.f32 v14, v22;
	vm2 =	vgt.f32 v16, v24;
	v31 =	vld [tilespmem:s1+$0x30];
	p1 =	slt.u32 s0, $0x30;
	v21 =	vadd.f32 v25, v27;
	v22 =	vpop (erf)  }
0x39: {  	v27 =	vmul.f32 v30, v13;
	v25 =	vadd.f32 v22, v26;
	v19 =	vmul.f32 v22, v19;
	v13 =	vld [tilespmem:s1+$0x20];
	v22 =	vpop (erf)  }
0x3a: {  	s14 =	sadd.s32 $0x50, s29;
	v26 =	vld [tilespmem:s1+$0x0];
	v32 =	vmul.f32 v22, v18;
	v18 =	vmax.f32 v24, v16;
	(erf) = vpow2.f32 v28  }
0x3b: {  	v24 =	vld [tilespmem:s1+$0x10];
	v21 =	vadd.f32 v19, v21;
	v22 =	vadd.f32 v22, v25;
	v19 =	vsel vm3, s14, v23;
	s14 =	sadd.s32 $0x60, s29  }
0x3c: {  	v23 =	vmul.f32 $1.442695020e+00, v29;
	vm3 =	vgt.f32 v29, v18;
	v25 =	vld [tilespmem:s1+$0xFFFFFFF0];
	v28 =	vsel vm1, s14, v19;
	v33 =	vpop (erf)  }
0x3d: {  	v35 =	vmul.f32 v20, v15;
	s29 =	sadd.s32 $0x80, s29;
	v34 =	vmax.f32 v18, v29;
	v19 =	vld [tilespmem:s1+$0xFFFFFFD0];
	v17 =	vmul.f32 v33, v17  }
0x3e: {  	s14 =	sadd.s32 $0x70, s28;
	s28 =	smov.u32 s29;
	v22 =	vadd.f32 v33, v22;
	v18 =	vld [tilespmem:s1+$0xFFFFFFE0];
	(erf) = vpow2.f32 v23;
	v23 =	vadd.f32 v32, v21  }
0x3f: {  	v21 =	vsel vm2, s14, v28;
	v32 =	vmul.f32 $1.442695020e+00, v26;
	v15 =	vmov v26  }
0x40: {  	v28 =	vmul.f32 $1.442695020e+00, v13;
	v26 =	vsel vm3, s29, v21;
	v21 =	vmul.f32 $1.442695020e+00, v24;
	v33 =	vpop (erf)  }
0x41: {  	v23 =	vadd.f32 v17, v23;
	v36 =	vmul.f32 $1.442695020e+00, v25;
	v37 =	vmul.f32 v33, v14;
	v14 =	vmovc v24;
	v17 =	vmovc v25  }
0x42: {  	v24 =	vmul.f32 $1.442695020e+00, v19;
	v25 =	vmax.f32 v34, v19;
	(erf) = vpow2.f32 v32  }
0x43: {  	vm1 =	vgt.f32 v19, v34;
	v23 =	vadd.f32 v35, v23;
	v32 =	vmax.f32 v25, v18;
	v34 =	vpop (erf)  }
0x44: {  	v35 =	vmul.f32 $1.442695020e+00, v18;
	vm2 =	vgt.f32 v18, v25;
	(erf) = vpow2.f32 v28  }
0x45: {  	v20 =	vadd.f32 v20, v22;
	vm3 =	vgt.f32 v17, v32;
	(erf) = vpow2.f32 v24  }
0x46: {  	s14 =	sadd.s32 $0x10, s29;
	v24 =	vmax.f32 v32, v17;
	(erf) = vpow2.f32 v35  }
0x47: {  	v20 =	vadd.f32 v33, v20;
	v28 =	vsel vm1, s14, v26;
	v22 =	vmax.f32 v24, v15;
	v26 =	vpop (erf)  }
.Ltmp0:
0x48: {  	s14 =	sadd.s32 $0x20, s29;
	v23 =	vadd.f32 v37, v23;
	v25 =	vmul.f32 v26, v29;
	v29 =	vmul.f32 v34, v16;
	v16 =	vmovc v31;
	(pc) =	sbr.rel @p1 .LBB2_4-.Ltmp0, $4  }
0x49: {  	v30 =	vadd.f32 v30, v20;
	v28 =	vsel vm2, s14, v28;
	s14 =	sadd.s32 $0x30, s29;
	(erf) = vpow2.f32 v36  }
0x4a: {  	v27 =	vadd.f32 v27, v23;
	v32 =	vmax.f32 v22, v14;
	v31 =	vsel vm3, s14, v28  }
0x4b: {  	vm2 =	vgt.f32 v15, v24;
	s14 =	sadd.s32 $0x40, s29;
	vm1 =	vgt.f32 v13, v32;
	v28 =	vadd.f32 v34, v30;
	v20 =	vpop (erf)  }
0x4c: {  	s1 =	sadd.s32 $0x400, s1;
	v24 =	vmax.f32 v32, v13;
	v23 =	vsel vm2, s14, v31;
	v27 =	vadd.f32 v29, v27  }
0x4d: {  	(erf) = vpow2.f32 v21;
	v55 =	vpop (erf)  }
0x4e: {  	v30 =	vpop (erf)  }
0x4f: {  	v25 =	vadd.f32 v25, v27;
	v19 =	vmul.f32 v30, v19  }
0x50: {  	v57 =	vpop (erf)  }
0x51: {  	s0 =	sor.u32 s31, s30;
	v18 =	vmul.f32 v57, v18;
	v19 =	vadd.f32 v19, v25  }
0x52: {  	v26 =	vadd.f32 v26, v28;
	s1 =	sor.u32 $0x1C00, s0;
	v58 =	vpop (erf)  }
0x53: {  	s30 =	sor.u32 $0x1C10, s0;
	v56 =	vld [tilespmem:s1+$0x0];
	v17 =	vmul.f32 v58, v17;
	v18 =	vadd.f32 v18, v19  }
0x54: {  	v29 =	vmul.f32 $1.442695020e+00, v16;
	v15 =	vmul.f32 v20, v15;
	s31 =	sor.u32 $0x1C20, s0;
	v26 =	vadd.f32 v30, v26;
	v60 =	vld [tilespmem:s30+$0x0]  }
0x55: {  	vm3 =	vgt.f32 v14, v22;
	vm2 =	vgt.f32 v16, v24;
	s14 =	sor.u32 $0x1C30, s0;
	v62 =	vld [tilespmem:s31+$0x0];
	v17 =	vadd.f32 v17, v18  }
0x56: {  	v34 =	vmax.f32 v24, v16;
	(erf) = vpow2.f32 v29;
	v33 =	vld [tilespmem:s14+$0x0];
	s31 =	sor.u32 $0x1C50, s0;
	s14 =	sadd.s32 $0x50, s29;
	v26 =	vadd.f32 v57, v26;
	v61 =	vpop (erf)  }
0x57: {  	s30 =	sor.u32 $0x1C40, s0;
	s0 =	sor.u32 $0x1C58, s0;
	s29 =	sadd.s32 $0x60, s29;
	v36 =	vld [tilespmem:s31+$0x0];
	v23 =	vsel vm3, s14, v23;
	v63 =	vmul.f32 v61, v14;
	v15 =	vadd.f32 v15, v17  }
0x58: {  	v13 =	vmul.f32 v55, v13;
	v39 =	vld [tilespmem:s0+$0x0];
	v40 =	vsel vm1, s29, v23;
	v25 =	vadd.f32 v58, v26  }
0x59: {  	v59 =	vmul.f32 $1.442695020e+00, v56;
	v38 =	vmax.f32 v34, v56;
	v14 =	vld [tilespmem:s30+$0x0];
	v15 =	vadd.f32 v63, v15  }
0x5a: {  	v41 =	vmul.f32 $1.442695020e+00, v60;
	vm1 =	vgt.f32 v56, v34;
	v46 =	vmul.f32 $1.442695020e+00, v62  }
0x5b: {  	v49 =	vmul.f32 $1.442695020e+00, v33;
	v13 =	vadd.f32 v13, v15;
	v15 =	vmax.f32 v38, v60  }
0x5c: {  	v32 =	vadd.f32 v20, v25;
	(erf) = vpow2.f32 v59;
	v42 =	vmax.f32 v15, v62  }
0x5d: {  	v31 =	vsel vm0, $0xFF800000, v39;
	(erf) = vpow2.f32 v41;
	v43 =	vmax.f32 v42, v33  }
0x5e: {  	v51 =	vmul.f32 $1.442695020e+00, v36;
	v17 =	vadd.f32 v61, v32;
	s30 =	sadd.s32 $0x70, s28;
	v44 =	vmax.f32 v43, v14  }
0x5f: {  	v52 =	vmul.f32 $1.442695020e+00, v39;
	v21 =	vsel vm2, s30, v40;
	v47 =	vmax.f32 v44, v36  }
0x60: {  	v35 =	vpop (erf);
	(erf) = vpow2.f32 v46;
	v17 =	vadd.f32 v55, v17;
	v48 =	vmax.f32 v47, v31  }
0x61: {  	vm2 =	vgt.f32 v60, v38;
	v37 =	vmul.f32 v35, v16;
	v21 =	vadd.s32 v0, v21;
	(xrf0) =	vmax.scan.msk.f32 $0xffff, v48  }
0x62: {  	(erf) = vpow2.f32 v49;
	v21 =	vxor.u32 $0x80000000, v21;
	v17 =	vadd.f32 v35, v17  }
0x63: {  	v50 =	vmul.f32 $1.442695020e+00, v14;
	vm3 =	vgt.f32 v62, v15;
	v15 =	vsel vm1, v1, v21  }
0x64: {  	v13 =	vadd.f32 v37, v13;
	vm1 =	vgt.f32 v33, v42;
	v15 =	vsel vm2, v2, v15  }
0x65: {  	(erf) = vpow2.f32 v50;
	vm2 =	vgt.f32 v14, v43;
	v15 =	vsel vm3, v3, v15;
	v45 =	vpop (erf)  }
0x66: {  	(erf) = vpow2.f32 v51;
	vm3 =	vgt.f32 v36, v44;
	v15 =	vsel vm1, v4, v15;
	v54 =	vpop (erf)  }
0x67: {  	v17 =	vadd.f32 v45, v17;
	v23 =	vmul.f32 v45, v56;
	(erf) = vpow2.f32 v52;
	v53, _, _ =	vpop (xrf0)  }
0x68: {  	v15 =	vsel vm2, v5, v15;
	vm1 =	vgt.f32 v31, v47;
	v55 =	vbroadcast v53, $0xF  }
0x69: {  	v18 =	vmul.f32 v54, v60;
	v15 =	vsel vm3, v6, v15;
	v13 =	vadd.f32 v23, v13  }
0x6a: {  	v56 =	vpop (erf);
	v17 =	vadd.f32 v54, v17;
	v15 =	vsel vm1, v7, v15;
	vm2 =	veq.f32 v48, v55  }
0x6b: {  	v57 =	vmul.f32 v56, v62;
	v13 =	vadd.f32 v18, v13;
	v15 =	vnsel vm2, $0x800003E8, v15  }
0x6c: {  	v58 =	vpop (erf);
	v17 =	vadd.f32 v56, v17;
	(xrf0) =	vmin.scan.msk.u32 $0xffff, v15  }
0x6d: {  	v13 =	vadd.f32 v57, v13;
	v15 =	vmul.f32 v58, v33  }
0x6e: {  	v17 =	vadd.f32 v58, v17;
	v59 =	vpop (erf)  }
0x6f: {  	v14 =	vmul.f32 v59, v14;
	v13 =	vadd.f32 v15, v13  }
0x70: {  	v60 =	vpop (erf);
	v15 =	vadd.f32 v59, v17  }
0x71: {  	v61 =	vpop (erf);
	v13 =	vadd.f32 v14, v13;
	v14 =	vmul.f32 v60, v36  }
0x72: {  	v62 =	vsel vm0, $0x0, v61;
	v15 =	vadd.f32 v60, v15;
	v63, _, _ =	vpop (xrf0)  }
0x73: {  	v13 =	vadd.f32 v14, v13;
	v14 =	vmul.f32 v62, v39;
	(v2sf) =	vpush v63, $0xF  }
0x74: {  	v15 =	vadd.f32 v62, v15  }
0x75: {  	v13 =	vadd.f32 v14, v13  }
0x76: {  	(xrf2) =	vadd.scan.msk.f32 $0xffff, v15  }
0x77: {  	(xrf2) =	vadd.scan.msk.f32 $0xffff, v13;
	_ =	sdelay $0x6  }
0x78: {  	v14 =	vmov s26;
	s26 =	sadd.s32 $0x1, s26  }
0x79: {  	p1 =	sne.s32 s26, $0x10  }
.Ltmp1:
0x7a: {  	v13, _, _ =	vpop (xrf2);
	(pc) =	sbr.rel @p1 .LBB2_3-.Ltmp1, $4  }
0x7b: {  	v15, _, _ =	vpop (xrf2)  }
0x7c: {  	vm1 =	veq.s32 v14, v0;
	v13 =	vbroadcast v13, $0xF;
	v14 =	vbroadcast v15, $0xF;
	s31 =	spop (v2sf)  }
0x7d: {  	v8 =	vsel vm1, v55, v8;
	s0 =	sxor.u32 $0x80000000, s31  }
0x7e: {  	s23 =	sadd.s32 $0x400, s23;
	s25 =	sadd.s32 $0x1, s25;
	v12 =	vsel vm1, v13, v12;
	v11 =	vsel vm1, v14, v11;
	v9 =	vsel vm1, s0, v9  }
.Ltmp2:
0x7f: {  	(pc) =	sbr.rel @p0 .LBB2_2-.Ltmp2, $4  }
0x80: {  	[tilespmem:s22+$0x10000] =	vst v12  }
0x81: {  	[tilespmem:s22+$0x10100] =	vst v11  }
0x82: {  	[tilespmem:s22+$0x10200] =	vst v8  }
0x83: {  	[tilespmem:s22+$0x10300] =	vst v9;
	s22 =	simm.s32 $0x10;
	p1 =	por $0x0, $0x0  }
0x84: {  	s22 =	simm.s32 $0x0  }
0x85: {  	[tilespmem:s22], [sflag:$0x1] =	stream.linear.gather [hbm4b:s7+s22], $0x8000, $0x38;
	[tilespmem:$0x10600] =	vst v63  }
0x86: {  	_ =	swait.ge [sflag:s19], $0x8000  }
0x87: {  	[sflag:s19] =	ssyncset.done $0x0  }
0x88: {  	p1 =	por $0x1, $0x1;
	[sflag:s19] =	ssyncadd.s32 $0xFFFF8000  }
.LBB2_8:
0x89: {  	v8 =	vimm.f32 $0.0e+00;
	v10 =	vimm.s32 $0x0;
	p0 =	por p1, p1  }
0x8a: {  	s23 =	sshll.u32 s22, $0xA;
	s24 =	simm.s32 $0x0;
	v9 =	vimm.s32 $0x0;
	v11 =	vimm.f32 $0.0e+00;
	v12 =	vimm.f32 $0.0e+00;
	s25 =	simm.s32 $0x0  }
.LBB2_9:
0x8b: {  	s0 =	sshll.u32 s23, $0x2;
	s1 =	sand.u32 $0x7, s24  }
0x8c: {  	s0 =	sand.u32 $0xFFFF8000, s0;
	s1 =	sshll.u32 s1, $0x9  }
0x8d: {  	s0 =	sor.u32 s1, s0  }
0x8e: {  	s0 =	sshrl.u32 s0, $0x2  }
0x8f: {  	s1 =	sadd.s32 $0x8040, s0  }
0x90: {  	v16 =	vld [tilespmem:s1+$0xFFFFFFC0];
	_ =	sdelay $0x4  }
0x91: {  	v15 =	vld [tilespmem:s1+$0x0];
	v18 =	vmul.f32 $1.442695020e+00, v16  }
0x92: {  	v13 =	vld [tilespmem:s1+$0x20]  }
0x93: {  	v19 =	vld [tilespmem:s1+$0xFFFFFFD0];
	(erf) = vpow2.f32 v18;
	_ =	sdelay $0x2  }
0x94: {  	v20 =	vimm.f32 $-Inf;
	v18 =	vld [tilespmem:s1+$0xFFFFFFE0]  }
0x95: {  	v17 =	vld [tilespmem:s1+$0xFFFFFFF0];
	v22 =	vmul.f32 $1.442695020e+00, v15;
	vm1 =	vgt.f32 v16, v20;
	v20 =	vmax.f32 v20, v16  }
0x96: {  	s26 =	simm.s32 $0x0;
	v23 =	vmul.f32 $1.442695020e+00, v13;
	v25 =	vmul.f32 $1.442695020e+00, v19;
	v26 =	vmax.f32 v20, v19  }
0x97: {  	s31 =	simm.s32 $0x10;
	(erf) = vpow2.f32 v22;
	v22 =	vsel vm1, s26, v10;
	vm1 =	vgt.f32 v19, v20  }
0x98: {  	(erf) = vpow2.f32 v23;
	v23 =	vsel vm1, s31, v22  }
0x99: {  	(erf) = vpow2.f32 v25;
	v20 =	vmax.f32 v26, v18;
	v27 =	vmul.f32 $1.442695020e+00, v18  }
0x9a: {  	s14 =	simm.s32 $0x20;
	vm2 =	vgt.f32 v18, v26;
	vm3 =	vgt.f32 v17, v20;
	v20 =	vmax.f32 v20, v17;
	v26 =	vpop (erf)  }
0x9b: {  	v14 =	vld [tilespmem:s1+$0x10];
	s31 =	simm.s32 $0x30;
	(erf) = vpow2.f32 v27;
	v25 =	vmul.f32 v26, v16;
	v16 =	vsel vm2, s14, v23  }
0x9c: {  	v24 =	vmul.f32 $1.442695020e+00, v17;
	vm2 =	vgt.f32 v15, v20;
	v16 =	vsel vm3, s31, v16;
	s31 =	simm.s32 $0x40  }
0x9d: {  	v23 =	vsel vm2, s31, v16;
	v16 =	vld [tilespmem:s1+$0x30]  }
0x9e: {  	(erf) = vpow2.f32 v24  }
0x9f: {  	s28 =	sshll.u32 s25, $0x7;
	v22 =	vmax.f32 v20, v15  }
0xa0: {  	v28 =	vimm.f32 $0.0e+00;
	s30 =	sand.u32 $0x380, s28;
	s28 =	simm.s32 $0x0;
	v21 =	vmul.f32 $1.442695020e+00, v14;
	v27 =	vmax.f32 v22, v14;
	s14 =	sadd.s32 s22, s25  }
0xa1: {  	s0 =	simm.s32 $0x0;
	vm1 =	vgt.f32 v13, v27;
	v24 =	vmax.f32 v27, v13;
	v27 =	vimm.f32 $0.0e+00;
	v20 =	vpop (erf);
	s29 =	sshll.u32 s14, $0xA;
	s1 =	sadd.s32 $0x400, s1  }
.LBB2_10:
0xa2: {  	v29 =	vld [tilespmem:s1+$0xFFFFFFC0];
	s0 =	sadd.s32 $0x8, s0;
	v26 =	vadd.f32 v26, v28;
	v28 =	vmul.f32 $1.442695020e+00, v16;
	(erf) = vpow2.f32 v21;
	v30 =	vpop (erf)  }
0xa3: {  	vm3 =	vgt.f32 v14, v22;
	vm2 =	vgt.f32 v16, v24;
	v31 =	vld [tilespmem:s1+$0x30];
	p1 =	slt.u32 s0, $0x30;
	v21 =	vadd.f32 v25, v27;
	v22 =	vpop (erf)  }
0xa4: {  	v27 =	vmul.f32 v30, v13;
	v25 =	vadd.f32 v22, v26;
	v19 =	vmul.f32 v22, v19;
	v13 =	vld [tilespmem:s1+$0x20];
	v22 =	vpop (erf)  }
0xa5: {  	s14 =	sadd.s32 $0x50, s26;
	v26 =	vld [tilespmem:s1+$0x0];
	v32 =	vmul.f32 v22, v18;
	v18 =	vmax.f32 v24, v16;
	(erf) = vpow2.f32 v28  }
0xa6: {  	v24 =	vld [tilespmem:s1+$0x10];
	v21 =	vadd.f32 v19, v21;
	v22 =	vadd.f32 v22, v25;
	v19 =	vsel vm3, s14, v23;
	s14 =	sadd.s32 $0x60, s26  }
0xa7: {  	v23 =	vmul.f32 $1.442695020e+00, v29;
	vm3 =	vgt.f32 v29, v18;
	v25 =	vld [tilespmem:s1+$0xFFFFFFF0];
	v28 =	vsel vm1, s14, v19;
	v33 =	vpop (erf)  }
0xa8: {  	v35 =	vmul.f32 v20, v15;
	s26 =	sadd.s32 $0x80, s26;
	v34 =	vmax.f32 v18, v29;
	v19 =	vld [tilespmem:s1+$0xFFFFFFD0];
	v17 =	vmul.f32 v33, v17  }
0xa9: {  	s14 =	sadd.s32 $0x70, s28;
	s28 =	smov.u32 s26;
	v22 =	vadd.f32 v33, v22;
	v18 =	vld [tilespmem:s1+$0xFFFFFFE0];
	(erf) = vpow2.f32 v23;
	v23 =	vadd.f32 v32, v21  }
0xaa: {  	v21 =	vsel vm2, s14, v28;
	v32 =	vmul.f32 $1.442695020e+00, v26;
	v15 =	vmov v26  }
0xab: {  	v28 =	vmul.f32 $1.442695020e+00, v13;
	v26 =	vsel vm3, s26, v21;
	v21 =	vmul.f32 $1.442695020e+00, v24;
	v33 =	vpop (erf)  }
0xac: {  	v23 =	vadd.f32 v17, v23;
	v36 =	vmul.f32 $1.442695020e+00, v25;
	v37 =	vmul.f32 v33, v14;
	v14 =	vmovc v24;
	v17 =	vmovc v25  }
0xad: {  	v24 =	vmul.f32 $1.442695020e+00, v19;
	v25 =	vmax.f32 v34, v19;
	(erf) = vpow2.f32 v32  }
0xae: {  	vm1 =	vgt.f32 v19, v34;
	v23 =	vadd.f32 v35, v23;
	v32 =	vmax.f32 v25, v18;
	v34 =	vpop (erf)  }
0xaf: {  	v35 =	vmul.f32 $1.442695020e+00, v18;
	vm2 =	vgt.f32 v18, v25;
	(erf) = vpow2.f32 v28  }
0xb0: {  	v20 =	vadd.f32 v20, v22;
	vm3 =	vgt.f32 v17, v32;
	(erf) = vpow2.f32 v24  }
0xb1: {  	s14 =	sadd.s32 $0x10, s26;
	v24 =	vmax.f32 v32, v17;
	(erf) = vpow2.f32 v35  }
0xb2: {  	v20 =	vadd.f32 v33, v20;
	v28 =	vsel vm1, s14, v26;
	v22 =	vmax.f32 v24, v15;
	v26 =	vpop (erf)  }
.Ltmp3:
0xb3: {  	s14 =	sadd.s32 $0x20, s26;
	v23 =	vadd.f32 v37, v23;
	v25 =	vmul.f32 v26, v29;
	v29 =	vmul.f32 v34, v16;
	v16 =	vmovc v31;
	(pc) =	sbr.rel @p1 .LBB2_10-.Ltmp3, $4  }
0xb4: {  	v30 =	vadd.f32 v30, v20;
	v28 =	vsel vm2, s14, v28;
	s14 =	sadd.s32 $0x30, s26;
	(erf) = vpow2.f32 v36  }
0xb5: {  	v27 =	vadd.f32 v27, v23;
	v32 =	vmax.f32 v22, v14;
	v31 =	vsel vm3, s14, v28  }
0xb6: {  	vm2 =	vgt.f32 v15, v24;
	s14 =	sadd.s32 $0x40, s26;
	vm1 =	vgt.f32 v13, v32;
	v28 =	vadd.f32 v34, v30;
	v20 =	vpop (erf)  }
0xb7: {  	s1 =	sadd.s32 $0x400, s1;
	v24 =	vmax.f32 v32, v13;
	v23 =	vsel vm2, s14, v31;
	v27 =	vadd.f32 v29, v27  }
0xb8: {  	(erf) = vpow2.f32 v21;
	v55 =	vpop (erf)  }
0xb9: {  	v30 =	vpop (erf)  }
0xba: {  	v25 =	vadd.f32 v25, v27;
	v19 =	vmul.f32 v30, v19  }
0xbb: {  	v57 =	vpop (erf)  }
0xbc: {  	s0 =	sor.u32 s30, s29;
	v18 =	vmul.f32 v57, v18;
	v19 =	vadd.f32 v19, v25  }
0xbd: {  	v26 =	vadd.f32 v26, v28;
	s1 =	sor.u32 $0x1C00, s0;
	v58 =	vpop (erf)  }
0xbe: {  	s31 =	sor.u32 $0x1C10, s0;
	v56 =	vld [tilespmem:s1+$0x8000];
	v17 =	vmul.f32 v58, v17;
	v18 =	vadd.f32 v18, v19  }
0xbf: {  	v29 =	vmul.f32 $1.442695020e+00, v16;
	v15 =	vmul.f32 v20, v15;
	s14 =	sor.u32 $0x1C20, s0;
	v26 =	vadd.f32 v30, v26;
	v60 =	vld [tilespmem:s31+$0x8000]  }
0xc0: {  	vm3 =	vgt.f32 v14, v22;
	vm2 =	vgt.f32 v16, v24;
	s29 =	sor.u32 $0x1C30, s0;
	v62 =	vld [tilespmem:s14+$0x8000];
	v17 =	vadd.f32 v17, v18  }
0xc1: {  	v34 =	vmax.f32 v24, v16;
	(erf) = vpow2.f32 v29;
	v33 =	vld [tilespmem:s29+$0x8000];
	s31 =	sor.u32 $0x1C50, s0;
	s14 =	sadd.s32 $0x50, s26;
	v26 =	vadd.f32 v57, v26;
	v61 =	vpop (erf)  }
0xc2: {  	s30 =	sor.u32 $0x1C40, s0;
	s0 =	sor.u32 $0x1C58, s0;
	s29 =	sadd.s32 $0x60, s26;
	v36 =	vld [tilespmem:s31+$0x8000];
	v23 =	vsel vm3, s14, v23;
	v63 =	vmul.f32 v61, v14;
	v15 =	vadd.f32 v15, v17  }
0xc3: {  	v13 =	vmul.f32 v55, v13;
	v39 =	vld [tilespmem:s0+$0x8000];
	v40 =	vsel vm1, s29, v23;
	v25 =	vadd.f32 v58, v26  }
0xc4: {  	v59 =	vmul.f32 $1.442695020e+00, v56;
	v38 =	vmax.f32 v34, v56;
	v14 =	vld [tilespmem:s30+$0x8000];
	v15 =	vadd.f32 v63, v15  }
0xc5: {  	v41 =	vmul.f32 $1.442695020e+00, v60;
	vm1 =	vgt.f32 v56, v34;
	v46 =	vmul.f32 $1.442695020e+00, v62  }
0xc6: {  	v49 =	vmul.f32 $1.442695020e+00, v33;
	v13 =	vadd.f32 v13, v15;
	v15 =	vmax.f32 v38, v60  }
0xc7: {  	v32 =	vadd.f32 v20, v25;
	(erf) = vpow2.f32 v59;
	v42 =	vmax.f32 v15, v62  }
0xc8: {  	v31 =	vsel vm0, $0xFF800000, v39;
	(erf) = vpow2.f32 v41;
	v43 =	vmax.f32 v42, v33  }
0xc9: {  	v51 =	vmul.f32 $1.442695020e+00, v36;
	v17 =	vadd.f32 v61, v32;
	s30 =	sadd.s32 $0x70, s28;
	v44 =	vmax.f32 v43, v14  }
0xca: {  	v52 =	vmul.f32 $1.442695020e+00, v39;
	v21 =	vsel vm2, s30, v40;
	v47 =	vmax.f32 v44, v36  }
0xcb: {  	v35 =	vpop (erf);
	(erf) = vpow2.f32 v46;
	v17 =	vadd.f32 v55, v17;
	v48 =	vmax.f32 v47, v31  }
0xcc: {  	vm2 =	vgt.f32 v60, v38;
	v37 =	vmul.f32 v35, v16;
	v21 =	vadd.s32 v0, v21;
	(xrf0) =	vmax.scan.msk.f32 $0xffff, v48  }
0xcd: {  	(erf) = vpow2.f32 v49;
	v21 =	vxor.u32 $0x80000000, v21;
	v17 =	vadd.f32 v35, v17  }
0xce: {  	v50 =	vmul.f32 $1.442695020e+00, v14;
	vm3 =	vgt.f32 v62, v15;
	v15 =	vsel vm1, v1, v21  }
0xcf: {  	v13 =	vadd.f32 v37, v13;
	vm1 =	vgt.f32 v33, v42;
	v15 =	vsel vm2, v2, v15  }
0xd0: {  	(erf) = vpow2.f32 v50;
	vm2 =	vgt.f32 v14, v43;
	v15 =	vsel vm3, v3, v15;
	v45 =	vpop (erf)  }
0xd1: {  	(erf) = vpow2.f32 v51;
	vm3 =	vgt.f32 v36, v44;
	v15 =	vsel vm1, v4, v15;
	v54 =	vpop (erf)  }
0xd2: {  	v17 =	vadd.f32 v45, v17;
	v23 =	vmul.f32 v45, v56;
	(erf) = vpow2.f32 v52;
	v53, _, _ =	vpop (xrf0)  }
0xd3: {  	v15 =	vsel vm2, v5, v15;
	vm1 =	vgt.f32 v31, v47;
	v55 =	vbroadcast v53, $0xF  }
0xd4: {  	v18 =	vmul.f32 v54, v60;
	v15 =	vsel vm3, v6, v15;
	v13 =	vadd.f32 v23, v13  }
0xd5: {  	v56 =	vpop (erf);
	v17 =	vadd.f32 v54, v17;
	v15 =	vsel vm1, v7, v15;
	vm2 =	veq.f32 v48, v55  }
0xd6: {  	v57 =	vmul.f32 v56, v62;
	v13 =	vadd.f32 v18, v13;
	v15 =	vnsel vm2, $0x800003E8, v15  }
0xd7: {  	v58 =	vpop (erf);
	v17 =	vadd.f32 v56, v17;
	(xrf0) =	vmin.scan.msk.u32 $0xffff, v15  }
0xd8: {  	v13 =	vadd.f32 v57, v13;
	v15 =	vmul.f32 v58, v33  }
0xd9: {  	v17 =	vadd.f32 v58, v17;
	v59 =	vpop (erf)  }
0xda: {  	v14 =	vmul.f32 v59, v14;
	v13 =	vadd.f32 v15, v13  }
0xdb: {  	v60 =	vpop (erf);
	v15 =	vadd.f32 v59, v17  }
0xdc: {  	v61 =	vpop (erf);
	v13 =	vadd.f32 v14, v13;
	v14 =	vmul.f32 v60, v36  }
0xdd: {  	v62 =	vsel vm0, $0x0, v61;
	v15 =	vadd.f32 v60, v15;
	v63, _, _ =	vpop (xrf0)  }
0xde: {  	v13 =	vadd.f32 v14, v13;
	v14 =	vmul.f32 v62, v39;
	(v2sf) =	vpush v63, $0xF  }
0xdf: {  	v15 =	vadd.f32 v62, v15  }
0xe0: {  	v13 =	vadd.f32 v14, v13  }
0xe1: {  	(xrf2) =	vadd.scan.msk.f32 $0xffff, v15  }
0xe2: {  	(xrf2) =	vadd.scan.msk.f32 $0xffff, v13;
	_ =	sdelay $0x6  }
0xe3: {  	v14 =	vmov s25;
	s25 =	sadd.s32 $0x1, s25  }
0xe4: {  	p1 =	sne.s32 s25, $0x10  }
.Ltmp4:
0xe5: {  	v13, _, _ =	vpop (xrf2);
	(pc) =	sbr.rel @p1 .LBB2_9-.Ltmp4, $4  }
0xe6: {  	v15, _, _ =	vpop (xrf2)  }
0xe7: {  	vm1 =	veq.s32 v14, v0;
	v13 =	vbroadcast v13, $0xF;
	v14 =	vbroadcast v15, $0xF;
	s31 =	spop (v2sf)  }
0xe8: {  	v8 =	vsel vm1, v55, v8;
	s0 =	sxor.u32 $0x80000000, s31  }
0xe9: {  	s23 =	sadd.s32 $0x400, s23;
	s24 =	sadd.s32 $0x1, s24;
	v12 =	vsel vm1, v13, v12;
	v11 =	vsel vm1, v14, v11;
	v9 =	vsel vm1, s0, v9  }
.Ltmp5:
0xea: {  	(pc) =	sbr.rel @p0 .LBB2_8-.Ltmp5, $4  }
0xeb: {  	[tilespmem:s22+$0x10020] =	vst v12  }
0xec: {  	[tilespmem:s22+$0x10120] =	vst v11  }
0xed: {  	[tilespmem:s22+$0x10220] =	vst v8  }
0xee: {  	[tilespmem:s22+$0x10320] =	vst v9;
	s22 =	simm.s32 $0x10;
	p1 =	por $0x0, $0x0  }
0xef: {  	s22 =	simm.s32 $0x0  }
0xf0: {  	[tilespmem:s17], [sflag:$0x2] =	stream.linear.gather [hbm4b:s8+s22], $0x8000, $0x38;
	[tilespmem:$0x10600] =	vst v63  }
0xf1: {  	_ =	swait.ge [sflag:s18], $0x8000  }
0xf2: {  	[sflag:s18] =	ssyncset.done $0x0  }
0xf3: {  	p1 =	por $0x1, $0x1;
	[sflag:s18] =	ssyncadd.s32 $0xFFFF8000  }
.LBB2_14:
0xf4: {  	v8 =	vimm.f32 $0.0e+00;
	v10 =	vimm.s32 $0x0;
	p0 =	por p1, p1  }
0xf5: {  	s23 =	sshll.u32 s22, $0xA;
	s24 =	simm.s32 $0x0;
	v9 =	vimm.s32 $0x0;
	v11 =	vimm.f32 $0.0e+00;
	v12 =	vimm.f32 $0.0e+00;
	s25 =	simm.s32 $0x0  }
.LBB2_15:
0xf6: {  	s0 =	sshll.u32 s23, $0x2;
	s1 =	sand.u32 $0x7, s24  }
0xf7: {  	s0 =	sand.u32 $0xFFFF8000, s0;
	s1 =	sshll.u32 s1, $0x9  }
0xf8: {  	s0 =	sor.u32 s1, s0  }
0xf9: {  	s0 =	sshrl.u32 s0, $0x2  }
0xfa: {  	s1 =	sor.u32 $0x40, s0  }
0xfb: {  	v16 =	vld [tilespmem:s1+$0xFFFFFFC0];
	_ =	sdelay $0x4  }
0xfc: {  	v15 =	vld [tilespmem:s1+$0x0];
	v18 =	vmul.f32 $1.442695020e+00, v16  }
0xfd: {  	v13 =	vld [tilespmem:s1+$0x20]  }
0xfe: {  	v19 =	vld [tilespmem:s1+$0xFFFFFFD0];
	(erf) = vpow2.f32 v18;
	_ =	sdelay $0x2  }
0xff: {  	v20 =	vimm.f32 $-Inf;
	v18 =	vld [tilespmem:s1+$0xFFFFFFE0]  }
0x100: {  	v17 =	vld [tilespmem:s1+$0xFFFFFFF0];
	v22 =	vmul.f32 $1.442695020e+00, v15;
	vm1 =	vgt.f32 v16, v20;
	v20 =	vmax.f32 v20, v16  }
0x101: {  	s26 =	simm.s32 $0x0;
	v23 =	vmul.f32 $1.442695020e+00, v13;
	v25 =	vmul.f32 $1.442695020e+00, v19;
	v26 =	vmax.f32 v20, v19  }
0x102: {  	s31 =	simm.s32 $0x10;
	(erf) = vpow2.f32 v22;
	v22 =	vsel vm1, s26, v10;
	vm1 =	vgt.f32 v19, v20  }
0x103: {  	(erf) = vpow2.f32 v23;
	v23 =	vsel vm1, s31, v22  }
0x104: {  	(erf) = vpow2.f32 v25;
	v20 =	vmax.f32 v26, v18;
	v27 =	vmul.f32 $1.442695020e+00, v18  }
0x105: {  	s14 =	simm.s32 $0x20;
	vm2 =	vgt.f32 v18, v26;
	vm3 =	vgt.f32 v17, v20;
	v20 =	vmax.f32 v20, v17;
	v26 =	vpop (erf)  }
0x106: {  	v14 =	vld [tilespmem:s1+$0x10];
	s31 =	simm.s32 $0x30;
	(erf) = vpow2.f32 v27;
	v25 =	vmul.f32 v26, v16;
	v16 =	vsel vm2, s14, v23  }
0x107: {  	v24 =	vmul.f32 $1.442695020e+00, v17;
	vm2 =	vgt.f32 v15, v20;
	v16 =	vsel vm3, s31, v16;
	s31 =	simm.s32 $0x40  }
0x108: {  	v23 =	vsel vm2, s31, v16;
	v16 =	vld [tilespmem:s1+$0x30]  }
0x109: {  	(erf) = vpow2.f32 v24  }
0x10a: {  	s28 =	sshll.u32 s25, $0x7;
	v22 =	vmax.f32 v20, v15  }
0x10b: {  	v28 =	vimm.f32 $0.0e+00;
	s30 =	sand.u32 $0x380, s28;
	s28 =	simm.s32 $0x0;
	v21 =	vmul.f32 $1.442695020e+00, v14;
	v27 =	vmax.f32 v22, v14;
	s14 =	sadd.s32 s22, s25  }
0x10c: {  	s0 =	simm.s32 $0x0;
	vm1 =	vgt.f32 v13, v27;
	v24 =	vmax.f32 v27, v13;
	v27 =	vimm.f32 $0.0e+00;
	v20 =	vpop (erf);
	s29 =	sshll.u32 s14, $0xA;
	s1 =	sadd.s32 $0x400, s1  }
.LBB2_16:
0x10d: {  	v29 =	vld [tilespmem:s1+$0xFFFFFFC0];
	s0 =	sadd.s32 $0x8, s0;
	v26 =	vadd.f32 v26, v28;
	v28 =	vmul.f32 $1.442695020e+00, v16;
	(erf) = vpow2.f32 v21;
	v30 =	vpop (erf)  }
0x10e: {  	vm3 =	vgt.f32 v14, v22;
	vm2 =	vgt.f32 v16, v24;
	v31 =	vld [tilespmem:s1+$0x30];
	p1 =	slt.u32 s0, $0x30;
	v21 =	vadd.f32 v25, v27;
	v22 =	vpop (erf)  }
0x10f: {  	v27 =	vmul.f32 v30, v13;
	v25 =	vadd.f32 v22, v26;
	v19 =	vmul.f32 v22, v19;
	v13 =	vld [tilespmem:s1+$0x20];
	v22 =	vpop (erf)  }
0x110: {  	s14 =	sadd.s32 $0x50, s26;
	v26 =	vld [tilespmem:s1+$0x0];
	v32 =	vmul.f32 v22, v18;
	v18 =	vmax.f32 v24, v16;
	(erf) = vpow2.f32 v28  }
0x111: {  	v24 =	vld [tilespmem:s1+$0x10];
	v21 =	vadd.f32 v19, v21;
	v22 =	vadd.f32 v22, v25;
	v19 =	vsel vm3, s14, v23;
	s14 =	sadd.s32 $0x60, s26  }
0x112: {  	v23 =	vmul.f32 $1.442695020e+00, v29;
	vm3 =	vgt.f32 v29, v18;
	v25 =	vld [tilespmem:s1+$0xFFFFFFF0];
	v28 =	vsel vm1, s14, v19;
	v33 =	vpop (erf)  }
0x113: {  	v35 =	vmul.f32 v20, v15;
	s26 =	sadd.s32 $0x80, s26;
	v34 =	vmax.f32 v18, v29;
	v19 =	vld [tilespmem:s1+$0xFFFFFFD0];
	v17 =	vmul.f32 v33, v17  }
0x114: {  	s14 =	sadd.s32 $0x70, s28;
	s28 =	smov.u32 s26;
	v22 =	vadd.f32 v33, v22;
	v18 =	vld [tilespmem:s1+$0xFFFFFFE0];
	(erf) = vpow2.f32 v23;
	v23 =	vadd.f32 v32, v21  }
0x115: {  	v21 =	vsel vm2, s14, v28;
	v32 =	vmul.f32 $1.442695020e+00, v26;
	v15 =	vmov v26  }
0x116: {  	v28 =	vmul.f32 $1.442695020e+00, v13;
	v26 =	vsel vm3, s26, v21;
	v21 =	vmul.f32 $1.442695020e+00, v24;
	v33 =	vpop (erf)  }
0x117: {  	v23 =	vadd.f32 v17, v23;
	v36 =	vmul.f32 $1.442695020e+00, v25;
	v37 =	vmul.f32 v33, v14;
	v14 =	vmovc v24;
	v17 =	vmovc v25  }
0x118: {  	v24 =	vmul.f32 $1.442695020e+00, v19;
	v25 =	vmax.f32 v34, v19;
	(erf) = vpow2.f32 v32  }
0x119: {  	vm1 =	vgt.f32 v19, v34;
	v23 =	vadd.f32 v35, v23;
	v32 =	vmax.f32 v25, v18;
	v34 =	vpop (erf)  }
0x11a: {  	v35 =	vmul.f32 $1.442695020e+00, v18;
	vm2 =	vgt.f32 v18, v25;
	(erf) = vpow2.f32 v28  }
0x11b: {  	v20 =	vadd.f32 v20, v22;
	vm3 =	vgt.f32 v17, v32;
	(erf) = vpow2.f32 v24  }
0x11c: {  	s14 =	sadd.s32 $0x10, s26;
	v24 =	vmax.f32 v32, v17;
	(erf) = vpow2.f32 v35  }
0x11d: {  	v20 =	vadd.f32 v33, v20;
	v28 =	vsel vm1, s14, v26;
	v22 =	vmax.f32 v24, v15;
	v26 =	vpop (erf)  }
.Ltmp6:
0x11e: {  	s14 =	sadd.s32 $0x20, s26;
	v23 =	vadd.f32 v37, v23;
	v25 =	vmul.f32 v26, v29;
	v29 =	vmul.f32 v34, v16;
	v16 =	vmovc v31;
	(pc) =	sbr.rel @p1 .LBB2_16-.Ltmp6, $4  }
0x11f: {  	v30 =	vadd.f32 v30, v20;
	v28 =	vsel vm2, s14, v28;
	s14 =	sadd.s32 $0x30, s26;
	(erf) = vpow2.f32 v36  }
0x120: {  	v27 =	vadd.f32 v27, v23;
	v32 =	vmax.f32 v22, v14;
	v31 =	vsel vm3, s14, v28  }
0x121: {  	vm2 =	vgt.f32 v15, v24;
	s14 =	sadd.s32 $0x40, s26;
	vm1 =	vgt.f32 v13, v32;
	v28 =	vadd.f32 v34, v30;
	v20 =	vpop (erf)  }
0x122: {  	s1 =	sadd.s32 $0x400, s1;
	v24 =	vmax.f32 v32, v13;
	v23 =	vsel vm2, s14, v31;
	v27 =	vadd.f32 v29, v27  }
0x123: {  	(erf) = vpow2.f32 v21;
	v55 =	vpop (erf)  }
0x124: {  	v30 =	vpop (erf)  }
0x125: {  	v25 =	vadd.f32 v25, v27;
	v19 =	vmul.f32 v30, v19  }
0x126: {  	v57 =	vpop (erf)  }
0x127: {  	s0 =	sor.u32 s30, s29;
	v18 =	vmul.f32 v57, v18;
	v19 =	vadd.f32 v19, v25  }
0x128: {  	v26 =	vadd.f32 v26, v28;
	s1 =	sor.u32 $0x1C00, s0;
	v58 =	vpop (erf)  }
0x129: {  	s31 =	sor.u32 $0x1C10, s0;
	v56 =	vld [tilespmem:s1+$0x0];
	v17 =	vmul.f32 v58, v17;
	v18 =	vadd.f32 v18, v19  }
0x12a: {  	v29 =	vmul.f32 $1.442695020e+00, v16;
	v15 =	vmul.f32 v20, v15;
	s14 =	sor.u32 $0x1C20, s0;
	v26 =	vadd.f32 v30, v26;
	v60 =	vld [tilespmem:s31+$0x0]  }
0x12b: {  	vm3 =	vgt.f32 v14, v22;
	vm2 =	vgt.f32 v16, v24;
	s29 =	sor.u32 $0x1C30, s0;
	v62 =	vld [tilespmem:s14+$0x0];
	v17 =	vadd.f32 v17, v18  }
0x12c: {  	v34 =	vmax.f32 v24, v16;
	(erf) = vpow2.f32 v29;
	v33 =	vld [tilespmem:s29+$0x0];
	s31 =	sor.u32 $0x1C50, s0;
	s14 =	sadd.s32 $0x50, s26;
	v26 =	vadd.f32 v57, v26;
	v61 =	vpop (erf)  }
0x12d: {  	s30 =	sor.u32 $0x1C40, s0;
	s0 =	sor.u32 $0x1C58, s0;
	s29 =	sadd.s32 $0x60, s26;
	v36 =	vld [tilespmem:s31+$0x0];
	v23 =	vsel vm3, s14, v23;
	v63 =	vmul.f32 v61, v14;
	v15 =	vadd.f32 v15, v17  }
0x12e: {  	v13 =	vmul.f32 v55, v13;
	v39 =	vld [tilespmem:s0+$0x0];
	v40 =	vsel vm1, s29, v23;
	v25 =	vadd.f32 v58, v26  }
0x12f: {  	v59 =	vmul.f32 $1.442695020e+00, v56;
	v38 =	vmax.f32 v34, v56;
	v14 =	vld [tilespmem:s30+$0x0];
	v15 =	vadd.f32 v63, v15  }
0x130: {  	v41 =	vmul.f32 $1.442695020e+00, v60;
	vm1 =	vgt.f32 v56, v34;
	v46 =	vmul.f32 $1.442695020e+00, v62  }
0x131: {  	v49 =	vmul.f32 $1.442695020e+00, v33;
	v13 =	vadd.f32 v13, v15;
	v15 =	vmax.f32 v38, v60  }
0x132: {  	v32 =	vadd.f32 v20, v25;
	(erf) = vpow2.f32 v59;
	v42 =	vmax.f32 v15, v62  }
0x133: {  	v31 =	vsel vm0, $0xFF800000, v39;
	(erf) = vpow2.f32 v41;
	v43 =	vmax.f32 v42, v33  }
0x134: {  	v51 =	vmul.f32 $1.442695020e+00, v36;
	v17 =	vadd.f32 v61, v32;
	s30 =	sadd.s32 $0x70, s28;
	v44 =	vmax.f32 v43, v14  }
0x135: {  	v52 =	vmul.f32 $1.442695020e+00, v39;
	v21 =	vsel vm2, s30, v40;
	v47 =	vmax.f32 v44, v36  }
0x136: {  	v35 =	vpop (erf);
	(erf) = vpow2.f32 v46;
	v17 =	vadd.f32 v55, v17;
	v48 =	vmax.f32 v47, v31  }
0x137: {  	vm2 =	vgt.f32 v60, v38;
	v37 =	vmul.f32 v35, v16;
	v21 =	vadd.s32 v0, v21;
	(xrf0) =	vmax.scan.msk.f32 $0xffff, v48  }
0x138: {  	(erf) = vpow2.f32 v49;
	v21 =	vxor.u32 $0x80000000, v21;
	v17 =	vadd.f32 v35, v17  }
0x139: {  	v50 =	vmul.f32 $1.442695020e+00, v14;
	vm3 =	vgt.f32 v62, v15;
	v15 =	vsel vm1, v1, v21  }
0x13a: {  	v13 =	vadd.f32 v37, v13;
	vm1 =	vgt.f32 v33, v42;
	v15 =	vsel vm2, v2, v15  }
0x13b: {  	(erf) = vpow2.f32 v50;
	vm2 =	vgt.f32 v14, v43;
	v15 =	vsel vm3, v3, v15;
	v45 =	vpop (erf)  }
0x13c: {  	(erf) = vpow2.f32 v51;
	vm3 =	vgt.f32 v36, v44;
	v15 =	vsel vm1, v4, v15;
	v54 =	vpop (erf)  }
0x13d: {  	v17 =	vadd.f32 v45, v17;
	v23 =	vmul.f32 v45, v56;
	(erf) = vpow2.f32 v52;
	v53, _, _ =	vpop (xrf0)  }
0x13e: {  	v15 =	vsel vm2, v5, v15;
	vm1 =	vgt.f32 v31, v47;
	v55 =	vbroadcast v53, $0xF  }
0x13f: {  	v18 =	vmul.f32 v54, v60;
	v15 =	vsel vm3, v6, v15;
	v13 =	vadd.f32 v23, v13  }
0x140: {  	v56 =	vpop (erf);
	v17 =	vadd.f32 v54, v17;
	v15 =	vsel vm1, v7, v15;
	vm2 =	veq.f32 v48, v55  }
0x141: {  	v57 =	vmul.f32 v56, v62;
	v13 =	vadd.f32 v18, v13;
	v15 =	vnsel vm2, $0x800003E8, v15  }
0x142: {  	v58 =	vpop (erf);
	v17 =	vadd.f32 v56, v17;
	(xrf0) =	vmin.scan.msk.u32 $0xffff, v15  }
0x143: {  	v13 =	vadd.f32 v57, v13;
	v15 =	vmul.f32 v58, v33  }
0x144: {  	v17 =	vadd.f32 v58, v17;
	v59 =	vpop (erf)  }
0x145: {  	v14 =	vmul.f32 v59, v14;
	v13 =	vadd.f32 v15, v13  }
0x146: {  	v60 =	vpop (erf);
	v15 =	vadd.f32 v59, v17  }
0x147: {  	v61 =	vpop (erf);
	v13 =	vadd.f32 v14, v13;
	v14 =	vmul.f32 v60, v36  }
0x148: {  	v62 =	vsel vm0, $0x0, v61;
	v15 =	vadd.f32 v60, v15;
	v63, _, _ =	vpop (xrf0)  }
0x149: {  	v13 =	vadd.f32 v14, v13;
	v14 =	vmul.f32 v62, v39;
	(v2sf) =	vpush v63, $0xF  }
0x14a: {  	v15 =	vadd.f32 v62, v15  }
0x14b: {  	v13 =	vadd.f32 v14, v13  }
0x14c: {  	(xrf2) =	vadd.scan.msk.f32 $0xffff, v15  }
0x14d: {  	(xrf2) =	vadd.scan.msk.f32 $0xffff, v13;
	_ =	sdelay $0x6  }
0x14e: {  	v14 =	vmov s25;
	s25 =	sadd.s32 $0x1, s25  }
0x14f: {  	p1 =	sne.s32 s25, $0x10  }
.Ltmp7:
0x150: {  	v13, _, _ =	vpop (xrf2);
	(pc) =	sbr.rel @p1 .LBB2_15-.Ltmp7, $4  }
0x151: {  	v15, _, _ =	vpop (xrf2)  }
0x152: {  	vm1 =	veq.s32 v14, v0;
	v13 =	vbroadcast v13, $0xF;
	v14 =	vbroadcast v15, $0xF;
	s31 =	spop (v2sf)  }
0x153: {  	v8 =	vsel vm1, v55, v8;
	s0 =	sxor.u32 $0x80000000, s31  }
0x154: {  	s23 =	sadd.s32 $0x400, s23;
	s24 =	sadd.s32 $0x1, s24;
	v12 =	vsel vm1, v13, v12;
	v11 =	vsel vm1, v14, v11;
	v9 =	vsel vm1, s0, v9  }
.Ltmp8:
0x155: {  	(pc) =	sbr.rel @p0 .LBB2_14-.Ltmp8, $4  }
0x156: {  	[tilespmem:s22+$0x10040] =	vst v12  }
0x157: {  	[tilespmem:s22+$0x10140] =	vst v11  }
0x158: {  	[tilespmem:s22+$0x10240] =	vst v8  }
0x159: {  	[tilespmem:s22+$0x10340] =	vst v9;
	s22 =	simm.s32 $0x10;
	p1 =	por $0x0, $0x0  }
0x15a: {  	s22 =	simm.s32 $0x0  }
0x15b: {  	[tilespmem:s22], [sflag:$0x1] =	stream.linear.gather [hbm4b:s9+s22], $0x8000, $0x38;
	[tilespmem:$0x10600] =	vst v63  }
0x15c: {  	_ =	swait.ge [sflag:s19], $0x8000  }
0x15d: {  	[sflag:s19] =	ssyncset.done $0x0  }
0x15e: {  	p1 =	por $0x1, $0x1;
	[sflag:s19] =	ssyncadd.s32 $0xFFFF8000  }
.LBB2_20:
0x15f: {  	v8 =	vimm.f32 $0.0e+00;
	v10 =	vimm.s32 $0x0;
	p0 =	por p1, p1  }
0x160: {  	s23 =	sshll.u32 s22, $0xA;
	s24 =	simm.s32 $0x0;
	v9 =	vimm.s32 $0x0;
	v11 =	vimm.f32 $0.0e+00;
	v12 =	vimm.f32 $0.0e+00;
	s25 =	simm.s32 $0x0  }
.LBB2_21:
0x161: {  	s0 =	sshll.u32 s23, $0x2;
	s1 =	sand.u32 $0x7, s24  }
0x162: {  	s0 =	sand.u32 $0xFFFF8000, s0;
	s1 =	sshll.u32 s1, $0x9  }
0x163: {  	s0 =	sor.u32 s1, s0  }
0x164: {  	s0 =	sshrl.u32 s0, $0x2  }
0x165: {  	s1 =	sadd.s32 $0x8040, s0  }
0x166: {  	v16 =	vld [tilespmem:s1+$0xFFFFFFC0];
	_ =	sdelay $0x4  }
0x167: {  	v15 =	vld [tilespmem:s1+$0x0];
	v18 =	vmul.f32 $1.442695020e+00, v16  }
0x168: {  	v13 =	vld [tilespmem:s1+$0x20]  }
0x169: {  	v19 =	vld [tilespmem:s1+$0xFFFFFFD0];
	(erf) = vpow2.f32 v18;
	_ =	sdelay $0x2  }
0x16a: {  	v20 =	vimm.f32 $-Inf;
	v18 =	vld [tilespmem:s1+$0xFFFFFFE0]  }
0x16b: {  	v17 =	vld [tilespmem:s1+$0xFFFFFFF0];
	v22 =	vmul.f32 $1.442695020e+00, v15;
	vm1 =	vgt.f32 v16, v20;
	v20 =	vmax.f32 v20, v16  }
0x16c: {  	s26 =	simm.s32 $0x0;
	v23 =	vmul.f32 $1.442695020e+00, v13;
	v25 =	vmul.f32 $1.442695020e+00, v19;
	v26 =	vmax.f32 v20, v19  }
0x16d: {  	s31 =	simm.s32 $0x10;
	(erf) = vpow2.f32 v22;
	v22 =	vsel vm1, s26, v10;
	vm1 =	vgt.f32 v19, v20  }
0x16e: {  	(erf) = vpow2.f32 v23;
	v23 =	vsel vm1, s31, v22  }
0x16f: {  	(erf) = vpow2.f32 v25;
	v20 =	vmax.f32 v26, v18;
	v27 =	vmul.f32 $1.442695020e+00, v18  }
0x170: {  	s14 =	simm.s32 $0x20;
	vm2 =	vgt.f32 v18, v26;
	vm3 =	vgt.f32 v17, v20;
	v20 =	vmax.f32 v20, v17;
	v26 =	vpop (erf)  }
0x171: {  	v14 =	vld [tilespmem:s1+$0x10];
	s31 =	simm.s32 $0x30;
	(erf) = vpow2.f32 v27;
	v25 =	vmul.f32 v26, v16;
	v16 =	vsel vm2, s14, v23  }
0x172: {  	v24 =	vmul.f32 $1.442695020e+00, v17;
	vm2 =	vgt.f32 v15, v20;
	v16 =	vsel vm3, s31, v16;
	s31 =	simm.s32 $0x40  }
0x173: {  	v23 =	vsel vm2, s31, v16;
	v16 =	vld [tilespmem:s1+$0x30]  }
0x174: {  	(erf) = vpow2.f32 v24  }
0x175: {  	s28 =	sshll.u32 s25, $0x7;
	v22 =	vmax.f32 v20, v15  }
0x176: {  	v28 =	vimm.f32 $0.0e+00;
	s30 =	sand.u32 $0x380, s28;
	s28 =	simm.s32 $0x0;
	v21 =	vmul.f32 $1.442695020e+00, v14;
	v27 =	vmax.f32 v22, v14;
	s14 =	sadd.s32 s22, s25  }
0x177: {  	s0 =	simm.s32 $0x0;
	vm1 =	vgt.f32 v13, v27;
	v24 =	vmax.f32 v27, v13;
	v27 =	vimm.f32 $0.0e+00;
	v20 =	vpop (erf);
	s29 =	sshll.u32 s14, $0xA;
	s1 =	sadd.s32 $0x400, s1  }
.LBB2_22:
0x178: {  	v29 =	vld [tilespmem:s1+$0xFFFFFFC0];
	s0 =	sadd.s32 $0x8, s0;
	v26 =	vadd.f32 v26, v28;
	v28 =	vmul.f32 $1.442695020e+00, v16;
	(erf) = vpow2.f32 v21;
	v30 =	vpop (erf)  }
0x179: {  	vm3 =	vgt.f32 v14, v22;
	vm2 =	vgt.f32 v16, v24;
	v31 =	vld [tilespmem:s1+$0x30];
	p1 =	slt.u32 s0, $0x30;
	v21 =	vadd.f32 v25, v27;
	v22 =	vpop (erf)  }
0x17a: {  	v27 =	vmul.f32 v30, v13;
	v25 =	vadd.f32 v22, v26;
	v19 =	vmul.f32 v22, v19;
	v13 =	vld [tilespmem:s1+$0x20];
	v22 =	vpop (erf)  }
0x17b: {  	s14 =	sadd.s32 $0x50, s26;
	v26 =	vld [tilespmem:s1+$0x0];
	v32 =	vmul.f32 v22, v18;
	v18 =	vmax.f32 v24, v16;
	(erf) = vpow2.f32 v28  }
0x17c: {  	v24 =	vld [tilespmem:s1+$0x10];
	v21 =	vadd.f32 v19, v21;
	v22 =	vadd.f32 v22, v25;
	v19 =	vsel vm3, s14, v23;
	s14 =	sadd.s32 $0x60, s26  }
0x17d: {  	v23 =	vmul.f32 $1.442695020e+00, v29;
	vm3 =	vgt.f32 v29, v18;
	v25 =	vld [tilespmem:s1+$0xFFFFFFF0];
	v28 =	vsel vm1, s14, v19;
	v33 =	vpop (erf)  }
0x17e: {  	v35 =	vmul.f32 v20, v15;
	s26 =	sadd.s32 $0x80, s26;
	v34 =	vmax.f32 v18, v29;
	v19 =	vld [tilespmem:s1+$0xFFFFFFD0];
	v17 =	vmul.f32 v33, v17  }
0x17f: {  	s14 =	sadd.s32 $0x70, s28;
	s28 =	smov.u32 s26;
	v22 =	vadd.f32 v33, v22;
	v18 =	vld [tilespmem:s1+$0xFFFFFFE0];
	(erf) = vpow2.f32 v23;
	v23 =	vadd.f32 v32, v21  }
0x180: {  	v21 =	vsel vm2, s14, v28;
	v32 =	vmul.f32 $1.442695020e+00, v26;
	v15 =	vmov v26  }
0x181: {  	v28 =	vmul.f32 $1.442695020e+00, v13;
	v26 =	vsel vm3, s26, v21;
	v21 =	vmul.f32 $1.442695020e+00, v24;
	v33 =	vpop (erf)  }
0x182: {  	v23 =	vadd.f32 v17, v23;
	v36 =	vmul.f32 $1.442695020e+00, v25;
	v37 =	vmul.f32 v33, v14;
	v14 =	vmovc v24;
	v17 =	vmovc v25  }
0x183: {  	v24 =	vmul.f32 $1.442695020e+00, v19;
	v25 =	vmax.f32 v34, v19;
	(erf) = vpow2.f32 v32  }
0x184: {  	vm1 =	vgt.f32 v19, v34;
	v23 =	vadd.f32 v35, v23;
	v32 =	vmax.f32 v25, v18;
	v34 =	vpop (erf)  }
0x185: {  	v35 =	vmul.f32 $1.442695020e+00, v18;
	vm2 =	vgt.f32 v18, v25;
	(erf) = vpow2.f32 v28  }
0x186: {  	v20 =	vadd.f32 v20, v22;
	vm3 =	vgt.f32 v17, v32;
	(erf) = vpow2.f32 v24  }
0x187: {  	s14 =	sadd.s32 $0x10, s26;
	v24 =	vmax.f32 v32, v17;
	(erf) = vpow2.f32 v35  }
0x188: {  	v20 =	vadd.f32 v33, v20;
	v28 =	vsel vm1, s14, v26;
	v22 =	vmax.f32 v24, v15;
	v26 =	vpop (erf)  }
.Ltmp9:
0x189: {  	s14 =	sadd.s32 $0x20, s26;
	v23 =	vadd.f32 v37, v23;
	v25 =	vmul.f32 v26, v29;
	v29 =	vmul.f32 v34, v16;
	v16 =	vmovc v31;
	(pc) =	sbr.rel @p1 .LBB2_22-.Ltmp9, $4  }
0x18a: {  	v30 =	vadd.f32 v30, v20;
	v28 =	vsel vm2, s14, v28;
	s14 =	sadd.s32 $0x30, s26;
	(erf) = vpow2.f32 v36  }
0x18b: {  	v27 =	vadd.f32 v27, v23;
	v32 =	vmax.f32 v22, v14;
	v31 =	vsel vm3, s14, v28  }
0x18c: {  	vm2 =	vgt.f32 v15, v24;
	s14 =	sadd.s32 $0x40, s26;
	vm1 =	vgt.f32 v13, v32;
	v28 =	vadd.f32 v34, v30;
	v20 =	vpop (erf)  }
0x18d: {  	s1 =	sadd.s32 $0x400, s1;
	v24 =	vmax.f32 v32, v13;
	v23 =	vsel vm2, s14, v31;
	v27 =	vadd.f32 v29, v27  }
0x18e: {  	(erf) = vpow2.f32 v21;
	v55 =	vpop (erf)  }
0x18f: {  	v30 =	vpop (erf)  }
0x190: {  	v25 =	vadd.f32 v25, v27;
	v19 =	vmul.f32 v30, v19  }
0x191: {  	v57 =	vpop (erf)  }
0x192: {  	s0 =	sor.u32 s30, s29;
	v18 =	vmul.f32 v57, v18;
	v19 =	vadd.f32 v19, v25  }
0x193: {  	v26 =	vadd.f32 v26, v28;
	s1 =	sor.u32 $0x1C00, s0;
	v58 =	vpop (erf)  }
0x194: {  	s31 =	sor.u32 $0x1C10, s0;
	v56 =	vld [tilespmem:s1+$0x8000];
	v17 =	vmul.f32 v58, v17;
	v18 =	vadd.f32 v18, v19  }
0x195: {  	v29 =	vmul.f32 $1.442695020e+00, v16;
	v15 =	vmul.f32 v20, v15;
	s14 =	sor.u32 $0x1C20, s0;
	v26 =	vadd.f32 v30, v26;
	v60 =	vld [tilespmem:s31+$0x8000]  }
0x196: {  	vm3 =	vgt.f32 v14, v22;
	vm2 =	vgt.f32 v16, v24;
	s29 =	sor.u32 $0x1C30, s0;
	v62 =	vld [tilespmem:s14+$0x8000];
	v17 =	vadd.f32 v17, v18  }
0x197: {  	v34 =	vmax.f32 v24, v16;
	(erf) = vpow2.f32 v29;
	v33 =	vld [tilespmem:s29+$0x8000];
	s31 =	sor.u32 $0x1C50, s0;
	s14 =	sadd.s32 $0x50, s26;
	v26 =	vadd.f32 v57, v26;
	v61 =	vpop (erf)  }
0x198: {  	s30 =	sor.u32 $0x1C40, s0;
	s0 =	sor.u32 $0x1C58, s0;
	s29 =	sadd.s32 $0x60, s26;
	v36 =	vld [tilespmem:s31+$0x8000];
	v23 =	vsel vm3, s14, v23;
	v63 =	vmul.f32 v61, v14;
	v15 =	vadd.f32 v15, v17  }
0x199: {  	v13 =	vmul.f32 v55, v13;
	v39 =	vld [tilespmem:s0+$0x8000];
	v40 =	vsel vm1, s29, v23;
	v25 =	vadd.f32 v58, v26  }
0x19a: {  	v59 =	vmul.f32 $1.442695020e+00, v56;
	v38 =	vmax.f32 v34, v56;
	v14 =	vld [tilespmem:s30+$0x8000];
	v15 =	vadd.f32 v63, v15  }
0x19b: {  	v41 =	vmul.f32 $1.442695020e+00, v60;
	vm1 =	vgt.f32 v56, v34;
	v46 =	vmul.f32 $1.442695020e+00, v62  }
0x19c: {  	v49 =	vmul.f32 $1.442695020e+00, v33;
	v13 =	vadd.f32 v13, v15;
	v15 =	vmax.f32 v38, v60  }
0x19d: {  	v32 =	vadd.f32 v20, v25;
	(erf) = vpow2.f32 v59;
	v42 =	vmax.f32 v15, v62  }
0x19e: {  	v31 =	vsel vm0, $0xFF800000, v39;
	(erf) = vpow2.f32 v41;
	v43 =	vmax.f32 v42, v33  }
0x19f: {  	v51 =	vmul.f32 $1.442695020e+00, v36;
	v17 =	vadd.f32 v61, v32;
	s30 =	sadd.s32 $0x70, s28;
	v44 =	vmax.f32 v43, v14  }
0x1a0: {  	v52 =	vmul.f32 $1.442695020e+00, v39;
	v21 =	vsel vm2, s30, v40;
	v47 =	vmax.f32 v44, v36  }
0x1a1: {  	v35 =	vpop (erf);
	(erf) = vpow2.f32 v46;
	v17 =	vadd.f32 v55, v17;
	v48 =	vmax.f32 v47, v31  }
0x1a2: {  	vm2 =	vgt.f32 v60, v38;
	v37 =	vmul.f32 v35, v16;
	v21 =	vadd.s32 v0, v21;
	(xrf0) =	vmax.scan.msk.f32 $0xffff, v48  }
0x1a3: {  	(erf) = vpow2.f32 v49;
	v21 =	vxor.u32 $0x80000000, v21;
	v17 =	vadd.f32 v35, v17  }
0x1a4: {  	v50 =	vmul.f32 $1.442695020e+00, v14;
	vm3 =	vgt.f32 v62, v15;
	v15 =	vsel vm1, v1, v21  }
0x1a5: {  	v13 =	vadd.f32 v37, v13;
	vm1 =	vgt.f32 v33, v42;
	v15 =	vsel vm2, v2, v15  }
0x1a6: {  	(erf) = vpow2.f32 v50;
	vm2 =	vgt.f32 v14, v43;
	v15 =	vsel vm3, v3, v15;
	v45 =	vpop (erf)  }
0x1a7: {  	(erf) = vpow2.f32 v51;
	vm3 =	vgt.f32 v36, v44;
	v15 =	vsel vm1, v4, v15;
	v54 =	vpop (erf)  }
0x1a8: {  	v17 =	vadd.f32 v45, v17;
	v23 =	vmul.f32 v45, v56;
	(erf) = vpow2.f32 v52;
	v53, _, _ =	vpop (xrf0)  }
0x1a9: {  	v15 =	vsel vm2, v5, v15;
	vm1 =	vgt.f32 v31, v47;
	v55 =	vbroadcast v53, $0xF  }
0x1aa: {  	v18 =	vmul.f32 v54, v60;
	v15 =	vsel vm3, v6, v15;
	v13 =	vadd.f32 v23, v13  }
0x1ab: {  	v56 =	vpop (erf);
	v17 =	vadd.f32 v54, v17;
	v15 =	vsel vm1, v7, v15;
	vm2 =	veq.f32 v48, v55  }
0x1ac: {  	v57 =	vmul.f32 v56, v62;
	v13 =	vadd.f32 v18, v13;
	v15 =	vnsel vm2, $0x800003E8, v15  }
0x1ad: {  	v58 =	vpop (erf);
	v17 =	vadd.f32 v56, v17;
	(xrf0) =	vmin.scan.msk.u32 $0xffff, v15  }
0x1ae: {  	v13 =	vadd.f32 v57, v13;
	v15 =	vmul.f32 v58, v33  }
0x1af: {  	v17 =	vadd.f32 v58, v17;
	v59 =	vpop (erf)  }
0x1b0: {  	v14 =	vmul.f32 v59, v14;
	v13 =	vadd.f32 v15, v13  }
0x1b1: {  	v60 =	vpop (erf);
	v15 =	vadd.f32 v59, v17  }
0x1b2: {  	v61 =	vpop (erf);
	v13 =	vadd.f32 v14, v13;
	v14 =	vmul.f32 v60, v36  }
0x1b3: {  	v62 =	vsel vm0, $0x0, v61;
	v15 =	vadd.f32 v60, v15;
	v63, _, _ =	vpop (xrf0)  }
0x1b4: {  	v13 =	vadd.f32 v14, v13;
	v14 =	vmul.f32 v62, v39;
	(v2sf) =	vpush v63, $0xF  }
0x1b5: {  	v15 =	vadd.f32 v62, v15  }
0x1b6: {  	v13 =	vadd.f32 v14, v13  }
0x1b7: {  	(xrf2) =	vadd.scan.msk.f32 $0xffff, v15  }
0x1b8: {  	(xrf2) =	vadd.scan.msk.f32 $0xffff, v13;
	_ =	sdelay $0x6  }
0x1b9: {  	v14 =	vmov s25;
	s25 =	sadd.s32 $0x1, s25  }
0x1ba: {  	p1 =	sne.s32 s25, $0x10  }
.Ltmp10:
0x1bb: {  	v13, _, _ =	vpop (xrf2);
	(pc) =	sbr.rel @p1 .LBB2_21-.Ltmp10, $4  }
0x1bc: {  	v15, _, _ =	vpop (xrf2)  }
0x1bd: {  	vm1 =	veq.s32 v14, v0;
	v13 =	vbroadcast v13, $0xF;
	v14 =	vbroadcast v15, $0xF;
	s31 =	spop (v2sf)  }
0x1be: {  	v8 =	vsel vm1, v55, v8;
	s0 =	sxor.u32 $0x80000000, s31  }
0x1bf: {  	s23 =	sadd.s32 $0x400, s23;
	s24 =	sadd.s32 $0x1, s24;
	v12 =	vsel vm1, v13, v12;
	v11 =	vsel vm1, v14, v11;
	v9 =	vsel vm1, s0, v9  }
.Ltmp11:
0x1c0: {  	(pc) =	sbr.rel @p0 .LBB2_20-.Ltmp11, $4  }
0x1c1: {  	[tilespmem:s22+$0x10060] =	vst v12  }
0x1c2: {  	[tilespmem:s22+$0x10160] =	vst v11  }
0x1c3: {  	[tilespmem:s22+$0x10260] =	vst v8  }
0x1c4: {  	[tilespmem:s22+$0x10360] =	vst v9;
	s22 =	simm.s32 $0x10;
	p1 =	por $0x0, $0x0  }
0x1c5: {  	s22 =	simm.s32 $0x0  }
0x1c6: {  	[tilespmem:s17], [sflag:$0x2] =	stream.linear.gather [hbm4b:s10+s22], $0x8000, $0x38;
	[tilespmem:$0x10600] =	vst v63  }
0x1c7: {  	_ =	swait.ge [sflag:s18], $0x8000  }
0x1c8: {  	[sflag:s18] =	ssyncset.done $0x0  }
0x1c9: {  	p1 =	por $0x1, $0x1;
	[sflag:s18] =	ssyncadd.s32 $0xFFFF8000  }
.LBB2_26:
0x1ca: {  	v8 =	vimm.f32 $0.0e+00;
	v10 =	vimm.s32 $0x0;
	p0 =	por p1, p1  }
0x1cb: {  	s23 =	sshll.u32 s22, $0xA;
	s24 =	simm.s32 $0x0;
	v9 =	vimm.s32 $0x0;
	v11 =	vimm.f32 $0.0e+00;
	v12 =	vimm.f32 $0.0e+00;
	s25 =	simm.s32 $0x0  }
.LBB2_27:
0x1cc: {  	s0 =	sshll.u32 s23, $0x2;
	s1 =	sand.u32 $0x7, s24  }
0x1cd: {  	s0 =	sand.u32 $0xFFFF8000, s0;
	s1 =	sshll.u32 s1, $0x9  }
0x1ce: {  	s0 =	sor.u32 s1, s0  }
0x1cf: {  	s0 =	sshrl.u32 s0, $0x2  }
0x1d0: {  	s1 =	sor.u32 $0x40, s0  }
0x1d1: {  	v16 =	vld [tilespmem:s1+$0xFFFFFFC0];
	_ =	sdelay $0x4  }
0x1d2: {  	v15 =	vld [tilespmem:s1+$0x0];
	v18 =	vmul.f32 $1.442695020e+00, v16  }
0x1d3: {  	v13 =	vld [tilespmem:s1+$0x20]  }
0x1d4: {  	v19 =	vld [tilespmem:s1+$0xFFFFFFD0];
	(erf) = vpow2.f32 v18;
	_ =	sdelay $0x2  }
0x1d5: {  	v20 =	vimm.f32 $-Inf;
	v18 =	vld [tilespmem:s1+$0xFFFFFFE0]  }
0x1d6: {  	v17 =	vld [tilespmem:s1+$0xFFFFFFF0];
	v22 =	vmul.f32 $1.442695020e+00, v15;
	vm1 =	vgt.f32 v16, v20;
	v20 =	vmax.f32 v20, v16  }
0x1d7: {  	s26 =	simm.s32 $0x0;
	v23 =	vmul.f32 $1.442695020e+00, v13;
	v25 =	vmul.f32 $1.442695020e+00, v19;
	v26 =	vmax.f32 v20, v19  }
0x1d8: {  	s31 =	simm.s32 $0x10;
	(erf) = vpow2.f32 v22;
	v22 =	vsel vm1, s26, v10;
	vm1 =	vgt.f32 v19, v20  }
0x1d9: {  	(erf) = vpow2.f32 v23;
	v23 =	vsel vm1, s31, v22  }
0x1da: {  	(erf) = vpow2.f32 v25;
	v20 =	vmax.f32 v26, v18;
	v27 =	vmul.f32 $1.442695020e+00, v18  }
0x1db: {  	s14 =	simm.s32 $0x20;
	vm2 =	vgt.f32 v18, v26;
	vm3 =	vgt.f32 v17, v20;
	v20 =	vmax.f32 v20, v17;
	v26 =	vpop (erf)  }
0x1dc: {  	v14 =	vld [tilespmem:s1+$0x10];
	s31 =	simm.s32 $0x30;
	(erf) = vpow2.f32 v27;
	v25 =	vmul.f32 v26, v16;
	v16 =	vsel vm2, s14, v23  }
0x1dd: {  	v24 =	vmul.f32 $1.442695020e+00, v17;
	vm2 =	vgt.f32 v15, v20;
	v16 =	vsel vm3, s31, v16;
	s31 =	simm.s32 $0x40  }
0x1de: {  	v23 =	vsel vm2, s31, v16;
	v16 =	vld [tilespmem:s1+$0x30]  }
0x1df: {  	(erf) = vpow2.f32 v24  }
0x1e0: {  	s28 =	sshll.u32 s25, $0x7;
	v22 =	vmax.f32 v20, v15  }
0x1e1: {  	v28 =	vimm.f32 $0.0e+00;
	s30 =	sand.u32 $0x380, s28;
	s28 =	simm.s32 $0x0;
	v21 =	vmul.f32 $1.442695020e+00, v14;
	v27 =	vmax.f32 v22, v14;
	s14 =	sadd.s32 s22, s25  }
0x1e2: {  	s0 =	simm.s32 $0x0;
	vm1 =	vgt.f32 v13, v27;
	v24 =	vmax.f32 v27, v13;
	v27 =	vimm.f32 $0.0e+00;
	v20 =	vpop (erf);
	s29 =	sshll.u32 s14, $0xA;
	s1 =	sadd.s32 $0x400, s1  }
.LBB2_28:
0x1e3: {  	v29 =	vld [tilespmem:s1+$0xFFFFFFC0];
	s0 =	sadd.s32 $0x8, s0;
	v26 =	vadd.f32 v26, v28;
	v28 =	vmul.f32 $1.442695020e+00, v16;
	(erf) = vpow2.f32 v21;
	v30 =	vpop (erf)  }
0x1e4: {  	vm3 =	vgt.f32 v14, v22;
	vm2 =	vgt.f32 v16, v24;
	v31 =	vld [tilespmem:s1+$0x30];
	p1 =	slt.u32 s0, $0x30;
	v21 =	vadd.f32 v25, v27;
	v22 =	vpop (erf)  }
0x1e5: {  	v27 =	vmul.f32 v30, v13;
	v25 =	vadd.f32 v22, v26;
	v19 =	vmul.f32 v22, v19;
	v13 =	vld [tilespmem:s1+$0x20];
	v22 =	vpop (erf)  }
0x1e6: {  	s14 =	sadd.s32 $0x50, s26;
	v26 =	vld [tilespmem:s1+$0x0];
	v32 =	vmul.f32 v22, v18;
	v18 =	vmax.f32 v24, v16;
	(erf) = vpow2.f32 v28  }
0x1e7: {  	v24 =	vld [tilespmem:s1+$0x10];
	v21 =	vadd.f32 v19, v21;
	v22 =	vadd.f32 v22, v25;
	v19 =	vsel vm3, s14, v23;
	s14 =	sadd.s32 $0x60, s26  }
0x1e8: {  	v23 =	vmul.f32 $1.442695020e+00, v29;
	vm3 =	vgt.f32 v29, v18;
	v25 =	vld [tilespmem:s1+$0xFFFFFFF0];
	v28 =	vsel vm1, s14, v19;
	v33 =	vpop (erf)  }
0x1e9: {  	v35 =	vmul.f32 v20, v15;
	s26 =	sadd.s32 $0x80, s26;
	v34 =	vmax.f32 v18, v29;
	v19 =	vld [tilespmem:s1+$0xFFFFFFD0];
	v17 =	vmul.f32 v33, v17  }
0x1ea: {  	s14 =	sadd.s32 $0x70, s28;
	s28 =	smov.u32 s26;
	v22 =	vadd.f32 v33, v22;
	v18 =	vld [tilespmem:s1+$0xFFFFFFE0];
	(erf) = vpow2.f32 v23;
	v23 =	vadd.f32 v32, v21  }
0x1eb: {  	v21 =	vsel vm2, s14, v28;
	v32 =	vmul.f32 $1.442695020e+00, v26;
	v15 =	vmov v26  }
0x1ec: {  	v28 =	vmul.f32 $1.442695020e+00, v13;
	v26 =	vsel vm3, s26, v21;
	v21 =	vmul.f32 $1.442695020e+00, v24;
	v33 =	vpop (erf)  }
0x1ed: {  	v23 =	vadd.f32 v17, v23;
	v36 =	vmul.f32 $1.442695020e+00, v25;
	v37 =	vmul.f32 v33, v14;
	v14 =	vmovc v24;
	v17 =	vmovc v25  }
0x1ee: {  	v24 =	vmul.f32 $1.442695020e+00, v19;
	v25 =	vmax.f32 v34, v19;
	(erf) = vpow2.f32 v32  }
0x1ef: {  	vm1 =	vgt.f32 v19, v34;
	v23 =	vadd.f32 v35, v23;
	v32 =	vmax.f32 v25, v18;
	v34 =	vpop (erf)  }
0x1f0: {  	v35 =	vmul.f32 $1.442695020e+00, v18;
	vm2 =	vgt.f32 v18, v25;
	(erf) = vpow2.f32 v28  }
0x1f1: {  	v20 =	vadd.f32 v20, v22;
	vm3 =	vgt.f32 v17, v32;
	(erf) = vpow2.f32 v24  }
0x1f2: {  	s14 =	sadd.s32 $0x10, s26;
	v24 =	vmax.f32 v32, v17;
	(erf) = vpow2.f32 v35  }
0x1f3: {  	v20 =	vadd.f32 v33, v20;
	v28 =	vsel vm1, s14, v26;
	v22 =	vmax.f32 v24, v15;
	v26 =	vpop (erf)  }
.Ltmp12:
0x1f4: {  	s14 =	sadd.s32 $0x20, s26;
	v23 =	vadd.f32 v37, v23;
	v25 =	vmul.f32 v26, v29;
	v29 =	vmul.f32 v34, v16;
	v16 =	vmovc v31;
	(pc) =	sbr.rel @p1 .LBB2_28-.Ltmp12, $4  }
0x1f5: {  	v30 =	vadd.f32 v30, v20;
	v28 =	vsel vm2, s14, v28;
	s14 =	sadd.s32 $0x30, s26;
	(erf) = vpow2.f32 v36  }
0x1f6: {  	v27 =	vadd.f32 v27, v23;
	v32 =	vmax.f32 v22, v14;
	v31 =	vsel vm3, s14, v28  }
0x1f7: {  	vm2 =	vgt.f32 v15, v24;
	s14 =	sadd.s32 $0x40, s26;
	vm1 =	vgt.f32 v13, v32;
	v28 =	vadd.f32 v34, v30;
	v20 =	vpop (erf)  }
0x1f8: {  	s1 =	sadd.s32 $0x400, s1;
	v24 =	vmax.f32 v32, v13;
	v23 =	vsel vm2, s14, v31;
	v27 =	vadd.f32 v29, v27  }
0x1f9: {  	(erf) = vpow2.f32 v21;
	v55 =	vpop (erf)  }
0x1fa: {  	v30 =	vpop (erf)  }
0x1fb: {  	v25 =	vadd.f32 v25, v27;
	v19 =	vmul.f32 v30, v19  }
0x1fc: {  	v57 =	vpop (erf)  }
0x1fd: {  	s0 =	sor.u32 s30, s29;
	v18 =	vmul.f32 v57, v18;
	v19 =	vadd.f32 v19, v25  }
0x1fe: {  	v26 =	vadd.f32 v26, v28;
	s1 =	sor.u32 $0x1C00, s0;
	v58 =	vpop (erf)  }
0x1ff: {  	s31 =	sor.u32 $0x1C10, s0;
	v56 =	vld [tilespmem:s1+$0x0];
	v17 =	vmul.f32 v58, v17;
	v18 =	vadd.f32 v18, v19  }
0x200: {  	v29 =	vmul.f32 $1.442695020e+00, v16;
	v15 =	vmul.f32 v20, v15;
	s14 =	sor.u32 $0x1C20, s0;
	v26 =	vadd.f32 v30, v26;
	v60 =	vld [tilespmem:s31+$0x0]  }
0x201: {  	vm3 =	vgt.f32 v14, v22;
	vm2 =	vgt.f32 v16, v24;
	s29 =	sor.u32 $0x1C30, s0;
	v62 =	vld [tilespmem:s14+$0x0];
	v17 =	vadd.f32 v17, v18  }
0x202: {  	v34 =	vmax.f32 v24, v16;
	(erf) = vpow2.f32 v29;
	v33 =	vld [tilespmem:s29+$0x0];
	s31 =	sor.u32 $0x1C50, s0;
	s14 =	sadd.s32 $0x50, s26;
	v26 =	vadd.f32 v57, v26;
	v61 =	vpop (erf)  }
0x203: {  	s30 =	sor.u32 $0x1C40, s0;
	s0 =	sor.u32 $0x1C58, s0;
	s29 =	sadd.s32 $0x60, s26;
	v36 =	vld [tilespmem:s31+$0x0];
	v23 =	vsel vm3, s14, v23;
	v63 =	vmul.f32 v61, v14;
	v15 =	vadd.f32 v15, v17  }
0x204: {  	v13 =	vmul.f32 v55, v13;
	v39 =	vld [tilespmem:s0+$0x0];
	v40 =	vsel vm1, s29, v23;
	v25 =	vadd.f32 v58, v26  }
0x205: {  	v59 =	vmul.f32 $1.442695020e+00, v56;
	v38 =	vmax.f32 v34, v56;
	v14 =	vld [tilespmem:s30+$0x0];
	v15 =	vadd.f32 v63, v15  }
0x206: {  	v41 =	vmul.f32 $1.442695020e+00, v60;
	vm1 =	vgt.f32 v56, v34;
	v46 =	vmul.f32 $1.442695020e+00, v62  }
0x207: {  	v49 =	vmul.f32 $1.442695020e+00, v33;
	v13 =	vadd.f32 v13, v15;
	v15 =	vmax.f32 v38, v60  }
0x208: {  	v32 =	vadd.f32 v20, v25;
	(erf) = vpow2.f32 v59;
	v42 =	vmax.f32 v15, v62  }
0x209: {  	v31 =	vsel vm0, $0xFF800000, v39;
	(erf) = vpow2.f32 v41;
	v43 =	vmax.f32 v42, v33  }
0x20a: {  	v51 =	vmul.f32 $1.442695020e+00, v36;
	v17 =	vadd.f32 v61, v32;
	s30 =	sadd.s32 $0x70, s28;
	v44 =	vmax.f32 v43, v14  }
0x20b: {  	v52 =	vmul.f32 $1.442695020e+00, v39;
	v21 =	vsel vm2, s30, v40;
	v47 =	vmax.f32 v44, v36  }
0x20c: {  	v35 =	vpop (erf);
	(erf) = vpow2.f32 v46;
	v17 =	vadd.f32 v55, v17;
	v48 =	vmax.f32 v47, v31  }
0x20d: {  	vm2 =	vgt.f32 v60, v38;
	v37 =	vmul.f32 v35, v16;
	v21 =	vadd.s32 v0, v21;
	(xrf0) =	vmax.scan.msk.f32 $0xffff, v48  }
0x20e: {  	(erf) = vpow2.f32 v49;
	v21 =	vxor.u32 $0x80000000, v21;
	v17 =	vadd.f32 v35, v17  }
0x20f: {  	v50 =	vmul.f32 $1.442695020e+00, v14;
	vm3 =	vgt.f32 v62, v15;
	v15 =	vsel vm1, v1, v21  }
0x210: {  	v13 =	vadd.f32 v37, v13;
	vm1 =	vgt.f32 v33, v42;
	v15 =	vsel vm2, v2, v15  }
0x211: {  	(erf) = vpow2.f32 v50;
	vm2 =	vgt.f32 v14, v43;
	v15 =	vsel vm3, v3, v15;
	v45 =	vpop (erf)  }
0x212: {  	(erf) = vpow2.f32 v51;
	vm3 =	vgt.f32 v36, v44;
	v15 =	vsel vm1, v4, v15;
	v54 =	vpop (erf)  }
0x213: {  	v17 =	vadd.f32 v45, v17;
	v23 =	vmul.f32 v45, v56;
	(erf) = vpow2.f32 v52;
	v53, _, _ =	vpop (xrf0)  }
0x214: {  	v15 =	vsel vm2, v5, v15;
	vm1 =	vgt.f32 v31, v47;
	v55 =	vbroadcast v53, $0xF  }
0x215: {  	v18 =	vmul.f32 v54, v60;
	v15 =	vsel vm3, v6, v15;
	v13 =	vadd.f32 v23, v13  }
0x216: {  	v56 =	vpop (erf);
	v17 =	vadd.f32 v54, v17;
	v15 =	vsel vm1, v7, v15;
	vm2 =	veq.f32 v48, v55  }
0x217: {  	v57 =	vmul.f32 v56, v62;
	v13 =	vadd.f32 v18, v13;
	v15 =	vnsel vm2, $0x800003E8, v15  }
0x218: {  	v58 =	vpop (erf);
	v17 =	vadd.f32 v56, v17;
	(xrf0) =	vmin.scan.msk.u32 $0xffff, v15  }
0x219: {  	v13 =	vadd.f32 v57, v13;
	v15 =	vmul.f32 v58, v33  }
0x21a: {  	v17 =	vadd.f32 v58, v17;
	v59 =	vpop (erf)  }
0x21b: {  	v14 =	vmul.f32 v59, v14;
	v13 =	vadd.f32 v15, v13  }
0x21c: {  	v60 =	vpop (erf);
	v15 =	vadd.f32 v59, v17  }
0x21d: {  	v61 =	vpop (erf);
	v13 =	vadd.f32 v14, v13;
	v14 =	vmul.f32 v60, v36  }
0x21e: {  	v62 =	vsel vm0, $0x0, v61;
	v15 =	vadd.f32 v60, v15;
	v63, _, _ =	vpop (xrf0)  }
0x21f: {  	v13 =	vadd.f32 v14, v13;
	v14 =	vmul.f32 v62, v39;
	(v2sf) =	vpush v63, $0xF  }
0x220: {  	v15 =	vadd.f32 v62, v15  }
0x221: {  	v13 =	vadd.f32 v14, v13  }
0x222: {  	(xrf2) =	vadd.scan.msk.f32 $0xffff, v15  }
0x223: {  	(xrf2) =	vadd.scan.msk.f32 $0xffff, v13;
	_ =	sdelay $0x6  }
0x224: {  	v14 =	vmov s25;
	s25 =	sadd.s32 $0x1, s25  }
0x225: {  	p1 =	sne.s32 s25, $0x10  }
.Ltmp13:
0x226: {  	v13, _, _ =	vpop (xrf2);
	(pc) =	sbr.rel @p1 .LBB2_27-.Ltmp13, $4  }
0x227: {  	v15, _, _ =	vpop (xrf2)  }
0x228: {  	vm1 =	veq.s32 v14, v0;
	v13 =	vbroadcast v13, $0xF;
	v14 =	vbroadcast v15, $0xF;
	s31 =	spop (v2sf)  }
0x229: {  	v8 =	vsel vm1, v55, v8;
	s0 =	sxor.u32 $0x80000000, s31  }
0x22a: {  	s23 =	sadd.s32 $0x400, s23;
	s24 =	sadd.s32 $0x1, s24;
	v12 =	vsel vm1, v13, v12;
	v11 =	vsel vm1, v14, v11;
	v9 =	vsel vm1, s0, v9  }
.Ltmp14:
0x22b: {  	(pc) =	sbr.rel @p0 .LBB2_26-.Ltmp14, $4  }
0x22c: {  	[tilespmem:s22+$0x10080] =	vst v12  }
0x22d: {  	[tilespmem:s22+$0x10180] =	vst v11  }
0x22e: {  	[tilespmem:s22+$0x10280] =	vst v8  }
0x22f: {  	[tilespmem:s22+$0x10380] =	vst v9;
	s22 =	simm.s32 $0x10;
	p1 =	por $0x0, $0x0  }
0x230: {  	s22 =	simm.s32 $0x0  }
0x231: {  	[tilespmem:s22], [sflag:$0x1] =	stream.linear.gather [hbm4b:s11+s22], $0x8000, $0x38;
	[tilespmem:$0x10600] =	vst v63  }
0x232: {  	_ =	swait.ge [sflag:s19], $0x8000  }
0x233: {  	[sflag:s19] =	ssyncset.done $0x0  }
0x234: {  	p1 =	por $0x1, $0x1;
	[sflag:s19] =	ssyncadd.s32 $0xFFFF8000  }
.LBB2_32:
0x235: {  	v8 =	vimm.f32 $0.0e+00;
	v10 =	vimm.s32 $0x0;
	p0 =	por p1, p1  }
0x236: {  	s23 =	sshll.u32 s22, $0xA;
	s24 =	simm.s32 $0x0;
	v9 =	vimm.s32 $0x0;
	v11 =	vimm.f32 $0.0e+00;
	v12 =	vimm.f32 $0.0e+00;
	s25 =	simm.s32 $0x0  }
.LBB2_33:
0x237: {  	s0 =	sshll.u32 s23, $0x2;
	s1 =	sand.u32 $0x7, s24  }
0x238: {  	s0 =	sand.u32 $0xFFFF8000, s0;
	s1 =	sshll.u32 s1, $0x9  }
0x239: {  	s0 =	sor.u32 s1, s0  }
0x23a: {  	s0 =	sshrl.u32 s0, $0x2  }
0x23b: {  	s1 =	sadd.s32 $0x8040, s0  }
0x23c: {  	v16 =	vld [tilespmem:s1+$0xFFFFFFC0];
	_ =	sdelay $0x4  }
0x23d: {  	v15 =	vld [tilespmem:s1+$0x0];
	v18 =	vmul.f32 $1.442695020e+00, v16  }
0x23e: {  	v13 =	vld [tilespmem:s1+$0x20]  }
0x23f: {  	v19 =	vld [tilespmem:s1+$0xFFFFFFD0];
	(erf) = vpow2.f32 v18;
	_ =	sdelay $0x2  }
0x240: {  	v20 =	vimm.f32 $-Inf;
	v18 =	vld [tilespmem:s1+$0xFFFFFFE0]  }
0x241: {  	v17 =	vld [tilespmem:s1+$0xFFFFFFF0];
	v22 =	vmul.f32 $1.442695020e+00, v15;
	vm1 =	vgt.f32 v16, v20;
	v20 =	vmax.f32 v20, v16  }
0x242: {  	s26 =	simm.s32 $0x0;
	v23 =	vmul.f32 $1.442695020e+00, v13;
	v25 =	vmul.f32 $1.442695020e+00, v19;
	v26 =	vmax.f32 v20, v19  }
0x243: {  	s31 =	simm.s32 $0x10;
	(erf) = vpow2.f32 v22;
	v22 =	vsel vm1, s26, v10;
	vm1 =	vgt.f32 v19, v20  }
0x244: {  	(erf) = vpow2.f32 v23;
	v23 =	vsel vm1, s31, v22  }
0x245: {  	(erf) = vpow2.f32 v25;
	v20 =	vmax.f32 v26, v18;
	v27 =	vmul.f32 $1.442695020e+00, v18  }
0x246: {  	s14 =	simm.s32 $0x20;
	vm2 =	vgt.f32 v18, v26;
	vm3 =	vgt.f32 v17, v20;
	v20 =	vmax.f32 v20, v17;
	v26 =	vpop (erf)  }
0x247: {  	v14 =	vld [tilespmem:s1+$0x10];
	s31 =	simm.s32 $0x30;
	(erf) = vpow2.f32 v27;
	v25 =	vmul.f32 v26, v16;
	v16 =	vsel vm2, s14, v23  }
0x248: {  	v24 =	vmul.f32 $1.442695020e+00, v17;
	vm2 =	vgt.f32 v15, v20;
	v16 =	vsel vm3, s31, v16;
	s31 =	simm.s32 $0x40  }
0x249: {  	v23 =	vsel vm2, s31, v16;
	v16 =	vld [tilespmem:s1+$0x30]  }
0x24a: {  	(erf) = vpow2.f32 v24  }
0x24b: {  	s28 =	sshll.u32 s25, $0x7;
	v22 =	vmax.f32 v20, v15  }
0x24c: {  	v28 =	vimm.f32 $0.0e+00;
	s30 =	sand.u32 $0x380, s28;
	s28 =	simm.s32 $0x0;
	v21 =	vmul.f32 $1.442695020e+00, v14;
	v27 =	vmax.f32 v22, v14;
	s14 =	sadd.s32 s22, s25  }
0x24d: {  	s0 =	simm.s32 $0x0;
	vm1 =	vgt.f32 v13, v27;
	v24 =	vmax.f32 v27, v13;
	v27 =	vimm.f32 $0.0e+00;
	v20 =	vpop (erf);
	s29 =	sshll.u32 s14, $0xA;
	s1 =	sadd.s32 $0x400, s1  }
.LBB2_34:
0x24e: {  	v29 =	vld [tilespmem:s1+$0xFFFFFFC0];
	s0 =	sadd.s32 $0x8, s0;
	v26 =	vadd.f32 v26, v28;
	v28 =	vmul.f32 $1.442695020e+00, v16;
	(erf) = vpow2.f32 v21;
	v30 =	vpop (erf)  }
0x24f: {  	vm3 =	vgt.f32 v14, v22;
	vm2 =	vgt.f32 v16, v24;
	v31 =	vld [tilespmem:s1+$0x30];
	p1 =	slt.u32 s0, $0x30;
	v21 =	vadd.f32 v25, v27;
	v22 =	vpop (erf)  }
0x250: {  	v27 =	vmul.f32 v30, v13;
	v25 =	vadd.f32 v22, v26;
	v19 =	vmul.f32 v22, v19;
	v13 =	vld [tilespmem:s1+$0x20];
	v22 =	vpop (erf)  }
0x251: {  	s14 =	sadd.s32 $0x50, s26;
	v26 =	vld [tilespmem:s1+$0x0];
	v32 =	vmul.f32 v22, v18;
	v18 =	vmax.f32 v24, v16;
	(erf) = vpow2.f32 v28  }
0x252: {  	v24 =	vld [tilespmem:s1+$0x10];
	v21 =	vadd.f32 v19, v21;
	v22 =	vadd.f32 v22, v25;
	v19 =	vsel vm3, s14, v23;
	s14 =	sadd.s32 $0x60, s26  }
0x253: {  	v23 =	vmul.f32 $1.442695020e+00, v29;
	vm3 =	vgt.f32 v29, v18;
	v25 =	vld [tilespmem:s1+$0xFFFFFFF0];
	v28 =	vsel vm1, s14, v19;
	v33 =	vpop (erf)  }
0x254: {  	v35 =	vmul.f32 v20, v15;
	s26 =	sadd.s32 $0x80, s26;
	v34 =	vmax.f32 v18, v29;
	v19 =	vld [tilespmem:s1+$0xFFFFFFD0];
	v17 =	vmul.f32 v33, v17  }
0x255: {  	s14 =	sadd.s32 $0x70, s28;
	s28 =	smov.u32 s26;
	v22 =	vadd.f32 v33, v22;
	v18 =	vld [tilespmem:s1+$0xFFFFFFE0];
	(erf) = vpow2.f32 v23;
	v23 =	vadd.f32 v32, v21  }
0x256: {  	v21 =	vsel vm2, s14, v28;
	v32 =	vmul.f32 $1.442695020e+00, v26;
	v15 =	vmov v26  }
0x257: {  	v28 =	vmul.f32 $1.442695020e+00, v13;
	v26 =	vsel vm3, s26, v21;
	v21 =	vmul.f32 $1.442695020e+00, v24;
	v33 =	vpop (erf)  }
0x258: {  	v23 =	vadd.f32 v17, v23;
	v36 =	vmul.f32 $1.442695020e+00, v25;
	v37 =	vmul.f32 v33, v14;
	v14 =	vmovc v24;
	v17 =	vmovc v25  }
0x259: {  	v24 =	vmul.f32 $1.442695020e+00, v19;
	v25 =	vmax.f32 v34, v19;
	(erf) = vpow2.f32 v32  }
0x25a: {  	vm1 =	vgt.f32 v19, v34;
	v23 =	vadd.f32 v35, v23;
	v32 =	vmax.f32 v25, v18;
	v34 =	vpop (erf)  }
0x25b: {  	v35 =	vmul.f32 $1.442695020e+00, v18;
	vm2 =	vgt.f32 v18, v25;
	(erf) = vpow2.f32 v28  }
0x25c: {  	v20 =	vadd.f32 v20, v22;
	vm3 =	vgt.f32 v17, v32;
	(erf) = vpow2.f32 v24  }
0x25d: {  	s14 =	sadd.s32 $0x10, s26;
	v24 =	vmax.f32 v32, v17;
	(erf) = vpow2.f32 v35  }
0x25e: {  	v20 =	vadd.f32 v33, v20;
	v28 =	vsel vm1, s14, v26;
	v22 =	vmax.f32 v24, v15;
	v26 =	vpop (erf)  }
.Ltmp15:
0x25f: {  	s14 =	sadd.s32 $0x20, s26;
	v23 =	vadd.f32 v37, v23;
	v25 =	vmul.f32 v26, v29;
	v29 =	vmul.f32 v34, v16;
	v16 =	vmovc v31;
	(pc) =	sbr.rel @p1 .LBB2_34-.Ltmp15, $4  }
0x260: {  	v30 =	vadd.f32 v30, v20;
	v28 =	vsel vm2, s14, v28;
	s14 =	sadd.s32 $0x30, s26;
	(erf) = vpow2.f32 v36  }
0x261: {  	v27 =	vadd.f32 v27, v23;
	v32 =	vmax.f32 v22, v14;
	v31 =	vsel vm3, s14, v28  }
0x262: {  	vm2 =	vgt.f32 v15, v24;
	s14 =	sadd.s32 $0x40, s26;
	vm1 =	vgt.f32 v13, v32;
	v28 =	vadd.f32 v34, v30;
	v20 =	vpop (erf)  }
0x263: {  	s1 =	sadd.s32 $0x400, s1;
	v24 =	vmax.f32 v32, v13;
	v23 =	vsel vm2, s14, v31;
	v27 =	vadd.f32 v29, v27  }
0x264: {  	(erf) = vpow2.f32 v21;
	v55 =	vpop (erf)  }
0x265: {  	v30 =	vpop (erf)  }
0x266: {  	v25 =	vadd.f32 v25, v27;
	v19 =	vmul.f32 v30, v19  }
0x267: {  	v57 =	vpop (erf)  }
0x268: {  	s0 =	sor.u32 s30, s29;
	v18 =	vmul.f32 v57, v18;
	v19 =	vadd.f32 v19, v25  }
0x269: {  	v26 =	vadd.f32 v26, v28;
	s1 =	sor.u32 $0x1C00, s0;
	v58 =	vpop (erf)  }
0x26a: {  	s31 =	sor.u32 $0x1C10, s0;
	v56 =	vld [tilespmem:s1+$0x8000];
	v17 =	vmul.f32 v58, v17;
	v18 =	vadd.f32 v18, v19  }
0x26b: {  	v29 =	vmul.f32 $1.442695020e+00, v16;
	v15 =	vmul.f32 v20, v15;
	s14 =	sor.u32 $0x1C20, s0;
	v26 =	vadd.f32 v30, v26;
	v60 =	vld [tilespmem:s31+$0x8000]  }
0x26c: {  	vm3 =	vgt.f32 v14, v22;
	vm2 =	vgt.f32 v16, v24;
	s29 =	sor.u32 $0x1C30, s0;
	v62 =	vld [tilespmem:s14+$0x8000];
	v17 =	vadd.f32 v17, v18  }
0x26d: {  	v34 =	vmax.f32 v24, v16;
	(erf) = vpow2.f32 v29;
	v33 =	vld [tilespmem:s29+$0x8000];
	s31 =	sor.u32 $0x1C50, s0;
	s14 =	sadd.s32 $0x50, s26;
	v26 =	vadd.f32 v57, v26;
	v61 =	vpop (erf)  }
0x26e: {  	s30 =	sor.u32 $0x1C40, s0;
	s0 =	sor.u32 $0x1C58, s0;
	s29 =	sadd.s32 $0x60, s26;
	v36 =	vld [tilespmem:s31+$0x8000];
	v23 =	vsel vm3, s14, v23;
	v63 =	vmul.f32 v61, v14;
	v15 =	vadd.f32 v15, v17  }
0x26f: {  	v13 =	vmul.f32 v55, v13;
	v39 =	vld [tilespmem:s0+$0x8000];
	v40 =	vsel vm1, s29, v23;
	v25 =	vadd.f32 v58, v26  }
0x270: {  	v59 =	vmul.f32 $1.442695020e+00, v56;
	v38 =	vmax.f32 v34, v56;
	v14 =	vld [tilespmem:s30+$0x8000];
	v15 =	vadd.f32 v63, v15  }
0x271: {  	v41 =	vmul.f32 $1.442695020e+00, v60;
	vm1 =	vgt.f32 v56, v34;
	v46 =	vmul.f32 $1.442695020e+00, v62  }
0x272: {  	v49 =	vmul.f32 $1.442695020e+00, v33;
	v13 =	vadd.f32 v13, v15;
	v15 =	vmax.f32 v38, v60  }
0x273: {  	v32 =	vadd.f32 v20, v25;
	(erf) = vpow2.f32 v59;
	v42 =	vmax.f32 v15, v62  }
0x274: {  	v31 =	vsel vm0, $0xFF800000, v39;
	(erf) = vpow2.f32 v41;
	v43 =	vmax.f32 v42, v33  }
0x275: {  	v51 =	vmul.f32 $1.442695020e+00, v36;
	v17 =	vadd.f32 v61, v32;
	s30 =	sadd.s32 $0x70, s28;
	v44 =	vmax.f32 v43, v14  }
0x276: {  	v52 =	vmul.f32 $1.442695020e+00, v39;
	v21 =	vsel vm2, s30, v40;
	v47 =	vmax.f32 v44, v36  }
0x277: {  	v35 =	vpop (erf);
	(erf) = vpow2.f32 v46;
	v17 =	vadd.f32 v55, v17;
	v48 =	vmax.f32 v47, v31  }
0x278: {  	vm2 =	vgt.f32 v60, v38;
	v37 =	vmul.f32 v35, v16;
	v21 =	vadd.s32 v0, v21;
	(xrf0) =	vmax.scan.msk.f32 $0xffff, v48  }
0x279: {  	(erf) = vpow2.f32 v49;
	v21 =	vxor.u32 $0x80000000, v21;
	v17 =	vadd.f32 v35, v17  }
0x27a: {  	v50 =	vmul.f32 $1.442695020e+00, v14;
	vm3 =	vgt.f32 v62, v15;
	v15 =	vsel vm1, v1, v21  }
0x27b: {  	v13 =	vadd.f32 v37, v13;
	vm1 =	vgt.f32 v33, v42;
	v15 =	vsel vm2, v2, v15  }
0x27c: {  	(erf) = vpow2.f32 v50;
	vm2 =	vgt.f32 v14, v43;
	v15 =	vsel vm3, v3, v15;
	v45 =	vpop (erf)  }
0x27d: {  	(erf) = vpow2.f32 v51;
	vm3 =	vgt.f32 v36, v44;
	v15 =	vsel vm1, v4, v15;
	v54 =	vpop (erf)  }
0x27e: {  	v17 =	vadd.f32 v45, v17;
	v23 =	vmul.f32 v45, v56;
	(erf) = vpow2.f32 v52;
	v53, _, _ =	vpop (xrf0)  }
0x27f: {  	v15 =	vsel vm2, v5, v15;
	vm1 =	vgt.f32 v31, v47;
	v55 =	vbroadcast v53, $0xF  }
0x280: {  	v18 =	vmul.f32 v54, v60;
	v15 =	vsel vm3, v6, v15;
	v13 =	vadd.f32 v23, v13  }
0x281: {  	v56 =	vpop (erf);
	v17 =	vadd.f32 v54, v17;
	v15 =	vsel vm1, v7, v15;
	vm2 =	veq.f32 v48, v55  }
0x282: {  	v57 =	vmul.f32 v56, v62;
	v13 =	vadd.f32 v18, v13;
	v15 =	vnsel vm2, $0x800003E8, v15  }
0x283: {  	v58 =	vpop (erf);
	v17 =	vadd.f32 v56, v17;
	(xrf0) =	vmin.scan.msk.u32 $0xffff, v15  }
0x284: {  	v13 =	vadd.f32 v57, v13;
	v15 =	vmul.f32 v58, v33  }
0x285: {  	v17 =	vadd.f32 v58, v17;
	v59 =	vpop (erf)  }
0x286: {  	v14 =	vmul.f32 v59, v14;
	v13 =	vadd.f32 v15, v13  }
0x287: {  	v60 =	vpop (erf);
	v15 =	vadd.f32 v59, v17  }
0x288: {  	v61 =	vpop (erf);
	v13 =	vadd.f32 v14, v13;
	v14 =	vmul.f32 v60, v36  }
0x289: {  	v62 =	vsel vm0, $0x0, v61;
	v15 =	vadd.f32 v60, v15;
	v63, _, _ =	vpop (xrf0)  }
0x28a: {  	v13 =	vadd.f32 v14, v13;
	v14 =	vmul.f32 v62, v39;
	(v2sf) =	vpush v63, $0xF  }
0x28b: {  	v15 =	vadd.f32 v62, v15  }
0x28c: {  	v13 =	vadd.f32 v14, v13  }
0x28d: {  	(xrf2) =	vadd.scan.msk.f32 $0xffff, v15  }
0x28e: {  	(xrf2) =	vadd.scan.msk.f32 $0xffff, v13;
	_ =	sdelay $0x6  }
0x28f: {  	v14 =	vmov s25;
	s25 =	sadd.s32 $0x1, s25  }
0x290: {  	p1 =	sne.s32 s25, $0x10  }
.Ltmp16:
0x291: {  	v13, _, _ =	vpop (xrf2);
	(pc) =	sbr.rel @p1 .LBB2_33-.Ltmp16, $4  }
0x292: {  	v15, _, _ =	vpop (xrf2)  }
0x293: {  	vm1 =	veq.s32 v14, v0;
	v13 =	vbroadcast v13, $0xF;
	v14 =	vbroadcast v15, $0xF;
	s31 =	spop (v2sf)  }
0x294: {  	v8 =	vsel vm1, v55, v8;
	s0 =	sxor.u32 $0x80000000, s31  }
0x295: {  	s23 =	sadd.s32 $0x400, s23;
	s24 =	sadd.s32 $0x1, s24;
	v12 =	vsel vm1, v13, v12;
	v11 =	vsel vm1, v14, v11;
	v9 =	vsel vm1, s0, v9  }
.Ltmp17:
0x296: {  	(pc) =	sbr.rel @p0 .LBB2_32-.Ltmp17, $4  }
0x297: {  	[tilespmem:s22+$0x100A0] =	vst v12  }
0x298: {  	[tilespmem:s22+$0x101A0] =	vst v11  }
0x299: {  	[tilespmem:s22+$0x102A0] =	vst v8  }
0x29a: {  	[tilespmem:s22+$0x103A0] =	vst v9;
	s22 =	simm.s32 $0x10;
	p1 =	por $0x0, $0x0  }
0x29b: {  	_ =	swait.ge [sflag:s18], $0x8000  }
0x29c: {  	[sflag:s18] =	ssyncset.done $0x0  }
0x29d: {  	s22 =	simm.s32 $0x0;
	p1 =	por $0x1, $0x1;
	[sflag:s18] =	ssyncadd.s32 $0xFFFF8000  }
.LBB2_38:
0x29e: {  	v8 =	vimm.f32 $0.0e+00;
	v10 =	vimm.s32 $0x0;
	p0 =	por p1, p1  }
0x29f: {  	s23 =	sshll.u32 s22, $0xA;
	s24 =	simm.s32 $0x0;
	v9 =	vimm.s32 $0x0;
	v11 =	vimm.f32 $0.0e+00;
	v12 =	vimm.f32 $0.0e+00;
	s25 =	simm.s32 $0x0  }
.LBB2_39:
0x2a0: {  	s0 =	sshll.u32 s23, $0x2;
	s1 =	sand.u32 $0x7, s24  }
0x2a1: {  	s0 =	sand.u32 $0xFFFF8000, s0;
	s1 =	sshll.u32 s1, $0x9  }
0x2a2: {  	s0 =	sor.u32 s1, s0  }
0x2a3: {  	s0 =	sshrl.u32 s0, $0x2  }
0x2a4: {  	s1 =	sor.u32 $0x40, s0  }
0x2a5: {  	v16 =	vld [tilespmem:s1+$0xFFFFFFC0];
	_ =	sdelay $0x4  }
0x2a6: {  	v15 =	vld [tilespmem:s1+$0x0];
	v18 =	vmul.f32 $1.442695020e+00, v16  }
0x2a7: {  	v13 =	vld [tilespmem:s1+$0x20]  }
0x2a8: {  	v19 =	vld [tilespmem:s1+$0xFFFFFFD0];
	(erf) = vpow2.f32 v18;
	_ =	sdelay $0x2  }
0x2a9: {  	v20 =	vimm.f32 $-Inf;
	v18 =	vld [tilespmem:s1+$0xFFFFFFE0]  }
0x2aa: {  	v17 =	vld [tilespmem:s1+$0xFFFFFFF0];
	v22 =	vmul.f32 $1.442695020e+00, v15;
	vm1 =	vgt.f32 v16, v20;
	v20 =	vmax.f32 v20, v16  }
0x2ab: {  	s26 =	simm.s32 $0x0;
	v23 =	vmul.f32 $1.442695020e+00, v13;
	v25 =	vmul.f32 $1.442695020e+00, v19;
	v26 =	vmax.f32 v20, v19  }
0x2ac: {  	s31 =	simm.s32 $0x10;
	(erf) = vpow2.f32 v22;
	v22 =	vsel vm1, s26, v10;
	vm1 =	vgt.f32 v19, v20  }
0x2ad: {  	(erf) = vpow2.f32 v23;
	v23 =	vsel vm1, s31, v22  }
0x2ae: {  	(erf) = vpow2.f32 v25;
	v20 =	vmax.f32 v26, v18;
	v27 =	vmul.f32 $1.442695020e+00, v18  }
0x2af: {  	s14 =	simm.s32 $0x20;
	vm2 =	vgt.f32 v18, v26;
	vm3 =	vgt.f32 v17, v20;
	v20 =	vmax.f32 v20, v17;
	v26 =	vpop (erf)  }
0x2b0: {  	v14 =	vld [tilespmem:s1+$0x10];
	s31 =	simm.s32 $0x30;
	(erf) = vpow2.f32 v27;
	v25 =	vmul.f32 v26, v16;
	v16 =	vsel vm2, s14, v23  }
0x2b1: {  	v24 =	vmul.f32 $1.442695020e+00, v17;
	vm2 =	vgt.f32 v15, v20;
	v16 =	vsel vm3, s31, v16;
	s31 =	simm.s32 $0x40  }
0x2b2: {  	v23 =	vsel vm2, s31, v16;
	v16 =	vld [tilespmem:s1+$0x30]  }
0x2b3: {  	(erf) = vpow2.f32 v24  }
0x2b4: {  	s28 =	sshll.u32 s25, $0x7;
	v22 =	vmax.f32 v20, v15  }
0x2b5: {  	v28 =	vimm.f32 $0.0e+00;
	s30 =	sand.u32 $0x380, s28;
	s28 =	simm.s32 $0x0;
	v21 =	vmul.f32 $1.442695020e+00, v14;
	v27 =	vmax.f32 v22, v14;
	s14 =	sadd.s32 s22, s25  }
0x2b6: {  	s0 =	simm.s32 $0x0;
	vm1 =	vgt.f32 v13, v27;
	v24 =	vmax.f32 v27, v13;
	v27 =	vimm.f32 $0.0e+00;
	v20 =	vpop (erf);
	s29 =	sshll.u32 s14, $0xA;
	s1 =	sadd.s32 $0x400, s1  }
.LBB2_40:
0x2b7: {  	v29 =	vld [tilespmem:s1+$0xFFFFFFC0];
	s0 =	sadd.s32 $0x8, s0;
	v26 =	vadd.f32 v26, v28;
	v28 =	vmul.f32 $1.442695020e+00, v16;
	(erf) = vpow2.f32 v21;
	v30 =	vpop (erf)  }
0x2b8: {  	vm3 =	vgt.f32 v14, v22;
	vm2 =	vgt.f32 v16, v24;
	v31 =	vld [tilespmem:s1+$0x30];
	p1 =	slt.u32 s0, $0x30;
	v21 =	vadd.f32 v25, v27;
	v22 =	vpop (erf)  }
0x2b9: {  	v27 =	vmul.f32 v30, v13;
	v25 =	vadd.f32 v22, v26;
	v19 =	vmul.f32 v22, v19;
	v13 =	vld [tilespmem:s1+$0x20];
	v22 =	vpop (erf)  }
0x2ba: {  	s14 =	sadd.s32 $0x50, s26;
	v26 =	vld [tilespmem:s1+$0x0];
	v32 =	vmul.f32 v22, v18;
	v18 =	vmax.f32 v24, v16;
	(erf) = vpow2.f32 v28  }
0x2bb: {  	v24 =	vld [tilespmem:s1+$0x10];
	v21 =	vadd.f32 v19, v21;
	v22 =	vadd.f32 v22, v25;
	v19 =	vsel vm3, s14, v23;
	s14 =	sadd.s32 $0x60, s26  }
0x2bc: {  	v23 =	vmul.f32 $1.442695020e+00, v29;
	vm3 =	vgt.f32 v29, v18;
	v25 =	vld [tilespmem:s1+$0xFFFFFFF0];
	v28 =	vsel vm1, s14, v19;
	v33 =	vpop (erf)  }
0x2bd: {  	v35 =	vmul.f32 v20, v15;
	s26 =	sadd.s32 $0x80, s26;
	v34 =	vmax.f32 v18, v29;
	v19 =	vld [tilespmem:s1+$0xFFFFFFD0];
	v17 =	vmul.f32 v33, v17  }
0x2be: {  	s14 =	sadd.s32 $0x70, s28;
	s28 =	smov.u32 s26;
	v22 =	vadd.f32 v33, v22;
	v18 =	vld [tilespmem:s1+$0xFFFFFFE0];
	(erf) = vpow2.f32 v23;
	v23 =	vadd.f32 v32, v21  }
0x2bf: {  	v21 =	vsel vm2, s14, v28;
	v32 =	vmul.f32 $1.442695020e+00, v26;
	v15 =	vmov v26  }
0x2c0: {  	v28 =	vmul.f32 $1.442695020e+00, v13;
	v26 =	vsel vm3, s26, v21;
	v21 =	vmul.f32 $1.442695020e+00, v24;
	v33 =	vpop (erf)  }
0x2c1: {  	v23 =	vadd.f32 v17, v23;
	v36 =	vmul.f32 $1.442695020e+00, v25;
	v37 =	vmul.f32 v33, v14;
	v14 =	vmovc v24;
	v17 =	vmovc v25  }
0x2c2: {  	v24 =	vmul.f32 $1.442695020e+00, v19;
	v25 =	vmax.f32 v34, v19;
	(erf) = vpow2.f32 v32  }
0x2c3: {  	vm1 =	vgt.f32 v19, v34;
	v23 =	vadd.f32 v35, v23;
	v32 =	vmax.f32 v25, v18;
	v34 =	vpop (erf)  }
0x2c4: {  	v35 =	vmul.f32 $1.442695020e+00, v18;
	vm2 =	vgt.f32 v18, v25;
	(erf) = vpow2.f32 v28  }
0x2c5: {  	v20 =	vadd.f32 v20, v22;
	vm3 =	vgt.f32 v17, v32;
	(erf) = vpow2.f32 v24  }
0x2c6: {  	s14 =	sadd.s32 $0x10, s26;
	v24 =	vmax.f32 v32, v17;
	(erf) = vpow2.f32 v35  }
0x2c7: {  	v20 =	vadd.f32 v33, v20;
	v28 =	vsel vm1, s14, v26;
	v22 =	vmax.f32 v24, v15;
	v26 =	vpop (erf)  }
.Ltmp18:
0x2c8: {  	s14 =	sadd.s32 $0x20, s26;
	v23 =	vadd.f32 v37, v23;
	v25 =	vmul.f32 v26, v29;
	v29 =	vmul.f32 v34, v16;
	v16 =	vmovc v31;
	(pc) =	sbr.rel @p1 .LBB2_40-.Ltmp18, $4  }
0x2c9: {  	v30 =	vadd.f32 v30, v20;
	v28 =	vsel vm2, s14, v28;
	s14 =	sadd.s32 $0x30, s26;
	(erf) = vpow2.f32 v36  }
0x2ca: {  	v27 =	vadd.f32 v27, v23;
	v32 =	vmax.f32 v22, v14;
	v31 =	vsel vm3, s14, v28  }
0x2cb: {  	vm2 =	vgt.f32 v15, v24;
	s14 =	sadd.s32 $0x40, s26;
	vm1 =	vgt.f32 v13, v32;
	v28 =	vadd.f32 v34, v30;
	v20 =	vpop (erf)  }
0x2cc: {  	s1 =	sadd.s32 $0x400, s1;
	v24 =	vmax.f32 v32, v13;
	v23 =	vsel vm2, s14, v31;
	v27 =	vadd.f32 v29, v27  }
0x2cd: {  	(erf) = vpow2.f32 v21;
	v55 =	vpop (erf)  }
0x2ce: {  	v30 =	vpop (erf)  }
0x2cf: {  	v25 =	vadd.f32 v25, v27;
	v19 =	vmul.f32 v30, v19  }
0x2d0: {  	v57 =	vpop (erf)  }
0x2d1: {  	s0 =	sor.u32 s30, s29;
	v18 =	vmul.f32 v57, v18;
	v19 =	vadd.f32 v19, v25  }
0x2d2: {  	v26 =	vadd.f32 v26, v28;
	s1 =	sor.u32 $0x1C00, s0;
	v58 =	vpop (erf)  }
0x2d3: {  	s31 =	sor.u32 $0x1C10, s0;
	v56 =	vld [tilespmem:s1+$0x0];
	v17 =	vmul.f32 v58, v17;
	v18 =	vadd.f32 v18, v19  }
0x2d4: {  	v29 =	vmul.f32 $1.442695020e+00, v16;
	v15 =	vmul.f32 v20, v15;
	s14 =	sor.u32 $0x1C20, s0;
	v26 =	vadd.f32 v30, v26;
	v60 =	vld [tilespmem:s31+$0x0]  }
0x2d5: {  	vm3 =	vgt.f32 v14, v22;
	vm2 =	vgt.f32 v16, v24;
	s29 =	sor.u32 $0x1C30, s0;
	v62 =	vld [tilespmem:s14+$0x0];
	v17 =	vadd.f32 v17, v18  }
0x2d6: {  	v34 =	vmax.f32 v24, v16;
	(erf) = vpow2.f32 v29;
	v33 =	vld [tilespmem:s29+$0x0];
	s31 =	sor.u32 $0x1C50, s0;
	s14 =	sadd.s32 $0x50, s26;
	v26 =	vadd.f32 v57, v26;
	v61 =	vpop (erf)  }
0x2d7: {  	s30 =	sor.u32 $0x1C40, s0;
	s0 =	sor.u32 $0x1C58, s0;
	s29 =	sadd.s32 $0x60, s26;
	v36 =	vld [tilespmem:s31+$0x0];
	v23 =	vsel vm3, s14, v23;
	v63 =	vmul.f32 v61, v14;
	v15 =	vadd.f32 v15, v17  }
0x2d8: {  	v13 =	vmul.f32 v55, v13;
	v39 =	vld [tilespmem:s0+$0x0];
	v40 =	vsel vm1, s29, v23;
	v25 =	vadd.f32 v58, v26  }
0x2d9: {  	v59 =	vmul.f32 $1.442695020e+00, v56;
	v38 =	vmax.f32 v34, v56;
	v14 =	vld [tilespmem:s30+$0x0];
	v15 =	vadd.f32 v63, v15  }
0x2da: {  	v41 =	vmul.f32 $1.442695020e+00, v60;
	vm1 =	vgt.f32 v56, v34;
	v46 =	vmul.f32 $1.442695020e+00, v62  }
0x2db: {  	v49 =	vmul.f32 $1.442695020e+00, v33;
	v13 =	vadd.f32 v13, v15;
	v15 =	vmax.f32 v38, v60  }
0x2dc: {  	v32 =	vadd.f32 v20, v25;
	(erf) = vpow2.f32 v59;
	v42 =	vmax.f32 v15, v62  }
0x2dd: {  	v31 =	vsel vm0, $0xFF800000, v39;
	(erf) = vpow2.f32 v41;
	v43 =	vmax.f32 v42, v33  }
0x2de: {  	v51 =	vmul.f32 $1.442695020e+00, v36;
	v17 =	vadd.f32 v61, v32;
	s30 =	sadd.s32 $0x70, s28;
	v44 =	vmax.f32 v43, v14  }
0x2df: {  	v52 =	vmul.f32 $1.442695020e+00, v39;
	v21 =	vsel vm2, s30, v40;
	v47 =	vmax.f32 v44, v36  }
0x2e0: {  	v35 =	vpop (erf);
	(erf) = vpow2.f32 v46;
	v17 =	vadd.f32 v55, v17;
	v48 =	vmax.f32 v47, v31  }
0x2e1: {  	vm2 =	vgt.f32 v60, v38;
	v37 =	vmul.f32 v35, v16;
	v21 =	vadd.s32 v0, v21;
	(xrf0) =	vmax.scan.msk.f32 $0xffff, v48  }
0x2e2: {  	(erf) = vpow2.f32 v49;
	v21 =	vxor.u32 $0x80000000, v21;
	v17 =	vadd.f32 v35, v17  }
0x2e3: {  	v50 =	vmul.f32 $1.442695020e+00, v14;
	vm3 =	vgt.f32 v62, v15;
	v15 =	vsel vm1, v1, v21  }
0x2e4: {  	v13 =	vadd.f32 v37, v13;
	vm1 =	vgt.f32 v33, v42;
	v15 =	vsel vm2, v2, v15  }
0x2e5: {  	(erf) = vpow2.f32 v50;
	vm2 =	vgt.f32 v14, v43;
	v15 =	vsel vm3, v3, v15;
	v45 =	vpop (erf)  }
0x2e6: {  	(erf) = vpow2.f32 v51;
	vm3 =	vgt.f32 v36, v44;
	v15 =	vsel vm1, v4, v15;
	v54 =	vpop (erf)  }
0x2e7: {  	v17 =	vadd.f32 v45, v17;
	v23 =	vmul.f32 v45, v56;
	(erf) = vpow2.f32 v52;
	v53, _, _ =	vpop (xrf0)  }
0x2e8: {  	v15 =	vsel vm2, v5, v15;
	vm1 =	vgt.f32 v31, v47;
	v55 =	vbroadcast v53, $0xF  }
0x2e9: {  	v18 =	vmul.f32 v54, v60;
	v15 =	vsel vm3, v6, v15;
	v13 =	vadd.f32 v23, v13  }
0x2ea: {  	v56 =	vpop (erf);
	v17 =	vadd.f32 v54, v17;
	v15 =	vsel vm1, v7, v15;
	vm2 =	veq.f32 v48, v55  }
0x2eb: {  	v57 =	vmul.f32 v56, v62;
	v13 =	vadd.f32 v18, v13;
	v15 =	vnsel vm2, $0x800003E8, v15  }
0x2ec: {  	v58 =	vpop (erf);
	v17 =	vadd.f32 v56, v17;
	(xrf0) =	vmin.scan.msk.u32 $0xffff, v15  }
0x2ed: {  	v13 =	vadd.f32 v57, v13;
	v15 =	vmul.f32 v58, v33  }
0x2ee: {  	v17 =	vadd.f32 v58, v17;
	v59 =	vpop (erf)  }
0x2ef: {  	v14 =	vmul.f32 v59, v14;
	v13 =	vadd.f32 v15, v13  }
0x2f0: {  	v60 =	vpop (erf);
	v15 =	vadd.f32 v59, v17  }
0x2f1: {  	v61 =	vpop (erf);
	v13 =	vadd.f32 v14, v13;
	v14 =	vmul.f32 v60, v36  }
0x2f2: {  	v62 =	vsel vm0, $0x0, v61;
	v15 =	vadd.f32 v60, v15;
	v63, _, _ =	vpop (xrf0)  }
0x2f3: {  	v13 =	vadd.f32 v14, v13;
	v14 =	vmul.f32 v62, v39;
	(v2sf) =	vpush v63, $0xF  }
0x2f4: {  	v15 =	vadd.f32 v62, v15  }
0x2f5: {  	v13 =	vadd.f32 v14, v13  }
0x2f6: {  	(xrf2) =	vadd.scan.msk.f32 $0xffff, v15  }
0x2f7: {  	(xrf2) =	vadd.scan.msk.f32 $0xffff, v13;
	_ =	sdelay $0x6  }
0x2f8: {  	v14 =	vmov s25;
	s25 =	sadd.s32 $0x1, s25  }
0x2f9: {  	p1 =	sne.s32 s25, $0x10  }
.Ltmp19:
0x2fa: {  	v13, _, _ =	vpop (xrf2);
	(pc) =	sbr.rel @p1 .LBB2_39-.Ltmp19, $4  }
0x2fb: {  	v15, _, _ =	vpop (xrf2)  }
0x2fc: {  	vm1 =	veq.s32 v14, v0;
	v13 =	vbroadcast v13, $0xF;
	v14 =	vbroadcast v15, $0xF;
	s31 =	spop (v2sf)  }
0x2fd: {  	v8 =	vsel vm1, v55, v8;
	s0 =	sxor.u32 $0x80000000, s31  }
0x2fe: {  	s23 =	sadd.s32 $0x400, s23;
	s24 =	sadd.s32 $0x1, s24;
	v12 =	vsel vm1, v13, v12;
	v11 =	vsel vm1, v14, v11;
	v9 =	vsel vm1, s0, v9  }
.Ltmp20:
0x2ff: {  	(pc) =	sbr.rel @p0 .LBB2_38-.Ltmp20, $4  }
0x300: {  	[tilespmem:s22+$0x100C0] =	vst v12  }
0x301: {  	[tilespmem:s22+$0x101C0] =	vst v11  }
0x302: {  	[tilespmem:s22+$0x102C0] =	vst v8  }
0x303: {  	[tilespmem:s22+$0x103C0] =	vst v9;
	s22 =	simm.s32 $0x10;
	p1 =	por $0x0, $0x0  }
0x304: {  	s0 =	simm.s32 $0x0  }
0x305: {  	v8 =	vld [tilespmem:s0+$0x10000];
	_ =	sdelay $0x4  }
0x306: {  	v9 =	vcvt.s32.f32 v8;
	_ =	sdelay $0x1  }
0x307: {  	v9 =	vmul.f32 $8.262958320e-08, v9;
	_ =	sdelay $0x1  }
0x308: {  	v9 =	vadd.f32 $-8.802969360e+01, v9;
	_ =	sdelay $0x1  }
0x309: {  	v10 =	vsub.f32 $0.0e+00, v9;
	_ =	sdelay $0x1  }
0x30a: {  	v10 =	vmul.f32 $1.442695020e+00, v10;
	_ =	sdelay $0x1  }
0x30b: {  	(erf) = vpow2.f32 v10  }
0x30c: {  	s26 =	simm.s32 $0x10  }
0x30d: {  	v10 =	vld [tilespmem:s26+$0x10000];
	_ =	sdelay $0x4  }
0x30e: {  	v11 =	vcvt.s32.f32 v10;
	_ =	sdelay $0x1  }
0x30f: {  	v11 =	vmul.f32 $8.262958320e-08, v11;
	v12 =	vpop (erf)  }
0x310: {  	v9 =	vadd.f32 $-1.000000000e+00, v9;
	v12 =	vmul.f32 v12, v8  }
0x311: {  	v11 =	vadd.f32 $-8.802969360e+01, v11  }
0x312: {  	v9 =	vadd.f32 v12, v9  }
0x313: {  	v12 =	vsub.f32 $0.0e+00, v11  }
0x314: {  	v13 =	vsub.f32 $0.0e+00, v9  }
0x315: {  	v12 =	vmul.f32 $1.442695020e+00, v12  }
0x316: {  	v13 =	vmul.f32 $1.442695020e+00, v13  }
0x317: {  	(erf) = vpow2.f32 v12  }
0x318: {  	s25 =	simm.s32 $0x20;
	(erf) = vpow2.f32 v13  }
0x319: {  	v21 =	vld [tilespmem:s25+$0x10000];
	_ =	sdelay $0x4  }
0x31a: {  	v12 =	vcvt.s32.f32 v21;
	_ =	sdelay $0x1  }
0x31b: {  	v12 =	vmul.f32 $8.262958320e-08, v12;
	v13 =	vpop (erf)  }
0x31c: {  	v11 =	vadd.f32 $-1.000000000e+00, v11;
	v13 =	vmul.f32 v13, v10;
	v14 =	vpop (erf)  }
0x31d: {  	v9 =	vadd.f32 $-1.000000000e+00, v9;
	v12 =	vadd.f32 $-8.802969360e+01, v12;
	v14 =	vmul.f32 v14, v8  }
0x31e: {  	v11 =	vadd.f32 v13, v11  }
0x31f: {  	v13 =	vsub.f32 $0.0e+00, v12;
	v9 =	vadd.f32 v14, v9  }
0x320: {  	v14 =	vsub.f32 $0.0e+00, v11  }
0x321: {  	v13 =	vmul.f32 $1.442695020e+00, v13;
	v15 =	vsub.f32 $0.0e+00, v9  }
0x322: {  	(erf) = vrcp.f32 v8;
	v14 =	vmul.f32 $1.442695020e+00, v14  }
0x323: {  	(erf) = vpow2.f32 v13;
	v13 =	vmul.f32 $1.442695020e+00, v15  }
0x324: {  	(erf) = vpow2.f32 v14  }
0x325: {  	s24 =	simm.s32 $0x30;
	(erf) = vpow2.f32 v13  }
0x326: {  	v16 =	vld [tilespmem:s24+$0x10000];
	_ =	sdelay $0x4  }
0x327: {  	v14 =	vpop (erf);
	v13 =	vcvt.s32.f32 v16  }
0x328: {  	v15 =	vld [tilespmem:s0+$0x10100];
	v17 =	vpop (erf)  }
0x329: {  	v13 =	vmul.f32 $8.262958320e-08, v13;
	v18 =	vpop (erf)  }
0x32a: {  	v12 =	vadd.f32 $-1.000000000e+00, v12;
	v17 =	vmul.f32 v17, v21;
	v19 =	vpop (erf)  }
0x32b: {  	v9 =	vadd.f32 $-1.000000000e+00, v9;
	v8 =	vmul.f32 v19, v8;
	v19 =	vadd.f32 $-8.802969360e+01, v13  }
0x32c: {  	v11 =	vadd.f32 $-1.000000000e+00, v11;
	v12 =	vadd.f32 v17, v12;
	v13 =	vmul.f32 v18, v10  }
0x32d: {  	v15 =	vmul.f32 v14, v15;
	v8 =	vadd.f32 v8, v9;
	v9 =	vsub.f32 $0.0e+00, v19  }
0x32e: {  	v17 =	vadd.f32 v13, v11;
	v13 =	vsub.f32 $0.0e+00, v12  }
0x32f: {  	v11 =	vsub.f32 v8, v15;
	v8 =	vmul.f32 $1.442695020e+00, v9  }
0x330: {  	(erf) = vrcp.f32 v10;
	v9 =	vsub.f32 $0.0e+00, v17;
	v13 =	vmul.f32 $1.442695020e+00, v13  }
0x331: {  	s23 =	simm.s32 $0x40;
	v15 =	vadd.f32 v11, v11;
	(erf) = vpow2.f32 v8  }
0x332: {  	v8 =	vmul.f32 $1.442695020e+00, v9;
	(erf) = vpow2.f32 v13;
	v13 =	vld [tilespmem:s23+$0x10000]  }
0x333: {  	v9 =	vmul.f32 $1.442695020e+00, v15  }
0x334: {  	(erf) = vpow2.f32 v8  }
0x335: {  	(erf) = vpow2.f32 v9;
	_ =	sdelay $0x1  }
0x336: {  	v8 =	vcvt.s32.f32 v13;
	_ =	sdelay $0x1  }
0x337: {  	v8 =	vmul.f32 $8.262958320e-08, v8  }
0x338: {  	v9 =	vpop (erf)  }
0x339: {  	v18 =	vpop (erf)  }
0x33a: {  	v15 =	vld [tilespmem:s0+$0x10200];
	v20 =	vpop (erf)  }
0x33b: {  	v22 =	vld [tilespmem:s26+$0x10100];
	v26 =	vadd.f32 $-8.802969360e+01, v8;
	v8 =	vpop (erf)  }
0x33c: {  	v19 =	vadd.f32 $-1.000000000e+00, v19;
	v23 =	vpop (erf)  }
0x33d: {  	v12 =	vadd.f32 $-1.000000000e+00, v12;
	v20 =	vmul.f32 v20, v21;
	v23 =	vadd.f32 $1.000000000e+00, v23  }
0x33e: {  	v17 =	vadd.f32 $-1.000000000e+00, v17;
	v18 =	vmul.f32 v18, v16;
	v8 =	vmul.f32 v8, v10  }
0x33f: {  	v15 =	vmul.f32 $1.442695020e+00, v15;
	v25 =	vadd.f32 v20, v12;
	(erf) = vrcp.f32 v23  }
0x340: {  	v24 =	vadd.f32 v18, v19;
	v18 =	vmul.f32 v9, v22;
	v8 =	vadd.f32 v8, v17  }
0x341: {  	s22 =	simm.s32 $0x50;
	v27 =	vsub.f32 $0.0e+00, v26;
	v17 =	vsub.f32 $0.0e+00, v25  }
0x342: {  	v10 =	vld [tilespmem:s22+$0x10000];
	(erf) = vpow2.f32 v15;
	v15 =	vsub.f32 $0.0e+00, v24;
	v12 =	vsub.f32 v8, v18  }
0x343: {  	v8 =	vmul.f32 $1.442695020e+00, v27;
	v17 =	vmul.f32 $1.442695020e+00, v17  }
0x344: {  	(erf) = vrcp.f32 v21;
	v15 =	vmul.f32 $1.442695020e+00, v15;
	v18 =	vadd.f32 v12, v12  }
0x345: {  	(erf) = vpow2.f32 v8  }
0x346: {  	(erf) = vpow2.f32 v15;
	v15 =	vmul.f32 $1.442695020e+00, v18  }
0x347: {  	v19 =	vld [tilespmem:s0+$0x10300];
	v20 =	vcvt.s32.f32 v10;
	(erf) = vpow2.f32 v17  }
0x348: {  	v22 =	vld [tilespmem:s0+$0x10400];
	v17 =	vpop (erf);
	(erf) = vpow2.f32 v15  }
0x349: {  	v30 =	vld [tilespmem:s26+$0x10200];
	v18 =	vmul.f32 $8.262958320e-08, v20  }
0x34a: {  	v31 =	vld [tilespmem:s25+$0x10100]  }
0x34b: {  	v20 =	vimm.f32 $0.0e+00;
	v27 =	vadd.f32 $-8.802969360e+01, v18;
	v28 =	vadd.f32 v17, v17  }
0x34c: {  	s0 =	simm.s32 $0x180;
	v8 =	vld [tilespmem:$0x10500];
	v18 =	vimm.f32 $0.0e+00;
	v15 =	vimm.f32 $0.0e+00;
	v29 =	vpop (erf);
	v17 =	vimm.f32 $0.0e+00  }
.LBB2_44:
0x34d: {  	p0 =	sne.s32 s0, $0x340;
	v23 =	vpop (erf);
	v29 =	vmul.f32 v29, v14;
	v28 =	vsub.f32 $1.000000000e+00, v28;
	vm1 =	vne.s32 v19, v22  }
0x34e: {  	v26 =	vadd.f32 $-1.000000000e+00, v26;
	v32 =	vsub.f32 $0.0e+00, v27;
	v14 =	vpop (erf);
	v30 =	vmul.f32 $1.442695020e+00, v30  }
0x34f: {  	v33 =	vpop (erf);
	v31 =	vmul.f32 v23, v31;
	v34 =	vsub.f32 $1.000000000e+00, v28;
	v35 =	vsub.f32 $1.000000000e+00, v29  }
0x350: {  	v37 =	vadd.f32 $-1.000000000e+00, v24;
	v25 =	vadd.f32 $-1.000000000e+00, v25;
	v36 =	vmul.f32 v14, v13;
	v14 =	vpop (erf)  }
0x351: {  	vm2 =	vle.f32 v11, v8;
	v40 =	vmul.f32 v14, v21;
	v14 =	vpop (erf);
	v39 =	vmul.f32 v34, v35  }
0x352: {  	vm3 =	vmand vm2, vm1;
	v33 =	vmul.f32 v33, v16;
	v38 =	vadd.f32 $1.000000000e+00, v14;
	v14 =	vmovc v9;
	v9 =	vmovc v23  }
0x353: {  	v11 =	vmovc v12;
	v24 =	vadd.f32 v36, v26;
	v21 =	vmovc v16;
	v23 =	vadd.f32 v40, v25;
	v36 =	vnsel vm3, $0x0, v39  }
0x354: {  	v16 =	vmovc v13;
	v13 =	vmovc v10;
	v25 =	vadd.f32 v33, v37;
	(erf) = vrcp.f32 v38;
	v20 =	vadd.f32 v36, v20  }
0x355: {  	s1 =	sshra.s32 s0, $0x2;
	v26 =	vmovc v27;
	v33 =	vsub.f32 $0.0e+00, v24;
	v12 =	vsub.f32 v23, v31;
	v23 =	vmul.f32 v34, v29  }
0x356: {  	v27 =	vmul.f32 $1.442695020e+00, v32;
	v31 =	vsub.f32 $0.0e+00, v25;
	v10 =	vld [tilespmem:s1+$0x10000];
	(erf) = vpow2.f32 v30  }
0x357: {  	v30 =	vmul.f32 $1.442695020e+00, v33;
	(erf) = vrcp.f32 v21;
	v32 =	vadd.f32 v12, v12  }
0x358: {  	vm3 =	vmneg vm2;
	(erf) = vpow2.f32 v27;
	v27 =	vmul.f32 $1.442695020e+00, v31  }
0x359: {  	vm4 =	veq.s32 v19, v22;
	(erf) = vpow2.f32 v30;
	v30 =	vmul.f32 $1.442695020e+00, v32  }
0x35a: {  	vm5 =	vmand vm4, vm3;
	(erf) = vpow2.f32 v27;
	v19 =	vld [tilespmem:s26+$0x10300];
	v27 =	vmul.f32 v28, v29  }
.Ltmp21:
0x35b: {  	vm1 =	vmand vm1, vm3;
	v29 =	vcvt.s32.f32 v10;
	(erf) = vpow2.f32 v30;
	v22 =	vld [tilespmem:s26+$0x10400];
	s26 =	smov.u32 s25;
	s25 =	smov.u32 s24;
	(pc) =	sbr.rel @p0 .LBB2_44-.Ltmp21, $4  }
0x35c: {  	vm2 =	vmand vm4, vm2;
	v32 =	vmul.f32 v28, v35;
	s24 =	smov.u32 s23;
	s23 =	smov.u32 s22;
	s22 =	smov.u32 s1;
	v30 =	vld [tilespmem:s26+$0x10200];
	v27 =	vnsel vm5, $0x0, v27  }
0x35d: {  	v23 =	vnsel vm2, $0x0, v23;
	v33 =	vmul.f32 $8.262958320e-08, v29;
	v31 =	vld [tilespmem:s25+$0x10100];
	v28 =	vpop (erf);
	v18 =	vadd.f32 v27, v18  }
0x35e: {  	v17 =	vadd.f32 v23, v17;
	v23 =	vnsel vm1, $0x0, v32;
	v28 =	vadd.f32 v28, v28  }
0x35f: {  	s0 =	sadd.s32 $0x40, s0;
	v15 =	vadd.f32 v23, v15;
	v27 =	vadd.f32 $-8.802969360e+01, v33;
	v29 =	vpop (erf)  }
0x360: {  	v23 =	vpop (erf)  }
0x361: {  	v32 =	vpop (erf)  }
0x362: {  	v26 =	vadd.f32 $-1.000000000e+00, v26;
	v33 =	vpop (erf)  }
0x363: {  	v25 =	vadd.f32 $-1.000000000e+00, v25;
	v24 =	vadd.f32 $-1.000000000e+00, v24;
	v32 =	vmul.f32 v32, v13;
	v34 =	vpop (erf)  }
0x364: {  	v61 =	vsub.f32 $0.0e+00, v27;
	v33 =	vmul.f32 v33, v16;
	v21 =	vmul.f32 v34, v21;
	v60 =	vpop (erf)  }
0x365: {  	v30 =	vmul.f32 $1.442695020e+00, v30;
	v26 =	vadd.f32 v32, v26;
	v34 =	vadd.f32 $1.000000000e+00, v60  }
0x366: {  	v31 =	vmul.f32 v23, v31;
	v62 =	vadd.f32 v33, v24;
	v21 =	vadd.f32 v21, v25  }
0x367: {  	v35 =	vmul.f32 $1.442695020e+00, v61;
	v63 =	vsub.f32 $0.0e+00, v26;
	(erf) = vrcp.f32 v34  }
0x368: {  	v36 =	vsub.f32 $0.0e+00, v62;
	v24 =	vsub.f32 v21, v31;
	(erf) = vpow2.f32 v30  }
0x369: {  	v37 =	vmul.f32 $1.442695020e+00, v63;
	(erf) = vrcp.f32 v16  }
0x36a: {  	v38 =	vmul.f32 $1.442695020e+00, v36;
	v31 =	vadd.f32 v24, v24;
	(erf) = vpow2.f32 v35  }
0x36b: {  	(erf) = vpow2.f32 v37  }
0x36c: {  	v39 =	vmul.f32 $1.442695020e+00, v31;
	(erf) = vpow2.f32 v38;
	_ =	sdelay $0x1  }
0x36d: {  	(erf) = vpow2.f32 v39;
	_ =	sdelay $0x1  }
0x36e: {  	v40 =	vpop (erf)  }
0x36f: {  	v41 =	vpop (erf)  }
0x370: {  	v21 =	vpop (erf)  }
0x371: {  	v42 =	vld [tilespmem:s24+$0x10100];
	v43 =	vpop (erf)  }
0x372: {  	v44 =	vld [tilespmem:s25+$0x10200];
	v35 =	vpop (erf)  }
0x373: {  	v45 =	vadd.f32 $-1.000000000e+00, v27;
	v33 =	vmul.f32 v43, v10;
	v36 =	vpop (erf)  }
0x374: {  	v32 =	vadd.f32 $-1.000000000e+00, v62;
	v46 =	vmul.f32 v36, v16  }
0x375: {  	v26 =	vadd.f32 $-1.000000000e+00, v26;
	v35 =	vmul.f32 v35, v13;
	v27 =	vadd.f32 v33, v45;
	v47 =	vpop (erf)  }
0x376: {  	v25 =	vmul.f32 v21, v42;
	v36 =	vadd.f32 $1.000000000e+00, v47;
	v16 =	vadd.f32 v46, v32  }
0x377: {  	v48 =	vmul.f32 $1.442695020e+00, v44;
	v26 =	vadd.f32 v35, v26;
	v33 =	vsub.f32 $0.0e+00, v27  }
0x378: {  	(erf) = vrcp.f32 v36;
	v25 =	vsub.f32 v16, v25  }
0x379: {  	v49 =	vsub.f32 $0.0e+00, v26;
	v50 =	vmul.f32 $1.442695020e+00, v33;
	(erf) = vpow2.f32 v48  }
0x37a: {  	(erf) = vrcp.f32 v13;
	v51 =	vadd.f32 v25, v25  }
0x37b: {  	v16 =	vmul.f32 $1.442695020e+00, v49;
	(erf) = vpow2.f32 v50  }
0x37c: {  	v52 =	vmul.f32 $1.442695020e+00, v51  }
0x37d: {  	(erf) = vpow2.f32 v16  }
0x37e: {  	(erf) = vpow2.f32 v52;
	_ =	sdelay $0x2  }
0x37f: {  	v14 =	vmul.f32 v29, v14;
	v28 =	vsub.f32 $1.000000000e+00, v28;
	v53 =	vpop (erf)  }
0x380: {  	v54 =	vld [tilespmem:s24+$0x10200];
	v33 =	vpop (erf)  }
0x381: {  	v59 =	vsub.f32 $1.000000000e+00, v14;
	v37 =	vsub.f32 $1.000000000e+00, v28;
	v16 =	vpop (erf)  }
0x382: {  	vm1 =	vne.s32 v19, v22;
	vm2 =	vle.f32 v11, v8;
	v55 =	vpop (erf)  }
0x383: {  	v56 =	vld [tilespmem:s23+$0x10100];
	v61 =	vmul.f32 v37, v59;
	v27 =	vadd.f32 $-1.000000000e+00, v27;
	v34 =	vmul.f32 v55, v10  }
0x384: {  	vm4 =	veq.s32 v19, v22;
	vm3 =	vmand vm2, vm1;
	v57 =	vpop (erf)  }
0x385: {  	v29 =	vmul.f32 $1.442695020e+00, v54;
	v11 =	vnsel vm3, $0x0, v61;
	v27 =	vadd.f32 v34, v27;
	v60 =	vpop (erf)  }
0x386: {  	vm3 =	vmneg vm2;
	vm2 =	vmand vm4, vm2;
	v34 =	vadd.f32 $1.000000000e+00, v60  }
0x387: {  	v26 =	vadd.f32 $-1.000000000e+00, v26;
	v58 =	vmul.f32 v57, v13;
	v62 =	vsub.f32 $0.0e+00, v27  }
0x388: {  	v38 =	vadd.f32 v40, v40;
	v63 =	vmul.f32 v16, v56;
	(erf) = vrcp.f32 v34  }
0x389: {  	v13 =	vadd.f32 v58, v26;
	(erf) = vpow2.f32 v29;
	v26 =	vmul.f32 $1.442695020e+00, v62  }
0x38a: {  	v9 =	vmul.f32 v41, v9;
	v19 =	vsub.f32 $1.000000000e+00, v38;
	(erf) = vrcp.f32 v10  }
0x38b: {  	v20 =	vadd.f32 v11, v20;
	v11 =	vsub.f32 v13, v63;
	(erf) = vpow2.f32 v26  }
0x38c: {  	vm5 =	vmand vm4, vm3;
	v31 =	vsub.f32 $1.000000000e+00, v9;
	v41 =	vsub.f32 $1.000000000e+00, v19  }
0x38d: {  	v39 =	vld [tilespmem:s26+$0x10400];
	v35 =	vmul.f32 v37, v14;
	v14 =	vmul.f32 v28, v14;
	v40 =	vadd.f32 v11, v11  }
0x38e: {  	vm1 =	vmand vm1, vm3;
	vm3 =	vle.f32 v12, v8;
	v37 =	vld [tilespmem:s26+$0x10300];
	v28 =	vmul.f32 v28, v59  }
0x38f: {  	v43 =	vmul.f32 v41, v31;
	v14 =	vnsel vm5, $0x0, v14;
	v50 =	vld [tilespmem:s25+$0x10300];
	v26 =	vmul.f32 $1.442695020e+00, v40  }
0x390: {  	v28 =	vnsel vm1, $0x0, v28;
	v51 =	vld [tilespmem:s23+$0x10200];
	v53 =	vadd.f32 v53, v53;
	v29 =	vnsel vm2, $0x0, v35  }
0x391: {  	v14 =	vadd.f32 v14, v18;
	v52 =	vld [tilespmem:s25+$0x10400];
	v54 =	vmul.f32 v33, v23;
	(erf) = vpow2.f32 v26;
	v42 =	vpop (erf)  }
0x392: {  	v44 =	vld [tilespmem:s22+$0x10100];
	v15 =	vadd.f32 v28, v15;
	v49 =	vmul.f32 v41, v9;
	v55 =	vsub.f32 $1.000000000e+00, v53;
	v45 =	vpop (erf)  }
0x393: {  	v9 =	vmul.f32 v19, v9;
	v59 =	vsub.f32 $1.000000000e+00, v54;
	v17 =	vadd.f32 v29, v17;
	v29 =	vpop (erf)  }
0x394: {  	v19 =	vmul.f32 v19, v31;
	vm14 =	veq.s32 v37, v39;
	v58 =	vsub.f32 $1.000000000e+00, v55;
	v46 =	vpop (erf)  }
0x395: {  	v23 =	vmul.f32 v55, v59;
	v47 =	vadd.f32 $-1.000000000e+00, v27;
	v48 =	vmul.f32 v46, v10  }
0x396: {  	vm8 =	veq.s32 v50, v52;
	v27 =	vmul.f32 $1.442695020e+00, v51;
	v61 =	vmul.f32 v58, v59  }
0x397: {  	vm2 =	vne.s32 v37, v39;
	v26 =	vmul.f32 v29, v44;
	v10 =	vadd.f32 v48, v47  }
0x398: {  	v33 =	vld [tilespmem:s24+$0x10400];
	v32 =	vmul.f32 v58, v54;
	vm1 =	vmand vm3, vm2;
	vm12 =	vle.f32 v11, v8  }
0x399: {  	v63 =	vld [tilespmem:s24+$0x10300];
	v12 =	vnsel vm1, $0x0, v43;
	vm1 =	vmneg vm3;
	v10 =	vsub.f32 v10, v26  }
0x39a: {  	v12 =	vadd.f32 v12, v20;
	vm15 =	vmand vm14, vm1;
	vm1 =	vmand vm2, vm1;
	v56 =	vpop (erf)  }
0x39b: {  	vm2 =	vmand vm14, vm3;
	v26 =	vadd.f32 $1.000000000e+00, v56;
	v57 =	vadd.f32 v10, v10  }
0x39c: {  	vm3 =	vle.f32 v24, v8;
	v9 =	vnsel vm15, $0x0, v9;
	v20 =	vnsel vm2, $0x0, v49  }
0x39d: {  	vm2 =	vne.s32 v50, v52;
	(erf) = vrcp.f32 v26;
	v60 =	vmul.f32 $1.442695020e+00, v57  }
0x39e: {  	v19 =	vnsel vm1, $0x0, v19;
	vm10 =	veq.s32 v63, v33;
	(erf) = vpow2.f32 v27  }
0x39f: {  	v9 =	vadd.f32 v9, v14;
	vm1 =	vmand vm3, vm2;
	(erf) = vpow2.f32 v60  }
0x3a0: {  	v17 =	vadd.f32 v20, v17;
	v15 =	vadd.f32 v19, v15;
	v14 =	vmul.f32 v55, v54  }
0x3a1: {  	v62 =	vnsel vm1, $0x0, v61;
	vm1 =	vmneg vm3;
	v18 =	vadd.f32 v42, v42  }
0x3a2: {  	v36 =	vld [tilespmem:s22+$0x10200];
	v12 =	vadd.f32 v62, v12;
	vm9 =	vmand vm8, vm1;
	vm1 =	vmand vm2, vm1  }
0x3a3: {  	vm2 =	vmand vm8, vm3;
	v21 =	vmul.f32 v45, v21;
	v18 =	vsub.f32 $1.000000000e+00, v18  }
0x3a4: {  	vm3 =	vle.f32 v25, v8;
	v14 =	vnsel vm9, $0x0, v14;
	v20 =	vnsel vm2, $0x0, v32  }
0x3a5: {  	vm2 =	vne.s32 v63, v33;
	v35 =	vsub.f32 $1.000000000e+00, v21;
	v34 =	vsub.f32 $1.000000000e+00, v18  }
0x3a6: {  	v39 =	vnsel vm1, $0x0, v23;
	v9 =	vadd.f32 v14, v9;
	v17 =	vadd.f32 v20, v17;
	v37 =	vpop (erf)  }
0x3a7: {  	v43 =	vld [tilespmem:s23+$0x10300];
	vm1 =	vmand vm3, vm2;
	v14 =	vmul.f32 $1.442695020e+00, v36;
	v38 =	vmul.f32 v34, v35;
	v27 =	vpop (erf)  }
0x3a8: {  	v15 =	vadd.f32 v39, v15;
	v45 =	vld [tilespmem:s23+$0x10400];
	v48 =	vmul.f32 v18, v21;
	v18 =	vmul.f32 v18, v35;
	v40 =	vpop (erf)  }
0x3a9: {  	v42 =	vmul.f32 v34, v21;
	v41 =	vnsel vm1, $0x0, v38;
	v23 =	vadd.f32 $1.000000000e+00, v40  }
0x3aa: {  	vm1 =	vmneg vm3;
	v12 =	vadd.f32 v41, v12;
	v44 =	vadd.f32 v37, v37  }
0x3ab: {  	vm11 =	vmand vm10, vm1;
	vm1 =	vmand vm2, vm1;
	(erf) = vrcp.f32 v23  }
0x3ac: {  	v46 =	vmul.f32 v27, v16;
	v47 =	vsub.f32 $1.000000000e+00, v44;
	(erf) = vpow2.f32 v14  }
0x3ad: {  	vm2 =	vmand vm10, vm3;
	vm3 =	vne.s32 v43, v45;
	v19 =	vnsel vm11, $0x0, v48  }
0x3ae: {  	v52 =	vld [tilespmem:s22+$0x10300];
	v20 =	vnsel vm2, $0x0, v42;
	v50 =	vsub.f32 $1.000000000e+00, v46;
	v49 =	vsub.f32 $1.000000000e+00, v47  }
0x3af: {  	v55 =	vld [tilespmem:s22+$0x10400];
	vm2 =	vmand vm12, vm3;
	v18 =	vnsel vm1, $0x0, v18;
	vm1 =	vmneg vm12  }
0x3b0: {  	v9 =	vadd.f32 v19, v9;
	v17 =	vadd.f32 v20, v17;
	v51 =	vmul.f32 v49, v50  }
0x3b1: {  	v15 =	vadd.f32 v18, v15;
	v53 =	vmul.f32 v47, v46;
	v16 =	vmul.f32 v47, v50  }
0x3b2: {  	v13 =	vmul.f32 v49, v46;
	v11 =	vnsel vm2, $0x0, v51;
	vm2 =	veq.s32 v43, v45  }
0x3b3: {  	v11 =	vadd.f32 v11, v12;
	vm13 =	vmand vm2, vm1;
	vm2 =	vmand vm2, vm12  }
0x3b4: {  	vm1 =	vmand vm3, vm1;
	vm3 =	veq.s32 v52, v55;
	v18 =	vnsel vm13, $0x0, v53;
	v54 =	vpop (erf)  }
0x3b5: {  	v13 =	vnsel vm2, $0x0, v13;
	v16 =	vnsel vm1, $0x0, v16;
	v19 =	vadd.f32 v54, v54;
	v56 =	vpop (erf)  }
0x3b6: {  	vm1 =	vne.s32 v52, v55;
	v9 =	vadd.f32 v18, v9;
	v20 =	vmul.f32 v56, v29  }
0x3b7: {  	vm2 =	vle.f32 v10, v8;
	v13 =	vadd.f32 v13, v17;
	v19 =	vsub.f32 $1.000000000e+00, v19  }
0x3b8: {  	v15 =	vadd.f32 v16, v15;
	vm14 =	vmneg vm2;
	v58 =	vsub.f32 $1.000000000e+00, v20  }
0x3b9: {  	vm15 =	vmand vm3, vm2;
	v57 =	vsub.f32 $1.000000000e+00, v19;
	v60 =	vmul.f32 v19, v20  }
0x3ba: {  	vm2 =	vmand vm2, vm1;
	vm3 =	vmand vm3, vm14;
	v61 =	vmul.f32 v19, v58  }
0x3bb: {  	vm1 =	vmand vm1, vm14;
	v59 =	vmul.f32 v57, v20;
	v12 =	vnsel vm3, $0x0, v60  }
0x3bc: {  	v8 =	vmul.f32 v57, v58;
	v9 =	vadd.f32 v12, v9;
	v62 =	vnsel vm1, $0x0, v61  }
0x3bd: {  	v10 =	vnsel vm15, $0x0, v59;
	v63 =	vadd.f32 v62, v15  }
0x3be: {  	v8 =	vnsel vm2, $0x0, v8;
	v10 =	vadd.f32 v10, v13;
	[tilespmem:$0x10590] =	vst v9  }
0x3bf: {  	s21 =	sadd.s32 $0x1, s21;
	v8 =	vadd.f32 v8, v11;
	[tilespmem:$0x105B0] =	vst v63  }
0x3c0: {  	p0 =	sne.s32 s21, s13;
	[tilespmem:$0x10580] =	vst v10  }
.Ltmp22:
0x3c1: {  	[tilespmem:$0x105A0] =	vst v8;
	(pc) =	sbr.rel @p0 .LBB2_1-.Ltmp22, $4  }
0x3c2: {  	[hbm4b:s12+s2] =	stream.linear.scatter [tilespmem:s20], [sflag:$0x3], $0x80, $0x38;
	[tilespmem:$0x10600] =	vst v63  }
0x3c3: {  	_ =	swait.ge [sflag:s16], $0x80  }
0x3c4: {  	[sflag:s16] =	ssyncset.done $0x0  }
0x3c5: {  	[sflag:s16] =	ssyncadd.s32 $0xFFFFFF80  }
0x3c6: {  	_ =	sfence.sel $0x180000  }
0x3c7: {  	[bflag:$0x0] =	sbarrier.arrive $0xFFFF  }
0x3c8: {  	_ =	strace $0x90000047  }
0x3c9: {  	s0 =	stileid.u32;
	[bflag:$0x2] =	sbarrier.arrive $0xFFFF  }
0x3ca: {  	p0 =	sne.s32 s0, $0x0;
	s0 =	rddreg [dreg:$0x2]  }
0x3cb: {  	s0 =	sadd.s32 @!p0 $0x100000, s0  }
0x3cc: {  	[sflag:s0] =	ssyncadd.tile.s32 @!p0 $0x1;
	_ =	shalt  }
.Lfunc_end2:
_tile_overlayer_lowered:
.L_overlay_start_2:
0x3cd: {  	(tag) =	ssettag $0x2  }
0x3ce: {  	s0 =	rddreg [dreg:$0x0];
	s2 =	stileid.u32  }
0x3cf: {  	s1 =	rddreg [dreg:$0x1];
	p0 =	sne.s32 s2, $0x0  }
0x3d0: {  	s3 =	rddreg [dreg:$0x2];
	[bflag:$0x3] =	sbarrier.arrive $0xFFFF;
	s2 =	simm.s32 @!p0 $0x1C03  }
0x3d1: {  	[timem:s3], [sflag:s2] =	dma.local @!p0 [hbm:s0], s1  }
0x3d2: {  	s0 =	simm.s32 @!p0 $0x3  }
0x3d3: {  	_ =	swait.ge @!p0 [sflag:s0], s1  }
0x3d4: {  	s1 =	ssub.s32 @!p0 $0x0, s1;
	[sflag:s0] =	ssyncset.done @!p0 $0x0  }
0x3d5: {  	[sflag:s0] =	ssyncadd.s32 @!p0 s1  }
0x3d6: {  	[bflag:$0x3] =	sbarrier.arrive $0xFFFF  }
0x3d7: {  	_ =	shalt  }

</sc_bundles>
